<compile_context>
chip_gen: v7x
topology: tpu7x:2x2x1
jax: 0.10.2.dev20260603
libtpu: 0.0.44.dev20260713+nightly
codegen_flags: <defaults>
</compile_context>

<pallas_src>
import functools

import jax
import jax.numpy as jnp
from jax.experimental import pallas as pl
from jax.experimental.pallas import tpu as pltpu
from jax.experimental.pallas import tpu_sc as plsc

N, TS, K, TK, V, D, F, H, PAD = 8, 512, 16, 128, 32000, 256, 1024, 8, 0
DH = D // H
T = 512
SEG = TK
NSEG = T // SEG
PSEG = 8
NKCHUNK = 4


def _emb_gather(table, idx):
  info = plsc.get_sparse_core_info()
  nw = info.num_cores * info.num_subcores
  b = idx.shape[0]
  d = table.shape[1]
  b_per_w = b // nw
  nring = 4
  rows = 16
  nch = b_per_w // rows
  nring = min(nring, nch)
  mesh = plsc.VectorSubcoreMesh(core_axis_name="c", subcore_axis_name="s")

  @functools.partial(
      pl.kernel,
      mesh=mesh,
      out_type=jax.ShapeDtypeStruct((b, d), jnp.float32),
      scratch_types=[
          pltpu.VMEM((b_per_w,), jnp.int32),
          [pltpu.VMEM((rows, d), jnp.float32) for _ in range(nring)],
          [pltpu.SemaphoreType.DMA for _ in range(nring)],
      ],
  )
  def k(table_hbm, idx_hbm, out_hbm, idx_v, bufs, sems):
    wid = jax.lax.axis_index("s") * info.num_cores + jax.lax.axis_index("c")
    base = wid * b_per_w
    pltpu.sync_copy(idx_hbm.at[pl.ds(base, b_per_w)], idx_v)
    cps = [None] * nch
    for c in range(min(nring, nch)):
      cps[c] = pltpu.async_copy(
          table_hbm.at[idx_v.at[pl.ds(c * rows, rows)]], bufs[c], sems[c])
    for c in range(nch):
      cps[c].wait()
      pltpu.sync_copy(bufs[c % nring], out_hbm.at[pl.ds(base + c * rows, rows)])
      nxt = c + nring
      if nxt < nch:
        cps[nxt] = pltpu.async_copy(
            table_hbm.at[idx_v.at[pl.ds(nxt * rows, rows)]],
            bufs[c % nring], sems[c % nring])

  return k(table, idx)


def _encoder_body(know, x_ref, trow_ref, tcol_ref, pos_ref,
                  wq_ref, wk_ref, wv_ref, wo_ref,
                  ln1g_ref, ln1b_ref, w1_ref, b1_ref, w2_ref, b2_ref,
                  ln2g_ref, ln2b_ref, enc_ref, pool_ref):
  trow = trow_ref[0]
  tcol = tcol_ref[0]
  mrow = (trow != PAD).astype(jnp.float32)
  mcol = (tcol != PAD).astype(jnp.float32)

  if know:
    p0 = pos_ref[0:SEG, :]
    pos_used = jnp.concatenate([p0] * NSEG, axis=0)
  else:
    pos_used = pos_ref[...]

  x = x_ref[0] * jnp.float32(D) ** 0.5 + pos_used
  x = x * mcol

  xb = x.astype(jnp.bfloat16)
  q = jnp.dot(xb, wq_ref[...], preferred_element_type=jnp.float32)
  k = jnp.dot(xb, wk_ref[...], preferred_element_type=jnp.float32)
  v = jnp.dot(xb, wv_ref[...], preferred_element_type=jnp.float32)
  q = q * (1.0 / jnp.float32(DH) ** 0.5)

  def attend(qb, kb, vb, allow):
    parts = []
    for h in range(H):
      qh = qb[:, h * DH:(h + 1) * DH]
      kh = kb[:, h * DH:(h + 1) * DH]
      vh = vb[:, h * DH:(h + 1) * DH]
      s = jax.lax.dot_general(qh.astype(jnp.bfloat16), kh.astype(jnp.bfloat16),
                              (((1,), (1,)), ((), ())),
                              preferred_element_type=jnp.float32)
      e = jnp.where(allow, jnp.exp(s), 0.0)
      a = e * (1.0 / jnp.sum(e, axis=1, keepdims=True))
      parts.append(jnp.dot(a.astype(jnp.bfloat16), vh.astype(jnp.bfloat16),
                           preferred_element_type=jnp.float32))
    return jnp.concatenate(parts, axis=1)

  if know:
    kmask_diag = jnp.concatenate(
        [jnp.broadcast_to(trow[:, sg * SEG:(sg + 1) * SEG] != PAD, (SEG, SEG))
         for sg in range(NSEG)], axis=0)
    parts = []
    for h in range(H):
      qh = q[:, h * DH:(h + 1) * DH]
      kh = k[:, h * DH:(h + 1) * DH]
      vh = v[:, h * DH:(h + 1) * DH]
      s = jax.lax.dot_general(qh.astype(jnp.bfloat16), kh.astype(jnp.bfloat16),
                              (((1,), (1,)), ((), ())),
                              preferred_element_type=jnp.float32)
      s_diag = jnp.concatenate(
          [s[sg * SEG:(sg + 1) * SEG, sg * SEG:(sg + 1) * SEG]
           for sg in range(NSEG)], axis=0)
      e = jnp.where(kmask_diag, jnp.exp(s_diag), 0.0)
      a = e * (1.0 / jnp.sum(e, axis=1, keepdims=True))
      parts.append(jnp.concatenate(
          [jnp.dot(a[sg * SEG:(sg + 1) * SEG].astype(jnp.bfloat16),
                   vh[sg * SEG:(sg + 1) * SEG].astype(jnp.bfloat16),
                   preferred_element_type=jnp.float32)
           for sg in range(NSEG)], axis=0))
    o = jnp.concatenate(parts, axis=1)
  else:
    allow = jnp.broadcast_to(trow != PAD, (T, T))
    o = attend(q, k, v, allow)
  o_proj = jnp.dot(o.astype(jnp.bfloat16), wo_ref[...],
                   preferred_element_type=jnp.float32)

  def ln(val, g, b):
    mu = jnp.mean(val, axis=1, keepdims=True)
    dlt = val - mu
    var = jnp.mean(dlt * dlt, axis=1, keepdims=True)
    return dlt * jax.lax.rsqrt(var + 1e-5) * g + b

  x = ln(x + o_proj, ln1g_ref[...], ln1b_ref[...])
  hmid = jnp.maximum(
      jnp.dot(x.astype(jnp.bfloat16), w1_ref[...],
              preferred_element_type=jnp.float32)
      + b1_ref[...], 0.0)
  ff = jnp.dot(hmid.astype(jnp.bfloat16), w2_ref[...],
               preferred_element_type=jnp.float32) + b2_ref[...]
  x = ln(x + ff, ln2g_ref[...], ln2b_ref[...])
  x = x * mcol
  enc_ref[0] = x

  jj = jax.lax.broadcasted_iota(jnp.int32, (PSEG, T), 0)
  if know:
    segc = jax.lax.broadcasted_iota(jnp.int32, (PSEG, T), 1) // SEG
  else:
    segc = jnp.zeros((PSEG, T), jnp.int32)
  onehot = (jj == segc).astype(jnp.float32)
  psum = jnp.dot(onehot, x, preferred_element_type=jnp.float32)
  lens = jnp.sum(onehot * mrow, axis=1, keepdims=True)
  pool_ref[0] = psum / (jnp.sqrt(jnp.maximum(lens, 1.0)) * jnp.float32(D) ** 0.5)


def _run_encoder(know, nblk, x_all, trow, tcol, p):
  full = lambda shape: pl.BlockSpec(shape, lambda i: (0,) * len(shape))
  return pl.pallas_call(
      functools.partial(_encoder_body, know),
      grid=(nblk,),
      in_specs=[
          pl.BlockSpec((1, T, D), lambda i: (i, 0, 0)),
          pl.BlockSpec((1, 1, T), lambda i: (i, 0, 0)),
          pl.BlockSpec((1, T, 1), lambda i: (i, 0, 0)),
          full((T, D)),
          full((D, D)), full((D, D)), full((D, D)), full((D, D)),
          full((1, D)), full((1, D)),
          full((D, F)), full((1, F)), full((F, D)), full((1, D)),
          full((1, D)), full((1, D)),
      ],
      out_specs=[
          pl.BlockSpec((1, T, D), lambda i: (i, 0, 0)),
          pl.BlockSpec((1, PSEG, D), lambda i: (i, 0, 0)),
      ],
      out_shape=[
          jax.ShapeDtypeStruct((nblk, T, D), jnp.float32),
          jax.ShapeDtypeStruct((nblk, PSEG, D), jnp.float32),
      ],
      compiler_params=pltpu.CompilerParams(
          dimension_semantics=("arbitrary",)),
  )(x_all, trow, tcol, p['pos'],
    p['Wq'].astype(jnp.bfloat16), p['Wk'].astype(jnp.bfloat16),
    p['Wv'].astype(jnp.bfloat16), p['Wo'].astype(jnp.bfloat16),
    p['ln1_g'].reshape(1, D), p['ln1_b'].reshape(1, D),
    p['W1'].astype(jnp.bfloat16), p['b1'].reshape(1, F),
    p['W2'].astype(jnp.bfloat16), p['b2'].reshape(1, D),
    p['ln2_g'].reshape(1, D), p['ln2_b'].reshape(1, D))


def _select_body(know_ref, ctx_ref, ckm_ref, attn_ref, sel_ref):
  rows = []
  for i in range(N):
    kn = know_ref[i]
    cx = ctx_ref[i:i + 1, :]
    rows.append(jax.lax.dot_general(
        cx, kn, (((1,), (1,)), ((), ())),
        preferred_element_type=jnp.float32))
  ck = jnp.concatenate(rows, axis=0)
  maskb = ckm_ref[...] != 0
  vals = jnp.where(maskb, ck, -1e20)
  m = jnp.max(vals, axis=1, keepdims=True)
  ii = jax.lax.broadcasted_iota(jnp.int32, (N, K), 1)
  idx = jnp.min(jnp.where(vals == m, ii, K), axis=1)
  attn_ref[...] = jnp.where(maskb, ck, 0.0)
  sel_ref[...] = idx[:, None]


def _run_select(know_use, ctx_use, ck_mask_i):
  return pl.pallas_call(
      _select_body,
      out_shape=[
          jax.ShapeDtypeStruct((N, K), jnp.float32),
          jax.ShapeDtypeStruct((N, 1), jnp.int32),
      ],
  )(know_use, ctx_use, ck_mask_i)


def _run_sel_gather(enc_chunks, ctx_enc, ktok, ids):
  nseqs = [e.shape[0] for e in enc_chunks]
  starts = [sum(nseqs[:c]) for c in range(len(nseqs))]

  def chunk_spec(c):
    def im(i, ids):
      s = i * K + ids[i]
      return (jnp.clip(s - starts[c], 0, nseqs[c] - 1), 0, 0)
    return pl.BlockSpec((1, SEG, D), im)

  def body(ids_ref, *refs):
    enc_refs = refs[:len(nseqs)]
    ctx_ref, tok_ref, out_ref, omask_ref = refs[len(nseqs):]
    i = pl.program_id(0)
    s = i * K + ids_ref[i]
    sel = enc_refs[0][0]
    for c in range(1, len(nseqs)):
      pred = (s >= starts[c]) & (s < starts[c] + nseqs[c])
      sel = jnp.where(pred, enc_refs[c][0], sel)
    out_ref[0, :TK] = sel
    out_ref[0, TK:] = ctx_ref[0]
    omask_ref[0] = (tok_ref[0, 0] != PAD).astype(jnp.int32)

  grid_spec = pltpu.PrefetchScalarGridSpec(
      num_scalar_prefetch=1,
      grid=(N,),
      in_specs=[chunk_spec(c) for c in range(len(nseqs))] + [
          pl.BlockSpec((1, TS, D), lambda i, ids: (i, 0, 0)),
          pl.BlockSpec((1, 1, 1, TK), lambda i, ids: (i, ids[i], 0, 0)),
      ],
      out_specs=[
          pl.BlockSpec((1, TK + TS, D), lambda i, ids: (i, 0, 0)),
          pl.BlockSpec((1, 1, TK), lambda i, ids: (i, 0, 0)),
      ],
  )
  return pl.pallas_call(
      body,
      grid_spec=grid_spec,
      out_shape=[
          jax.ShapeDtypeStruct((N, TK + TS, D), jnp.float32),
          jax.ShapeDtypeStruct((N, 1, TK), jnp.int32),
      ],
  )(ids, *enc_chunks, ctx_enc, ktok)


CTX_CHUNKS = [8]
KNOW_CHUNKS = [8, 8, 8, 8]


def kernel(params, src_tokens, know_tokens, ck_mask, cs_ids, use_cs_ids):
  p = params
  tok_ctx = src_tokens.reshape(-1)
  tok_know = know_tokens.reshape(-1)

  x_ctx, x_know = [], []
  off = 0
  for nb in CTX_CHUNKS:
    x_ctx.append(_emb_gather(p['emb'], tok_ctx[off:off + nb * T]))
    off += nb * T
  off = 0
  for nb in KNOW_CHUNKS:
    x_know.append(_emb_gather(p['emb'], tok_know[off:off + nb * T]))
    off += nb * T

  enc_ctx, pool_ctx = [], []
  off = 0
  for j, nb in enumerate(CTX_CHUNKS):
    tc_ = tok_ctx[off:off + nb * T]
    e, pw = _run_encoder(
        False, nb, x_ctx[j].reshape(nb, T, D),
        tc_.reshape(nb, 1, T), tc_.reshape(nb, T, 1), p)
    enc_ctx.append(e)
    pool_ctx.append(pw)
    off += nb * T
  enc_ctx = jnp.concatenate(enc_ctx, axis=0)
  pool_ctx = jnp.concatenate(pool_ctx, axis=0)

  enc_know = []
  pool_know = []
  off = 0
  for j, nb in enumerate(KNOW_CHUNKS):
    tk = tok_know[off:off + nb * T]
    e, pw = _run_encoder(
        True, nb, x_know[j].reshape(nb, T, D),
        tk.reshape(nb, 1, T), tk.reshape(nb, T, 1), p)
    enc_know.append(e.reshape(nb * NSEG, SEG, D))
    pool_know.append(pw)
    off += nb * T
  pool_know = jnp.concatenate(pool_know, axis=0)

  ctx_use = pool_ctx[:, 0, :]
  know_use = pool_know[:, :NSEG, :].reshape(N, K, D)

  ck_attn_out, sel = _run_select(know_use, ctx_use,
                                 ck_mask.astype(jnp.int32))
  sel_ids = sel[:, 0]
  ids = jnp.where(jnp.asarray(use_cs_ids) != 0, cs_ids,
                  sel_ids.astype(cs_ids.dtype))

  ktok = know_tokens.reshape(N, K, 1, TK)
  full_enc, cs_mask_i = _run_sel_gather(enc_know, enc_ctx, ktok, ids)

  full_mask = jnp.concatenate(
      [cs_mask_i.reshape(N, TK) != 0, src_tokens != PAD], axis=1)
  return full_enc, full_mask, ck_attn_out

# --- scband reference (transcript-rebuilt; emitter-appended) ---
"""Pipeline reference for scband-context-knowledge-encoder-45320494908014 (READ-ONLY COPY).

The authoritative reference and input builder live on the scoring server;
editing this copy changes nothing except your own understanding.
"""

import jax, jax.numpy as jnp
import numpy as np

N, TS, K, TK, V, D, F, H, PAD = 8, 512, 16, 128, 32000, 256, 1024, 8, 0


def _layer_norm(x, g, b):
    m = jnp.mean(x, axis=-1, keepdims=True)
    v = jnp.var(x, axis=-1, keepdims=True)
    return (x - m) / jnp.sqrt(v + 1e-5) * g + b


def _encode(p, tokens):
    # transformer encoder: returns (encoded [B,T,D], mask [B,T]) like ParlAI TransformerEncoder
    B, T = tokens.shape
    mask = tokens != PAD
    x = jnp.take(p['emb'], tokens, axis=0) * jnp.sqrt(jnp.float32(D)) + p['pos'][:T][None, :, :]
    x = jnp.where(mask[..., None], x, 0.0)
    dh = D // H

    def split(t):
        return t.reshape(B, T, H, dh).transpose(0, 2, 1, 3)

    q = split(x @ p['Wq'])
    k = split(x @ p['Wk'])
    v = split(x @ p['Wv'])
    scores = jnp.einsum('bhtd,bhsd->bhts', q, k) / jnp.sqrt(jnp.float32(dh))
    scores = jnp.where(mask[:, None, None, :], scores, -1e9)
    attn = jax.nn.softmax(scores, axis=-1)
    o = jnp.einsum('bhts,bhsd->bhtd', attn, v).transpose(0, 2, 1, 3).reshape(B, T, D)
    x = _layer_norm(x + o @ p['Wo'], p['ln1_g'], p['ln1_b'])
    h = jax.nn.relu(x @ p['W1'] + p['b1']) @ p['W2'] + p['b2']
    x = _layer_norm(x + h, p['ln2_g'], p['ln2_b'])
    x = jnp.where(mask[..., None], x, 0.0)
    return x, mask


def _use_emb(x, mask):
    # universal_sentence_embedding on ragged data: masked sum over time / sqrt(len)
    s = jnp.sum(x * mask[..., None].astype(x.dtype), axis=-2)
    div = jnp.sqrt(jnp.maximum(jnp.sum(mask.astype(x.dtype), axis=-1), 1.0))
    return s / div[..., None]


def _forward(p, src_tokens, know_tokens, ck_mask, cs_ids, use_cs_ids):
    ctx_enc, ctx_mask = _encode(p, src_tokens)
    n, kk, tk = know_tokens.shape
    kenc, kmask = _encode(p, know_tokens.reshape(n * kk, tk))
    kenc = kenc.reshape(n, kk, tk, D)
    kmask = kmask.reshape(n, kk, tk)
    context_use = _use_emb(ctx_enc, ctx_mask) / jnp.sqrt(jnp.float32(D))
    know_use = _use_emb(kenc, kmask) / jnp.sqrt(jnp.float32(D))
    ck_attn = jnp.einsum('nkd,nd->nk', know_use, context_use)
    argmax_ids = jnp.argmax(jnp.where(ck_mask, ck_attn, -1e20), axis=1).astype(cs_ids.dtype)
    cs_ids = jnp.where(use_cs_ids != 0, cs_ids, argmax_ids)
    cs_enc = kenc[jnp.arange(n), cs_ids]
    cs_mask = kmask[jnp.arange(n), cs_ids]
    full_enc = jnp.concatenate([cs_enc, ctx_enc], axis=1)
    full_mask = jnp.concatenate([cs_mask, ctx_mask], axis=1)
    ck_attn_out = jnp.where(ck_mask, ck_attn, 0.0)
    return full_enc, full_mask, ck_attn_out


def setup_inputs(seed: int = 0):
    key = jax.random.key(seed)
    rng = np.random.default_rng(0)
    src = rng.integers(1, V, size=(N, TS))
    slens = rng.integers(TS // 4, TS + 1, size=(N,))
    for i in range(N):
        src[i, slens[i]:] = PAD
    know = rng.integers(1, V, size=(N, K, TK))
    klens = rng.integers(TK // 4, TK + 1, size=(N, K))
    for i in range(N):
        for j in range(K):
            know[i, j, klens[i, j]:] = PAD
    ks = jax.random.split(key, 8)
    s = 1.0 / np.sqrt(D)
    params = {
        'emb': jax.random.normal(ks[0], (V, D), jnp.float32) * 0.02,
        'pos': jax.random.normal(ks[1], (TS, D), jnp.float32) * 0.02,
        'Wq': jax.random.normal(ks[2], (D, D), jnp.float32) * s,
        'Wk': jax.random.normal(ks[3], (D, D), jnp.float32) * s,
        'Wv': jax.random.normal(ks[4], (D, D), jnp.float32) * s,
        'Wo': jax.random.normal(ks[5], (D, D), jnp.float32) * s,
        'ln1_g': jnp.ones((D,), jnp.float32),
        'ln1_b': jnp.zeros((D,), jnp.float32),
        'W1': jax.random.normal(ks[6], (D, F), jnp.float32) * s,
        'b1': jnp.zeros((F,), jnp.float32),
        'W2': jax.random.normal(ks[7], (F, D), jnp.float32) * (1.0 / np.sqrt(F)),
        'b2': jnp.zeros((D,), jnp.float32),
        'ln2_g': jnp.ones((D,), jnp.float32),
        'ln2_b': jnp.zeros((D,), jnp.float32),
    }
    return {
        'params': params,
        'src_tokens': jnp.asarray(src, jnp.int32),
        'know_tokens': jnp.asarray(know, jnp.int32),
        'ck_mask': jnp.ones((N, K), dtype=bool),
        'cs_ids': jnp.asarray(rng.integers(0, K, size=(N,)), jnp.int32),
        'use_cs_ids': 0,
    }


def reference(params, src_tokens, know_tokens, ck_mask, cs_ids, use_cs_ids):
    return _forward(params, src_tokens, know_tokens, ck_mask, cs_ids, use_cs_ids)

if __name__ == "__main__":
    import jax
    _d = setup_inputs()
    print(jax.jit(kernel)(*tuple(_d.values())))

</pallas_src>

<mosaic_0001>
#map = affine_map<(d0, d1) -> (0, 0)>
#map1 = affine_map<(d0, d1) -> (0)>
module attributes {stable_mosaic.version = 14 : i64} {
  func.func @k(%arg0: i32, %arg1: i32, %arg2: memref<32000x256xf32, #tpu.memory_space<hbm>>, %arg3: memref<4096xi32, #tpu.memory_space<hbm>>, %arg4: memref<4096x256xf32, #tpu.memory_space<hbm>>, %arg5: memref<128xi32, #tpu.memory_space<vmem>>, %arg6: memref<16x256xf32, #tpu.memory_space<vmem>>, %arg7: memref<16x256xf32, #tpu.memory_space<vmem>>, %arg8: memref<16x256xf32, #tpu.memory_space<vmem>>, %arg9: memref<16x256xf32, #tpu.memory_space<vmem>>, %arg10: memref<!tpu.dma_semaphore, #tpu.memory_space<semaphore_mem>>, %arg11: memref<!tpu.dma_semaphore, #tpu.memory_space<semaphore_mem>>, %arg12: memref<!tpu.dma_semaphore, #tpu.memory_space<semaphore_mem>>, %arg13: memref<!tpu.dma_semaphore, #tpu.memory_space<semaphore_mem>>) attributes {dimension_semantics = [#tpu.dimension_semantics<core_parallel>, #tpu.dimension_semantics<subcore_parallel>], iteration_bounds = array<i64: 2, 16>, scalar_prefetch = 0 : i64, scratch_operands = 9 : i64, tpu.core_type = #tpu.core_type<sc_vector_subcore>, window_params = [{transform_indices = #map}, {transform_indices = #map1}, {transform_indices = #map}]} {
    %mul3A = arith.constant 2 : i32
    %mul3A_0 = arith.muli %arg1, %mul3A : i32
    %add3A = arith.addi %mul3A_0, %arg0 : i32
    %mul3A_1 = arith.constant 128 : i32
    %mul3A_2 = arith.muli %add3A, %mul3A_1 : i32
    "tpu.region"() ({
      %run_scoped3A = tpu.sem_alloc : memref<!tpu.dma_semaphore, #tpu.memory_space<semaphore_mem>>
      %dma_start3A_97 = tpu.memref_slice %arg3[%mul3A_2] : memref<4096xi32, #tpu.memory_space<hbm>> -> memref<128xi32, #tpu.memory_space<hbm>>
      %dma_start3A_98 = tpu.memref_slice %arg3[%mul3A_2] : memref<4096xi32, #tpu.memory_space<hbm>> -> memref<128xi32, #tpu.memory_space<hbm>>
      tpu.enqueue_dma source(%dma_start3A_98 : memref<128xi32, #tpu.memory_space<hbm>>) target(%arg5 : memref<128xi32, #tpu.memory_space<vmem>>) target_semaphore(%run_scoped3A : memref<!tpu.dma_semaphore, #tpu.memory_space<semaphore_mem>>)
      %dma_wait3A_99 = tpu.memref_slice %arg3[%mul3A_2] : memref<4096xi32, #tpu.memory_space<hbm>> -> memref<128xi32, #tpu.memory_space<hbm>>
      %dma_wait3A_100 = tpu.memref_slice %arg3[%mul3A_2] : memref<4096xi32, #tpu.memory_space<hbm>> -> memref<128xi32, #tpu.memory_space<hbm>>
      tpu.wait_dma2 semaphore(%run_scoped3A : memref<!tpu.dma_semaphore, #tpu.memory_space<semaphore_mem>>) src(%dma_wait3A_100 : memref<128xi32, #tpu.memory_space<hbm>>) dst(%arg5 : memref<128xi32, #tpu.memory_space<vmem>>)
      tpu.yield
    }) : () -> ()
    %dma_start3A = arith.constant 0 : i32
    %dma_start3A_3 = tpu.memref_slice %arg5[%dma_start3A] : memref<128xi32, #tpu.memory_space<vmem>> -> memref<16xi32, #tpu.memory_space<vmem>>
    %dma_start3A_4 = arith.constant 0 : i32
    %dma_start3A_5 = arith.constant 0 : i32
    %dma_start3A_6 = tpu.memref_slice %arg2[%dma_start3A_4, %dma_start3A_5] : memref<32000x256xf32, #tpu.memory_space<hbm>> -> memref<32000x256xf32, #tpu.memory_space<hbm>>
    tpu.enqueue_indirect_dma source(%dma_start3A_6 : memref<32000x256xf32, #tpu.memory_space<hbm>>) target(%arg6 : memref<16x256xf32, #tpu.memory_space<vmem>>) offsets(%dma_start3A_3 : memref<16xi32, #tpu.memory_space<vmem>>) semaphore(%arg10 : memref<!tpu.dma_semaphore, #tpu.memory_space<semaphore_mem>>)
    %dma_start3A_7 = arith.constant 16 : i32
    %dma_start3A_8 = tpu.memref_slice %arg5[%dma_start3A_7] : memref<128xi32, #tpu.memory_space<vmem>> -> memref<16xi32, #tpu.memory_space<vmem>>
    %dma_start3A_9 = arith.constant 0 : i32
    %dma_start3A_10 = arith.constant 0 : i32
    %dma_start3A_11 = tpu.memref_slice %arg2[%dma_start3A_9, %dma_start3A_10] : memref<32000x256xf32, #tpu.memory_space<hbm>> -> memref<32000x256xf32, #tpu.memory_space<hbm>>
    tpu.enqueue_indirect_dma source(%dma_start3A_11 : memref<32000x256xf32, #tpu.memory_space<hbm>>) target(%arg7 : memref<16x256xf32, #tpu.memory_space<vmem>>) offsets(%dma_start3A_8 : memref<16xi32, #tpu.memory_space<vmem>>) semaphore(%arg11 : memref<!tpu.dma_semaphore, #tpu.memory_space<semaphore_mem>>)
    %dma_start3A_12 = arith.constant 32 : i32
    %dma_start3A_13 = tpu.memref_slice %arg5[%dma_start3A_12] : memref<128xi32, #tpu.memory_space<vmem>> -> memref<16xi32, #tpu.memory_space<vmem>>
    %dma_start3A_14 = arith.constant 0 : i32
    %dma_start3A_15 = arith.constant 0 : i32
    %dma_start3A_16 = tpu.memref_slice %arg2[%dma_start3A_14, %dma_start3A_15] : memref<32000x256xf32, #tpu.memory_space<hbm>> -> memref<32000x256xf32, #tpu.memory_space<hbm>>
    tpu.enqueue_indirect_dma source(%dma_start3A_16 : memref<32000x256xf32, #tpu.memory_space<hbm>>) target(%arg8 : memref<16x256xf32, #tpu.memory_space<vmem>>) offsets(%dma_start3A_13 : memref<16xi32, #tpu.memory_space<vmem>>) semaphore(%arg12 : memref<!tpu.dma_semaphore, #tpu.memory_space<semaphore_mem>>)
    %dma_start3A_17 = arith.constant 48 : i32
    %dma_start3A_18 = tpu.memref_slice %arg5[%dma_start3A_17] : memref<128xi32, #tpu.memory_space<vmem>> -> memref<16xi32, #tpu.memory_space<vmem>>
    %dma_start3A_19 = arith.constant 0 : i32
    %dma_start3A_20 = arith.constant 0 : i32
    %dma_start3A_21 = tpu.memref_slice %arg2[%dma_start3A_19, %dma_start3A_20] : memref<32000x256xf32, #tpu.memory_space<hbm>> -> memref<32000x256xf32, #tpu.memory_space<hbm>>
    tpu.enqueue_indirect_dma source(%dma_start3A_21 : memref<32000x256xf32, #tpu.memory_space<hbm>>) target(%arg9 : memref<16x256xf32, #tpu.memory_space<vmem>>) offsets(%dma_start3A_18 : memref<16xi32, #tpu.memory_space<vmem>>) semaphore(%arg13 : memref<!tpu.dma_semaphore, #tpu.memory_space<semaphore_mem>>)
    %dma_wait3A = arith.constant 0 : i32
    %dma_wait3A_22 = tpu.memref_slice %arg5[%dma_wait3A] : memref<128xi32, #tpu.memory_space<vmem>> -> memref<16xi32, #tpu.memory_space<vmem>>
    %dma_wait3A_23 = arith.constant 0 : i32
    %dma_wait3A_24 = arith.constant 0 : i32
    %dma_wait3A_25 = tpu.memref_slice %arg2[%dma_wait3A_23, %dma_wait3A_24] : memref<32000x256xf32, #tpu.memory_space<hbm>> -> memref<32000x256xf32, #tpu.memory_space<hbm>>
    tpu.wait_indirect_dma semaphore(%arg10 : memref<!tpu.dma_semaphore, #tpu.memory_space<semaphore_mem>>) src(%dma_wait3A_25 : memref<32000x256xf32, #tpu.memory_space<hbm>>) dst(%arg6 : memref<16x256xf32, #tpu.memory_space<vmem>>)
    %add3A_26 = arith.constant 0 : i32
    %add3A_27 = arith.addi %mul3A_2, %add3A_26 : i32
    "tpu.region"() ({
      %run_scoped3A = tpu.sem_alloc : memref<!tpu.dma_semaphore, #tpu.memory_space<semaphore_mem>>
      %dma_start3A_97 = arith.constant 0 : i32
      %dma_start3A_98 = tpu.memref_slice %arg4[%add3A_27, %dma_start3A_97] : memref<4096x256xf32, #tpu.memory_space<hbm>> -> memref<16x256xf32, #tpu.memory_space<hbm>>
      %dma_start3A_99 = arith.constant 0 : i32
      %dma_start3A_100 = tpu.memref_slice %arg4[%add3A_27, %dma_start3A_99] : memref<4096x256xf32, #tpu.memory_space<hbm>> -> memref<16x256xf32, #tpu.memory_space<hbm>>
      tpu.enqueue_dma source(%arg6 : memref<16x256xf32, #tpu.memory_space<vmem>>) target(%dma_start3A_100 : memref<16x256xf32, #tpu.memory_space<hbm>>) target_semaphore(%run_scoped3A : memref<!tpu.dma_semaphore, #tpu.memory_space<semaphore_mem>>)
      %dma_wait3A_101 = arith.constant 0 : i32
      %dma_wait3A_102 = tpu.memref_slice %arg4[%add3A_27, %dma_wait3A_101] : memref<4096x256xf32, #tpu.memory_space<hbm>> -> memref<16x256xf32, #tpu.memory_space<hbm>>
      %dma_wait3A_103 = arith.constant 0 : i32
      %dma_wait3A_104 = tpu.memref_slice %arg4[%add3A_27, %dma_wait3A_103] : memref<4096x256xf32, #tpu.memory_space<hbm>> -> memref<16x256xf32, #tpu.memory_space<hbm>>
      tpu.wait_dma2 semaphore(%run_scoped3A : memref<!tpu.dma_semaphore, #tpu.memory_space<semaphore_mem>>) src(%arg6 : memref<16x256xf32, #tpu.memory_space<vmem>>) dst(%dma_wait3A_104 : memref<16x256xf32, #tpu.memory_space<hbm>>)
      tpu.yield
    }) : () -> ()
    %dma_start3A_28 = arith.constant 64 : i32
    %dma_start3A_29 = tpu.memref_slice %arg5[%dma_start3A_28] : memref<128xi32, #tpu.memory_space<vmem>> -> memref<16xi32, #tpu.memory_space<vmem>>
    %dma_start3A_30 = arith.constant 0 : i32
    %dma_start3A_31 = arith.constant 0 : i32
    %dma_start3A_32 = tpu.memref_slice %arg2[%dma_start3A_30, %dma_start3A_31] : memref<32000x256xf32, #tpu.memory_space<hbm>> -> memref<32000x256xf32, #tpu.memory_space<hbm>>
    tpu.enqueue_indirect_dma source(%dma_start3A_32 : memref<32000x256xf32, #tpu.memory_space<hbm>>) target(%arg6 : memref<16x256xf32, #tpu.memory_space<vmem>>) offsets(%dma_start3A_29 : memref<16xi32, #tpu.memory_space<vmem>>) semaphore(%arg10 : memref<!tpu.dma_semaphore, #tpu.memory_space<semaphore_mem>>)
    %dma_wait3A_33 = arith.constant 16 : i32
    %dma_wait3A_34 = tpu.memref_slice %arg5[%dma_wait3A_33] : memref<128xi32, #tpu.memory_space<vmem>> -> memref<16xi32, #tpu.memory_space<vmem>>
    %dma_wait3A_35 = arith.constant 0 : i32
    %dma_wait3A_36 = arith.constant 0 : i32
    %dma_wait3A_37 = tpu.memref_slice %arg2[%dma_wait3A_35, %dma_wait3A_36] : memref<32000x256xf32, #tpu.memory_space<hbm>> -> memref<32000x256xf32, #tpu.memory_space<hbm>>
    tpu.wait_indirect_dma semaphore(%arg11 : memref<!tpu.dma_semaphore, #tpu.memory_space<semaphore_mem>>) src(%dma_wait3A_37 : memref<32000x256xf32, #tpu.memory_space<hbm>>) dst(%arg7 : memref<16x256xf32, #tpu.memory_space<vmem>>)
    %add3A_38 = arith.constant 16 : i32
    %add3A_39 = arith.addi %mul3A_2, %add3A_38 : i32
    "tpu.region"() ({
      %run_scoped3A = tpu.sem_alloc : memref<!tpu.dma_semaphore, #tpu.memory_space<semaphore_mem>>
      %dma_start3A_97 = arith.constant 0 : i32
      %dma_start3A_98 = tpu.memref_slice %arg4[%add3A_39, %dma_start3A_97] : memref<4096x256xf32, #tpu.memory_space<hbm>> -> memref<16x256xf32, #tpu.memory_space<hbm>>
      %dma_start3A_99 = arith.constant 0 : i32
      %dma_start3A_100 = tpu.memref_slice %arg4[%add3A_39, %dma_start3A_99] : memref<4096x256xf32, #tpu.memory_space<hbm>> -> memref<16x256xf32, #tpu.memory_space<hbm>>
      tpu.enqueue_dma source(%arg7 : memref<16x256xf32, #tpu.memory_space<vmem>>) target(%dma_start3A_100 : memref<16x256xf32, #tpu.memory_space<hbm>>) target_semaphore(%run_scoped3A : memref<!tpu.dma_semaphore, #tpu.memory_space<semaphore_mem>>)
      %dma_wait3A_101 = arith.constant 0 : i32
      %dma_wait3A_102 = tpu.memref_slice %arg4[%add3A_39, %dma_wait3A_101] : memref<4096x256xf32, #tpu.memory_space<hbm>> -> memref<16x256xf32, #tpu.memory_space<hbm>>
      %dma_wait3A_103 = arith.constant 0 : i32
      %dma_wait3A_104 = tpu.memref_slice %arg4[%add3A_39, %dma_wait3A_103] : memref<4096x256xf32, #tpu.memory_space<hbm>> -> memref<16x256xf32, #tpu.memory_space<hbm>>
      tpu.wait_dma2 semaphore(%run_scoped3A : memref<!tpu.dma_semaphore, #tpu.memory_space<semaphore_mem>>) src(%arg7 : memref<16x256xf32, #tpu.memory_space<vmem>>) dst(%dma_wait3A_104 : memref<16x256xf32, #tpu.memory_space<hbm>>)
      tpu.yield
    }) : () -> ()
    %dma_start3A_40 = arith.constant 80 : i32
    %dma_start3A_41 = tpu.memref_slice %arg5[%dma_start3A_40] : memref<128xi32, #tpu.memory_space<vmem>> -> memref<16xi32, #tpu.memory_space<vmem>>
    %dma_start3A_42 = arith.constant 0 : i32
    %dma_start3A_43 = arith.constant 0 : i32
    %dma_start3A_44 = tpu.memref_slice %arg2[%dma_start3A_42, %dma_start3A_43] : memref<32000x256xf32, #tpu.memory_space<hbm>> -> memref<32000x256xf32, #tpu.memory_space<hbm>>
    tpu.enqueue_indirect_dma source(%dma_start3A_44 : memref<32000x256xf32, #tpu.memory_space<hbm>>) target(%arg7 : memref<16x256xf32, #tpu.memory_space<vmem>>) offsets(%dma_start3A_41 : memref<16xi32, #tpu.memory_space<vmem>>) semaphore(%arg11 : memref<!tpu.dma_semaphore, #tpu.memory_space<semaphore_mem>>)
    %dma_wait3A_45 = arith.constant 32 : i32
    %dma_wait3A_46 = tpu.memref_slice %arg5[%dma_wait3A_45] : memref<128xi32, #tpu.memory_space<vmem>> -> memref<16xi32, #tpu.memory_space<vmem>>
    %dma_wait3A_47 = arith.constant 0 : i32
    %dma_wait3A_48 = arith.constant 0 : i32
    %dma_wait3A_49 = tpu.memref_slice %arg2[%dma_wait3A_47, %dma_wait3A_48] : memref<32000x256xf32, #tpu.memory_space<hbm>> -> memref<32000x256xf32, #tpu.memory_space<hbm>>
    tpu.wait_indirect_dma semaphore(%arg12 : memref<!tpu.dma_semaphore, #tpu.memory_space<semaphore_mem>>) src(%dma_wait3A_49 : memref<32000x256xf32, #tpu.memory_space<hbm>>) dst(%arg8 : memref<16x256xf32, #tpu.memory_space<vmem>>)
    %add3A_50 = arith.constant 32 : i32
    %add3A_51 = arith.addi %mul3A_2, %add3A_50 : i32
    "tpu.region"() ({
      %run_scoped3A = tpu.sem_alloc : memref<!tpu.dma_semaphore, #tpu.memory_space<semaphore_mem>>
      %dma_start3A_97 = arith.constant 0 : i32
      %dma_start3A_98 = tpu.memref_slice %arg4[%add3A_51, %dma_start3A_97] : memref<4096x256xf32, #tpu.memory_space<hbm>> -> memref<16x256xf32, #tpu.memory_space<hbm>>
      %dma_start3A_99 = arith.constant 0 : i32
      %dma_start3A_100 = tpu.memref_slice %arg4[%add3A_51, %dma_start3A_99] : memref<4096x256xf32, #tpu.memory_space<hbm>> -> memref<16x256xf32, #tpu.memory_space<hbm>>
      tpu.enqueue_dma source(%arg8 : memref<16x256xf32, #tpu.memory_space<vmem>>) target(%dma_start3A_100 : memref<16x256xf32, #tpu.memory_space<hbm>>) target_semaphore(%run_scoped3A : memref<!tpu.dma_semaphore, #tpu.memory_space<semaphore_mem>>)
      %dma_wait3A_101 = arith.constant 0 : i32
      %dma_wait3A_102 = tpu.memref_slice %arg4[%add3A_51, %dma_wait3A_101] : memref<4096x256xf32, #tpu.memory_space<hbm>> -> memref<16x256xf32, #tpu.memory_space<hbm>>
      %dma_wait3A_103 = arith.constant 0 : i32
      %dma_wait3A_104 = tpu.memref_slice %arg4[%add3A_51, %dma_wait3A_103] : memref<4096x256xf32, #tpu.memory_space<hbm>> -> memref<16x256xf32, #tpu.memory_space<hbm>>
      tpu.wait_dma2 semaphore(%run_scoped3A : memref<!tpu.dma_semaphore, #tpu.memory_space<semaphore_mem>>) src(%arg8 : memref<16x256xf32, #tpu.memory_space<vmem>>) dst(%dma_wait3A_104 : memref<16x256xf32, #tpu.memory_space<hbm>>)
      tpu.yield
    }) : () -> ()
    %dma_start3A_52 = arith.constant 96 : i32
    %dma_start3A_53 = tpu.memref_slice %arg5[%dma_start3A_52] : memref<128xi32, #tpu.memory_space<vmem>> -> memref<16xi32, #tpu.memory_space<vmem>>
    %dma_start3A_54 = arith.constant 0 : i32
    %dma_start3A_55 = arith.constant 0 : i32
    %dma_start3A_56 = tpu.memref_slice %arg2[%dma_start3A_54, %dma_start3A_55] : memref<32000x256xf32, #tpu.memory_space<hbm>> -> memref<32000x256xf32, #tpu.memory_space<hbm>>
    tpu.enqueue_indirect_dma source(%dma_start3A_56 : memref<32000x256xf32, #tpu.memory_space<hbm>>) target(%arg8 : memref<16x256xf32, #tpu.memory_space<vmem>>) offsets(%dma_start3A_53 : memref<16xi32, #tpu.memory_space<vmem>>) semaphore(%arg12 : memref<!tpu.dma_semaphore, #tpu.memory_space<semaphore_mem>>)
    %dma_wait3A_57 = arith.constant 48 : i32
    %dma_wait3A_58 = tpu.memref_slice %arg5[%dma_wait3A_57] : memref<128xi32, #tpu.memory_space<vmem>> -> memref<16xi32, #tpu.memory_space<vmem>>
    %dma_wait3A_59 = arith.constant 0 : i32
    %dma_wait3A_60 = arith.constant 0 : i32
    %dma_wait3A_61 = tpu.memref_slice %arg2[%dma_wait3A_59, %dma_wait3A_60] : memref<32000x256xf32, #tpu.memory_space<hbm>> -> memref<32000x256xf32, #tpu.memory_space<hbm>>
    tpu.wait_indirect_dma semaphore(%arg13 : memref<!tpu.dma_semaphore, #tpu.memory_space<semaphore_mem>>) src(%dma_wait3A_61 : memref<32000x256xf32, #tpu.memory_space<hbm>>) dst(%arg9 : memref<16x256xf32, #tpu.memory_space<vmem>>)
    %add3A_62 = arith.constant 48 : i32
    %add3A_63 = arith.addi %mul3A_2, %add3A_62 : i32
    "tpu.region"() ({
      %run_scoped3A = tpu.sem_alloc : memref<!tpu.dma_semaphore, #tpu.memory_space<semaphore_mem>>
      %dma_start3A_97 = arith.constant 0 : i32
      %dma_start3A_98 = tpu.memref_slice %arg4[%add3A_63, %dma_start3A_97] : memref<4096x256xf32, #tpu.memory_space<hbm>> -> memref<16x256xf32, #tpu.memory_space<hbm>>
      %dma_start3A_99 = arith.constant 0 : i32
      %dma_start3A_100 = tpu.memref_slice %arg4[%add3A_63, %dma_start3A_99] : memref<4096x256xf32, #tpu.memory_space<hbm>> -> memref<16x256xf32, #tpu.memory_space<hbm>>
      tpu.enqueue_dma source(%arg9 : memref<16x256xf32, #tpu.memory_space<vmem>>) target(%dma_start3A_100 : memref<16x256xf32, #tpu.memory_space<hbm>>) target_semaphore(%run_scoped3A : memref<!tpu.dma_semaphore, #tpu.memory_space<semaphore_mem>>)
      %dma_wait3A_101 = arith.constant 0 : i32
      %dma_wait3A_102 = tpu.memref_slice %arg4[%add3A_63, %dma_wait3A_101] : memref<4096x256xf32, #tpu.memory_space<hbm>> -> memref<16x256xf32, #tpu.memory_space<hbm>>
      %dma_wait3A_103 = arith.constant 0 : i32
      %dma_wait3A_104 = tpu.memref_slice %arg4[%add3A_63, %dma_wait3A_103] : memref<4096x256xf32, #tpu.memory_space<hbm>> -> memref<16x256xf32, #tpu.memory_space<hbm>>
      tpu.wait_dma2 semaphore(%run_scoped3A : memref<!tpu.dma_semaphore, #tpu.memory_space<semaphore_mem>>) src(%arg9 : memref<16x256xf32, #tpu.memory_space<vmem>>) dst(%dma_wait3A_104 : memref<16x256xf32, #tpu.memory_space<hbm>>)
      tpu.yield
    }) : () -> ()
    %dma_start3A_64 = arith.constant 112 : i32
    %dma_start3A_65 = tpu.memref_slice %arg5[%dma_start3A_64] : memref<128xi32, #tpu.memory_space<vmem>> -> memref<16xi32, #tpu.memory_space<vmem>>
    %dma_start3A_66 = arith.constant 0 : i32
    %dma_start3A_67 = arith.constant 0 : i32
    %dma_start3A_68 = tpu.memref_slice %arg2[%dma_start3A_66, %dma_start3A_67] : memref<32000x256xf32, #tpu.memory_space<hbm>> -> memref<32000x256xf32, #tpu.memory_space<hbm>>
    tpu.enqueue_indirect_dma source(%dma_start3A_68 : memref<32000x256xf32, #tpu.memory_space<hbm>>) target(%arg9 : memref<16x256xf32, #tpu.memory_space<vmem>>) offsets(%dma_start3A_65 : memref<16xi32, #tpu.memory_space<vmem>>) semaphore(%arg13 : memref<!tpu.dma_semaphore, #tpu.memory_space<semaphore_mem>>)
    %dma_wait3A_69 = arith.constant 64 : i32
    %dma_wait3A_70 = tpu.memref_slice %arg5[%dma_wait3A_69] : memref<128xi32, #tpu.memory_space<vmem>> -> memref<16xi32, #tpu.memory_space<vmem>>
    %dma_wait3A_71 = arith.constant 0 : i32
    %dma_wait3A_72 = arith.constant 0 : i32
    %dma_wait3A_73 = tpu.memref_slice %arg2[%dma_wait3A_71, %dma_wait3A_72] : memref<32000x256xf32, #tpu.memory_space<hbm>> -> memref<32000x256xf32, #tpu.memory_space<hbm>>
    tpu.wait_indirect_dma semaphore(%arg10 : memref<!tpu.dma_semaphore, #tpu.memory_space<semaphore_mem>>) src(%dma_wait3A_73 : memref<32000x256xf32, #tpu.memory_space<hbm>>) dst(%arg6 : memref<16x256xf32, #tpu.memory_space<vmem>>)
    %add3A_74 = arith.constant 64 : i32
    %add3A_75 = arith.addi %mul3A_2, %add3A_74 : i32
    "tpu.region"() ({
      %run_scoped3A = tpu.sem_alloc : memref<!tpu.dma_semaphore, #tpu.memory_space<semaphore_mem>>
      %dma_start3A_97 = arith.constant 0 : i32
      %dma_start3A_98 = tpu.memref_slice %arg4[%add3A_75, %dma_start3A_97] : memref<4096x256xf32, #tpu.memory_space<hbm>> -> memref<16x256xf32, #tpu.memory_space<hbm>>
      %dma_start3A_99 = arith.constant 0 : i32
      %dma_start3A_100 = tpu.memref_slice %arg4[%add3A_75, %dma_start3A_99] : memref<4096x256xf32, #tpu.memory_space<hbm>> -> memref<16x256xf32, #tpu.memory_space<hbm>>
      tpu.enqueue_dma source(%arg6 : memref<16x256xf32, #tpu.memory_space<vmem>>) target(%dma_start3A_100 : memref<16x256xf32, #tpu.memory_space<hbm>>) target_semaphore(%run_scoped3A : memref<!tpu.dma_semaphore, #tpu.memory_space<semaphore_mem>>)
      %dma_wait3A_101 = arith.constant 0 : i32
      %dma_wait3A_102 = tpu.memref_slice %arg4[%add3A_75, %dma_wait3A_101] : memref<4096x256xf32, #tpu.memory_space<hbm>> -> memref<16x256xf32, #tpu.memory_space<hbm>>
      %dma_wait3A_103 = arith.constant 0 : i32
      %dma_wait3A_104 = tpu.memref_slice %arg4[%add3A_75, %dma_wait3A_103] : memref<4096x256xf32, #tpu.memory_space<hbm>> -> memref<16x256xf32, #tpu.memory_space<hbm>>
      tpu.wait_dma2 semaphore(%run_scoped3A : memref<!tpu.dma_semaphore, #tpu.memory_space<semaphore_mem>>) src(%arg6 : memref<16x256xf32, #tpu.memory_space<vmem>>) dst(%dma_wait3A_104 : memref<16x256xf32, #tpu.memory_space<hbm>>)
      tpu.yield
    }) : () -> ()
    %dma_wait3A_76 = arith.constant 80 : i32
    %dma_wait3A_77 = tpu.memref_slice %arg5[%dma_wait3A_76] : memref<128xi32, #tpu.memory_space<vmem>> -> memref<16xi32, #tpu.memory_space<vmem>>
    %dma_wait3A_78 = arith.constant 0 : i32
    %dma_wait3A_79 = arith.constant 0 : i32
    %dma_wait3A_80 = tpu.memref_slice %arg2[%dma_wait3A_78, %dma_wait3A_79] : memref<32000x256xf32, #tpu.memory_space<hbm>> -> memref<32000x256xf32, #tpu.memory_space<hbm>>
    tpu.wait_indirect_dma semaphore(%arg11 : memref<!tpu.dma_semaphore, #tpu.memory_space<semaphore_mem>>) src(%dma_wait3A_80 : memref<32000x256xf32, #tpu.memory_space<hbm>>) dst(%arg7 : memref<16x256xf32, #tpu.memory_space<vmem>>)
    %add3A_81 = arith.constant 80 : i32
    %add3A_82 = arith.addi %mul3A_2, %add3A_81 : i32
    "tpu.region"() ({
      %run_scoped3A = tpu.sem_alloc : memref<!tpu.dma_semaphore, #tpu.memory_space<semaphore_mem>>
      %dma_start3A_97 = arith.constant 0 : i32
      %dma_start3A_98 = tpu.memref_slice %arg4[%add3A_82, %dma_start3A_97] : memref<4096x256xf32, #tpu.memory_space<hbm>> -> memref<16x256xf32, #tpu.memory_space<hbm>>
      %dma_start3A_99 = arith.constant 0 : i32
      %dma_start3A_100 = tpu.memref_slice %arg4[%add3A_82, %dma_start3A_99] : memref<4096x256xf32, #tpu.memory_space<hbm>> -> memref<16x256xf32, #tpu.memory_space<hbm>>
      tpu.enqueue_dma source(%arg7 : memref<16x256xf32, #tpu.memory_space<vmem>>) target(%dma_start3A_100 : memref<16x256xf32, #tpu.memory_space<hbm>>) target_semaphore(%run_scoped3A : memref<!tpu.dma_semaphore, #tpu.memory_space<semaphore_mem>>)
      %dma_wait3A_101 = arith.constant 0 : i32
      %dma_wait3A_102 = tpu.memref_slice %arg4[%add3A_82, %dma_wait3A_101] : memref<4096x256xf32, #tpu.memory_space<hbm>> -> memref<16x256xf32, #tpu.memory_space<hbm>>
      %dma_wait3A_103 = arith.constant 0 : i32
      %dma_wait3A_104 = tpu.memref_slice %arg4[%add3A_82, %dma_wait3A_103] : memref<4096x256xf32, #tpu.memory_space<hbm>> -> memref<16x256xf32, #tpu.memory_space<hbm>>
      tpu.wait_dma2 semaphore(%run_scoped3A : memref<!tpu.dma_semaphore, #tpu.memory_space<semaphore_mem>>) src(%arg7 : memref<16x256xf32, #tpu.memory_space<vmem>>) dst(%dma_wait3A_104 : memref<16x256xf32, #tpu.memory_space<hbm>>)
      tpu.yield
    }) : () -> ()
    %dma_wait3A_83 = arith.constant 96 : i32
    %dma_wait3A_84 = tpu.memref_slice %arg5[%dma_wait3A_83] : memref<128xi32, #tpu.memory_space<vmem>> -> memref<16xi32, #tpu.memory_space<vmem>>
    %dma_wait3A_85 = arith.constant 0 : i32
    %dma_wait3A_86 = arith.constant 0 : i32
    %dma_wait3A_87 = tpu.memref_slice %arg2[%dma_wait3A_85, %dma_wait3A_86] : memref<32000x256xf32, #tpu.memory_space<hbm>> -> memref<32000x256xf32, #tpu.memory_space<hbm>>
    tpu.wait_indirect_dma semaphore(%arg12 : memref<!tpu.dma_semaphore, #tpu.memory_space<semaphore_mem>>) src(%dma_wait3A_87 : memref<32000x256xf32, #tpu.memory_space<hbm>>) dst(%arg8 : memref<16x256xf32, #tpu.memory_space<vmem>>)
    %add3A_88 = arith.constant 96 : i32
    %add3A_89 = arith.addi %mul3A_2, %add3A_88 : i32
    "tpu.region"() ({
      %run_scoped3A = tpu.sem_alloc : memref<!tpu.dma_semaphore, #tpu.memory_space<semaphore_mem>>
      %dma_start3A_97 = arith.constant 0 : i32
      %dma_start3A_98 = tpu.memref_slice %arg4[%add3A_89, %dma_start3A_97] : memref<4096x256xf32, #tpu.memory_space<hbm>> -> memref<16x256xf32, #tpu.memory_space<hbm>>
      %dma_start3A_99 = arith.constant 0 : i32
      %dma_start3A_100 = tpu.memref_slice %arg4[%add3A_89, %dma_start3A_99] : memref<4096x256xf32, #tpu.memory_space<hbm>> -> memref<16x256xf32, #tpu.memory_space<hbm>>
      tpu.enqueue_dma source(%arg8 : memref<16x256xf32, #tpu.memory_space<vmem>>) target(%dma_start3A_100 : memref<16x256xf32, #tpu.memory_space<hbm>>) target_semaphore(%run_scoped3A : memref<!tpu.dma_semaphore, #tpu.memory_space<semaphore_mem>>)
      %dma_wait3A_101 = arith.constant 0 : i32
      %dma_wait3A_102 = tpu.memref_slice %arg4[%add3A_89, %dma_wait3A_101] : memref<4096x256xf32, #tpu.memory_space<hbm>> -> memref<16x256xf32, #tpu.memory_space<hbm>>
      %dma_wait3A_103 = arith.constant 0 : i32
      %dma_wait3A_104 = tpu.memref_slice %arg4[%add3A_89, %dma_wait3A_103] : memref<4096x256xf32, #tpu.memory_space<hbm>> -> memref<16x256xf32, #tpu.memory_space<hbm>>
      tpu.wait_dma2 semaphore(%run_scoped3A : memref<!tpu.dma_semaphore, #tpu.memory_space<semaphore_mem>>) src(%arg8 : memref<16x256xf32, #tpu.memory_space<vmem>>) dst(%dma_wait3A_104 : memref<16x256xf32, #tpu.memory_space<hbm>>)
      tpu.yield
    }) : () -> ()
    %dma_wait3A_90 = arith.constant 112 : i32
    %dma_wait3A_91 = tpu.memref_slice %arg5[%dma_wait3A_90] : memref<128xi32, #tpu.memory_space<vmem>> -> memref<16xi32, #tpu.memory_space<vmem>>
    %dma_wait3A_92 = arith.constant 0 : i32
    %dma_wait3A_93 = arith.constant 0 : i32
    %dma_wait3A_94 = tpu.memref_slice %arg2[%dma_wait3A_92, %dma_wait3A_93] : memref<32000x256xf32, #tpu.memory_space<hbm>> -> memref<32000x256xf32, #tpu.memory_space<hbm>>
    tpu.wait_indirect_dma semaphore(%arg13 : memref<!tpu.dma_semaphore, #tpu.memory_space<semaphore_mem>>) src(%dma_wait3A_94 : memref<32000x256xf32, #tpu.memory_space<hbm>>) dst(%arg9 : memref<16x256xf32, #tpu.memory_space<vmem>>)
    %add3A_95 = arith.constant 112 : i32
    %add3A_96 = arith.addi %mul3A_2, %add3A_95 : i32
    "tpu.region"() ({
      %run_scoped3A = tpu.sem_alloc : memref<!tpu.dma_semaphore, #tpu.memory_space<semaphore_mem>>
      %dma_start3A_97 = arith.constant 0 : i32
      %dma_start3A_98 = tpu.memref_slice %arg4[%add3A_96, %dma_start3A_97] : memref<4096x256xf32, #tpu.memory_space<hbm>> -> memref<16x256xf32, #tpu.memory_space<hbm>>
      %dma_start3A_99 = arith.constant 0 : i32
      %dma_start3A_100 = tpu.memref_slice %arg4[%add3A_96, %dma_start3A_99] : memref<4096x256xf32, #tpu.memory_space<hbm>> -> memref<16x256xf32, #tpu.memory_space<hbm>>
      tpu.enqueue_dma source(%arg9 : memref<16x256xf32, #tpu.memory_space<vmem>>) target(%dma_start3A_100 : memref<16x256xf32, #tpu.memory_space<hbm>>) target_semaphore(%run_scoped3A : memref<!tpu.dma_semaphore, #tpu.memory_space<semaphore_mem>>)
      %dma_wait3A_101 = arith.constant 0 : i32
      %dma_wait3A_102 = tpu.memref_slice %arg4[%add3A_96, %dma_wait3A_101] : memref<4096x256xf32, #tpu.memory_space<hbm>> -> memref<16x256xf32, #tpu.memory_space<hbm>>
      %dma_wait3A_103 = arith.constant 0 : i32
      %dma_wait3A_104 = tpu.memref_slice %arg4[%add3A_96, %dma_wait3A_103] : memref<4096x256xf32, #tpu.memory_space<hbm>> -> memref<16x256xf32, #tpu.memory_space<hbm>>
      tpu.wait_dma2 semaphore(%run_scoped3A : memref<!tpu.dma_semaphore, #tpu.memory_space<semaphore_mem>>) src(%arg9 : memref<16x256xf32, #tpu.memory_space<vmem>>) dst(%dma_wait3A_104 : memref<16x256xf32, #tpu.memory_space<hbm>>)
      tpu.yield
    }) : () -> ()
    return
  }
}

#map = affine_map<(d0, d1) -> (0, 0)>
#map1 = affine_map<(d0, d1) -> (0)>
module attributes {stable_mosaic.version = 14 : i64} {
  func.func @k(%arg0: i32, %arg1: i32, %arg2: memref<32000x256xf32, #tpu.memory_space<hbm>>, %arg3: memref<4096xi32, #tpu.memory_space<hbm>>, %arg4: memref<4096x256xf32, #tpu.memory_space<hbm>>, %arg5: memref<128xi32, #tpu.memory_space<vmem>>, %arg6: memref<16x256xf32, #tpu.memory_space<vmem>>, %arg7: memref<16x256xf32, #tpu.memory_space<vmem>>, %arg8: memref<16x256xf32, #tpu.memory_space<vmem>>, %arg9: memref<16x256xf32, #tpu.memory_space<vmem>>, %arg10: memref<!tpu.dma_semaphore, #tpu.memory_space<semaphore_mem>>, %arg11: memref<!tpu.dma_semaphore, #tpu.memory_space<semaphore_mem>>, %arg12: memref<!tpu.dma_semaphore, #tpu.memory_space<semaphore_mem>>, %arg13: memref<!tpu.dma_semaphore, #tpu.memory_space<semaphore_mem>>) attributes {dimension_semantics = [#tpu.dimension_semantics<core_parallel>, #tpu.dimension_semantics<subcore_parallel>], iteration_bounds = array<i64: 2, 16>, scalar_prefetch = 0 : i64, scratch_operands = 9 : i64, tpu.core_type = #tpu.core_type<sc_vector_subcore>, window_params = [{transform_indices = #map}, {transform_indices = #map1}, {transform_indices = #map}]} {
    %mul3A = arith.constant 2 : i32
    %mul3A_0 = arith.muli %arg1, %mul3A : i32
    %add3A = arith.addi %mul3A_0, %arg0 : i32
    %mul3A_1 = arith.constant 128 : i32
    %mul3A_2 = arith.muli %add3A, %mul3A_1 : i32
    "tpu.region"() ({
      %run_scoped3A = tpu.sem_alloc : memref<!tpu.dma_semaphore, #tpu.memory_space<semaphore_mem>>
      %dma_start3A_97 = tpu.memref_slice %arg3[%mul3A_2] : memref<4096xi32, #tpu.memory_space<hbm>> -> memref<128xi32, #tpu.memory_space<hbm>>
      %dma_start3A_98 = tpu.memref_slice %arg3[%mul3A_2] : memref<4096xi32, #tpu.memory_space<hbm>> -> memref<128xi32, #tpu.memory_space<hbm>>
      tpu.enqueue_dma source(%dma_start3A_98 : memref<128xi32, #tpu.memory_space<hbm>>) target(%arg5 : memref<128xi32, #tpu.memory_space<vmem>>) target_semaphore(%run_scoped3A : memref<!tpu.dma_semaphore, #tpu.memory_space<semaphore_mem>>)
      %dma_wait3A_99 = tpu.memref_slice %arg3[%mul3A_2] : memref<4096xi32, #tpu.memory_space<hbm>> -> memref<128xi32, #tpu.memory_space<hbm>>
      %dma_wait3A_100 = tpu.memref_slice %arg3[%mul3A_2] : memref<4096xi32, #tpu.memory_space<hbm>> -> memref<128xi32, #tpu.memory_space<hbm>>
      tpu.wait_dma2 semaphore(%run_scoped3A : memref<!tpu.dma_semaphore, #tpu.memory_space<semaphore_mem>>) src(%dma_wait3A_100 : memref<128xi32, #tpu.memory_space<hbm>>) dst(%arg5 : memref<128xi32, #tpu.memory_space<vmem>>)
      tpu.yield
    }) : () -> ()
    %dma_start3A = arith.constant 0 : i32
    %dma_start3A_3 = tpu.memref_slice %arg5[%dma_start3A] : memref<128xi32, #tpu.memory_space<vmem>> -> memref<16xi32, #tpu.memory_space<vmem>>
    %dma_start3A_4 = arith.constant 0 : i32
    %dma_start3A_5 = arith.constant 0 : i32
    %dma_start3A_6 = tpu.memref_slice %arg2[%dma_start3A_4, %dma_start3A_5] : memref<32000x256xf32, #tpu.memory_space<hbm>> -> memref<32000x256xf32, #tpu.memory_space<hbm>>
    tpu.enqueue_indirect_dma source(%dma_start3A_6 : memref<32000x256xf32, #tpu.memory_space<hbm>>) target(%arg6 : memref<16x256xf32, #tpu.memory_space<vmem>>) offsets(%dma_start3A_3 : memref<16xi32, #tpu.memory_space<vmem>>) semaphore(%arg10 : memref<!tpu.dma_semaphore, #tpu.memory_space<semaphore_mem>>)
    %dma_start3A_7 = arith.constant 16 : i32
    %dma_start3A_8 = tpu.memref_slice %arg5[%dma_start3A_7] : memref<128xi32, #tpu.memory_space<vmem>> -> memref<16xi32, #tpu.memory_space<vmem>>
    %dma_start3A_9 = arith.constant 0 : i32
    %dma_start3A_10 = arith.constant 0 : i32
    %dma_start3A_11 = tpu.memref_slice %arg2[%dma_start3A_9, %dma_start3A_10] : memref<32000x256xf32, #tpu.memory_space<hbm>> -> memref<32000x256xf32, #tpu.memory_space<hbm>>
    tpu.enqueue_indirect_dma source(%dma_start3A_11 : memref<32000x256xf32, #tpu.memory_space<hbm>>) target(%arg7 : memref<16x256xf32, #tpu.memory_space<vmem>>) offsets(%dma_start3A_8 : memref<16xi32, #tpu.memory_space<vmem>>) semaphore(%arg11 : memref<!tpu.dma_semaphore, #tpu.memory_space<semaphore_mem>>)
    %dma_start3A_12 = arith.constant 32 : i32
    %dma_start3A_13 = tpu.memref_slice %arg5[%dma_start3A_12] : memref<128xi32, #tpu.memory_space<vmem>> -> memref<16xi32, #tpu.memory_space<vmem>>
    %dma_start3A_14 = arith.constant 0 : i32
    %dma_start3A_15 = arith.constant 0 : i32
    %dma_start3A_16 = tpu.memref_slice %arg2[%dma_start3A_14, %dma_start3A_15] : memref<32000x256xf32, #tpu.memory_space<hbm>> -> memref<32000x256xf32, #tpu.memory_space<hbm>>
    tpu.enqueue_indirect_dma source(%dma_start3A_16 : memref<32000x256xf32, #tpu.memory_space<hbm>>) target(%arg8 : memref<16x256xf32, #tpu.memory_space<vmem>>) offsets(%dma_start3A_13 : memref<16xi32, #tpu.memory_space<vmem>>) semaphore(%arg12 : memref<!tpu.dma_semaphore, #tpu.memory_space<semaphore_mem>>)
    %dma_start3A_17 = arith.constant 48 : i32
    %dma_start3A_18 = tpu.memref_slice %arg5[%dma_start3A_17] : memref<128xi32, #tpu.memory_space<vmem>> -> memref<16xi32, #tpu.memory_space<vmem>>
    %dma_start3A_19 = arith.constant 0 : i32
    %dma_start3A_20 = arith.constant 0 : i32
    %dma_start3A_21 = tpu.memref_slice %arg2[%dma_start3A_19, %dma_start3A_20] : memref<32000x256xf32, #tpu.memory_space<hbm>> -> memref<32000x256xf32, #tpu.memory_space<hbm>>
    tpu.enqueue_indirect_dma source(%dma_start3A_21 : memref<32000x256xf32, #tpu.memory_space<hbm>>) target(%arg9 : memref<16x256xf32, #tpu.memory_space<vmem>>) offsets(%dma_start3A_18 : memref<16xi32, #tpu.memory_space<vmem>>) semaphore(%arg13 : memref<!tpu.dma_semaphore, #tpu.memory_space<semaphore_mem>>)
    %dma_wait3A = arith.constant 0 : i32
    %dma_wait3A_22 = tpu.memref_slice %arg5[%dma_wait3A] : memref<128xi32, #tpu.memory_space<vmem>> -> memref<16xi32, #tpu.memory_space<vmem>>
    %dma_wait3A_23 = arith.constant 0 : i32
    %dma_wait3A_24 = arith.constant 0 : i32
    %dma_wait3A_25 = tpu.memref_slice %arg2[%dma_wait3A_23, %dma_wait3A_24] : memref<32000x256xf32, #tpu.memory_space<hbm>> -> memref<32000x256xf32, #tpu.memory_space<hbm>>
    tpu.wait_indirect_dma semaphore(%arg10 : memref<!tpu.dma_semaphore, #tpu.memory_space<semaphore_mem>>) src(%dma_wait3A_25 : memref<32000x256xf32, #tpu.memory_space<hbm>>) dst(%arg6 : memref<16x256xf32, #tpu.memory_space<vmem>>)
    %add3A_26 = arith.constant 0 : i32
    %add3A_27 = arith.addi %mul3A_2, %add3A_26 : i32
    "tpu.region"() ({
      %run_scoped3A = tpu.sem_alloc : memref<!tpu.dma_semaphore, #tpu.memory_space<semaphore_mem>>
      %dma_start3A_97 = arith.constant 0 : i32
      %dma_start3A_98 = tpu.memref_slice %arg4[%add3A_27, %dma_start3A_97] : memref<4096x256xf32, #tpu.memory_space<hbm>> -> memref<16x256xf32, #tpu.memory_space<hbm>>
      %dma_start3A_99 = arith.constant 0 : i32
      %dma_start3A_100 = tpu.memref_slice %arg4[%add3A_27, %dma_start3A_99] : memref<4096x256xf32, #tpu.memory_space<hbm>> -> memref<16x256xf32, #tpu.memory_space<hbm>>
      tpu.enqueue_dma source(%arg6 : memref<16x256xf32, #tpu.memory_space<vmem>>) target(%dma_start3A_100 : memref<16x256xf32, #tpu.memory_space<hbm>>) target_semaphore(%run_scoped3A : memref<!tpu.dma_semaphore, #tpu.memory_space<semaphore_mem>>)
      %dma_wait3A_101 = arith.constant 0 : i32
      %dma_wait3A_102 = tpu.memref_slice %arg4[%add3A_27, %dma_wait3A_101] : memref<4096x256xf32, #tpu.memory_space<hbm>> -> memref<16x256xf32, #tpu.memory_space<hbm>>
      %dma_wait3A_103 = arith.constant 0 : i32
      %dma_wait3A_104 = tpu.memref_slice %arg4[%add3A_27, %dma_wait3A_103] : memref<4096x256xf32, #tpu.memory_space<hbm>> -> memref<16x256xf32, #tpu.memory_space<hbm>>
      tpu.wait_dma2 semaphore(%run_scoped3A : memref<!tpu.dma_semaphore, #tpu.memory_space<semaphore_mem>>) src(%arg6 : memref<16x256xf32, #tpu.memory_space<vmem>>) dst(%dma_wait3A_104 : memref<16x256xf32, #tpu.memory_space<hbm>>)
      tpu.yield
    }) : () -> ()
    %dma_start3A_28 = arith.constant 64 : i32
    %dma_start3A_29 = tpu.memref_slice %arg5[%dma_start3A_28] : memref<128xi32, #tpu.memory_space<vmem>> -> memref<16xi32, #tpu.memory_space<vmem>>
    %dma_start3A_30 = arith.constant 0 : i32
    %dma_start3A_31 = arith.constant 0 : i32
    %dma_start3A_32 = tpu.memref_slice %arg2[%dma_start3A_30, %dma_start3A_31] : memref<32000x256xf32, #tpu.memory_space<hbm>> -> memref<32000x256xf32, #tpu.memory_space<hbm>>
    tpu.enqueue_indirect_dma source(%dma_start3A_32 : memref<32000x256xf32, #tpu.memory_space<hbm>>) target(%arg6 : memref<16x256xf32, #tpu.memory_space<vmem>>) offsets(%dma_start3A_29 : memref<16xi32, #tpu.memory_space<vmem>>) semaphore(%arg10 : memref<!tpu.dma_semaphore, #tpu.memory_space<semaphore_mem>>)
    %dma_wait3A_33 = arith.constant 16 : i32
    %dma_wait3A_34 = tpu.memref_slice %arg5[%dma_wait3A_33] : memref<128xi32, #tpu.memory_space<vmem>> -> memref<16xi32, #tpu.memory_space<vmem>>
    %dma_wait3A_35 = arith.constant 0 : i32
    %dma_wait3A_36 = arith.constant 0 : i32
    %dma_wait3A_37 = tpu.memref_slice %arg2[%dma_wait3A_35, %dma_wait3A_36] : memref<32000x256xf32, #tpu.memory_space<hbm>> -> memref<32000x256xf32, #tpu.memory_space<hbm>>
    tpu.wait_indirect_dma semaphore(%arg11 : memref<!tpu.dma_semaphore, #tpu.memory_space<semaphore_mem>>) src(%dma_wait3A_37 : memref<32000x256xf32, #tpu.memory_space<hbm>>) dst(%arg7 : memref<16x256xf32, #tpu.memory_space<vmem>>)
    %add3A_38 = arith.constant 16 : i32
    %add3A_39 = arith.addi %mul3A_2, %add3A_38 : i32
    "tpu.region"() ({
      %run_scoped3A = tpu.sem_alloc : memref<!tpu.dma_semaphore, #tpu.memory_space<semaphore_mem>>
      %dma_start3A_97 = arith.constant 0 : i32
      %dma_start3A_98 = tpu.memref_slice %arg4[%add3A_39, %dma_start3A_97] : memref<4096x256xf32, #tpu.memory_space<hbm>> -> memref<16x256xf32, #tpu.memory_space<hbm>>
      %dma_start3A_99 = arith.constant 0 : i32
      %dma_start3A_100 = tpu.memref_slice %arg4[%add3A_39, %dma_start3A_99] : memref<4096x256xf32, #tpu.memory_space<hbm>> -> memref<16x256xf32, #tpu.memory_space<hbm>>
      tpu.enqueue_dma source(%arg7 : memref<16x256xf32, #tpu.memory_space<vmem>>) target(%dma_start3A_100 : memref<16x256xf32, #tpu.memory_space<hbm>>) target_semaphore(%run_scoped3A : memref<!tpu.dma_semaphore, #tpu.memory_space<semaphore_mem>>)
      %dma_wait3A_101 = arith.constant 0 : i32
      %dma_wait3A_102 = tpu.memref_slice %arg4[%add3A_39, %dma_wait3A_101] : memref<4096x256xf32, #tpu.memory_space<hbm>> -> memref<16x256xf32, #tpu.memory_space<hbm>>
      %dma_wait3A_103 = arith.constant 0 : i32
      %dma_wait3A_104 = tpu.memref_slice %arg4[%add3A_39, %dma_wait3A_103] : memref<4096x256xf32, #tpu.memory_space<hbm>> -> memref<16x256xf32, #tpu.memory_space<hbm>>
      tpu.wait_dma2 semaphore(%run_scoped3A : memref<!tpu.dma_semaphore, #tpu.memory_space<semaphore_mem>>) src(%arg7 : memref<16x256xf32, #tpu.memory_space<vmem>>) dst(%dma_wait3A_104 : memref<16x256xf32, #tpu.memory_space<hbm>>)
      tpu.yield
    }) : () -> ()
    %dma_start3A_40 = arith.constant 80 : i32
    %dma_start3A_41 = tpu.memref_slice %arg5[%dma_start3A_40] : memref<128xi32, #tpu.memory_space<vmem>> -> memref<16xi32, #tpu.memory_space<vmem>>
    %dma_start3A_42 = arith.constant 0 : i32
    %dma_start3A_43 = arith.constant 0 : i32
    %dma_start3A_44 = tpu.memref_slice %arg2[%dma_start3A_42, %dma_start3A_43] : memref<32000x256xf32, #tpu.memory_space<hbm>> -> memref<32000x256xf32, #tpu.memory_space<hbm>>
    tpu.enqueue_indirect_dma source(%dma_start3A_44 : memref<32000x256xf32, #tpu.memory_space<hbm>>) target(%arg7 : memref<16x256xf32, #tpu.memory_space<vmem>>) offsets(%dma_start3A_41 : memref<16xi32, #tpu.memory_space<vmem>>) semaphore(%arg11 : memref<!tpu.dma_semaphore, #tpu.memory_space<semaphore_mem>>)
    %dma_wait3A_45 = arith.constant 32 : i32
    %dma_wait3A_46 = tpu.memref_slice %arg5[%dma_wait3A_45] : memref<128xi32, #tpu.memory_space<vmem>> -> memref<16xi32, #tpu.memory_space<vmem>>
    %dma_wait3A_47 = arith.constant 0 : i32
    %dma_wait3A_48 = arith.constant 0 : i32
    %dma_wait3A_49 = tpu.memref_slice %arg2[%dma_wait3A_47, %dma_wait3A_48] : memref<32000x256xf32, #tpu.memory_space<hbm>> -> memref<32000x256xf32, #tpu.memory_space<hbm>>
    tpu.wait_indirect_dma semaphore(%arg12 : memref<!tpu.dma_semaphore, #tpu.memory_space<semaphore_mem>>) src(%dma_wait3A_49 : memref<32000x256xf32, #tpu.memory_space<hbm>>) dst(%arg8 : memref<16x256xf32, #tpu.memory_space<vmem>>)
    %add3A_50 = arith.constant 32 : i32
    %add3A_51 = arith.addi %mul3A_2, %add3A_50 : i32
    "tpu.region"() ({
      %run_scoped3A = tpu.sem_alloc : memref<!tpu.dma_semaphore, #tpu.memory_space<semaphore_mem>>
      %dma_start3A_97 = arith.constant 0 : i32
      %dma_start3A_98 = tpu.memref_slice %arg4[%add3A_51, %dma_start3A_97] : memref<4096x256xf32, #tpu.memory_space<hbm>> -> memref<16x256xf32, #tpu.memory_space<hbm>>
      %dma_start3A_99 = arith.constant 0 : i32
      %dma_start3A_100 = tpu.memref_slice %arg4[%add3A_51, %dma_start3A_99] : memref<4096x256xf32, #tpu.memory_space<hbm>> -> memref<16x256xf32, #tpu.memory_space<hbm>>
      tpu.enqueue_dma source(%arg8 : memref<16x256xf32, #tpu.memory_space<vmem>>) target(%dma_start3A_100 : memref<16x256xf32, #tpu.memory_space<hbm>>) target_semaphore(%run_scoped3A : memref<!tpu.dma_semaphore, #tpu.memory_space<semaphore_mem>>)
      %dma_wait3A_101 = arith.constant 0 : i32
      %dma_wait3A_102 = tpu.memref_slice %arg4[%add3A_51, %dma_wait3A_101] : memref<4096x256xf32, #tpu.memory_space<hbm>> -> memref<16x256xf32, #tpu.memory_space<hbm>>
      %dma_wait3A_103 = arith.constant 0 : i32
      %dma_wait3A_104 = tpu.memref_slice %arg4[%add3A_51, %dma_wait3A_103] : memref<4096x256xf32, #tpu.memory_space<hbm>> -> memref<16x256xf32, #tpu.memory_space<hbm>>
      tpu.wait_dma2 semaphore(%run_scoped3A : memref<!tpu.dma_semaphore, #tpu.memory_space<semaphore_mem>>) src(%arg8 : memref<16x256xf32, #tpu.memory_space<vmem>>) dst(%dma_wait3A_104 : memref<16x256xf32, #tpu.memory_space<hbm>>)
      tpu.yield
    }) : () -> ()
    %dma_start3A_52 = arith.constant 96 : i32
    %dma_start3A_53 = tpu.memref_slice %arg5[%dma_start3A_52] : memref<128xi32, #tpu.memory_space<vmem>> -> memref<16xi32, #tpu.memory_space<vmem>>
    %dma_start3A_54 = arith.constant 0 : i32
    %dma_start3A_55 = arith.constant 0 : i32
    %dma_start3A_56 = tpu.memref_slice %arg2[%dma_start3A_54, %dma_start3A_55] : memref<32000x256xf32, #tpu.memory_space<hbm>> -> memref<32000x256xf32, #tpu.memory_space<hbm>>
    tpu.enqueue_indirect_dma source(%dma_start3A_56 : memref<32000x256xf32, #tpu.memory_space<hbm>>) target(%arg8 : memref<16x256xf32, #tpu.memory_space<vmem>>) offsets(%dma_start3A_53 : memref<16xi32, #tpu.memory_space<vmem>>) semaphore(%arg12 : memref<!tpu.dma_semaphore, #tpu.memory_space<semaphore_mem>>)
    %dma_wait3A_57 = arith.constant 48 : i32
    %dma_wait3A_58 = tpu.memref_slice %arg5[%dma_wait3A_57] : memref<128xi32, #tpu.memory_space<vmem>> -> memref<16xi32, #tpu.memory_space<vmem>>
    %dma_wait3A_59 = arith.constant 0 : i32
    %dma_wait3A_60 = arith.constant 0 : i32
    %dma_wait3A_61 = tpu.memref_slice %arg2[%dma_wait3A_59, %dma_wait3A_60] : memref<32000x256xf32, #tpu.memory_space<hbm>> -> memref<32000x256xf32, #tpu.memory_space<hbm>>
    tpu.wait_indirect_dma semaphore(%arg13 : memref<!tpu.dma_semaphore, #tpu.memory_space<semaphore_mem>>) src(%dma_wait3A_61 : memref<32000x256xf32, #tpu.memory_space<hbm>>) dst(%arg9 : memref<16x256xf32, #tpu.memory_space<vmem>>)
    %add3A_62 = arith.constant 48 : i32
    %add3A_63 = arith.addi %mul3A_2, %add3A_62 : i32
    "tpu.region"() ({
      %run_scoped3A = tpu.sem_alloc : memref<!tpu.dma_semaphore, #tpu.memory_space<semaphore_mem>>
      %dma_start3A_97 = arith.constant 0 : i32
      %dma_start3A_98 = tpu.memref_slice %arg4[%add3A_63, %dma_start3A_97] : memref<4096x256xf32, #tpu.memory_space<hbm>> -> memref<16x256xf32, #tpu.memory_space<hbm>>
      %dma_start3A_99 = arith.constant 0 : i32
      %dma_start3A_100 = tpu.memref_slice %arg4[%add3A_63, %dma_start3A_99] : memref<4096x256xf32, #tpu.memory_space<hbm>> -> memref<16x256xf32, #tpu.memory_space<hbm>>
      tpu.enqueue_dma source(%arg9 : memref<16x256xf32, #tpu.memory_space<vmem>>) target(%dma_start3A_100 : memref<16x256xf32, #tpu.memory_space<hbm>>) target_semaphore(%run_scoped3A : memref<!tpu.dma_semaphore, #tpu.memory_space<semaphore_mem>>)
      %dma_wait3A_101 = arith.constant 0 : i32
      %dma_wait3A_102 = tpu.memref_slice %arg4[%add3A_63, %dma_wait3A_101] : memref<4096x256xf32, #tpu.memory_space<hbm>> -> memref<16x256xf32, #tpu.memory_space<hbm>>
      %dma_wait3A_103 = arith.constant 0 : i32
      %dma_wait3A_104 = tpu.memref_slice %arg4[%add3A_63, %dma_wait3A_103] : memref<4096x256xf32, #tpu.memory_space<hbm>> -> memref<16x256xf32, #tpu.memory_space<hbm>>
      tpu.wait_dma2 semaphore(%run_scoped3A : memref<!tpu.dma_semaphore, #tpu.memory_space<semaphore_mem>>) src(%arg9 : memref<16x256xf32, #tpu.memory_space<vmem>>) dst(%dma_wait3A_104 : memref<16x256xf32, #tpu.memory_space<hbm>>)
      tpu.yield
    }) : () -> ()
    %dma_start3A_64 = arith.constant 112 : i32
    %dma_start3A_65 = tpu.memref_slice %arg5[%dma_start3A_64] : memref<128xi32, #tpu.memory_space<vmem>> -> memref<16xi32, #tpu.memory_space<vmem>>
    %dma_start3A_66 = arith.constant 0 : i32
    %dma_start3A_67 = arith.constant 0 : i32
    %dma_start3A_68 = tpu.memref_slice %arg2[%dma_start3A_66, %dma_start3A_67] : memref<32000x256xf32, #tpu.memory_space<hbm>> -> memref<32000x256xf32, #tpu.memory_space<hbm>>
    tpu.enqueue_indirect_dma source(%dma_start3A_68 : memref<32000x256xf32, #tpu.memory_space<hbm>>) target(%arg9 : memref<16x256xf32, #tpu.memory_space<vmem>>) offsets(%dma_start3A_65 : memref<16xi32, #tpu.memory_space<vmem>>) semaphore(%arg13 : memref<!tpu.dma_semaphore, #tpu.memory_space<semaphore_mem>>)
    %dma_wait3A_69 = arith.constant 64 : i32
    %dma_wait3A_70 = tpu.memref_slice %arg5[%dma_wait3A_69] : memref<128xi32, #tpu.memory_space<vmem>> -> memref<16xi32, #tpu.memory_space<vmem>>
    %dma_wait3A_71 = arith.constant 0 : i32
    %dma_wait3A_72 = arith.constant 0 : i32
    %dma_wait3A_73 = tpu.memref_slice %arg2[%dma_wait3A_71, %dma_wait3A_72] : memref<32000x256xf32, #tpu.memory_space<hbm>> -> memref<32000x256xf32, #tpu.memory_space<hbm>>
    tpu.wait_indirect_dma semaphore(%arg10 : memref<!tpu.dma_semaphore, #tpu.memory_space<semaphore_mem>>) src(%dma_wait3A_73 : memref<32000x256xf32, #tpu.memory_space<hbm>>) dst(%arg6 : memref<16x256xf32, #tpu.memory_space<vmem>>)
    %add3A_74 = arith.constant 64 : i32
    %add3A_75 = arith.addi %mul3A_2, %add3A_74 : i32
    "tpu.region"() ({
      %run_scoped3A = tpu.sem_alloc : memref<!tpu.dma_semaphore, #tpu.memory_space<semaphore_mem>>
      %dma_start3A_97 = arith.constant 0 : i32
      %dma_start3A_98 = tpu.memref_slice %arg4[%add3A_75, %dma_start3A_97] : memref<4096x256xf32, #tpu.memory_space<hbm>> -> memref<16x256xf32, #tpu.memory_space<hbm>>
      %dma_start3A_99 = arith.constant 0 : i32
      %dma_start3A_100 = tpu.memref_slice %arg4[%add3A_75, %dma_start3A_99] : memref<4096x256xf32, #tpu.memory_space<hbm>> -> memref<16x256xf32, #tpu.memory_space<hbm>>
      tpu.enqueue_dma source(%arg6 : memref<16x256xf32, #tpu.memory_space<vmem>>) target(%dma_start3A_100 : memref<16x256xf32, #tpu.memory_space<hbm>>) target_semaphore(%run_scoped3A : memref<!tpu.dma_semaphore, #tpu.memory_space<semaphore_mem>>)
      %dma_wait3A_101 = arith.constant 0 : i32
      %dma_wait3A_102 = tpu.memref_slice %arg4[%add3A_75, %dma_wait3A_101] : memref<4096x256xf32, #tpu.memory_space<hbm>> -> memref<16x256xf32, #tpu.memory_space<hbm>>
      %dma_wait3A_103 = arith.constant 0 : i32
      %dma_wait3A_104 = tpu.memref_slice %arg4[%add3A_75, %dma_wait3A_103] : memref<4096x256xf32, #tpu.memory_space<hbm>> -> memref<16x256xf32, #tpu.memory_space<hbm>>
      tpu.wait_dma2 semaphore(%run_scoped3A : memref<!tpu.dma_semaphore, #tpu.memory_space<semaphore_mem>>) src(%arg6 : memref<16x256xf32, #tpu.memory_space<vmem>>) dst(%dma_wait3A_104 : memref<16x256xf32, #tpu.memory_space<hbm>>)
      tpu.yield
    }) : () -> ()
    %dma_wait3A_76 = arith.constant 80 : i32
    %dma_wait3A_77 = tpu.memref_slice %arg5[%dma_wait3A_76] : memref<128xi32, #tpu.memory_space<vmem>> -> memref<16xi32, #tpu.memory_space<vmem>>
    %dma_wait3A_78 = arith.constant 0 : i32
    %dma_wait3A_79 = arith.constant 0 : i32
    %dma_wait3A_80 = tpu.memref_slice %arg2[%dma_wait3A_78, %dma_wait3A_79] : memref<32000x256xf32, #tpu.memory_space<hbm>> -> memref<32000x256xf32, #tpu.memory_space<hbm>>
    tpu.wait_indirect_dma semaphore(%arg11 : memref<!tpu.dma_semaphore, #tpu.memory_space<semaphore_mem>>) src(%dma_wait3A_80 : memref<32000x256xf32, #tpu.memory_space<hbm>>) dst(%arg7 : memref<16x256xf32, #tpu.memory_space<vmem>>)
    %add3A_81 = arith.constant 80 : i32
    %add3A_82 = arith.addi %mul3A_2, %add3A_81 : i32
    "tpu.region"() ({
      %run_scoped3A = tpu.sem_alloc : memref<!tpu.dma_semaphore, #tpu.memory_space<semaphore_mem>>
      %dma_start3A_97 = arith.constant 0 : i32
      %dma_start3A_98 = tpu.memref_slice %arg4[%add3A_82, %dma_start3A_97] : memref<4096x256xf32, #tpu.memory_space<hbm>> -> memref<16x256xf32, #tpu.memory_space<hbm>>
      %dma_start3A_99 = arith.constant 0 : i32
      %dma_start3A_100 = tpu.memref_slice %arg4[%add3A_82, %dma_start3A_99] : memref<4096x256xf32, #tpu.memory_space<hbm>> -> memref<16x256xf32, #tpu.memory_space<hbm>>
      tpu.enqueue_dma source(%arg7 : memref<16x256xf32, #tpu.memory_space<vmem>>) target(%dma_start3A_100 : memref<16x256xf32, #tpu.memory_space<hbm>>) target_semaphore(%run_scoped3A : memref<!tpu.dma_semaphore, #tpu.memory_space<semaphore_mem>>)
      %dma_wait3A_101 = arith.constant 0 : i32
      %dma_wait3A_102 = tpu.memref_slice %arg4[%add3A_82, %dma_wait3A_101] : memref<4096x256xf32, #tpu.memory_space<hbm>> -> memref<16x256xf32, #tpu.memory_space<hbm>>
      %dma_wait3A_103 = arith.constant 0 : i32
      %dma_wait3A_104 = tpu.memref_slice %arg4[%add3A_82, %dma_wait3A_103] : memref<4096x256xf32, #tpu.memory_space<hbm>> -> memref<16x256xf32, #tpu.memory_space<hbm>>
      tpu.wait_dma2 semaphore(%run_scoped3A : memref<!tpu.dma_semaphore, #tpu.memory_space<semaphore_mem>>) src(%arg7 : memref<16x256xf32, #tpu.memory_space<vmem>>) dst(%dma_wait3A_104 : memref<16x256xf32, #tpu.memory_space<hbm>>)
      tpu.yield
    }) : () -> ()
    %dma_wait3A_83 = arith.constant 96 : i32
    %dma_wait3A_84 = tpu.memref_slice %arg5[%dma_wait3A_83] : memref<128xi32, #tpu.memory_space<vmem>> -> memref<16xi32, #tpu.memory_space<vmem>>
    %dma_wait3A_85 = arith.constant 0 : i32
    %dma_wait3A_86 = arith.constant 0 : i32
    %dma_wait3A_87 = tpu.memref_slice %arg2[%dma_wait3A_85, %dma_wait3A_86] : memref<32000x256xf32, #tpu.memory_space<hbm>> -> memref<32000x256xf32, #tpu.memory_space<hbm>>
    tpu.wait_indirect_dma semaphore(%arg12 : memref<!tpu.dma_semaphore, #tpu.memory_space<semaphore_mem>>) src(%dma_wait3A_87 : memref<32000x256xf32, #tpu.memory_space<hbm>>) dst(%arg8 : memref<16x256xf32, #tpu.memory_space<vmem>>)
    %add3A_88 = arith.constant 96 : i32
    %add3A_89 = arith.addi %mul3A_2, %add3A_88 : i32
    "tpu.region"() ({
      %run_scoped3A = tpu.sem_alloc : memref<!tpu.dma_semaphore, #tpu.memory_space<semaphore_mem>>
      %dma_start3A_97 = arith.constant 0 : i32
      %dma_start3A_98 = tpu.memref_slice %arg4[%add3A_89, %dma_start3A_97] : memref<4096x256xf32, #tpu.memory_space<hbm>> -> memref<16x256xf32, #tpu.memory_space<hbm>>
      %dma_start3A_99 = arith.constant 0 : i32
      %dma_start3A_100 = tpu.memref_slice %arg4[%add3A_89, %dma_start3A_99] : memref<4096x256xf32, #tpu.memory_space<hbm>> -> memref<16x256xf32, #tpu.memory_space<hbm>>
      tpu.enqueue_dma source(%arg8 : memref<16x256xf32, #tpu.memory_space<vmem>>) target(%dma_start3A_100 : memref<16x256xf32, #tpu.memory_space<hbm>>) target_semaphore(%run_scoped3A : memref<!tpu.dma_semaphore, #tpu.memory_space<semaphore_mem>>)
      %dma_wait3A_101 = arith.constant 0 : i32
      %dma_wait3A_102 = tpu.memref_slice %arg4[%add3A_89, %dma_wait3A_101] : memref<4096x256xf32, #tpu.memory_space<hbm>> -> memref<16x256xf32, #tpu.memory_space<hbm>>
      %dma_wait3A_103 = arith.constant 0 : i32
      %dma_wait3A_104 = tpu.memref_slice %arg4[%add3A_89, %dma_wait3A_103] : memref<4096x256xf32, #tpu.memory_space<hbm>> -> memref<16x256xf32, #tpu.memory_space<hbm>>
      tpu.wait_dma2 semaphore(%run_scoped3A : memref<!tpu.dma_semaphore, #tpu.memory_space<semaphore_mem>>) src(%arg8 : memref<16x256xf32, #tpu.memory_space<vmem>>) dst(%dma_wait3A_104 : memref<16x256xf32, #tpu.memory_space<hbm>>)
      tpu.yield
    }) : () -> ()
    %dma_wait3A_90 = arith.constant 112 : i32
    %dma_wait3A_91 = tpu.memref_slice %arg5[%dma_wait3A_90] : memref<128xi32, #tpu.memory_space<vmem>> -> memref<16xi32, #tpu.memory_space<vmem>>
    %dma_wait3A_92 = arith.constant 0 : i32
    %dma_wait3A_93 = arith.constant 0 : i32
    %dma_wait3A_94 = tpu.memref_slice %arg2[%dma_wait3A_92, %dma_wait3A_93] : memref<32000x256xf32, #tpu.memory_space<hbm>> -> memref<32000x256xf32, #tpu.memory_space<hbm>>
    tpu.wait_indirect_dma semaphore(%arg13 : memref<!tpu.dma_semaphore, #tpu.memory_space<semaphore_mem>>) src(%dma_wait3A_94 : memref<32000x256xf32, #tpu.memory_space<hbm>>) dst(%arg9 : memref<16x256xf32, #tpu.memory_space<vmem>>)
    %add3A_95 = arith.constant 112 : i32
    %add3A_96 = arith.addi %mul3A_2, %add3A_95 : i32
    "tpu.region"() ({
      %run_scoped3A = tpu.sem_alloc : memref<!tpu.dma_semaphore, #tpu.memory_space<semaphore_mem>>
      %dma_start3A_97 = arith.constant 0 : i32
      %dma_start3A_98 = tpu.memref_slice %arg4[%add3A_96, %dma_start3A_97] : memref<4096x256xf32, #tpu.memory_space<hbm>> -> memref<16x256xf32, #tpu.memory_space<hbm>>
      %dma_start3A_99 = arith.constant 0 : i32
      %dma_start3A_100 = tpu.memref_slice %arg4[%add3A_96, %dma_start3A_99] : memref<4096x256xf32, #tpu.memory_space<hbm>> -> memref<16x256xf32, #tpu.memory_space<hbm>>
      tpu.enqueue_dma source(%arg9 : memref<16x256xf32, #tpu.memory_space<vmem>>) target(%dma_start3A_100 : memref<16x256xf32, #tpu.memory_space<hbm>>) target_semaphore(%run_scoped3A : memref<!tpu.dma_semaphore, #tpu.memory_space<semaphore_mem>>)
      %dma_wait3A_101 = arith.constant 0 : i32
      %dma_wait3A_102 = tpu.memref_slice %arg4[%add3A_96, %dma_wait3A_101] : memref<4096x256xf32, #tpu.memory_space<hbm>> -> memref<16x256xf32, #tpu.memory_space<hbm>>
      %dma_wait3A_103 = arith.constant 0 : i32
      %dma_wait3A_104 = tpu.memref_slice %arg4[%add3A_96, %dma_wait3A_103] : memref<4096x256xf32, #tpu.memory_space<hbm>> -> memref<16x256xf32, #tpu.memory_space<hbm>>
      tpu.wait_dma2 semaphore(%run_scoped3A : memref<!tpu.dma_semaphore, #tpu.memory_space<semaphore_mem>>) src(%arg9 : memref<16x256xf32, #tpu.memory_space<vmem>>) dst(%dma_wait3A_104 : memref<16x256xf32, #tpu.memory_space<hbm>>)
      tpu.yield
    }) : () -> ()
    return
  }
}

#map = affine_map<(d0, d1) -> (0, 0)>
#map1 = affine_map<(d0, d1) -> (0)>
module attributes {stable_mosaic.version = 14 : i64} {
  func.func @k(%arg0: i32, %arg1: i32, %arg2: memref<32000x256xf32, #tpu.memory_space<hbm>>, %arg3: memref<4096xi32, #tpu.memory_space<hbm>>, %arg4: memref<4096x256xf32, #tpu.memory_space<hbm>>, %arg5: memref<128xi32, #tpu.memory_space<vmem>>, %arg6: memref<16x256xf32, #tpu.memory_space<vmem>>, %arg7: memref<16x256xf32, #tpu.memory_space<vmem>>, %arg8: memref<16x256xf32, #tpu.memory_space<vmem>>, %arg9: memref<16x256xf32, #tpu.memory_space<vmem>>, %arg10: memref<!tpu.dma_semaphore, #tpu.memory_space<semaphore_mem>>, %arg11: memref<!tpu.dma_semaphore, #tpu.memory_space<semaphore_mem>>, %arg12: memref<!tpu.dma_semaphore, #tpu.memory_space<semaphore_mem>>, %arg13: memref<!tpu.dma_semaphore, #tpu.memory_space<semaphore_mem>>) attributes {dimension_semantics = [#tpu.dimension_semantics<core_parallel>, #tpu.dimension_semantics<subcore_parallel>], iteration_bounds = array<i64: 2, 16>, scalar_prefetch = 0 : i64, scratch_operands = 9 : i64, tpu.core_type = #tpu.core_type<sc_vector_subcore>, window_params = [{transform_indices = #map}, {transform_indices = #map1}, {transform_indices = #map}]} {
    %mul3A = arith.constant 2 : i32
    %mul3A_0 = arith.muli %arg1, %mul3A : i32
    %add3A = arith.addi %mul3A_0, %arg0 : i32
    %mul3A_1 = arith.constant 128 : i32
    %mul3A_2 = arith.muli %add3A, %mul3A_1 : i32
    "tpu.region"() ({
      %run_scoped3A = tpu.sem_alloc : memref<!tpu.dma_semaphore, #tpu.memory_space<semaphore_mem>>
      %dma_start3A_97 = tpu.memref_slice %arg3[%mul3A_2] : memref<4096xi32, #tpu.memory_space<hbm>> -> memref<128xi32, #tpu.memory_space<hbm>>
      %dma_start3A_98 = tpu.memref_slice %arg3[%mul3A_2] : memref<4096xi32, #tpu.memory_space<hbm>> -> memref<128xi32, #tpu.memory_space<hbm>>
      tpu.enqueue_dma source(%dma_start3A_98 : memref<128xi32, #tpu.memory_space<hbm>>) target(%arg5 : memref<128xi32, #tpu.memory_space<vmem>>) target_semaphore(%run_scoped3A : memref<!tpu.dma_semaphore, #tpu.memory_space<semaphore_mem>>)
      %dma_wait3A_99 = tpu.memref_slice %arg3[%mul3A_2] : memref<4096xi32, #tpu.memory_space<hbm>> -> memref<128xi32, #tpu.memory_space<hbm>>
      %dma_wait3A_100 = tpu.memref_slice %arg3[%mul3A_2] : memref<4096xi32, #tpu.memory_space<hbm>> -> memref<128xi32, #tpu.memory_space<hbm>>
      tpu.wait_dma2 semaphore(%run_scoped3A : memref<!tpu.dma_semaphore, #tpu.memory_space<semaphore_mem>>) src(%dma_wait3A_100 : memref<128xi32, #tpu.memory_space<hbm>>) dst(%arg5 : memref<128xi32, #tpu.memory_space<vmem>>)
      tpu.yield
    }) : () -> ()
    %dma_start3A = arith.constant 0 : i32
    %dma_start3A_3 = tpu.memref_slice %arg5[%dma_start3A] : memref<128xi32, #tpu.memory_space<vmem>> -> memref<16xi32, #tpu.memory_space<vmem>>
    %dma_start3A_4 = arith.constant 0 : i32
    %dma_start3A_5 = arith.constant 0 : i32
    %dma_start3A_6 = tpu.memref_slice %arg2[%dma_start3A_4, %dma_start3A_5] : memref<32000x256xf32, #tpu.memory_space<hbm>> -> memref<32000x256xf32, #tpu.memory_space<hbm>>
    tpu.enqueue_indirect_dma source(%dma_start3A_6 : memref<32000x256xf32, #tpu.memory_space<hbm>>) target(%arg6 : memref<16x256xf32, #tpu.memory_space<vmem>>) offsets(%dma_start3A_3 : memref<16xi32, #tpu.memory_space<vmem>>) semaphore(%arg10 : memref<!tpu.dma_semaphore, #tpu.memory_space<semaphore_mem>>)
    %dma_start3A_7 = arith.constant 16 : i32
    %dma_start3A_8 = tpu.memref_slice %arg5[%dma_start3A_7] : memref<128xi32, #tpu.memory_space<vmem>> -> memref<16xi32, #tpu.memory_space<vmem>>
    %dma_start3A_9 = arith.constant 0 : i32
    %dma_start3A_10 = arith.constant 0 : i32
    %dma_start3A_11 = tpu.memref_slice %arg2[%dma_start3A_9, %dma_start3A_10] : memref<32000x256xf32, #tpu.memory_space<hbm>> -> memref<32000x256xf32, #tpu.memory_space<hbm>>
    tpu.enqueue_indirect_dma source(%dma_start3A_11 : memref<32000x256xf32, #tpu.memory_space<hbm>>) target(%arg7 : memref<16x256xf32, #tpu.memory_space<vmem>>) offsets(%dma_start3A_8 : memref<16xi32, #tpu.memory_space<vmem>>) semaphore(%arg11 : memref<!tpu.dma_semaphore, #tpu.memory_space<semaphore_mem>>)
    %dma_start3A_12 = arith.constant 32 : i32
    %dma_start3A_13 = tpu.memref_slice %arg5[%dma_start3A_12] : memref<128xi32, #tpu.memory_space<vmem>> -> memref<16xi32, #tpu.memory_space<vmem>>
    %dma_start3A_14 = arith.constant 0 : i32
    %dma_start3A_15 = arith.constant 0 : i32
    %dma_start3A_16 = tpu.memref_slice %arg2[%dma_start3A_14, %dma_start3A_15] : memref<32000x256xf32, #tpu.memory_space<hbm>> -> memref<32000x256xf32, #tpu.memory_space<hbm>>
    tpu.enqueue_indirect_dma source(%dma_start3A_16 : memref<32000x256xf32, #tpu.memory_space<hbm>>) target(%arg8 : memref<16x256xf32, #tpu.memory_space<vmem>>) offsets(%dma_start3A_13 : memref<16xi32, #tpu.memory_space<vmem>>) semaphore(%arg12 : memref<!tpu.dma_semaphore, #tpu.memory_space<semaphore_mem>>)
    %dma_start3A_17 = arith.constant 48 : i32
    %dma_start3A_18 = tpu.memref_slice %arg5[%dma_start3A_17] : memref<128xi32, #tpu.memory_space<vmem>> -> memref<16xi32, #tpu.memory_space<vmem>>
    %dma_start3A_19 = arith.constant 0 : i32
    %dma_start3A_20 = arith.constant 0 : i32
    %dma_start3A_21 = tpu.memref_slice %arg2[%dma_start3A_19, %dma_start3A_20] : memref<32000x256xf32, #tpu.memory_space<hbm>> -> memref<32000x256xf32, #tpu.memory_space<hbm>>
    tpu.enqueue_indirect_dma source(%dma_start3A_21 : memref<32000x256xf32, #tpu.memory_space<hbm>>) target(%arg9 : memref<16x256xf32, #tpu.memory_space<vmem>>) offsets(%dma_start3A_18 : memref<16xi32, #tpu.memory_space<vmem>>) semaphore(%arg13 : memref<!tpu.dma_semaphore, #tpu.memory_space<semaphore_mem>>)
    %dma_wait3A = arith.constant 0 : i32
    %dma_wait3A_22 = tpu.memref_slice %arg5[%dma_wait3A] : memref<128xi32, #tpu.memory_space<vmem>> -> memref<16xi32, #tpu.memory_space<vmem>>
    %dma_wait3A_23 = arith.constant 0 : i32
    %dma_wait3A_24 = arith.constant 0 : i32
    %dma_wait3A_25 = tpu.memref_slice %arg2[%dma_wait3A_23, %dma_wait3A_24] : memref<32000x256xf32, #tpu.memory_space<hbm>> -> memref<32000x256xf32, #tpu.memory_space<hbm>>
    tpu.wait_indirect_dma semaphore(%arg10 : memref<!tpu.dma_semaphore, #tpu.memory_space<semaphore_mem>>) src(%dma_wait3A_25 : memref<32000x256xf32, #tpu.memory_space<hbm>>) dst(%arg6 : memref<16x256xf32, #tpu.memory_space<vmem>>)
    %add3A_26 = arith.constant 0 : i32
    %add3A_27 = arith.addi %mul3A_2, %add3A_26 : i32
    "tpu.region"() ({
      %run_scoped3A = tpu.sem_alloc : memref<!tpu.dma_semaphore, #tpu.memory_space<semaphore_mem>>
      %dma_start3A_97 = arith.constant 0 : i32
      %dma_start3A_98 = tpu.memref_slice %arg4[%add3A_27, %dma_start3A_97] : memref<4096x256xf32, #tpu.memory_space<hbm>> -> memref<16x256xf32, #tpu.memory_space<hbm>>
      %dma_start3A_99 = arith.constant 0 : i32
      %dma_start3A_100 = tpu.memref_slice %arg4[%add3A_27, %dma_start3A_99] : memref<4096x256xf32, #tpu.memory_space<hbm>> -> memref<16x256xf32, #tpu.memory_space<hbm>>
      tpu.enqueue_dma source(%arg6 : memref<16x256xf32, #tpu.memory_space<vmem>>) target(%dma_start3A_100 : memref<16x256xf32, #tpu.memory_space<hbm>>) target_semaphore(%run_scoped3A : memref<!tpu.dma_semaphore, #tpu.memory_space<semaphore_mem>>)
      %dma_wait3A_101 = arith.constant 0 : i32
      %dma_wait3A_102 = tpu.memref_slice %arg4[%add3A_27, %dma_wait3A_101] : memref<4096x256xf32, #tpu.memory_space<hbm>> -> memref<16x256xf32, #tpu.memory_space<hbm>>
      %dma_wait3A_103 = arith.constant 0 : i32
      %dma_wait3A_104 = tpu.memref_slice %arg4[%add3A_27, %dma_wait3A_103] : memref<4096x256xf32, #tpu.memory_space<hbm>> -> memref<16x256xf32, #tpu.memory_space<hbm>>
      tpu.wait_dma2 semaphore(%run_scoped3A : memref<!tpu.dma_semaphore, #tpu.memory_space<semaphore_mem>>) src(%arg6 : memref<16x256xf32, #tpu.memory_space<vmem>>) dst(%dma_wait3A_104 : memref<16x256xf32, #tpu.memory_space<hbm>>)
      tpu.yield
    }) : () -> ()
    %dma_start3A_28 = arith.constant 64 : i32
    %dma_start3A_29 = tpu.memref_slice %arg5[%dma_start3A_28] : memref<128xi32, #tpu.memory_space<vmem>> -> memref<16xi32, #tpu.memory_space<vmem>>
    %dma_start3A_30 = arith.constant 0 : i32
    %dma_start3A_31 = arith.constant 0 : i32
    %dma_start3A_32 = tpu.memref_slice %arg2[%dma_start3A_30, %dma_start3A_31] : memref<32000x256xf32, #tpu.memory_space<hbm>> -> memref<32000x256xf32, #tpu.memory_space<hbm>>
    tpu.enqueue_indirect_dma source(%dma_start3A_32 : memref<32000x256xf32, #tpu.memory_space<hbm>>) target(%arg6 : memref<16x256xf32, #tpu.memory_space<vmem>>) offsets(%dma_start3A_29 : memref<16xi32, #tpu.memory_space<vmem>>) semaphore(%arg10 : memref<!tpu.dma_semaphore, #tpu.memory_space<semaphore_mem>>)
    %dma_wait3A_33 = arith.constant 16 : i32
    %dma_wait3A_34 = tpu.memref_slice %arg5[%dma_wait3A_33] : memref<128xi32, #tpu.memory_space<vmem>> -> memref<16xi32, #tpu.memory_space<vmem>>
    %dma_wait3A_35 = arith.constant 0 : i32
    %dma_wait3A_36 = arith.constant 0 : i32
    %dma_wait3A_37 = tpu.memref_slice %arg2[%dma_wait3A_35, %dma_wait3A_36] : memref<32000x256xf32, #tpu.memory_space<hbm>> -> memref<32000x256xf32, #tpu.memory_space<hbm>>
    tpu.wait_indirect_dma semaphore(%arg11 : memref<!tpu.dma_semaphore, #tpu.memory_space<semaphore_mem>>) src(%dma_wait3A_37 : memref<32000x256xf32, #tpu.memory_space<hbm>>) dst(%arg7 : memref<16x256xf32, #tpu.memory_space<vmem>>)
    %add3A_38 = arith.constant 16 : i32
    %add3A_39 = arith.addi %mul3A_2, %add3A_38 : i32
    "tpu.region"() ({
      %run_scoped3A = tpu.sem_alloc : memref<!tpu.dma_semaphore, #tpu.memory_space<semaphore_mem>>
      %dma_start3A_97 = arith.constant 0 : i32
      %dma_start3A_98 = tpu.memref_slice %arg4[%add3A_39, %dma_start3A_97] : memref<4096x256xf32, #tpu.memory_space<hbm>> -> memref<16x256xf32, #tpu.memory_space<hbm>>
      %dma_start3A_99 = arith.constant 0 : i32
      %dma_start3A_100 = tpu.memref_slice %arg4[%add3A_39, %dma_start3A_99] : memref<4096x256xf32, #tpu.memory_space<hbm>> -> memref<16x256xf32, #tpu.memory_space<hbm>>
      tpu.enqueue_dma source(%arg7 : memref<16x256xf32, #tpu.memory_space<vmem>>) target(%dma_start3A_100 : memref<16x256xf32, #tpu.memory_space<hbm>>) target_semaphore(%run_scoped3A : memref<!tpu.dma_semaphore, #tpu.memory_space<semaphore_mem>>)
      %dma_wait3A_101 = arith.constant 0 : i32
      %dma_wait3A_102 = tpu.memref_slice %arg4[%add3A_39, %dma_wait3A_101] : memref<4096x256xf32, #tpu.memory_space<hbm>> -> memref<16x256xf32, #tpu.memory_space<hbm>>
      %dma_wait3A_103 = arith.constant 0 : i32
      %dma_wait3A_104 = tpu.memref_slice %arg4[%add3A_39, %dma_wait3A_103] : memref<4096x256xf32, #tpu.memory_space<hbm>> -> memref<16x256xf32, #tpu.memory_space<hbm>>
      tpu.wait_dma2 semaphore(%run_scoped3A : memref<!tpu.dma_semaphore, #tpu.memory_space<semaphore_mem>>) src(%arg7 : memref<16x256xf32, #tpu.memory_space<vmem>>) dst(%dma_wait3A_104 : memref<16x256xf32, #tpu.memory_space<hbm>>)
      tpu.yield
    }) : () -> ()
    %dma_start3A_40 = arith.constant 80 : i32
    %dma_start3A_41 = tpu.memref_slice %arg5[%dma_start3A_40] : memref<128xi32, #tpu.memory_space<vmem>> -> memref<16xi32, #tpu.memory_space<vmem>>
    %dma_start3A_42 = arith.constant 0 : i32
    %dma_start3A_43 = arith.constant 0 : i32
    %dma_start3A_44 = tpu.memref_slice %arg2[%dma_start3A_42, %dma_start3A_43] : memref<32000x256xf32, #tpu.memory_space<hbm>> -> memref<32000x256xf32, #tpu.memory_space<hbm>>
    tpu.enqueue_indirect_dma source(%dma_start3A_44 : memref<32000x256xf32, #tpu.memory_space<hbm>>) target(%arg7 : memref<16x256xf32, #tpu.memory_space<vmem>>) offsets(%dma_start3A_41 : memref<16xi32, #tpu.memory_space<vmem>>) semaphore(%arg11 : memref<!tpu.dma_semaphore, #tpu.memory_space<semaphore_mem>>)
    %dma_wait3A_45 = arith.constant 32 : i32
    %dma_wait3A_46 = tpu.memref_slice %arg5[%dma_wait3A_45] : memref<128xi32, #tpu.memory_space<vmem>> -> memref<16xi32, #tpu.memory_space<vmem>>
    %dma_wait3A_47 = arith.constant 0 : i32
    %dma_wait3A_48 = arith.constant 0 : i32
    %dma_wait3A_49 = tpu.memref_slice %arg2[%dma_wait3A_47, %dma_wait3A_48] : memref<32000x256xf32, #tpu.memory_space<hbm>> -> memref<32000x256xf32, #tpu.memory_space<hbm>>
    tpu.wait_indirect_dma semaphore(%arg12 : memref<!tpu.dma_semaphore, #tpu.memory_space<semaphore_mem>>) src(%dma_wait3A_49 : memref<32000x256xf32, #tpu.memory_space<hbm>>) dst(%arg8 : memref<16x256xf32, #tpu.memory_space<vmem>>)
    %add3A_50 = arith.constant 32 : i32
    %add3A_51 = arith.addi %mul3A_2, %add3A_50 : i32
    "tpu.region"() ({
      %run_scoped3A = tpu.sem_alloc : memref<!tpu.dma_semaphore, #tpu.memory_space<semaphore_mem>>
      %dma_start3A_97 = arith.constant 0 : i32
      %dma_start3A_98 = tpu.memref_slice %arg4[%add3A_51, %dma_start3A_97] : memref<4096x256xf32, #tpu.memory_space<hbm>> -> memref<16x256xf32, #tpu.memory_space<hbm>>
      %dma_start3A_99 = arith.constant 0 : i32
      %dma_start3A_100 = tpu.memref_slice %arg4[%add3A_51, %dma_start3A_99] : memref<4096x256xf32, #tpu.memory_space<hbm>> -> memref<16x256xf32, #tpu.memory_space<hbm>>
      tpu.enqueue_dma source(%arg8 : memref<16x256xf32, #tpu.memory_space<vmem>>) target(%dma_start3A_100 : memref<16x256xf32, #tpu.memory_space<hbm>>) target_semaphore(%run_scoped3A : memref<!tpu.dma_semaphore, #tpu.memory_space<semaphore_mem>>)
      %dma_wait3A_101 = arith.constant 0 : i32
      %dma_wait3A_102 = tpu.memref_slice %arg4[%add3A_51, %dma_wait3A_101] : memref<4096x256xf32, #tpu.memory_space<hbm>> -> memref<16x256xf32, #tpu.memory_space<hbm>>
      %dma_wait3A_103 = arith.constant 0 : i32
      %dma_wait3A_104 = tpu.memref_slice %arg4[%add3A_51, %dma_wait3A_103] : memref<4096x256xf32, #tpu.memory_space<hbm>> -> memref<16x256xf32, #tpu.memory_space<hbm>>
      tpu.wait_dma2 semaphore(%run_scoped3A : memref<!tpu.dma_semaphore, #tpu.memory_space<semaphore_mem>>) src(%arg8 : memref<16x256xf32, #tpu.memory_space<vmem>>) dst(%dma_wait3A_104 : memref<16x256xf32, #tpu.memory_space<hbm>>)
      tpu.yield
    }) : () -> ()
    %dma_start3A_52 = arith.constant 96 : i32
    %dma_start3A_53 = tpu.memref_slice %arg5[%dma_start3A_52] : memref<128xi32, #tpu.memory_space<vmem>> -> memref<16xi32, #tpu.memory_space<vmem>>
    %dma_start3A_54 = arith.constant 0 : i32
    %dma_start3A_55 = arith.constant 0 : i32
    %dma_start3A_56 = tpu.memref_slice %arg2[%dma_start3A_54, %dma_start3A_55] : memref<32000x256xf32, #tpu.memory_space<hbm>> -> memref<32000x256xf32, #tpu.memory_space<hbm>>
    tpu.enqueue_indirect_dma source(%dma_start3A_56 : memref<32000x256xf32, #tpu.memory_space<hbm>>) target(%arg8 : memref<16x256xf32, #tpu.memory_space<vmem>>) offsets(%dma_start3A_53 : memref<16xi32, #tpu.memory_space<vmem>>) semaphore(%arg12 : memref<!tpu.dma_semaphore, #tpu.memory_space<semaphore_mem>>)
    %dma_wait3A_57 = arith.constant 48 : i32
    %dma_wait3A_58 = tpu.memref_slice %arg5[%dma_wait3A_57] : memref<128xi32, #tpu.memory_space<vmem>> -> memref<16xi32, #tpu.memory_space<vmem>>
    %dma_wait3A_59 = arith.constant 0 : i32
    %dma_wait3A_60 = arith.constant 0 : i32
    %dma_wait3A_61 = tpu.memref_slice %arg2[%dma_wait3A_59, %dma_wait3A_60] : memref<32000x256xf32, #tpu.memory_space<hbm>> -> memref<32000x256xf32, #tpu.memory_space<hbm>>
    tpu.wait_indirect_dma semaphore(%arg13 : memref<!tpu.dma_semaphore, #tpu.memory_space<semaphore_mem>>) src(%dma_wait3A_61 : memref<32000x256xf32, #tpu.memory_space<hbm>>) dst(%arg9 : memref<16x256xf32, #tpu.memory_space<vmem>>)
    %add3A_62 = arith.constant 48 : i32
    %add3A_63 = arith.addi %mul3A_2, %add3A_62 : i32
    "tpu.region"() ({
      %run_scoped3A = tpu.sem_alloc : memref<!tpu.dma_semaphore, #tpu.memory_space<semaphore_mem>>
      %dma_start3A_97 = arith.constant 0 : i32
      %dma_start3A_98 = tpu.memref_slice %arg4[%add3A_63, %dma_start3A_97] : memref<4096x256xf32, #tpu.memory_space<hbm>> -> memref<16x256xf32, #tpu.memory_space<hbm>>
      %dma_start3A_99 = arith.constant 0 : i32
      %dma_start3A_100 = tpu.memref_slice %arg4[%add3A_63, %dma_start3A_99] : memref<4096x256xf32, #tpu.memory_space<hbm>> -> memref<16x256xf32, #tpu.memory_space<hbm>>
      tpu.enqueue_dma source(%arg9 : memref<16x256xf32, #tpu.memory_space<vmem>>) target(%dma_start3A_100 : memref<16x256xf32, #tpu.memory_space<hbm>>) target_semaphore(%run_scoped3A : memref<!tpu.dma_semaphore, #tpu.memory_space<semaphore_mem>>)
      %dma_wait3A_101 = arith.constant 0 : i32
      %dma_wait3A_102 = tpu.memref_slice %arg4[%add3A_63, %dma_wait3A_101] : memref<4096x256xf32, #tpu.memory_space<hbm>> -> memref<16x256xf32, #tpu.memory_space<hbm>>
      %dma_wait3A_103 = arith.constant 0 : i32
      %dma_wait3A_104 = tpu.memref_slice %arg4[%add3A_63, %dma_wait3A_103] : memref<4096x256xf32, #tpu.memory_space<hbm>> -> memref<16x256xf32, #tpu.memory_space<hbm>>
      tpu.wait_dma2 semaphore(%run_scoped3A : memref<!tpu.dma_semaphore, #tpu.memory_space<semaphore_mem>>) src(%arg9 : memref<16x256xf32, #tpu.memory_space<vmem>>) dst(%dma_wait3A_104 : memref<16x256xf32, #tpu.memory_space<hbm>>)
      tpu.yield
    }) : () -> ()
    %dma_start3A_64 = arith.constant 112 : i32
    %dma_start3A_65 = tpu.memref_slice %arg5[%dma_start3A_64] : memref<128xi32, #tpu.memory_space<vmem>> -> memref<16xi32, #tpu.memory_space<vmem>>
    %dma_start3A_66 = arith.constant 0 : i32
    %dma_start3A_67 = arith.constant 0 : i32
    %dma_start3A_68 = tpu.memref_slice %arg2[%dma_start3A_66, %dma_start3A_67] : memref<32000x256xf32, #tpu.memory_space<hbm>> -> memref<32000x256xf32, #tpu.memory_space<hbm>>
    tpu.enqueue_indirect_dma source(%dma_start3A_68 : memref<32000x256xf32, #tpu.memory_space<hbm>>) target(%arg9 : memref<16x256xf32, #tpu.memory_space<vmem>>) offsets(%dma_start3A_65 : memref<16xi32, #tpu.memory_space<vmem>>) semaphore(%arg13 : memref<!tpu.dma_semaphore, #tpu.memory_space<semaphore_mem>>)
    %dma_wait3A_69 = arith.constant 64 : i32
    %dma_wait3A_70 = tpu.memref_slice %arg5[%dma_wait3A_69] : memref<128xi32, #tpu.memory_space<vmem>> -> memref<16xi32, #tpu.memory_space<vmem>>
    %dma_wait3A_71 = arith.constant 0 : i32
    %dma_wait3A_72 = arith.constant 0 : i32
    %dma_wait3A_73 = tpu.memref_slice %arg2[%dma_wait3A_71, %dma_wait3A_72] : memref<32000x256xf32, #tpu.memory_space<hbm>> -> memref<32000x256xf32, #tpu.memory_space<hbm>>
    tpu.wait_indirect_dma semaphore(%arg10 : memref<!tpu.dma_semaphore, #tpu.memory_space<semaphore_mem>>) src(%dma_wait3A_73 : memref<32000x256xf32, #tpu.memory_space<hbm>>) dst(%arg6 : memref<16x256xf32, #tpu.memory_space<vmem>>)
    %add3A_74 = arith.constant 64 : i32
    %add3A_75 = arith.addi %mul3A_2, %add3A_74 : i32
    "tpu.region"() ({
      %run_scoped3A = tpu.sem_alloc : memref<!tpu.dma_semaphore, #tpu.memory_space<semaphore_mem>>
      %dma_start3A_97 = arith.constant 0 : i32
      %dma_start3A_98 = tpu.memref_slice %arg4[%add3A_75, %dma_start3A_97] : memref<4096x256xf32, #tpu.memory_space<hbm>> -> memref<16x256xf32, #tpu.memory_space<hbm>>
      %dma_start3A_99 = arith.constant 0 : i32
      %dma_start3A_100 = tpu.memref_slice %arg4[%add3A_75, %dma_start3A_99] : memref<4096x256xf32, #tpu.memory_space<hbm>> -> memref<16x256xf32, #tpu.memory_space<hbm>>
      tpu.enqueue_dma source(%arg6 : memref<16x256xf32, #tpu.memory_space<vmem>>) target(%dma_start3A_100 : memref<16x256xf32, #tpu.memory_space<hbm>>) target_semaphore(%run_scoped3A : memref<!tpu.dma_semaphore, #tpu.memory_space<semaphore_mem>>)
      %dma_wait3A_101 = arith.constant 0 : i32
      %dma_wait3A_102 = tpu.memref_slice %arg4[%add3A_75, %dma_wait3A_101] : memref<4096x256xf32, #tpu.memory_space<hbm>> -> memref<16x256xf32, #tpu.memory_space<hbm>>
      %dma_wait3A_103 = arith.constant 0 : i32
      %dma_wait3A_104 = tpu.memref_slice %arg4[%add3A_75, %dma_wait3A_103] : memref<4096x256xf32, #tpu.memory_space<hbm>> -> memref<16x256xf32, #tpu.memory_space<hbm>>
      tpu.wait_dma2 semaphore(%run_scoped3A : memref<!tpu.dma_semaphore, #tpu.memory_space<semaphore_mem>>) src(%arg6 : memref<16x256xf32, #tpu.memory_space<vmem>>) dst(%dma_wait3A_104 : memref<16x256xf32, #tpu.memory_space<hbm>>)
      tpu.yield
    }) : () -> ()
    %dma_wait3A_76 = arith.constant 80 : i32
    %dma_wait3A_77 = tpu.memref_slice %arg5[%dma_wait3A_76] : memref<128xi32, #tpu.memory_space<vmem>> -> memref<16xi32, #tpu.memory_space<vmem>>
    %dma_wait3A_78 = arith.constant 0 : i32
    %dma_wait3A_79 = arith.constant 0 : i32
    %dma_wait3A_80 = tpu.memref_slice %arg2[%dma_wait3A_78, %dma_wait3A_79] : memref<32000x256xf32, #tpu.memory_space<hbm>> -> memref<32000x256xf32, #tpu.memory_space<hbm>>
    tpu.wait_indirect_dma semaphore(%arg11 : memref<!tpu.dma_semaphore, #tpu.memory_space<semaphore_mem>>) src(%dma_wait3A_80 : memref<32000x256xf32, #tpu.memory_space<hbm>>) dst(%arg7 : memref<16x256xf32, #tpu.memory_space<vmem>>)
    %add3A_81 = arith.constant 80 : i32
    %add3A_82 = arith.addi %mul3A_2, %add3A_81 : i32
    "tpu.region"() ({
      %run_scoped3A = tpu.sem_alloc : memref<!tpu.dma_semaphore, #tpu.memory_space<semaphore_mem>>
      %dma_start3A_97 = arith.constant 0 : i32
      %dma_start3A_98 = tpu.memref_slice %arg4[%add3A_82, %dma_start3A_97] : memref<4096x256xf32, #tpu.memory_space<hbm>> -> memref<16x256xf32, #tpu.memory_space<hbm>>
      %dma_start3A_99 = arith.constant 0 : i32
      %dma_start3A_100 = tpu.memref_slice %arg4[%add3A_82, %dma_start3A_99] : memref<4096x256xf32, #tpu.memory_space<hbm>> -> memref<16x256xf32, #tpu.memory_space<hbm>>
      tpu.enqueue_dma source(%arg7 : memref<16x256xf32, #tpu.memory_space<vmem>>) target(%dma_start3A_100 : memref<16x256xf32, #tpu.memory_space<hbm>>) target_semaphore(%run_scoped3A : memref<!tpu.dma_semaphore, #tpu.memory_space<semaphore_mem>>)
      %dma_wait3A_101 = arith.constant 0 : i32
      %dma_wait3A_102 = tpu.memref_slice %arg4[%add3A_82, %dma_wait3A_101] : memref<4096x256xf32, #tpu.memory_space<hbm>> -> memref<16x256xf32, #tpu.memory_space<hbm>>
      %dma_wait3A_103 = arith.constant 0 : i32
      %dma_wait3A_104 = tpu.memref_slice %arg4[%add3A_82, %dma_wait3A_103] : memref<4096x256xf32, #tpu.memory_space<hbm>> -> memref<16x256xf32, #tpu.memory_space<hbm>>
      tpu.wait_dma2 semaphore(%run_scoped3A : memref<!tpu.dma_semaphore, #tpu.memory_space<semaphore_mem>>) src(%arg7 : memref<16x256xf32, #tpu.memory_space<vmem>>) dst(%dma_wait3A_104 : memref<16x256xf32, #tpu.memory_space<hbm>>)
      tpu.yield
    }) : () -> ()
    %dma_wait3A_83 = arith.constant 96 : i32
    %dma_wait3A_84 = tpu.memref_slice %arg5[%dma_wait3A_83] : memref<128xi32, #tpu.memory_space<vmem>> -> memref<16xi32, #tpu.memory_space<vmem>>
    %dma_wait3A_85 = arith.constant 0 : i32
    %dma_wait3A_86 = arith.constant 0 : i32
    %dma_wait3A_87 = tpu.memref_slice %arg2[%dma_wait3A_85, %dma_wait3A_86] : memref<32000x256xf32, #tpu.memory_space<hbm>> -> memref<32000x256xf32, #tpu.memory_space<hbm>>
    tpu.wait_indirect_dma semaphore(%arg12 : memref<!tpu.dma_semaphore, #tpu.memory_space<semaphore_mem>>) src(%dma_wait3A_87 : memref<32000x256xf32, #tpu.memory_space<hbm>>) dst(%arg8 : memref<16x256xf32, #tpu.memory_space<vmem>>)
    %add3A_88 = arith.constant 96 : i32
    %add3A_89 = arith.addi %mul3A_2, %add3A_88 : i32
    "tpu.region"() ({
      %run_scoped3A = tpu.sem_alloc : memref<!tpu.dma_semaphore, #tpu.memory_space<semaphore_mem>>
      %dma_start3A_97 = arith.constant 0 : i32
      %dma_start3A_98 = tpu.memref_slice %arg4[%add3A_89, %dma_start3A_97] : memref<4096x256xf32, #tpu.memory_space<hbm>> -> memref<16x256xf32, #tpu.memory_space<hbm>>
      %dma_start3A_99 = arith.constant 0 : i32
      %dma_start3A_100 = tpu.memref_slice %arg4[%add3A_89, %dma_start3A_99] : memref<4096x256xf32, #tpu.memory_space<hbm>> -> memref<16x256xf32, #tpu.memory_space<hbm>>
      tpu.enqueue_dma source(%arg8 : memref<16x256xf32, #tpu.memory_space<vmem>>) target(%dma_start3A_100 : memref<16x256xf32, #tpu.memory_space<hbm>>) target_semaphore(%run_scoped3A : memref<!tpu.dma_semaphore, #tpu.memory_space<semaphore_mem>>)
      %dma_wait3A_101 = arith.constant 0 : i32
      %dma_wait3A_102 = tpu.memref_slice %arg4[%add3A_89, %dma_wait3A_101] : memref<4096x256xf32, #tpu.memory_space<hbm>> -> memref<16x256xf32, #tpu.memory_space<hbm>>
      %dma_wait3A_103 = arith.constant 0 : i32
      %dma_wait3A_104 = tpu.memref_slice %arg4[%add3A_89, %dma_wait3A_103] : memref<4096x256xf32, #tpu.memory_space<hbm>> -> memref<16x256xf32, #tpu.memory_space<hbm>>
      tpu.wait_dma2 semaphore(%run_scoped3A : memref<!tpu.dma_semaphore, #tpu.memory_space<semaphore_mem>>) src(%arg8 : memref<16x256xf32, #tpu.memory_space<vmem>>) dst(%dma_wait3A_104 : memref<16x256xf32, #tpu.memory_space<hbm>>)
      tpu.yield
    }) : () -> ()
    %dma_wait3A_90 = arith.constant 112 : i32
    %dma_wait3A_91 = tpu.memref_slice %arg5[%dma_wait3A_90] : memref<128xi32, #tpu.memory_space<vmem>> -> memref<16xi32, #tpu.memory_space<vmem>>
    %dma_wait3A_92 = arith.constant 0 : i32
    %dma_wait3A_93 = arith.constant 0 : i32
    %dma_wait3A_94 = tpu.memref_slice %arg2[%dma_wait3A_92, %dma_wait3A_93] : memref<32000x256xf32, #tpu.memory_space<hbm>> -> memref<32000x256xf32, #tpu.memory_space<hbm>>
    tpu.wait_indirect_dma semaphore(%arg13 : memref<!tpu.dma_semaphore, #tpu.memory_space<semaphore_mem>>) src(%dma_wait3A_94 : memref<32000x256xf32, #tpu.memory_space<hbm>>) dst(%arg9 : memref<16x256xf32, #tpu.memory_space<vmem>>)
    %add3A_95 = arith.constant 112 : i32
    %add3A_96 = arith.addi %mul3A_2, %add3A_95 : i32
    "tpu.region"() ({
      %run_scoped3A = tpu.sem_alloc : memref<!tpu.dma_semaphore, #tpu.memory_space<semaphore_mem>>
      %dma_start3A_97 = arith.constant 0 : i32
      %dma_start3A_98 = tpu.memref_slice %arg4[%add3A_96, %dma_start3A_97] : memref<4096x256xf32, #tpu.memory_space<hbm>> -> memref<16x256xf32, #tpu.memory_space<hbm>>
      %dma_start3A_99 = arith.constant 0 : i32
      %dma_start3A_100 = tpu.memref_slice %arg4[%add3A_96, %dma_start3A_99] : memref<4096x256xf32, #tpu.memory_space<hbm>> -> memref<16x256xf32, #tpu.memory_space<hbm>>
      tpu.enqueue_dma source(%arg9 : memref<16x256xf32, #tpu.memory_space<vmem>>) target(%dma_start3A_100 : memref<16x256xf32, #tpu.memory_space<hbm>>) target_semaphore(%run_scoped3A : memref<!tpu.dma_semaphore, #tpu.memory_space<semaphore_mem>>)
      %dma_wait3A_101 = arith.constant 0 : i32
      %dma_wait3A_102 = tpu.memref_slice %arg4[%add3A_96, %dma_wait3A_101] : memref<4096x256xf32, #tpu.memory_space<hbm>> -> memref<16x256xf32, #tpu.memory_space<hbm>>
      %dma_wait3A_103 = arith.constant 0 : i32
      %dma_wait3A_104 = tpu.memref_slice %arg4[%add3A_96, %dma_wait3A_103] : memref<4096x256xf32, #tpu.memory_space<hbm>> -> memref<16x256xf32, #tpu.memory_space<hbm>>
      tpu.wait_dma2 semaphore(%run_scoped3A : memref<!tpu.dma_semaphore, #tpu.memory_space<semaphore_mem>>) src(%arg9 : memref<16x256xf32, #tpu.memory_space<vmem>>) dst(%dma_wait3A_104 : memref<16x256xf32, #tpu.memory_space<hbm>>)
      tpu.yield
    }) : () -> ()
    return
  }
}

#map = affine_map<(d0, d1) -> (0, 0)>
#map1 = affine_map<(d0, d1) -> (0)>
module attributes {stable_mosaic.version = 14 : i64} {
  func.func @k(%arg0: i32, %arg1: i32, %arg2: memref<32000x256xf32, #tpu.memory_space<hbm>>, %arg3: memref<4096xi32, #tpu.memory_space<hbm>>, %arg4: memref<4096x256xf32, #tpu.memory_space<hbm>>, %arg5: memref<128xi32, #tpu.memory_space<vmem>>, %arg6: memref<16x256xf32, #tpu.memory_space<vmem>>, %arg7: memref<16x256xf32, #tpu.memory_space<vmem>>, %arg8: memref<16x256xf32, #tpu.memory_space<vmem>>, %arg9: memref<16x256xf32, #tpu.memory_space<vmem>>, %arg10: memref<!tpu.dma_semaphore, #tpu.memory_space<semaphore_mem>>, %arg11: memref<!tpu.dma_semaphore, #tpu.memory_space<semaphore_mem>>, %arg12: memref<!tpu.dma_semaphore, #tpu.memory_space<semaphore_mem>>, %arg13: memref<!tpu.dma_semaphore, #tpu.memory_space<semaphore_mem>>) attributes {dimension_semantics = [#tpu.dimension_semantics<core_parallel>, #tpu.dimension_semantics<subcore_parallel>], iteration_bounds = array<i64: 2, 16>, scalar_prefetch = 0 : i64, scratch_operands = 9 : i64, tpu.core_type = #tpu.core_type<sc_vector_subcore>, window_params = [{transform_indices = #map}, {transform_indices = #map1}, {transform_indices = #map}]} {
    %mul3A = arith.constant 2 : i32
    %mul3A_0 = arith.muli %arg1, %mul3A : i32
    %add3A = arith.addi %mul3A_0, %arg0 : i32
    %mul3A_1 = arith.constant 128 : i32
    %mul3A_2 = arith.muli %add3A, %mul3A_1 : i32
    "tpu.region"() ({
      %run_scoped3A = tpu.sem_alloc : memref<!tpu.dma_semaphore, #tpu.memory_space<semaphore_mem>>
      %dma_start3A_97 = tpu.memref_slice %arg3[%mul3A_2] : memref<4096xi32, #tpu.memory_space<hbm>> -> memref<128xi32, #tpu.memory_space<hbm>>
      %dma_start3A_98 = tpu.memref_slice %arg3[%mul3A_2] : memref<4096xi32, #tpu.memory_space<hbm>> -> memref<128xi32, #tpu.memory_space<hbm>>
      tpu.enqueue_dma source(%dma_start3A_98 : memref<128xi32, #tpu.memory_space<hbm>>) target(%arg5 : memref<128xi32, #tpu.memory_space<vmem>>) target_semaphore(%run_scoped3A : memref<!tpu.dma_semaphore, #tpu.memory_space<semaphore_mem>>)
      %dma_wait3A_99 = tpu.memref_slice %arg3[%mul3A_2] : memref<4096xi32, #tpu.memory_space<hbm>> -> memref<128xi32, #tpu.memory_space<hbm>>
      %dma_wait3A_100 = tpu.memref_slice %arg3[%mul3A_2] : memref<4096xi32, #tpu.memory_space<hbm>> -> memref<128xi32, #tpu.memory_space<hbm>>
      tpu.wait_dma2 semaphore(%run_scoped3A : memref<!tpu.dma_semaphore, #tpu.memory_space<semaphore_mem>>) src(%dma_wait3A_100 : memref<128xi32, #tpu.memory_space<hbm>>) dst(%arg5 : memref<128xi32, #tpu.memory_space<vmem>>)
      tpu.yield
    }) : () -> ()
    %dma_start3A = arith.constant 0 : i32
    %dma_start3A_3 = tpu.memref_slice %arg5[%dma_start3A] : memref<128xi32, #tpu.memory_space<vmem>> -> memref<16xi32, #tpu.memory_space<vmem>>
    %dma_start3A_4 = arith.constant 0 : i32
    %dma_start3A_5 = arith.constant 0 : i32
    %dma_start3A_6 = tpu.memref_slice %arg2[%dma_start3A_4, %dma_start3A_5] : memref<32000x256xf32, #tpu.memory_space<hbm>> -> memref<32000x256xf32, #tpu.memory_space<hbm>>
    tpu.enqueue_indirect_dma source(%dma_start3A_6 : memref<32000x256xf32, #tpu.memory_space<hbm>>) target(%arg6 : memref<16x256xf32, #tpu.memory_space<vmem>>) offsets(%dma_start3A_3 : memref<16xi32, #tpu.memory_space<vmem>>) semaphore(%arg10 : memref<!tpu.dma_semaphore, #tpu.memory_space<semaphore_mem>>)
    %dma_start3A_7 = arith.constant 16 : i32
    %dma_start3A_8 = tpu.memref_slice %arg5[%dma_start3A_7] : memref<128xi32, #tpu.memory_space<vmem>> -> memref<16xi32, #tpu.memory_space<vmem>>
    %dma_start3A_9 = arith.constant 0 : i32
    %dma_start3A_10 = arith.constant 0 : i32
    %dma_start3A_11 = tpu.memref_slice %arg2[%dma_start3A_9, %dma_start3A_10] : memref<32000x256xf32, #tpu.memory_space<hbm>> -> memref<32000x256xf32, #tpu.memory_space<hbm>>
    tpu.enqueue_indirect_dma source(%dma_start3A_11 : memref<32000x256xf32, #tpu.memory_space<hbm>>) target(%arg7 : memref<16x256xf32, #tpu.memory_space<vmem>>) offsets(%dma_start3A_8 : memref<16xi32, #tpu.memory_space<vmem>>) semaphore(%arg11 : memref<!tpu.dma_semaphore, #tpu.memory_space<semaphore_mem>>)
    %dma_start3A_12 = arith.constant 32 : i32
    %dma_start3A_13 = tpu.memref_slice %arg5[%dma_start3A_12] : memref<128xi32, #tpu.memory_space<vmem>> -> memref<16xi32, #tpu.memory_space<vmem>>
    %dma_start3A_14 = arith.constant 0 : i32
    %dma_start3A_15 = arith.constant 0 : i32
    %dma_start3A_16 = tpu.memref_slice %arg2[%dma_start3A_14, %dma_start3A_15] : memref<32000x256xf32, #tpu.memory_space<hbm>> -> memref<32000x256xf32, #tpu.memory_space<hbm>>
    tpu.enqueue_indirect_dma source(%dma_start3A_16 : memref<32000x256xf32, #tpu.memory_space<hbm>>) target(%arg8 : memref<16x256xf32, #tpu.memory_space<vmem>>) offsets(%dma_start3A_13 : memref<16xi32, #tpu.memory_space<vmem>>) semaphore(%arg12 : memref<!tpu.dma_semaphore, #tpu.memory_space<semaphore_mem>>)
    %dma_start3A_17 = arith.constant 48 : i32
    %dma_start3A_18 = tpu.memref_slice %arg5[%dma_start3A_17] : memref<128xi32, #tpu.memory_space<vmem>> -> memref<16xi32, #tpu.memory_space<vmem>>
    %dma_start3A_19 = arith.constant 0 : i32
    %dma_start3A_20 = arith.constant 0 : i32
    %dma_start3A_21 = tpu.memref_slice %arg2[%dma_start3A_19, %dma_start3A_20] : memref<32000x256xf32, #tpu.memory_space<hbm>> -> memref<32000x256xf32, #tpu.memory_space<hbm>>
    tpu.enqueue_indirect_dma source(%dma_start3A_21 : memref<32000x256xf32, #tpu.memory_space<hbm>>) target(%arg9 : memref<16x256xf32, #tpu.memory_space<vmem>>) offsets(%dma_start3A_18 : memref<16xi32, #tpu.memory_space<vmem>>) semaphore(%arg13 : memref<!tpu.dma_semaphore, #tpu.memory_space<semaphore_mem>>)
    %dma_wait3A = arith.constant 0 : i32
    %dma_wait3A_22 = tpu.memref_slice %arg5[%dma_wait3A] : memref<128xi32, #tpu.memory_space<vmem>> -> memref<16xi32, #tpu.memory_space<vmem>>
    %dma_wait3A_23 = arith.constant 0 : i32
    %dma_wait3A_24 = arith.constant 0 : i32
    %dma_wait3A_25 = tpu.memref_slice %arg2[%dma_wait3A_23, %dma_wait3A_24] : memref<32000x256xf32, #tpu.memory_space<hbm>> -> memref<32000x256xf32, #tpu.memory_space<hbm>>
    tpu.wait_indirect_dma semaphore(%arg10 : memref<!tpu.dma_semaphore, #tpu.memory_space<semaphore_mem>>) src(%dma_wait3A_25 : memref<32000x256xf32, #tpu.memory_space<hbm>>) dst(%arg6 : memref<16x256xf32, #tpu.memory_space<vmem>>)
    %add3A_26 = arith.constant 0 : i32
    %add3A_27 = arith.addi %mul3A_2, %add3A_26 : i32
    "tpu.region"() ({
      %run_scoped3A = tpu.sem_alloc : memref<!tpu.dma_semaphore, #tpu.memory_space<semaphore_mem>>
      %dma_start3A_97 = arith.constant 0 : i32
      %dma_start3A_98 = tpu.memref_slice %arg4[%add3A_27, %dma_start3A_97] : memref<4096x256xf32, #tpu.memory_space<hbm>> -> memref<16x256xf32, #tpu.memory_space<hbm>>
      %dma_start3A_99 = arith.constant 0 : i32
      %dma_start3A_100 = tpu.memref_slice %arg4[%add3A_27, %dma_start3A_99] : memref<4096x256xf32, #tpu.memory_space<hbm>> -> memref<16x256xf32, #tpu.memory_space<hbm>>
      tpu.enqueue_dma source(%arg6 : memref<16x256xf32, #tpu.memory_space<vmem>>) target(%dma_start3A_100 : memref<16x256xf32, #tpu.memory_space<hbm>>) target_semaphore(%run_scoped3A : memref<!tpu.dma_semaphore, #tpu.memory_space<semaphore_mem>>)
      %dma_wait3A_101 = arith.constant 0 : i32
      %dma_wait3A_102 = tpu.memref_slice %arg4[%add3A_27, %dma_wait3A_101] : memref<4096x256xf32, #tpu.memory_space<hbm>> -> memref<16x256xf32, #tpu.memory_space<hbm>>
      %dma_wait3A_103 = arith.constant 0 : i32
      %dma_wait3A_104 = tpu.memref_slice %arg4[%add3A_27, %dma_wait3A_103] : memref<4096x256xf32, #tpu.memory_space<hbm>> -> memref<16x256xf32, #tpu.memory_space<hbm>>
      tpu.wait_dma2 semaphore(%run_scoped3A : memref<!tpu.dma_semaphore, #tpu.memory_space<semaphore_mem>>) src(%arg6 : memref<16x256xf32, #tpu.memory_space<vmem>>) dst(%dma_wait3A_104 : memref<16x256xf32, #tpu.memory_space<hbm>>)
      tpu.yield
    }) : () -> ()
    %dma_start3A_28 = arith.constant 64 : i32
    %dma_start3A_29 = tpu.memref_slice %arg5[%dma_start3A_28] : memref<128xi32, #tpu.memory_space<vmem>> -> memref<16xi32, #tpu.memory_space<vmem>>
    %dma_start3A_30 = arith.constant 0 : i32
    %dma_start3A_31 = arith.constant 0 : i32
    %dma_start3A_32 = tpu.memref_slice %arg2[%dma_start3A_30, %dma_start3A_31] : memref<32000x256xf32, #tpu.memory_space<hbm>> -> memref<32000x256xf32, #tpu.memory_space<hbm>>
    tpu.enqueue_indirect_dma source(%dma_start3A_32 : memref<32000x256xf32, #tpu.memory_space<hbm>>) target(%arg6 : memref<16x256xf32, #tpu.memory_space<vmem>>) offsets(%dma_start3A_29 : memref<16xi32, #tpu.memory_space<vmem>>) semaphore(%arg10 : memref<!tpu.dma_semaphore, #tpu.memory_space<semaphore_mem>>)
    %dma_wait3A_33 = arith.constant 16 : i32
    %dma_wait3A_34 = tpu.memref_slice %arg5[%dma_wait3A_33] : memref<128xi32, #tpu.memory_space<vmem>> -> memref<16xi32, #tpu.memory_space<vmem>>
    %dma_wait3A_35 = arith.constant 0 : i32
    %dma_wait3A_36 = arith.constant 0 : i32
    %dma_wait3A_37 = tpu.memref_slice %arg2[%dma_wait3A_35, %dma_wait3A_36] : memref<32000x256xf32, #tpu.memory_space<hbm>> -> memref<32000x256xf32, #tpu.memory_space<hbm>>
    tpu.wait_indirect_dma semaphore(%arg11 : memref<!tpu.dma_semaphore, #tpu.memory_space<semaphore_mem>>) src(%dma_wait3A_37 : memref<32000x256xf32, #tpu.memory_space<hbm>>) dst(%arg7 : memref<16x256xf32, #tpu.memory_space<vmem>>)
    %add3A_38 = arith.constant 16 : i32
    %add3A_39 = arith.addi %mul3A_2, %add3A_38 : i32
    "tpu.region"() ({
      %run_scoped3A = tpu.sem_alloc : memref<!tpu.dma_semaphore, #tpu.memory_space<semaphore_mem>>
      %dma_start3A_97 = arith.constant 0 : i32
      %dma_start3A_98 = tpu.memref_slice %arg4[%add3A_39, %dma_start3A_97] : memref<4096x256xf32, #tpu.memory_space<hbm>> -> memref<16x256xf32, #tpu.memory_space<hbm>>
      %dma_start3A_99 = arith.constant 0 : i32
      %dma_start3A_100 = tpu.memref_slice %arg4[%add3A_39, %dma_start3A_99] : memref<4096x256xf32, #tpu.memory_space<hbm>> -> memref<16x256xf32, #tpu.memory_space<hbm>>
      tpu.enqueue_dma source(%arg7 : memref<16x256xf32, #tpu.memory_space<vmem>>) target(%dma_start3A_100 : memref<16x256xf32, #tpu.memory_space<hbm>>) target_semaphore(%run_scoped3A : memref<!tpu.dma_semaphore, #tpu.memory_space<semaphore_mem>>)
      %dma_wait3A_101 = arith.constant 0 : i32
      %dma_wait3A_102 = tpu.memref_slice %arg4[%add3A_39, %dma_wait3A_101] : memref<4096x256xf32, #tpu.memory_space<hbm>> -> memref<16x256xf32, #tpu.memory_space<hbm>>
      %dma_wait3A_103 = arith.constant 0 : i32
      %dma_wait3A_104 = tpu.memref_slice %arg4[%add3A_39, %dma_wait3A_103] : memref<4096x256xf32, #tpu.memory_space<hbm>> -> memref<16x256xf32, #tpu.memory_space<hbm>>
      tpu.wait_dma2 semaphore(%run_scoped3A : memref<!tpu.dma_semaphore, #tpu.memory_space<semaphore_mem>>) src(%arg7 : memref<16x256xf32, #tpu.memory_space<vmem>>) dst(%dma_wait3A_104 : memref<16x256xf32, #tpu.memory_space<hbm>>)
      tpu.yield
    }) : () -> ()
    %dma_start3A_40 = arith.constant 80 : i32
    %dma_start3A_41 = tpu.memref_slice %arg5[%dma_start3A_40] : memref<128xi32, #tpu.memory_space<vmem>> -> memref<16xi32, #tpu.memory_space<vmem>>
    %dma_start3A_42 = arith.constant 0 : i32
    %dma_start3A_43 = arith.constant 0 : i32
    %dma_start3A_44 = tpu.memref_slice %arg2[%dma_start3A_42, %dma_start3A_43] : memref<32000x256xf32, #tpu.memory_space<hbm>> -> memref<32000x256xf32, #tpu.memory_space<hbm>>
    tpu.enqueue_indirect_dma source(%dma_start3A_44 : memref<32000x256xf32, #tpu.memory_space<hbm>>) target(%arg7 : memref<16x256xf32, #tpu.memory_space<vmem>>) offsets(%dma_start3A_41 : memref<16xi32, #tpu.memory_space<vmem>>) semaphore(%arg11 : memref<!tpu.dma_semaphore, #tpu.memory_space<semaphore_mem>>)
    %dma_wait3A_45 = arith.constant 32 : i32
    %dma_wait3A_46 = tpu.memref_slice %arg5[%dma_wait3A_45] : memref<128xi32, #tpu.memory_space<vmem>> -> memref<16xi32, #tpu.memory_space<vmem>>
    %dma_wait3A_47 = arith.constant 0 : i32
    %dma_wait3A_48 = arith.constant 0 : i32
    %dma_wait3A_49 = tpu.memref_slice %arg2[%dma_wait3A_47, %dma_wait3A_48] : memref<32000x256xf32, #tpu.memory_space<hbm>> -> memref<32000x256xf32, #tpu.memory_space<hbm>>
    tpu.wait_indirect_dma semaphore(%arg12 : memref<!tpu.dma_semaphore, #tpu.memory_space<semaphore_mem>>) src(%dma_wait3A_49 : memref<32000x256xf32, #tpu.memory_space<hbm>>) dst(%arg8 : memref<16x256xf32, #tpu.memory_space<vmem>>)
    %add3A_50 = arith.constant 32 : i32
    %add3A_51 = arith.addi %mul3A_2, %add3A_50 : i32
    "tpu.region"() ({
      %run_scoped3A = tpu.sem_alloc : memref<!tpu.dma_semaphore, #tpu.memory_space<semaphore_mem>>
      %dma_start3A_97 = arith.constant 0 : i32
      %dma_start3A_98 = tpu.memref_slice %arg4[%add3A_51, %dma_start3A_97] : memref<4096x256xf32, #tpu.memory_space<hbm>> -> memref<16x256xf32, #tpu.memory_space<hbm>>
      %dma_start3A_99 = arith.constant 0 : i32
      %dma_start3A_100 = tpu.memref_slice %arg4[%add3A_51, %dma_start3A_99] : memref<4096x256xf32, #tpu.memory_space<hbm>> -> memref<16x256xf32, #tpu.memory_space<hbm>>
      tpu.enqueue_dma source(%arg8 : memref<16x256xf32, #tpu.memory_space<vmem>>) target(%dma_start3A_100 : memref<16x256xf32, #tpu.memory_space<hbm>>) target_semaphore(%run_scoped3A : memref<!tpu.dma_semaphore, #tpu.memory_space<semaphore_mem>>)
      %dma_wait3A_101 = arith.constant 0 : i32
      %dma_wait3A_102 = tpu.memref_slice %arg4[%add3A_51, %dma_wait3A_101] : memref<4096x256xf32, #tpu.memory_space<hbm>> -> memref<16x256xf32, #tpu.memory_space<hbm>>
      %dma_wait3A_103 = arith.constant 0 : i32
      %dma_wait3A_104 = tpu.memref_slice %arg4[%add3A_51, %dma_wait3A_103] : memref<4096x256xf32, #tpu.memory_space<hbm>> -> memref<16x256xf32, #tpu.memory_space<hbm>>
      tpu.wait_dma2 semaphore(%run_scoped3A : memref<!tpu.dma_semaphore, #tpu.memory_space<semaphore_mem>>) src(%arg8 : memref<16x256xf32, #tpu.memory_space<vmem>>) dst(%dma_wait3A_104 : memref<16x256xf32, #tpu.memory_space<hbm>>)
      tpu.yield
    }) : () -> ()
    %dma_start3A_52 = arith.constant 96 : i32
    %dma_start3A_53 = tpu.memref_slice %arg5[%dma_start3A_52] : memref<128xi32, #tpu.memory_space<vmem>> -> memref<16xi32, #tpu.memory_space<vmem>>
    %dma_start3A_54 = arith.constant 0 : i32
    %dma_start3A_55 = arith.constant 0 : i32
    %dma_start3A_56 = tpu.memref_slice %arg2[%dma_start3A_54, %dma_start3A_55] : memref<32000x256xf32, #tpu.memory_space<hbm>> -> memref<32000x256xf32, #tpu.memory_space<hbm>>
    tpu.enqueue_indirect_dma source(%dma_start3A_56 : memref<32000x256xf32, #tpu.memory_space<hbm>>) target(%arg8 : memref<16x256xf32, #tpu.memory_space<vmem>>) offsets(%dma_start3A_53 : memref<16xi32, #tpu.memory_space<vmem>>) semaphore(%arg12 : memref<!tpu.dma_semaphore, #tpu.memory_space<semaphore_mem>>)
    %dma_wait3A_57 = arith.constant 48 : i32
    %dma_wait3A_58 = tpu.memref_slice %arg5[%dma_wait3A_57] : memref<128xi32, #tpu.memory_space<vmem>> -> memref<16xi32, #tpu.memory_space<vmem>>
    %dma_wait3A_59 = arith.constant 0 : i32
    %dma_wait3A_60 = arith.constant 0 : i32
    %dma_wait3A_61 = tpu.memref_slice %arg2[%dma_wait3A_59, %dma_wait3A_60] : memref<32000x256xf32, #tpu.memory_space<hbm>> -> memref<32000x256xf32, #tpu.memory_space<hbm>>
    tpu.wait_indirect_dma semaphore(%arg13 : memref<!tpu.dma_semaphore, #tpu.memory_space<semaphore_mem>>) src(%dma_wait3A_61 : memref<32000x256xf32, #tpu.memory_space<hbm>>) dst(%arg9 : memref<16x256xf32, #tpu.memory_space<vmem>>)
    %add3A_62 = arith.constant 48 : i32
    %add3A_63 = arith.addi %mul3A_2, %add3A_62 : i32
    "tpu.region"() ({
      %run_scoped3A = tpu.sem_alloc : memref<!tpu.dma_semaphore, #tpu.memory_space<semaphore_mem>>
      %dma_start3A_97 = arith.constant 0 : i32
      %dma_start3A_98 = tpu.memref_slice %arg4[%add3A_63, %dma_start3A_97] : memref<4096x256xf32, #tpu.memory_space<hbm>> -> memref<16x256xf32, #tpu.memory_space<hbm>>
      %dma_start3A_99 = arith.constant 0 : i32
      %dma_start3A_100 = tpu.memref_slice %arg4[%add3A_63, %dma_start3A_99] : memref<4096x256xf32, #tpu.memory_space<hbm>> -> memref<16x256xf32, #tpu.memory_space<hbm>>
      tpu.enqueue_dma source(%arg9 : memref<16x256xf32, #tpu.memory_space<vmem>>) target(%dma_start3A_100 : memref<16x256xf32, #tpu.memory_space<hbm>>) target_semaphore(%run_scoped3A : memref<!tpu.dma_semaphore, #tpu.memory_space<semaphore_mem>>)
      %dma_wait3A_101 = arith.constant 0 : i32
      %dma_wait3A_102 = tpu.memref_slice %arg4[%add3A_63, %dma_wait3A_101] : memref<4096x256xf32, #tpu.memory_space<hbm>> -> memref<16x256xf32, #tpu.memory_space<hbm>>
      %dma_wait3A_103 = arith.constant 0 : i32
      %dma_wait3A_104 = tpu.memref_slice %arg4[%add3A_63, %dma_wait3A_103] : memref<4096x256xf32, #tpu.memory_space<hbm>> -> memref<16x256xf32, #tpu.memory_space<hbm>>
      tpu.wait_dma2 semaphore(%run_scoped3A : memref<!tpu.dma_semaphore, #tpu.memory_space<semaphore_mem>>) src(%arg9 : memref<16x256xf32, #tpu.memory_space<vmem>>) dst(%dma_wait3A_104 : memref<16x256xf32, #tpu.memory_space<hbm>>)
      tpu.yield
    }) : () -> ()
    %dma_start3A_64 = arith.constant 112 : i32
    %dma_start3A_65 = tpu.memref_slice %arg5[%dma_start3A_64] : memref<128xi32, #tpu.memory_space<vmem>> -> memref<16xi32, #tpu.memory_space<vmem>>
    %dma_start3A_66 = arith.constant 0 : i32
    %dma_start3A_67 = arith.constant 0 : i32
    %dma_start3A_68 = tpu.memref_slice %arg2[%dma_start3A_66, %dma_start3A_67] : memref<32000x256xf32, #tpu.memory_space<hbm>> -> memref<32000x256xf32, #tpu.memory_space<hbm>>
    tpu.enqueue_indirect_dma source(%dma_start3A_68 : memref<32000x256xf32, #tpu.memory_space<hbm>>) target(%arg9 : memref<16x256xf32, #tpu.memory_space<vmem>>) offsets(%dma_start3A_65 : memref<16xi32, #tpu.memory_space<vmem>>) semaphore(%arg13 : memref<!tpu.dma_semaphore, #tpu.memory_space<semaphore_mem>>)
    %dma_wait3A_69 = arith.constant 64 : i32
    %dma_wait3A_70 = tpu.memref_slice %arg5[%dma_wait3A_69] : memref<128xi32, #tpu.memory_space<vmem>> -> memref<16xi32, #tpu.memory_space<vmem>>
    %dma_wait3A_71 = arith.constant 0 : i32
    %dma_wait3A_72 = arith.constant 0 : i32
    %dma_wait3A_73 = tpu.memref_slice %arg2[%dma_wait3A_71, %dma_wait3A_72] : memref<32000x256xf32, #tpu.memory_space<hbm>> -> memref<32000x256xf32, #tpu.memory_space<hbm>>
    tpu.wait_indirect_dma semaphore(%arg10 : memref<!tpu.dma_semaphore, #tpu.memory_space<semaphore_mem>>) src(%dma_wait3A_73 : memref<32000x256xf32, #tpu.memory_space<hbm>>) dst(%arg6 : memref<16x256xf32, #tpu.memory_space<vmem>>)
    %add3A_74 = arith.constant 64 : i32
    %add3A_75 = arith.addi %mul3A_2, %add3A_74 : i32
    "tpu.region"() ({
      %run_scoped3A = tpu.sem_alloc : memref<!tpu.dma_semaphore, #tpu.memory_space<semaphore_mem>>
      %dma_start3A_97 = arith.constant 0 : i32
      %dma_start3A_98 = tpu.memref_slice %arg4[%add3A_75, %dma_start3A_97] : memref<4096x256xf32, #tpu.memory_space<hbm>> -> memref<16x256xf32, #tpu.memory_space<hbm>>
      %dma_start3A_99 = arith.constant 0 : i32
      %dma_start3A_100 = tpu.memref_slice %arg4[%add3A_75, %dma_start3A_99] : memref<4096x256xf32, #tpu.memory_space<hbm>> -> memref<16x256xf32, #tpu.memory_space<hbm>>
      tpu.enqueue_dma source(%arg6 : memref<16x256xf32, #tpu.memory_space<vmem>>) target(%dma_start3A_100 : memref<16x256xf32, #tpu.memory_space<hbm>>) target_semaphore(%run_scoped3A : memref<!tpu.dma_semaphore, #tpu.memory_space<semaphore_mem>>)
      %dma_wait3A_101 = arith.constant 0 : i32
      %dma_wait3A_102 = tpu.memref_slice %arg4[%add3A_75, %dma_wait3A_101] : memref<4096x256xf32, #tpu.memory_space<hbm>> -> memref<16x256xf32, #tpu.memory_space<hbm>>
      %dma_wait3A_103 = arith.constant 0 : i32
      %dma_wait3A_104 = tpu.memref_slice %arg4[%add3A_75, %dma_wait3A_103] : memref<4096x256xf32, #tpu.memory_space<hbm>> -> memref<16x256xf32, #tpu.memory_space<hbm>>
      tpu.wait_dma2 semaphore(%run_scoped3A : memref<!tpu.dma_semaphore, #tpu.memory_space<semaphore_mem>>) src(%arg6 : memref<16x256xf32, #tpu.memory_space<vmem>>) dst(%dma_wait3A_104 : memref<16x256xf32, #tpu.memory_space<hbm>>)
      tpu.yield
    }) : () -> ()
    %dma_wait3A_76 = arith.constant 80 : i32
    %dma_wait3A_77 = tpu.memref_slice %arg5[%dma_wait3A_76] : memref<128xi32, #tpu.memory_space<vmem>> -> memref<16xi32, #tpu.memory_space<vmem>>
    %dma_wait3A_78 = arith.constant 0 : i32
    %dma_wait3A_79 = arith.constant 0 : i32
    %dma_wait3A_80 = tpu.memref_slice %arg2[%dma_wait3A_78, %dma_wait3A_79] : memref<32000x256xf32, #tpu.memory_space<hbm>> -> memref<32000x256xf32, #tpu.memory_space<hbm>>
    tpu.wait_indirect_dma semaphore(%arg11 : memref<!tpu.dma_semaphore, #tpu.memory_space<semaphore_mem>>) src(%dma_wait3A_80 : memref<32000x256xf32, #tpu.memory_space<hbm>>) dst(%arg7 : memref<16x256xf32, #tpu.memory_space<vmem>>)
    %add3A_81 = arith.constant 80 : i32
    %add3A_82 = arith.addi %mul3A_2, %add3A_81 : i32
    "tpu.region"() ({
      %run_scoped3A = tpu.sem_alloc : memref<!tpu.dma_semaphore, #tpu.memory_space<semaphore_mem>>
      %dma_start3A_97 = arith.constant 0 : i32
      %dma_start3A_98 = tpu.memref_slice %arg4[%add3A_82, %dma_start3A_97] : memref<4096x256xf32, #tpu.memory_space<hbm>> -> memref<16x256xf32, #tpu.memory_space<hbm>>
      %dma_start3A_99 = arith.constant 0 : i32
      %dma_start3A_100 = tpu.memref_slice %arg4[%add3A_82, %dma_start3A_99] : memref<4096x256xf32, #tpu.memory_space<hbm>> -> memref<16x256xf32, #tpu.memory_space<hbm>>
      tpu.enqueue_dma source(%arg7 : memref<16x256xf32, #tpu.memory_space<vmem>>) target(%dma_start3A_100 : memref<16x256xf32, #tpu.memory_space<hbm>>) target_semaphore(%run_scoped3A : memref<!tpu.dma_semaphore, #tpu.memory_space<semaphore_mem>>)
      %dma_wait3A_101 = arith.constant 0 : i32
      %dma_wait3A_102 = tpu.memref_slice %arg4[%add3A_82, %dma_wait3A_101] : memref<4096x256xf32, #tpu.memory_space<hbm>> -> memref<16x256xf32, #tpu.memory_space<hbm>>
      %dma_wait3A_103 = arith.constant 0 : i32
      %dma_wait3A_104 = tpu.memref_slice %arg4[%add3A_82, %dma_wait3A_103] : memref<4096x256xf32, #tpu.memory_space<hbm>> -> memref<16x256xf32, #tpu.memory_space<hbm>>
      tpu.wait_dma2 semaphore(%run_scoped3A : memref<!tpu.dma_semaphore, #tpu.memory_space<semaphore_mem>>) src(%arg7 : memref<16x256xf32, #tpu.memory_space<vmem>>) dst(%dma_wait3A_104 : memref<16x256xf32, #tpu.memory_space<hbm>>)
      tpu.yield
    }) : () -> ()
    %dma_wait3A_83 = arith.constant 96 : i32
    %dma_wait3A_84 = tpu.memref_slice %arg5[%dma_wait3A_83] : memref<128xi32, #tpu.memory_space<vmem>> -> memref<16xi32, #tpu.memory_space<vmem>>
    %dma_wait3A_85 = arith.constant 0 : i32
    %dma_wait3A_86 = arith.constant 0 : i32
    %dma_wait3A_87 = tpu.memref_slice %arg2[%dma_wait3A_85, %dma_wait3A_86] : memref<32000x256xf32, #tpu.memory_space<hbm>> -> memref<32000x256xf32, #tpu.memory_space<hbm>>
    tpu.wait_indirect_dma semaphore(%arg12 : memref<!tpu.dma_semaphore, #tpu.memory_space<semaphore_mem>>) src(%dma_wait3A_87 : memref<32000x256xf32, #tpu.memory_space<hbm>>) dst(%arg8 : memref<16x256xf32, #tpu.memory_space<vmem>>)
    %add3A_88 = arith.constant 96 : i32
    %add3A_89 = arith.addi %mul3A_2, %add3A_88 : i32
    "tpu.region"() ({
      %run_scoped3A = tpu.sem_alloc : memref<!tpu.dma_semaphore, #tpu.memory_space<semaphore_mem>>
      %dma_start3A_97 = arith.constant 0 : i32
      %dma_start3A_98 = tpu.memref_slice %arg4[%add3A_89, %dma_start3A_97] : memref<4096x256xf32, #tpu.memory_space<hbm>> -> memref<16x256xf32, #tpu.memory_space<hbm>>
      %dma_start3A_99 = arith.constant 0 : i32
      %dma_start3A_100 = tpu.memref_slice %arg4[%add3A_89, %dma_start3A_99] : memref<4096x256xf32, #tpu.memory_space<hbm>> -> memref<16x256xf32, #tpu.memory_space<hbm>>
      tpu.enqueue_dma source(%arg8 : memref<16x256xf32, #tpu.memory_space<vmem>>) target(%dma_start3A_100 : memref<16x256xf32, #tpu.memory_space<hbm>>) target_semaphore(%run_scoped3A : memref<!tpu.dma_semaphore, #tpu.memory_space<semaphore_mem>>)
      %dma_wait3A_101 = arith.constant 0 : i32
      %dma_wait3A_102 = tpu.memref_slice %arg4[%add3A_89, %dma_wait3A_101] : memref<4096x256xf32, #tpu.memory_space<hbm>> -> memref<16x256xf32, #tpu.memory_space<hbm>>
      %dma_wait3A_103 = arith.constant 0 : i32
      %dma_wait3A_104 = tpu.memref_slice %arg4[%add3A_89, %dma_wait3A_103] : memref<4096x256xf32, #tpu.memory_space<hbm>> -> memref<16x256xf32, #tpu.memory_space<hbm>>
      tpu.wait_dma2 semaphore(%run_scoped3A : memref<!tpu.dma_semaphore, #tpu.memory_space<semaphore_mem>>) src(%arg8 : memref<16x256xf32, #tpu.memory_space<vmem>>) dst(%dma_wait3A_104 : memref<16x256xf32, #tpu.memory_space<hbm>>)
      tpu.yield
    }) : () -> ()
    %dma_wait3A_90 = arith.constant 112 : i32
    %dma_wait3A_91 = tpu.memref_slice %arg5[%dma_wait3A_90] : memref<128xi32, #tpu.memory_space<vmem>> -> memref<16xi32, #tpu.memory_space<vmem>>
    %dma_wait3A_92 = arith.constant 0 : i32
    %dma_wait3A_93 = arith.constant 0 : i32
    %dma_wait3A_94 = tpu.memref_slice %arg2[%dma_wait3A_92, %dma_wait3A_93] : memref<32000x256xf32, #tpu.memory_space<hbm>> -> memref<32000x256xf32, #tpu.memory_space<hbm>>
    tpu.wait_indirect_dma semaphore(%arg13 : memref<!tpu.dma_semaphore, #tpu.memory_space<semaphore_mem>>) src(%dma_wait3A_94 : memref<32000x256xf32, #tpu.memory_space<hbm>>) dst(%arg9 : memref<16x256xf32, #tpu.memory_space<vmem>>)
    %add3A_95 = arith.constant 112 : i32
    %add3A_96 = arith.addi %mul3A_2, %add3A_95 : i32
    "tpu.region"() ({
      %run_scoped3A = tpu.sem_alloc : memref<!tpu.dma_semaphore, #tpu.memory_space<semaphore_mem>>
      %dma_start3A_97 = arith.constant 0 : i32
      %dma_start3A_98 = tpu.memref_slice %arg4[%add3A_96, %dma_start3A_97] : memref<4096x256xf32, #tpu.memory_space<hbm>> -> memref<16x256xf32, #tpu.memory_space<hbm>>
      %dma_start3A_99 = arith.constant 0 : i32
      %dma_start3A_100 = tpu.memref_slice %arg4[%add3A_96, %dma_start3A_99] : memref<4096x256xf32, #tpu.memory_space<hbm>> -> memref<16x256xf32, #tpu.memory_space<hbm>>
      tpu.enqueue_dma source(%arg9 : memref<16x256xf32, #tpu.memory_space<vmem>>) target(%dma_start3A_100 : memref<16x256xf32, #tpu.memory_space<hbm>>) target_semaphore(%run_scoped3A : memref<!tpu.dma_semaphore, #tpu.memory_space<semaphore_mem>>)
      %dma_wait3A_101 = arith.constant 0 : i32
      %dma_wait3A_102 = tpu.memref_slice %arg4[%add3A_96, %dma_wait3A_101] : memref<4096x256xf32, #tpu.memory_space<hbm>> -> memref<16x256xf32, #tpu.memory_space<hbm>>
      %dma_wait3A_103 = arith.constant 0 : i32
      %dma_wait3A_104 = tpu.memref_slice %arg4[%add3A_96, %dma_wait3A_103] : memref<4096x256xf32, #tpu.memory_space<hbm>> -> memref<16x256xf32, #tpu.memory_space<hbm>>
      tpu.wait_dma2 semaphore(%run_scoped3A : memref<!tpu.dma_semaphore, #tpu.memory_space<semaphore_mem>>) src(%arg9 : memref<16x256xf32, #tpu.memory_space<vmem>>) dst(%dma_wait3A_104 : memref<16x256xf32, #tpu.memory_space<hbm>>)
      tpu.yield
    }) : () -> ()
    return
  }
}

#map = affine_map<(d0, d1) -> (0, 0)>
#map1 = affine_map<(d0, d1) -> (0)>
module attributes {stable_mosaic.version = 14 : i64} {
  func.func @k(%arg0: i32, %arg1: i32, %arg2: memref<32000x256xf32, #tpu.memory_space<hbm>>, %arg3: memref<4096xi32, #tpu.memory_space<hbm>>, %arg4: memref<4096x256xf32, #tpu.memory_space<hbm>>, %arg5: memref<128xi32, #tpu.memory_space<vmem>>, %arg6: memref<16x256xf32, #tpu.memory_space<vmem>>, %arg7: memref<16x256xf32, #tpu.memory_space<vmem>>, %arg8: memref<16x256xf32, #tpu.memory_space<vmem>>, %arg9: memref<16x256xf32, #tpu.memory_space<vmem>>, %arg10: memref<!tpu.dma_semaphore, #tpu.memory_space<semaphore_mem>>, %arg11: memref<!tpu.dma_semaphore, #tpu.memory_space<semaphore_mem>>, %arg12: memref<!tpu.dma_semaphore, #tpu.memory_space<semaphore_mem>>, %arg13: memref<!tpu.dma_semaphore, #tpu.memory_space<semaphore_mem>>) attributes {dimension_semantics = [#tpu.dimension_semantics<core_parallel>, #tpu.dimension_semantics<subcore_parallel>], iteration_bounds = array<i64: 2, 16>, scalar_prefetch = 0 : i64, scratch_operands = 9 : i64, tpu.core_type = #tpu.core_type<sc_vector_subcore>, window_params = [{transform_indices = #map}, {transform_indices = #map1}, {transform_indices = #map}]} {
    %mul3A = arith.constant 2 : i32
    %mul3A_0 = arith.muli %arg1, %mul3A : i32
    %add3A = arith.addi %mul3A_0, %arg0 : i32
    %mul3A_1 = arith.constant 128 : i32
    %mul3A_2 = arith.muli %add3A, %mul3A_1 : i32
    "tpu.region"() ({
      %run_scoped3A = tpu.sem_alloc : memref<!tpu.dma_semaphore, #tpu.memory_space<semaphore_mem>>
      %dma_start3A_97 = tpu.memref_slice %arg3[%mul3A_2] : memref<4096xi32, #tpu.memory_space<hbm>> -> memref<128xi32, #tpu.memory_space<hbm>>
      %dma_start3A_98 = tpu.memref_slice %arg3[%mul3A_2] : memref<4096xi32, #tpu.memory_space<hbm>> -> memref<128xi32, #tpu.memory_space<hbm>>
      tpu.enqueue_dma source(%dma_start3A_98 : memref<128xi32, #tpu.memory_space<hbm>>) target(%arg5 : memref<128xi32, #tpu.memory_space<vmem>>) target_semaphore(%run_scoped3A : memref<!tpu.dma_semaphore, #tpu.memory_space<semaphore_mem>>)
      %dma_wait3A_99 = tpu.memref_slice %arg3[%mul3A_2] : memref<4096xi32, #tpu.memory_space<hbm>> -> memref<128xi32, #tpu.memory_space<hbm>>
      %dma_wait3A_100 = tpu.memref_slice %arg3[%mul3A_2] : memref<4096xi32, #tpu.memory_space<hbm>> -> memref<128xi32, #tpu.memory_space<hbm>>
      tpu.wait_dma2 semaphore(%run_scoped3A : memref<!tpu.dma_semaphore, #tpu.memory_space<semaphore_mem>>) src(%dma_wait3A_100 : memref<128xi32, #tpu.memory_space<hbm>>) dst(%arg5 : memref<128xi32, #tpu.memory_space<vmem>>)
      tpu.yield
    }) : () -> ()
    %dma_start3A = arith.constant 0 : i32
    %dma_start3A_3 = tpu.memref_slice %arg5[%dma_start3A] : memref<128xi32, #tpu.memory_space<vmem>> -> memref<16xi32, #tpu.memory_space<vmem>>
    %dma_start3A_4 = arith.constant 0 : i32
    %dma_start3A_5 = arith.constant 0 : i32
    %dma_start3A_6 = tpu.memref_slice %arg2[%dma_start3A_4, %dma_start3A_5] : memref<32000x256xf32, #tpu.memory_space<hbm>> -> memref<32000x256xf32, #tpu.memory_space<hbm>>
    tpu.enqueue_indirect_dma source(%dma_start3A_6 : memref<32000x256xf32, #tpu.memory_space<hbm>>) target(%arg6 : memref<16x256xf32, #tpu.memory_space<vmem>>) offsets(%dma_start3A_3 : memref<16xi32, #tpu.memory_space<vmem>>) semaphore(%arg10 : memref<!tpu.dma_semaphore, #tpu.memory_space<semaphore_mem>>)
    %dma_start3A_7 = arith.constant 16 : i32
    %dma_start3A_8 = tpu.memref_slice %arg5[%dma_start3A_7] : memref<128xi32, #tpu.memory_space<vmem>> -> memref<16xi32, #tpu.memory_space<vmem>>
    %dma_start3A_9 = arith.constant 0 : i32
    %dma_start3A_10 = arith.constant 0 : i32
    %dma_start3A_11 = tpu.memref_slice %arg2[%dma_start3A_9, %dma_start3A_10] : memref<32000x256xf32, #tpu.memory_space<hbm>> -> memref<32000x256xf32, #tpu.memory_space<hbm>>
    tpu.enqueue_indirect_dma source(%dma_start3A_11 : memref<32000x256xf32, #tpu.memory_space<hbm>>) target(%arg7 : memref<16x256xf32, #tpu.memory_space<vmem>>) offsets(%dma_start3A_8 : memref<16xi32, #tpu.memory_space<vmem>>) semaphore(%arg11 : memref<!tpu.dma_semaphore, #tpu.memory_space<semaphore_mem>>)
    %dma_start3A_12 = arith.constant 32 : i32
    %dma_start3A_13 = tpu.memref_slice %arg5[%dma_start3A_12] : memref<128xi32, #tpu.memory_space<vmem>> -> memref<16xi32, #tpu.memory_space<vmem>>
    %dma_start3A_14 = arith.constant 0 : i32
    %dma_start3A_15 = arith.constant 0 : i32
    %dma_start3A_16 = tpu.memref_slice %arg2[%dma_start3A_14, %dma_start3A_15] : memref<32000x256xf32, #tpu.memory_space<hbm>> -> memref<32000x256xf32, #tpu.memory_space<hbm>>
    tpu.enqueue_indirect_dma source(%dma_start3A_16 : memref<32000x256xf32, #tpu.memory_space<hbm>>) target(%arg8 : memref<16x256xf32, #tpu.memory_space<vmem>>) offsets(%dma_start3A_13 : memref<16xi32, #tpu.memory_space<vmem>>) semaphore(%arg12 : memref<!tpu.dma_semaphore, #tpu.memory_space<semaphore_mem>>)
    %dma_start3A_17 = arith.constant 48 : i32
    %dma_start3A_18 = tpu.memref_slice %arg5[%dma_start3A_17] : memref<128xi32, #tpu.memory_space<vmem>> -> memref<16xi32, #tpu.memory_space<vmem>>
    %dma_start3A_19 = arith.constant 0 : i32
    %dma_start3A_20 = arith.constant 0 : i32
    %dma_start3A_21 = tpu.memref_slice %arg2[%dma_start3A_19, %dma_start3A_20] : memref<32000x256xf32, #tpu.memory_space<hbm>> -> memref<32000x256xf32, #tpu.memory_space<hbm>>
    tpu.enqueue_indirect_dma source(%dma_start3A_21 : memref<32000x256xf32, #tpu.memory_space<hbm>>) target(%arg9 : memref<16x256xf32, #tpu.memory_space<vmem>>) offsets(%dma_start3A_18 : memref<16xi32, #tpu.memory_space<vmem>>) semaphore(%arg13 : memref<!tpu.dma_semaphore, #tpu.memory_space<semaphore_mem>>)
    %dma_wait3A = arith.constant 0 : i32
    %dma_wait3A_22 = tpu.memref_slice %arg5[%dma_wait3A] : memref<128xi32, #tpu.memory_space<vmem>> -> memref<16xi32, #tpu.memory_space<vmem>>
    %dma_wait3A_23 = arith.constant 0 : i32
    %dma_wait3A_24 = arith.constant 0 : i32
    %dma_wait3A_25 = tpu.memref_slice %arg2[%dma_wait3A_23, %dma_wait3A_24] : memref<32000x256xf32, #tpu.memory_space<hbm>> -> memref<32000x256xf32, #tpu.memory_space<hbm>>
    tpu.wait_indirect_dma semaphore(%arg10 : memref<!tpu.dma_semaphore, #tpu.memory_space<semaphore_mem>>) src(%dma_wait3A_25 : memref<32000x256xf32, #tpu.memory_space<hbm>>) dst(%arg6 : memref<16x256xf32, #tpu.memory_space<vmem>>)
    %add3A_26 = arith.constant 0 : i32
    %add3A_27 = arith.addi %mul3A_2, %add3A_26 : i32
    "tpu.region"() ({
      %run_scoped3A = tpu.sem_alloc : memref<!tpu.dma_semaphore, #tpu.memory_space<semaphore_mem>>
      %dma_start3A_97 = arith.constant 0 : i32
      %dma_start3A_98 = tpu.memref_slice %arg4[%add3A_27, %dma_start3A_97] : memref<4096x256xf32, #tpu.memory_space<hbm>> -> memref<16x256xf32, #tpu.memory_space<hbm>>
      %dma_start3A_99 = arith.constant 0 : i32
      %dma_start3A_100 = tpu.memref_slice %arg4[%add3A_27, %dma_start3A_99] : memref<4096x256xf32, #tpu.memory_space<hbm>> -> memref<16x256xf32, #tpu.memory_space<hbm>>
      tpu.enqueue_dma source(%arg6 : memref<16x256xf32, #tpu.memory_space<vmem>>) target(%dma_start3A_100 : memref<16x256xf32, #tpu.memory_space<hbm>>) target_semaphore(%run_scoped3A : memref<!tpu.dma_semaphore, #tpu.memory_space<semaphore_mem>>)
      %dma_wait3A_101 = arith.constant 0 : i32
      %dma_wait3A_102 = tpu.memref_slice %arg4[%add3A_27, %dma_wait3A_101] : memref<4096x256xf32, #tpu.memory_space<hbm>> -> memref<16x256xf32, #tpu.memory_space<hbm>>
      %dma_wait3A_103 = arith.constant 0 : i32
      %dma_wait3A_104 = tpu.memref_slice %arg4[%add3A_27, %dma_wait3A_103] : memref<4096x256xf32, #tpu.memory_space<hbm>> -> memref<16x256xf32, #tpu.memory_space<hbm>>
      tpu.wait_dma2 semaphore(%run_scoped3A : memref<!tpu.dma_semaphore, #tpu.memory_space<semaphore_mem>>) src(%arg6 : memref<16x256xf32, #tpu.memory_space<vmem>>) dst(%dma_wait3A_104 : memref<16x256xf32, #tpu.memory_space<hbm>>)
      tpu.yield
    }) : () -> ()
    %dma_start3A_28 = arith.constant 64 : i32
    %dma_start3A_29 = tpu.memref_slice %arg5[%dma_start3A_28] : memref<128xi32, #tpu.memory_space<vmem>> -> memref<16xi32, #tpu.memory_space<vmem>>
    %dma_start3A_30 = arith.constant 0 : i32
    %dma_start3A_31 = arith.constant 0 : i32
    %dma_start3A_32 = tpu.memref_slice %arg2[%dma_start3A_30, %dma_start3A_31] : memref<32000x256xf32, #tpu.memory_space<hbm>> -> memref<32000x256xf32, #tpu.memory_space<hbm>>
    tpu.enqueue_indirect_dma source(%dma_start3A_32 : memref<32000x256xf32, #tpu.memory_space<hbm>>) target(%arg6 : memref<16x256xf32, #tpu.memory_space<vmem>>) offsets(%dma_start3A_29 : memref<16xi32, #tpu.memory_space<vmem>>) semaphore(%arg10 : memref<!tpu.dma_semaphore, #tpu.memory_space<semaphore_mem>>)
    %dma_wait3A_33 = arith.constant 16 : i32
    %dma_wait3A_34 = tpu.memref_slice %arg5[%dma_wait3A_33] : memref<128xi32, #tpu.memory_space<vmem>> -> memref<16xi32, #tpu.memory_space<vmem>>
    %dma_wait3A_35 = arith.constant 0 : i32
    %dma_wait3A_36 = arith.constant 0 : i32
    %dma_wait3A_37 = tpu.memref_slice %arg2[%dma_wait3A_35, %dma_wait3A_36] : memref<32000x256xf32, #tpu.memory_space<hbm>> -> memref<32000x256xf32, #tpu.memory_space<hbm>>
    tpu.wait_indirect_dma semaphore(%arg11 : memref<!tpu.dma_semaphore, #tpu.memory_space<semaphore_mem>>) src(%dma_wait3A_37 : memref<32000x256xf32, #tpu.memory_space<hbm>>) dst(%arg7 : memref<16x256xf32, #tpu.memory_space<vmem>>)
    %add3A_38 = arith.constant 16 : i32
    %add3A_39 = arith.addi %mul3A_2, %add3A_38 : i32
    "tpu.region"() ({
      %run_scoped3A = tpu.sem_alloc : memref<!tpu.dma_semaphore, #tpu.memory_space<semaphore_mem>>
      %dma_start3A_97 = arith.constant 0 : i32
      %dma_start3A_98 = tpu.memref_slice %arg4[%add3A_39, %dma_start3A_97] : memref<4096x256xf32, #tpu.memory_space<hbm>> -> memref<16x256xf32, #tpu.memory_space<hbm>>
      %dma_start3A_99 = arith.constant 0 : i32
      %dma_start3A_100 = tpu.memref_slice %arg4[%add3A_39, %dma_start3A_99] : memref<4096x256xf32, #tpu.memory_space<hbm>> -> memref<16x256xf32, #tpu.memory_space<hbm>>
      tpu.enqueue_dma source(%arg7 : memref<16x256xf32, #tpu.memory_space<vmem>>) target(%dma_start3A_100 : memref<16x256xf32, #tpu.memory_space<hbm>>) target_semaphore(%run_scoped3A : memref<!tpu.dma_semaphore, #tpu.memory_space<semaphore_mem>>)
      %dma_wait3A_101 = arith.constant 0 : i32
      %dma_wait3A_102 = tpu.memref_slice %arg4[%add3A_39, %dma_wait3A_101] : memref<4096x256xf32, #tpu.memory_space<hbm>> -> memref<16x256xf32, #tpu.memory_space<hbm>>
      %dma_wait3A_103 = arith.constant 0 : i32
      %dma_wait3A_104 = tpu.memref_slice %arg4[%add3A_39, %dma_wait3A_103] : memref<4096x256xf32, #tpu.memory_space<hbm>> -> memref<16x256xf32, #tpu.memory_space<hbm>>
      tpu.wait_dma2 semaphore(%run_scoped3A : memref<!tpu.dma_semaphore, #tpu.memory_space<semaphore_mem>>) src(%arg7 : memref<16x256xf32, #tpu.memory_space<vmem>>) dst(%dma_wait3A_104 : memref<16x256xf32, #tpu.memory_space<hbm>>)
      tpu.yield
    }) : () -> ()
    %dma_start3A_40 = arith.constant 80 : i32
    %dma_start3A_41 = tpu.memref_slice %arg5[%dma_start3A_40] : memref<128xi32, #tpu.memory_space<vmem>> -> memref<16xi32, #tpu.memory_space<vmem>>
    %dma_start3A_42 = arith.constant 0 : i32
    %dma_start3A_43 = arith.constant 0 : i32
    %dma_start3A_44 = tpu.memref_slice %arg2[%dma_start3A_42, %dma_start3A_43] : memref<32000x256xf32, #tpu.memory_space<hbm>> -> memref<32000x256xf32, #tpu.memory_space<hbm>>
    tpu.enqueue_indirect_dma source(%dma_start3A_44 : memref<32000x256xf32, #tpu.memory_space<hbm>>) target(%arg7 : memref<16x256xf32, #tpu.memory_space<vmem>>) offsets(%dma_start3A_41 : memref<16xi32, #tpu.memory_space<vmem>>) semaphore(%arg11 : memref<!tpu.dma_semaphore, #tpu.memory_space<semaphore_mem>>)
    %dma_wait3A_45 = arith.constant 32 : i32
    %dma_wait3A_46 = tpu.memref_slice %arg5[%dma_wait3A_45] : memref<128xi32, #tpu.memory_space<vmem>> -> memref<16xi32, #tpu.memory_space<vmem>>
    %dma_wait3A_47 = arith.constant 0 : i32
    %dma_wait3A_48 = arith.constant 0 : i32
    %dma_wait3A_49 = tpu.memref_slice %arg2[%dma_wait3A_47, %dma_wait3A_48] : memref<32000x256xf32, #tpu.memory_space<hbm>> -> memref<32000x256xf32, #tpu.memory_space<hbm>>
    tpu.wait_indirect_dma semaphore(%arg12 : memref<!tpu.dma_semaphore, #tpu.memory_space<semaphore_mem>>) src(%dma_wait3A_49 : memref<32000x256xf32, #tpu.memory_space<hbm>>) dst(%arg8 : memref<16x256xf32, #tpu.memory_space<vmem>>)
    %add3A_50 = arith.constant 32 : i32
    %add3A_51 = arith.addi %mul3A_2, %add3A_50 : i32
    "tpu.region"() ({
      %run_scoped3A = tpu.sem_alloc : memref<!tpu.dma_semaphore, #tpu.memory_space<semaphore_mem>>
      %dma_start3A_97 = arith.constant 0 : i32
      %dma_start3A_98 = tpu.memref_slice %arg4[%add3A_51, %dma_start3A_97] : memref<4096x256xf32, #tpu.memory_space<hbm>> -> memref<16x256xf32, #tpu.memory_space<hbm>>
      %dma_start3A_99 = arith.constant 0 : i32
      %dma_start3A_100 = tpu.memref_slice %arg4[%add3A_51, %dma_start3A_99] : memref<4096x256xf32, #tpu.memory_space<hbm>> -> memref<16x256xf32, #tpu.memory_space<hbm>>
      tpu.enqueue_dma source(%arg8 : memref<16x256xf32, #tpu.memory_space<vmem>>) target(%dma_start3A_100 : memref<16x256xf32, #tpu.memory_space<hbm>>) target_semaphore(%run_scoped3A : memref<!tpu.dma_semaphore, #tpu.memory_space<semaphore_mem>>)
      %dma_wait3A_101 = arith.constant 0 : i32
      %dma_wait3A_102 = tpu.memref_slice %arg4[%add3A_51, %dma_wait3A_101] : memref<4096x256xf32, #tpu.memory_space<hbm>> -> memref<16x256xf32, #tpu.memory_space<hbm>>
      %dma_wait3A_103 = arith.constant 0 : i32
      %dma_wait3A_104 = tpu.memref_slice %arg4[%add3A_51, %dma_wait3A_103] : memref<4096x256xf32, #tpu.memory_space<hbm>> -> memref<16x256xf32, #tpu.memory_space<hbm>>
      tpu.wait_dma2 semaphore(%run_scoped3A : memref<!tpu.dma_semaphore, #tpu.memory_space<semaphore_mem>>) src(%arg8 : memref<16x256xf32, #tpu.memory_space<vmem>>) dst(%dma_wait3A_104 : memref<16x256xf32, #tpu.memory_space<hbm>>)
      tpu.yield
    }) : () -> ()
    %dma_start3A_52 = arith.constant 96 : i32
    %dma_start3A_53 = tpu.memref_slice %arg5[%dma_start3A_52] : memref<128xi32, #tpu.memory_space<vmem>> -> memref<16xi32, #tpu.memory_space<vmem>>
    %dma_start3A_54 = arith.constant 0 : i32
    %dma_start3A_55 = arith.constant 0 : i32
    %dma_start3A_56 = tpu.memref_slice %arg2[%dma_start3A_54, %dma_start3A_55] : memref<32000x256xf32, #tpu.memory_space<hbm>> -> memref<32000x256xf32, #tpu.memory_space<hbm>>
    tpu.enqueue_indirect_dma source(%dma_start3A_56 : memref<32000x256xf32, #tpu.memory_space<hbm>>) target(%arg8 : memref<16x256xf32, #tpu.memory_space<vmem>>) offsets(%dma_start3A_53 : memref<16xi32, #tpu.memory_space<vmem>>) semaphore(%arg12 : memref<!tpu.dma_semaphore, #tpu.memory_space<semaphore_mem>>)
    %dma_wait3A_57 = arith.constant 48 : i32
    %dma_wait3A_58 = tpu.memref_slice %arg5[%dma_wait3A_57] : memref<128xi32, #tpu.memory_space<vmem>> -> memref<16xi32, #tpu.memory_space<vmem>>
    %dma_wait3A_59 = arith.constant 0 : i32
    %dma_wait3A_60 = arith.constant 0 : i32
    %dma_wait3A_61 = tpu.memref_slice %arg2[%dma_wait3A_59, %dma_wait3A_60] : memref<32000x256xf32, #tpu.memory_space<hbm>> -> memref<32000x256xf32, #tpu.memory_space<hbm>>
    tpu.wait_indirect_dma semaphore(%arg13 : memref<!tpu.dma_semaphore, #tpu.memory_space<semaphore_mem>>) src(%dma_wait3A_61 : memref<32000x256xf32, #tpu.memory_space<hbm>>) dst(%arg9 : memref<16x256xf32, #tpu.memory_space<vmem>>)
    %add3A_62 = arith.constant 48 : i32
    %add3A_63 = arith.addi %mul3A_2, %add3A_62 : i32
    "tpu.region"() ({
      %run_scoped3A = tpu.sem_alloc : memref<!tpu.dma_semaphore, #tpu.memory_space<semaphore_mem>>
      %dma_start3A_97 = arith.constant 0 : i32
      %dma_start3A_98 = tpu.memref_slice %arg4[%add3A_63, %dma_start3A_97] : memref<4096x256xf32, #tpu.memory_space<hbm>> -> memref<16x256xf32, #tpu.memory_space<hbm>>
      %dma_start3A_99 = arith.constant 0 : i32
      %dma_start3A_100 = tpu.memref_slice %arg4[%add3A_63, %dma_start3A_99] : memref<4096x256xf32, #tpu.memory_space<hbm>> -> memref<16x256xf32, #tpu.memory_space<hbm>>
      tpu.enqueue_dma source(%arg9 : memref<16x256xf32, #tpu.memory_space<vmem>>) target(%dma_start3A_100 : memref<16x256xf32, #tpu.memory_space<hbm>>) target_semaphore(%run_scoped3A : memref<!tpu.dma_semaphore, #tpu.memory_space<semaphore_mem>>)
      %dma_wait3A_101 = arith.constant 0 : i32
      %dma_wait3A_102 = tpu.memref_slice %arg4[%add3A_63, %dma_wait3A_101] : memref<4096x256xf32, #tpu.memory_space<hbm>> -> memref<16x256xf32, #tpu.memory_space<hbm>>
      %dma_wait3A_103 = arith.constant 0 : i32
      %dma_wait3A_104 = tpu.memref_slice %arg4[%add3A_63, %dma_wait3A_103] : memref<4096x256xf32, #tpu.memory_space<hbm>> -> memref<16x256xf32, #tpu.memory_space<hbm>>
      tpu.wait_dma2 semaphore(%run_scoped3A : memref<!tpu.dma_semaphore, #tpu.memory_space<semaphore_mem>>) src(%arg9 : memref<16x256xf32, #tpu.memory_space<vmem>>) dst(%dma_wait3A_104 : memref<16x256xf32, #tpu.memory_space<hbm>>)
      tpu.yield
    }) : () -> ()
    %dma_start3A_64 = arith.constant 112 : i32
    %dma_start3A_65 = tpu.memref_slice %arg5[%dma_start3A_64] : memref<128xi32, #tpu.memory_space<vmem>> -> memref<16xi32, #tpu.memory_space<vmem>>
    %dma_start3A_66 = arith.constant 0 : i32
    %dma_start3A_67 = arith.constant 0 : i32
    %dma_start3A_68 = tpu.memref_slice %arg2[%dma_start3A_66, %dma_start3A_67] : memref<32000x256xf32, #tpu.memory_space<hbm>> -> memref<32000x256xf32, #tpu.memory_space<hbm>>
    tpu.enqueue_indirect_dma source(%dma_start3A_68 : memref<32000x256xf32, #tpu.memory_space<hbm>>) target(%arg9 : memref<16x256xf32, #tpu.memory_space<vmem>>) offsets(%dma_start3A_65 : memref<16xi32, #tpu.memory_space<vmem>>) semaphore(%arg13 : memref<!tpu.dma_semaphore, #tpu.memory_space<semaphore_mem>>)
    %dma_wait3A_69 = arith.constant 64 : i32
    %dma_wait3A_70 = tpu.memref_slice %arg5[%dma_wait3A_69] : memref<128xi32, #tpu.memory_space<vmem>> -> memref<16xi32, #tpu.memory_space<vmem>>
    %dma_wait3A_71 = arith.constant 0 : i32
    %dma_wait3A_72 = arith.constant 0 : i32
    %dma_wait3A_73 = tpu.memref_slice %arg2[%dma_wait3A_71, %dma_wait3A_72] : memref<32000x256xf32, #tpu.memory_space<hbm>> -> memref<32000x256xf32, #tpu.memory_space<hbm>>
    tpu.wait_indirect_dma semaphore(%arg10 : memref<!tpu.dma_semaphore, #tpu.memory_space<semaphore_mem>>) src(%dma_wait3A_73 : memref<32000x256xf32, #tpu.memory_space<hbm>>) dst(%arg6 : memref<16x256xf32, #tpu.memory_space<vmem>>)
    %add3A_74 = arith.constant 64 : i32
    %add3A_75 = arith.addi %mul3A_2, %add3A_74 : i32
    "tpu.region"() ({
      %run_scoped3A = tpu.sem_alloc : memref<!tpu.dma_semaphore, #tpu.memory_space<semaphore_mem>>
      %dma_start3A_97 = arith.constant 0 : i32
      %dma_start3A_98 = tpu.memref_slice %arg4[%add3A_75, %dma_start3A_97] : memref<4096x256xf32, #tpu.memory_space<hbm>> -> memref<16x256xf32, #tpu.memory_space<hbm>>
      %dma_start3A_99 = arith.constant 0 : i32
      %dma_start3A_100 = tpu.memref_slice %arg4[%add3A_75, %dma_start3A_99] : memref<4096x256xf32, #tpu.memory_space<hbm>> -> memref<16x256xf32, #tpu.memory_space<hbm>>
      tpu.enqueue_dma source(%arg6 : memref<16x256xf32, #tpu.memory_space<vmem>>) target(%dma_start3A_100 : memref<16x256xf32, #tpu.memory_space<hbm>>) target_semaphore(%run_scoped3A : memref<!tpu.dma_semaphore, #tpu.memory_space<semaphore_mem>>)
      %dma_wait3A_101 = arith.constant 0 : i32
      %dma_wait3A_102 = tpu.memref_slice %arg4[%add3A_75, %dma_wait3A_101] : memref<4096x256xf32, #tpu.memory_space<hbm>> -> memref<16x256xf32, #tpu.memory_space<hbm>>
      %dma_wait3A_103 = arith.constant 0 : i32
      %dma_wait3A_104 = tpu.memref_slice %arg4[%add3A_75, %dma_wait3A_103] : memref<4096x256xf32, #tpu.memory_space<hbm>> -> memref<16x256xf32, #tpu.memory_space<hbm>>
      tpu.wait_dma2 semaphore(%run_scoped3A : memref<!tpu.dma_semaphore, #tpu.memory_space<semaphore_mem>>) src(%arg6 : memref<16x256xf32, #tpu.memory_space<vmem>>) dst(%dma_wait3A_104 : memref<16x256xf32, #tpu.memory_space<hbm>>)
      tpu.yield
    }) : () -> ()
    %dma_wait3A_76 = arith.constant 80 : i32
    %dma_wait3A_77 = tpu.memref_slice %arg5[%dma_wait3A_76] : memref<128xi32, #tpu.memory_space<vmem>> -> memref<16xi32, #tpu.memory_space<vmem>>
    %dma_wait3A_78 = arith.constant 0 : i32
    %dma_wait3A_79 = arith.constant 0 : i32
    %dma_wait3A_80 = tpu.memref_slice %arg2[%dma_wait3A_78, %dma_wait3A_79] : memref<32000x256xf32, #tpu.memory_space<hbm>> -> memref<32000x256xf32, #tpu.memory_space<hbm>>
    tpu.wait_indirect_dma semaphore(%arg11 : memref<!tpu.dma_semaphore, #tpu.memory_space<semaphore_mem>>) src(%dma_wait3A_80 : memref<32000x256xf32, #tpu.memory_space<hbm>>) dst(%arg7 : memref<16x256xf32, #tpu.memory_space<vmem>>)
    %add3A_81 = arith.constant 80 : i32
    %add3A_82 = arith.addi %mul3A_2, %add3A_81 : i32
    "tpu.region"() ({
      %run_scoped3A = tpu.sem_alloc : memref<!tpu.dma_semaphore, #tpu.memory_space<semaphore_mem>>
      %dma_start3A_97 = arith.constant 0 : i32
      %dma_start3A_98 = tpu.memref_slice %arg4[%add3A_82, %dma_start3A_97] : memref<4096x256xf32, #tpu.memory_space<hbm>> -> memref<16x256xf32, #tpu.memory_space<hbm>>
      %dma_start3A_99 = arith.constant 0 : i32
      %dma_start3A_100 = tpu.memref_slice %arg4[%add3A_82, %dma_start3A_99] : memref<4096x256xf32, #tpu.memory_space<hbm>> -> memref<16x256xf32, #tpu.memory_space<hbm>>
      tpu.enqueue_dma source(%arg7 : memref<16x256xf32, #tpu.memory_space<vmem>>) target(%dma_start3A_100 : memref<16x256xf32, #tpu.memory_space<hbm>>) target_semaphore(%run_scoped3A : memref<!tpu.dma_semaphore, #tpu.memory_space<semaphore_mem>>)
      %dma_wait3A_101 = arith.constant 0 : i32
      %dma_wait3A_102 = tpu.memref_slice %arg4[%add3A_82, %dma_wait3A_101] : memref<4096x256xf32, #tpu.memory_space<hbm>> -> memref<16x256xf32, #tpu.memory_space<hbm>>
      %dma_wait3A_103 = arith.constant 0 : i32
      %dma_wait3A_104 = tpu.memref_slice %arg4[%add3A_82, %dma_wait3A_103] : memref<4096x256xf32, #tpu.memory_space<hbm>> -> memref<16x256xf32, #tpu.memory_space<hbm>>
      tpu.wait_dma2 semaphore(%run_scoped3A : memref<!tpu.dma_semaphore, #tpu.memory_space<semaphore_mem>>) src(%arg7 : memref<16x256xf32, #tpu.memory_space<vmem>>) dst(%dma_wait3A_104 : memref<16x256xf32, #tpu.memory_space<hbm>>)
      tpu.yield
    }) : () -> ()
    %dma_wait3A_83 = arith.constant 96 : i32
    %dma_wait3A_84 = tpu.memref_slice %arg5[%dma_wait3A_83] : memref<128xi32, #tpu.memory_space<vmem>> -> memref<16xi32, #tpu.memory_space<vmem>>
    %dma_wait3A_85 = arith.constant 0 : i32
    %dma_wait3A_86 = arith.constant 0 : i32
    %dma_wait3A_87 = tpu.memref_slice %arg2[%dma_wait3A_85, %dma_wait3A_86] : memref<32000x256xf32, #tpu.memory_space<hbm>> -> memref<32000x256xf32, #tpu.memory_space<hbm>>
    tpu.wait_indirect_dma semaphore(%arg12 : memref<!tpu.dma_semaphore, #tpu.memory_space<semaphore_mem>>) src(%dma_wait3A_87 : memref<32000x256xf32, #tpu.memory_space<hbm>>) dst(%arg8 : memref<16x256xf32, #tpu.memory_space<vmem>>)
    %add3A_88 = arith.constant 96 : i32
    %add3A_89 = arith.addi %mul3A_2, %add3A_88 : i32
    "tpu.region"() ({
      %run_scoped3A = tpu.sem_alloc : memref<!tpu.dma_semaphore, #tpu.memory_space<semaphore_mem>>
      %dma_start3A_97 = arith.constant 0 : i32
      %dma_start3A_98 = tpu.memref_slice %arg4[%add3A_89, %dma_start3A_97] : memref<4096x256xf32, #tpu.memory_space<hbm>> -> memref<16x256xf32, #tpu.memory_space<hbm>>
      %dma_start3A_99 = arith.constant 0 : i32
      %dma_start3A_100 = tpu.memref_slice %arg4[%add3A_89, %dma_start3A_99] : memref<4096x256xf32, #tpu.memory_space<hbm>> -> memref<16x256xf32, #tpu.memory_space<hbm>>
      tpu.enqueue_dma source(%arg8 : memref<16x256xf32, #tpu.memory_space<vmem>>) target(%dma_start3A_100 : memref<16x256xf32, #tpu.memory_space<hbm>>) target_semaphore(%run_scoped3A : memref<!tpu.dma_semaphore, #tpu.memory_space<semaphore_mem>>)
      %dma_wait3A_101 = arith.constant 0 : i32
      %dma_wait3A_102 = tpu.memref_slice %arg4[%add3A_89, %dma_wait3A_101] : memref<4096x256xf32, #tpu.memory_space<hbm>> -> memref<16x256xf32, #tpu.memory_space<hbm>>
      %dma_wait3A_103 = arith.constant 0 : i32
      %dma_wait3A_104 = tpu.memref_slice %arg4[%add3A_89, %dma_wait3A_103] : memref<4096x256xf32, #tpu.memory_space<hbm>> -> memref<16x256xf32, #tpu.memory_space<hbm>>
      tpu.wait_dma2 semaphore(%run_scoped3A : memref<!tpu.dma_semaphore, #tpu.memory_space<semaphore_mem>>) src(%arg8 : memref<16x256xf32, #tpu.memory_space<vmem>>) dst(%dma_wait3A_104 : memref<16x256xf32, #tpu.memory_space<hbm>>)
      tpu.yield
    }) : () -> ()
    %dma_wait3A_90 = arith.constant 112 : i32
    %dma_wait3A_91 = tpu.memref_slice %arg5[%dma_wait3A_90] : memref<128xi32, #tpu.memory_space<vmem>> -> memref<16xi32, #tpu.memory_space<vmem>>
    %dma_wait3A_92 = arith.constant 0 : i32
    %dma_wait3A_93 = arith.constant 0 : i32
    %dma_wait3A_94 = tpu.memref_slice %arg2[%dma_wait3A_92, %dma_wait3A_93] : memref<32000x256xf32, #tpu.memory_space<hbm>> -> memref<32000x256xf32, #tpu.memory_space<hbm>>
    tpu.wait_indirect_dma semaphore(%arg13 : memref<!tpu.dma_semaphore, #tpu.memory_space<semaphore_mem>>) src(%dma_wait3A_94 : memref<32000x256xf32, #tpu.memory_space<hbm>>) dst(%arg9 : memref<16x256xf32, #tpu.memory_space<vmem>>)
    %add3A_95 = arith.constant 112 : i32
    %add3A_96 = arith.addi %mul3A_2, %add3A_95 : i32
    "tpu.region"() ({
      %run_scoped3A = tpu.sem_alloc : memref<!tpu.dma_semaphore, #tpu.memory_space<semaphore_mem>>
      %dma_start3A_97 = arith.constant 0 : i32
      %dma_start3A_98 = tpu.memref_slice %arg4[%add3A_96, %dma_start3A_97] : memref<4096x256xf32, #tpu.memory_space<hbm>> -> memref<16x256xf32, #tpu.memory_space<hbm>>
      %dma_start3A_99 = arith.constant 0 : i32
      %dma_start3A_100 = tpu.memref_slice %arg4[%add3A_96, %dma_start3A_99] : memref<4096x256xf32, #tpu.memory_space<hbm>> -> memref<16x256xf32, #tpu.memory_space<hbm>>
      tpu.enqueue_dma source(%arg9 : memref<16x256xf32, #tpu.memory_space<vmem>>) target(%dma_start3A_100 : memref<16x256xf32, #tpu.memory_space<hbm>>) target_semaphore(%run_scoped3A : memref<!tpu.dma_semaphore, #tpu.memory_space<semaphore_mem>>)
      %dma_wait3A_101 = arith.constant 0 : i32
      %dma_wait3A_102 = tpu.memref_slice %arg4[%add3A_96, %dma_wait3A_101] : memref<4096x256xf32, #tpu.memory_space<hbm>> -> memref<16x256xf32, #tpu.memory_space<hbm>>
      %dma_wait3A_103 = arith.constant 0 : i32
      %dma_wait3A_104 = tpu.memref_slice %arg4[%add3A_96, %dma_wait3A_103] : memref<4096x256xf32, #tpu.memory_space<hbm>> -> memref<16x256xf32, #tpu.memory_space<hbm>>
      tpu.wait_dma2 semaphore(%run_scoped3A : memref<!tpu.dma_semaphore, #tpu.memory_space<semaphore_mem>>) src(%arg9 : memref<16x256xf32, #tpu.memory_space<vmem>>) dst(%dma_wait3A_104 : memref<16x256xf32, #tpu.memory_space<hbm>>)
      tpu.yield
    }) : () -> ()
    return
  }
}

module attributes {stable_mosaic.version = 14 : i64} {
  func.func @_encoder_body(%arg0: i32, %arg1: memref<1x512x256xf32, #tpu.memory_space<vmem>>, %arg2: memref<1x1x512xi32, #tpu.memory_space<vmem>>, %arg3: memref<1x512x1xi32, #tpu.memory_space<vmem>>, %arg4: memref<512x256xf32, #tpu.memory_space<vmem>>, %arg5: memref<256x256xbf16, #tpu.memory_space<vmem>>, %arg6: memref<256x256xbf16, #tpu.memory_space<vmem>>, %arg7: memref<256x256xbf16, #tpu.memory_space<vmem>>, %arg8: memref<256x256xbf16, #tpu.memory_space<vmem>>, %arg9: memref<1x256xf32, #tpu.memory_space<vmem>>, %arg10: memref<1x256xf32, #tpu.memory_space<vmem>>, %arg11: memref<256x1024xbf16, #tpu.memory_space<vmem>>, %arg12: memref<1x1024xf32, #tpu.memory_space<vmem>>, %arg13: memref<1024x256xbf16, #tpu.memory_space<vmem>>, %arg14: memref<1x256xf32, #tpu.memory_space<vmem>>, %arg15: memref<1x256xf32, #tpu.memory_space<vmem>>, %arg16: memref<1x256xf32, #tpu.memory_space<vmem>>, %arg17: memref<1x512x256xf32, #tpu.memory_space<vmem>>, %arg18: memref<1x8x256xf32, #tpu.memory_space<vmem>>) attributes {dimension_semantics = [#tpu.dimension_semantics<arbitrary>], iteration_bounds = array<i64: 8>, scalar_prefetch = 0 : i64, scratch_operands = 0 : i64, tpu.core_type = #tpu.core_type<tc>, window_params = [{transform_indices = @transform_0, window_bounds = array<i64: 1, 512, 256>}, {transform_indices = @transform_1, window_bounds = array<i64: 1, 1, 512>}, {transform_indices = @transform_2, window_bounds = array<i64: 1, 512, 1>}, {pipeline_mode = #tpu.pipeline_mode<synchronous>, transform_indices = @transform_3, window_bounds = array<i64: 512, 256>}, {pipeline_mode = #tpu.pipeline_mode<synchronous>, transform_indices = @transform_4, window_bounds = array<i64: 256, 256>}, {pipeline_mode = #tpu.pipeline_mode<synchronous>, transform_indices = @transform_5, window_bounds = array<i64: 256, 256>}, {pipeline_mode = #tpu.pipeline_mode<synchronous>, transform_indices = @transform_6, window_bounds = array<i64: 256, 256>}, {pipeline_mode = #tpu.pipeline_mode<synchronous>, transform_indices = @transform_7, window_bounds = array<i64: 256, 256>}, {pipeline_mode = #tpu.pipeline_mode<synchronous>, transform_indices = @transform_8, window_bounds = array<i64: 1, 256>}, {pipeline_mode = #tpu.pipeline_mode<synchronous>, transform_indices = @transform_9, window_bounds = array<i64: 1, 256>}, {pipeline_mode = #tpu.pipeline_mode<synchronous>, transform_indices = @transform_10, window_bounds = array<i64: 256, 1024>}, {pipeline_mode = #tpu.pipeline_mode<synchronous>, transform_indices = @transform_11, window_bounds = array<i64: 1, 1024>}, {pipeline_mode = #tpu.pipeline_mode<synchronous>, transform_indices = @transform_12, window_bounds = array<i64: 1024, 256>}, {pipeline_mode = #tpu.pipeline_mode<synchronous>, transform_indices = @transform_13, window_bounds = array<i64: 1, 256>}, {pipeline_mode = #tpu.pipeline_mode<synchronous>, transform_indices = @transform_14, window_bounds = array<i64: 1, 256>}, {pipeline_mode = #tpu.pipeline_mode<synchronous>, transform_indices = @transform_15, window_bounds = array<i64: 1, 256>}, {transform_indices = @transform_16, window_bounds = array<i64: 1, 512, 256>}, {transform_indices = @transform_17, window_bounds = array<i64: 1, 8, 256>}]} {
    %get3A = arith.constant 0 : index
    %get3A_0 = arith.constant 0 : index
    %get3A_1 = arith.constant 0 : index
    %get3A_2 = vector.load %arg2[%get3A, %get3A_0, %get3A_1] : memref<1x1x512xi32, #tpu.memory_space<vmem>>, vector<1x1x512xi32>
    %get3A_3 = vector.shape_cast %get3A_2 : vector<1x1x512xi32> to vector<1x512xi32>
    %get3A_4 = arith.constant 0 : index
    %get3A_5 = arith.constant 0 : index
    %get3A_6 = arith.constant 0 : index
    %get3A_7 = vector.load %arg3[%get3A_4, %get3A_5, %get3A_6] : memref<1x512x1xi32, #tpu.memory_space<vmem>>, vector<1x512x1xi32>
    %get3A_8 = vector.shape_cast %get3A_7 : vector<1x512x1xi32> to vector<512x1xi32>
    %ne3A = arith.constant 0 : i32
    %ne3A_9 = vector.broadcast %ne3A : i32 to vector<1x512xi32>
    %ne3A_10 = arith.cmpi ne, %get3A_3, %ne3A_9 : vector<1x512xi32>
    %convert_element_type3A = arith.extui %ne3A_10 : vector<1x512xi1> to vector<1x512xi32>
    %convert_element_type3A_11 = arith.sitofp %convert_element_type3A : vector<1x512xi32> to vector<1x512xf32>
    %ne3A_12 = arith.constant 0 : i32
    %ne3A_13 = vector.broadcast %ne3A_12 : i32 to vector<512x1xi32>
    %ne3A_14 = arith.cmpi ne, %get3A_8, %ne3A_13 : vector<512x1xi32>
    %convert_element_type3A_15 = arith.extui %ne3A_14 : vector<512x1xi1> to vector<512x1xi32>
    %convert_element_type3A_16 = arith.sitofp %convert_element_type3A_15 : vector<512x1xi32> to vector<512x1xf32>
    %get3A_17 = arith.constant 0 : index
    %get3A_18 = arith.constant 0 : index
    %get3A_19 = vector.load %arg4[%get3A_17, %get3A_18] : memref<512x256xf32, #tpu.memory_space<vmem>>, vector<128x256xf32>
    %concatenate3A = tpu.concatenate %get3A_19, %get3A_19, %get3A_19, %get3A_19 in 0 : vector<128x256xf32>, vector<128x256xf32>, vector<128x256xf32>, vector<128x256xf32> -> vector<512x256xf32>
    %get3A_20 = arith.constant 0 : index
    %get3A_21 = arith.constant 0 : index
    %get3A_22 = arith.constant 0 : index
    %get3A_23 = vector.load %arg1[%get3A_20, %get3A_21, %get3A_22] : memref<1x512x256xf32, #tpu.memory_space<vmem>>, vector<1x512x256xf32>
    %get3A_24 = vector.shape_cast %get3A_23 : vector<1x512x256xf32> to vector<512x256xf32>
    %pow3A = arith.constant 2.560000e+02 : f32
    %pow3A_25 = arith.constant 5.000000e-01 : f32
    %pow3A_26 = math.powf %pow3A, %pow3A_25 : f32
    %mul3A = vector.broadcast %pow3A_26 : f32 to vector<512x256xf32>
    %mul3A_27 = arith.mulf %get3A_24, %mul3A : vector<512x256xf32>
    %add3A = arith.addf %mul3A_27, %concatenate3A : vector<512x256xf32>
    %mul3A_28 = vector.broadcast %convert_element_type3A_16 : vector<512x1xf32> to vector<512x256xf32>
    %mul3A_29 = arith.mulf %add3A, %mul3A_28 : vector<512x256xf32>
    %convert_element_type3A_30 = arith.truncf %mul3A_29 : vector<512x256xf32> to vector<512x256xbf16>
    %get3A_31 = arith.constant 0 : index
    %get3A_32 = arith.constant 0 : index
    %get3A_33 = vector.load %arg5[%get3A_31, %get3A_32] : memref<256x256xbf16, #tpu.memory_space<vmem>>, vector<256x256xbf16>
    %dot_general3A = arith.constant dense<0.000000e+00> : vector<512x256xf32>
    %dot_general3A_34 = tpu.matmul %convert_element_type3A_30, %get3A_33, %dot_general3A {dimension_numbers = #tpu.dot_dimension_numbers<[1], [0], [0], [1], [0, 0, 1, 1], [], []>, transpose_lhs_hint = false} : vector<512x256xbf16>, vector<256x256xbf16>, vector<512x256xf32> -> vector<512x256xf32>
    %get3A_35 = arith.constant 0 : index
    %get3A_36 = arith.constant 0 : index
    %get3A_37 = vector.load %arg6[%get3A_35, %get3A_36] : memref<256x256xbf16, #tpu.memory_space<vmem>>, vector<256x256xbf16>
    %dot_general3A_38 = arith.constant dense<0.000000e+00> : vector<512x256xf32>
    %dot_general3A_39 = tpu.matmul %convert_element_type3A_30, %get3A_37, %dot_general3A_38 {dimension_numbers = #tpu.dot_dimension_numbers<[1], [0], [0], [1], [0, 0, 1, 1], [], []>, transpose_lhs_hint = false} : vector<512x256xbf16>, vector<256x256xbf16>, vector<512x256xf32> -> vector<512x256xf32>
    %get3A_40 = arith.constant 0 : index
    %get3A_41 = arith.constant 0 : index
    %get3A_42 = vector.load %arg7[%get3A_40, %get3A_41] : memref<256x256xbf16, #tpu.memory_space<vmem>>, vector<256x256xbf16>
    %dot_general3A_43 = arith.constant dense<0.000000e+00> : vector<512x256xf32>
    %dot_general3A_44 = tpu.matmul %convert_element_type3A_30, %get3A_42, %dot_general3A_43 {dimension_numbers = #tpu.dot_dimension_numbers<[1], [0], [0], [1], [0, 0, 1, 1], [], []>, transpose_lhs_hint = false} : vector<512x256xbf16>, vector<256x256xbf16>, vector<512x256xf32> -> vector<512x256xf32>
    %pow3A_45 = arith.constant 3.200000e+01 : f32
    %pow3A_46 = arith.constant 5.000000e-01 : f32
    %pow3A_47 = math.powf %pow3A_45, %pow3A_46 : f32
    %div3A = arith.constant 1.000000e+00 : f32
    %div3A_48 = arith.divf %div3A, %pow3A_47 : f32
    %mul3A_49 = vector.broadcast %div3A_48 : f32 to vector<512x256xf32>
    %mul3A_50 = arith.mulf %dot_general3A_34, %mul3A_49 : vector<512x256xf32>
    %slice3A = vector.extract_strided_slice %get3A_3 {offsets = [0, 0], sizes = [1, 128], strides = [1, 1]} : vector<1x512xi32> to vector<1x128xi32>
    %ne3A_51 = arith.constant 0 : i32
    %ne3A_52 = vector.broadcast %ne3A_51 : i32 to vector<1x128xi32>
    %ne3A_53 = arith.cmpi ne, %slice3A, %ne3A_52 : vector<1x128xi32>
    %broadcast_in_dim3A = vector.shape_cast %ne3A_53 : vector<1x128xi1> to vector<1x128xi1>
    %broadcast_in_dim3A_54 = vector.broadcast %broadcast_in_dim3A : vector<1x128xi1> to vector<128x128xi1>
    %slice3A_55 = vector.extract_strided_slice %get3A_3 {offsets = [0, 128], sizes = [1, 128], strides = [1, 1]} : vector<1x512xi32> to vector<1x128xi32>
    %ne3A_56 = arith.constant 0 : i32
    %ne3A_57 = vector.broadcast %ne3A_56 : i32 to vector<1x128xi32>
    %ne3A_58 = arith.cmpi ne, %slice3A_55, %ne3A_57 : vector<1x128xi32>
    %broadcast_in_dim3A_59 = vector.shape_cast %ne3A_58 : vector<1x128xi1> to vector<1x128xi1>
    %broadcast_in_dim3A_60 = vector.broadcast %broadcast_in_dim3A_59 : vector<1x128xi1> to vector<128x128xi1>
    %slice3A_61 = vector.extract_strided_slice %get3A_3 {offsets = [0, 256], sizes = [1, 128], strides = [1, 1]} : vector<1x512xi32> to vector<1x128xi32>
    %ne3A_62 = arith.constant 0 : i32
    %ne3A_63 = vector.broadcast %ne3A_62 : i32 to vector<1x128xi32>
    %ne3A_64 = arith.cmpi ne, %slice3A_61, %ne3A_63 : vector<1x128xi32>
    %broadcast_in_dim3A_65 = vector.shape_cast %ne3A_64 : vector<1x128xi1> to vector<1x128xi1>
    %broadcast_in_dim3A_66 = vector.broadcast %broadcast_in_dim3A_65 : vector<1x128xi1> to vector<128x128xi1>
    %slice3A_67 = vector.extract_strided_slice %get3A_3 {offsets = [0, 384], sizes = [1, 128], strides = [1, 1]} : vector<1x512xi32> to vector<1x128xi32>
    %ne3A_68 = arith.constant 0 : i32
    %ne3A_69 = vector.broadcast %ne3A_68 : i32 to vector<1x128xi32>
    %ne3A_70 = arith.cmpi ne, %slice3A_67, %ne3A_69 : vector<1x128xi32>
    %broadcast_in_dim3A_71 = vector.shape_cast %ne3A_70 : vector<1x128xi1> to vector<1x128xi1>
    %broadcast_in_dim3A_72 = vector.broadcast %broadcast_in_dim3A_71 : vector<1x128xi1> to vector<128x128xi1>
    %concatenate3A_73 = tpu.concatenate %broadcast_in_dim3A_54, %broadcast_in_dim3A_60, %broadcast_in_dim3A_66, %broadcast_in_dim3A_72 in 0 : vector<128x128xi1>, vector<128x128xi1>, vector<128x128xi1>, vector<128x128xi1> -> vector<512x128xi1>
    %slice3A_74 = vector.extract_strided_slice %mul3A_50 {offsets = [0, 0], sizes = [512, 32], strides = [1, 1]} : vector<512x256xf32> to vector<512x32xf32>
    %slice3A_75 = vector.extract_strided_slice %dot_general3A_39 {offsets = [0, 0], sizes = [512, 32], strides = [1, 1]} : vector<512x256xf32> to vector<512x32xf32>
    %slice3A_76 = vector.extract_strided_slice %dot_general3A_44 {offsets = [0, 0], sizes = [512, 32], strides = [1, 1]} : vector<512x256xf32> to vector<512x32xf32>
    %convert_element_type3A_77 = arith.truncf %slice3A_74 : vector<512x32xf32> to vector<512x32xbf16>
    %convert_element_type3A_78 = arith.truncf %slice3A_75 : vector<512x32xf32> to vector<512x32xbf16>
    %dot_general3A_79 = arith.constant dense<0.000000e+00> : vector<512x512xf32>
    %dot_general3A_80 = tpu.matmul %convert_element_type3A_77, %convert_element_type3A_78, %dot_general3A_79 {dimension_numbers = #tpu.dot_dimension_numbers<[1], [1], [0], [0], [0, 0, 1, 0], [], []>, transpose_lhs_hint = false} : vector<512x32xbf16>, vector<512x32xbf16>, vector<512x512xf32> -> vector<512x512xf32>
    %slice3A_81 = vector.extract_strided_slice %dot_general3A_80 {offsets = [0, 0], sizes = [128, 128], strides = [1, 1]} : vector<512x512xf32> to vector<128x128xf32>
    %slice3A_82 = vector.extract_strided_slice %dot_general3A_80 {offsets = [128, 128], sizes = [128, 128], strides = [1, 1]} : vector<512x512xf32> to vector<128x128xf32>
    %slice3A_83 = vector.extract_strided_slice %dot_general3A_80 {offsets = [256, 256], sizes = [128, 128], strides = [1, 1]} : vector<512x512xf32> to vector<128x128xf32>
    %slice3A_84 = vector.extract_strided_slice %dot_general3A_80 {offsets = [384, 384], sizes = [128, 128], strides = [1, 1]} : vector<512x512xf32> to vector<128x128xf32>
    %concatenate3A_85 = tpu.concatenate %slice3A_81, %slice3A_82, %slice3A_83, %slice3A_84 in 0 : vector<128x128xf32>, vector<128x128xf32>, vector<128x128xf32>, vector<128x128xf32> -> vector<512x128xf32>
    %exp3A = math.exp %concatenate3A_85 : vector<512x128xf32>
    %jit3A = arith.constant 0.000000e+00 : f32
    %broadcast_in_dim3A_86 = vector.broadcast %jit3A : f32 to vector<512x128xf32>
    %select_n3A = arith.select %concatenate3A_73, %exp3A, %broadcast_in_dim3A_86 : vector<512x128xi1>, vector<512x128xf32>
    %reduce_sum3A = arith.constant dense<0.000000e+00> : vector<512xf32>
    %reduce_sum3A_87 = vector.multi_reduction <add>, %select_n3A, %reduce_sum3A [1] : vector<512x128xf32> to vector<512xf32>
    %broadcast_in_dim3A_88 = vector.shape_cast %reduce_sum3A_87 : vector<512xf32> to vector<512x1xf32>
    %div3A_89 = arith.constant 1.000000e+00 : f32
    %div3A_90 = vector.broadcast %div3A_89 : f32 to vector<512x1xf32>
    %div3A_91 = arith.divf %div3A_90, %broadcast_in_dim3A_88 : vector<512x1xf32>
    %mul3A_92 = vector.broadcast %div3A_91 : vector<512x1xf32> to vector<512x128xf32>
    %mul3A_93 = arith.mulf %select_n3A, %mul3A_92 : vector<512x128xf32>
    %slice3A_94 = vector.extract_strided_slice %mul3A_93 {offsets = [0, 0], sizes = [128, 128], strides = [1, 1]} : vector<512x128xf32> to vector<128x128xf32>
    %convert_element_type3A_95 = arith.truncf %slice3A_94 : vector<128x128xf32> to vector<128x128xbf16>
    %slice3A_96 = vector.extract_strided_slice %slice3A_76 {offsets = [0, 0], sizes = [128, 32], strides = [1, 1]} : vector<512x32xf32> to vector<128x32xf32>
    %convert_element_type3A_97 = arith.truncf %slice3A_96 : vector<128x32xf32> to vector<128x32xbf16>
    %dot_general3A_98 = arith.constant dense<0.000000e+00> : vector<128x32xf32>
    %dot_general3A_99 = tpu.matmul %convert_element_type3A_95, %convert_element_type3A_97, %dot_general3A_98 {dimension_numbers = #tpu.dot_dimension_numbers<[1], [0], [0], [1], [0, 0, 1, 1], [], []>, transpose_lhs_hint = false} : vector<128x128xbf16>, vector<128x32xbf16>, vector<128x32xf32> -> vector<128x32xf32>
    %slice3A_100 = vector.extract_strided_slice %mul3A_93 {offsets = [128, 0], sizes = [128, 128], strides = [1, 1]} : vector<512x128xf32> to vector<128x128xf32>
    %convert_element_type3A_101 = arith.truncf %slice3A_100 : vector<128x128xf32> to vector<128x128xbf16>
    %slice3A_102 = vector.extract_strided_slice %slice3A_76 {offsets = [128, 0], sizes = [128, 32], strides = [1, 1]} : vector<512x32xf32> to vector<128x32xf32>
    %convert_element_type3A_103 = arith.truncf %slice3A_102 : vector<128x32xf32> to vector<128x32xbf16>
    %dot_general3A_104 = arith.constant dense<0.000000e+00> : vector<128x32xf32>
    %dot_general3A_105 = tpu.matmul %convert_element_type3A_101, %convert_element_type3A_103, %dot_general3A_104 {dimension_numbers = #tpu.dot_dimension_numbers<[1], [0], [0], [1], [0, 0, 1, 1], [], []>, transpose_lhs_hint = false} : vector<128x128xbf16>, vector<128x32xbf16>, vector<128x32xf32> -> vector<128x32xf32>
    %slice3A_106 = vector.extract_strided_slice %mul3A_93 {offsets = [256, 0], sizes = [128, 128], strides = [1, 1]} : vector<512x128xf32> to vector<128x128xf32>
    %convert_element_type3A_107 = arith.truncf %slice3A_106 : vector<128x128xf32> to vector<128x128xbf16>
    %slice3A_108 = vector.extract_strided_slice %slice3A_76 {offsets = [256, 0], sizes = [128, 32], strides = [1, 1]} : vector<512x32xf32> to vector<128x32xf32>
    %convert_element_type3A_109 = arith.truncf %slice3A_108 : vector<128x32xf32> to vector<128x32xbf16>
    %dot_general3A_110 = arith.constant dense<0.000000e+00> : vector<128x32xf32>
    %dot_general3A_111 = tpu.matmul %convert_element_type3A_107, %convert_element_type3A_109, %dot_general3A_110 {dimension_numbers = #tpu.dot_dimension_numbers<[1], [0], [0], [1], [0, 0, 1, 1], [], []>, transpose_lhs_hint = false} : vector<128x128xbf16>, vector<128x32xbf16>, vector<128x32xf32> -> vector<128x32xf32>
    %slice3A_112 = vector.extract_strided_slice %mul3A_93 {offsets = [384, 0], sizes = [128, 128], strides = [1, 1]} : vector<512x128xf32> to vector<128x128xf32>
    %convert_element_type3A_113 = arith.truncf %slice3A_112 : vector<128x128xf32> to vector<128x128xbf16>
    %slice3A_114 = vector.extract_strided_slice %slice3A_76 {offsets = [384, 0], sizes = [128, 32], strides = [1, 1]} : vector<512x32xf32> to vector<128x32xf32>
    %convert_element_type3A_115 = arith.truncf %slice3A_114 : vector<128x32xf32> to vector<128x32xbf16>
    %dot_general3A_116 = arith.constant dense<0.000000e+00> : vector<128x32xf32>
    %dot_general3A_117 = tpu.matmul %convert_element_type3A_113, %convert_element_type3A_115, %dot_general3A_116 {dimension_numbers = #tpu.dot_dimension_numbers<[1], [0], [0], [1], [0, 0, 1, 1], [], []>, transpose_lhs_hint = false} : vector<128x128xbf16>, vector<128x32xbf16>, vector<128x32xf32> -> vector<128x32xf32>
    %concatenate3A_118 = tpu.concatenate %dot_general3A_99, %dot_general3A_105, %dot_general3A_111, %dot_general3A_117 in 0 : vector<128x32xf32>, vector<128x32xf32>, vector<128x32xf32>, vector<128x32xf32> -> vector<512x32xf32>
    %slice3A_119 = vector.extract_strided_slice %mul3A_50 {offsets = [0, 32], sizes = [512, 32], strides = [1, 1]} : vector<512x256xf32> to vector<512x32xf32>
    %slice3A_120 = vector.extract_strided_slice %dot_general3A_39 {offsets = [0, 32], sizes = [512, 32], strides = [1, 1]} : vector<512x256xf32> to vector<512x32xf32>
    %slice3A_121 = vector.extract_strided_slice %dot_general3A_44 {offsets = [0, 32], sizes = [512, 32], strides = [1, 1]} : vector<512x256xf32> to vector<512x32xf32>
    %convert_element_type3A_122 = arith.truncf %slice3A_119 : vector<512x32xf32> to vector<512x32xbf16>
    %convert_element_type3A_123 = arith.truncf %slice3A_120 : vector<512x32xf32> to vector<512x32xbf16>
    %dot_general3A_124 = arith.constant dense<0.000000e+00> : vector<512x512xf32>
    %dot_general3A_125 = tpu.matmul %convert_element_type3A_122, %convert_element_type3A_123, %dot_general3A_124 {dimension_numbers = #tpu.dot_dimension_numbers<[1], [1], [0], [0], [0, 0, 1, 0], [], []>, transpose_lhs_hint = false} : vector<512x32xbf16>, vector<512x32xbf16>, vector<512x512xf32> -> vector<512x512xf32>
    %slice3A_126 = vector.extract_strided_slice %dot_general3A_125 {offsets = [0, 0], sizes = [128, 128], strides = [1, 1]} : vector<512x512xf32> to vector<128x128xf32>
    %slice3A_127 = vector.extract_strided_slice %dot_general3A_125 {offsets = [128, 128], sizes = [128, 128], strides = [1, 1]} : vector<512x512xf32> to vector<128x128xf32>
    %slice3A_128 = vector.extract_strided_slice %dot_general3A_125 {offsets = [256, 256], sizes = [128, 128], strides = [1, 1]} : vector<512x512xf32> to vector<128x128xf32>
    %slice3A_129 = vector.extract_strided_slice %dot_general3A_125 {offsets = [384, 384], sizes = [128, 128], strides = [1, 1]} : vector<512x512xf32> to vector<128x128xf32>
    %concatenate3A_130 = tpu.concatenate %slice3A_126, %slice3A_127, %slice3A_128, %slice3A_129 in 0 : vector<128x128xf32>, vector<128x128xf32>, vector<128x128xf32>, vector<128x128xf32> -> vector<512x128xf32>
    %exp3A_131 = math.exp %concatenate3A_130 : vector<512x128xf32>
    %jit3A_132 = arith.constant 0.000000e+00 : f32
    %broadcast_in_dim3A_133 = vector.broadcast %jit3A_132 : f32 to vector<512x128xf32>
    %select_n3A_134 = arith.select %concatenate3A_73, %exp3A_131, %broadcast_in_dim3A_133 : vector<512x128xi1>, vector<512x128xf32>
    %reduce_sum3A_135 = arith.constant dense<0.000000e+00> : vector<512xf32>
    %reduce_sum3A_136 = vector.multi_reduction <add>, %select_n3A_134, %reduce_sum3A_135 [1] : vector<512x128xf32> to vector<512xf32>
    %broadcast_in_dim3A_137 = vector.shape_cast %reduce_sum3A_136 : vector<512xf32> to vector<512x1xf32>
    %div3A_138 = arith.constant 1.000000e+00 : f32
    %div3A_139 = vector.broadcast %div3A_138 : f32 to vector<512x1xf32>
    %div3A_140 = arith.divf %div3A_139, %broadcast_in_dim3A_137 : vector<512x1xf32>
    %mul3A_141 = vector.broadcast %div3A_140 : vector<512x1xf32> to vector<512x128xf32>
    %mul3A_142 = arith.mulf %select_n3A_134, %mul3A_141 : vector<512x128xf32>
    %slice3A_143 = vector.extract_strided_slice %mul3A_142 {offsets = [0, 0], sizes = [128, 128], strides = [1, 1]} : vector<512x128xf32> to vector<128x128xf32>
    %convert_element_type3A_144 = arith.truncf %slice3A_143 : vector<128x128xf32> to vector<128x128xbf16>
    %slice3A_145 = vector.extract_strided_slice %slice3A_121 {offsets = [0, 0], sizes = [128, 32], strides = [1, 1]} : vector<512x32xf32> to vector<128x32xf32>
    %convert_element_type3A_146 = arith.truncf %slice3A_145 : vector<128x32xf32> to vector<128x32xbf16>
    %dot_general3A_147 = arith.constant dense<0.000000e+00> : vector<128x32xf32>
    %dot_general3A_148 = tpu.matmul %convert_element_type3A_144, %convert_element_type3A_146, %dot_general3A_147 {dimension_numbers = #tpu.dot_dimension_numbers<[1], [0], [0], [1], [0, 0, 1, 1], [], []>, transpose_lhs_hint = false} : vector<128x128xbf16>, vector<128x32xbf16>, vector<128x32xf32> -> vector<128x32xf32>
    %slice3A_149 = vector.extract_strided_slice %mul3A_142 {offsets = [128, 0], sizes = [128, 128], strides = [1, 1]} : vector<512x128xf32> to vector<128x128xf32>
    %convert_element_type3A_150 = arith.truncf %slice3A_149 : vector<128x128xf32> to vector<128x128xbf16>
    %slice3A_151 = vector.extract_strided_slice %slice3A_121 {offsets = [128, 0], sizes = [128, 32], strides = [1, 1]} : vector<512x32xf32> to vector<128x32xf32>
    %convert_element_type3A_152 = arith.truncf %slice3A_151 : vector<128x32xf32> to vector<128x32xbf16>
    %dot_general3A_153 = arith.constant dense<0.000000e+00> : vector<128x32xf32>
    %dot_general3A_154 = tpu.matmul %convert_element_type3A_150, %convert_element_type3A_152, %dot_general3A_153 {dimension_numbers = #tpu.dot_dimension_numbers<[1], [0], [0], [1], [0, 0, 1, 1], [], []>, transpose_lhs_hint = false} : vector<128x128xbf16>, vector<128x32xbf16>, vector<128x32xf32> -> vector<128x32xf32>
    %slice3A_155 = vector.extract_strided_slice %mul3A_142 {offsets = [256, 0], sizes = [128, 128], strides = [1, 1]} : vector<512x128xf32> to vector<128x128xf32>
    %convert_element_type3A_156 = arith.truncf %slice3A_155 : vector<128x128xf32> to vector<128x128xbf16>
    %slice3A_157 = vector.extract_strided_slice %slice3A_121 {offsets = [256, 0], sizes = [128, 32], strides = [1, 1]} : vector<512x32xf32> to vector<128x32xf32>
    %convert_element_type3A_158 = arith.truncf %slice3A_157 : vector<128x32xf32> to vector<128x32xbf16>
    %dot_general3A_159 = arith.constant dense<0.000000e+00> : vector<128x32xf32>
    %dot_general3A_160 = tpu.matmul %convert_element_type3A_156, %convert_element_type3A_158, %dot_general3A_159 {dimension_numbers = #tpu.dot_dimension_numbers<[1], [0], [0], [1], [0, 0, 1, 1], [], []>, transpose_lhs_hint = false} : vector<128x128xbf16>, vector<128x32xbf16>, vector<128x32xf32> -> vector<128x32xf32>
    %slice3A_161 = vector.extract_strided_slice %mul3A_142 {offsets = [384, 0], sizes = [128, 128], strides = [1, 1]} : vector<512x128xf32> to vector<128x128xf32>
    %convert_element_type3A_162 = arith.truncf %slice3A_161 : vector<128x128xf32> to vector<128x128xbf16>
    %slice3A_163 = vector.extract_strided_slice %slice3A_121 {offsets = [384, 0], sizes = [128, 32], strides = [1, 1]} : vector<512x32xf32> to vector<128x32xf32>
    %convert_element_type3A_164 = arith.truncf %slice3A_163 : vector<128x32xf32> to vector<128x32xbf16>
    %dot_general3A_165 = arith.constant dense<0.000000e+00> : vector<128x32xf32>
    %dot_general3A_166 = tpu.matmul %convert_element_type3A_162, %convert_element_type3A_164, %dot_general3A_165 {dimension_numbers = #tpu.dot_dimension_numbers<[1], [0], [0], [1], [0, 0, 1, 1], [], []>, transpose_lhs_hint = false} : vector<128x128xbf16>, vector<128x32xbf16>, vector<128x32xf32> -> vector<128x32xf32>
    %concatenate3A_167 = tpu.concatenate %dot_general3A_148, %dot_general3A_154, %dot_general3A_160, %dot_general3A_166 in 0 : vector<128x32xf32>, vector<128x32xf32>, vector<128x32xf32>, vector<128x32xf32> -> vector<512x32xf32>
    %slice3A_168 = vector.extract_strided_slice %mul3A_50 {offsets = [0, 64], sizes = [512, 32], strides = [1, 1]} : vector<512x256xf32> to vector<512x32xf32>
    %slice3A_169 = vector.extract_strided_slice %dot_general3A_39 {offsets = [0, 64], sizes = [512, 32], strides = [1, 1]} : vector<512x256xf32> to vector<512x32xf32>
    %slice3A_170 = vector.extract_strided_slice %dot_general3A_44 {offsets = [0, 64], sizes = [512, 32], strides = [1, 1]} : vector<512x256xf32> to vector<512x32xf32>
    %convert_element_type3A_171 = arith.truncf %slice3A_168 : vector<512x32xf32> to vector<512x32xbf16>
    %convert_element_type3A_172 = arith.truncf %slice3A_169 : vector<512x32xf32> to vector<512x32xbf16>
    %dot_general3A_173 = arith.constant dense<0.000000e+00> : vector<512x512xf32>
    %dot_general3A_174 = tpu.matmul %convert_element_type3A_171, %convert_element_type3A_172, %dot_general3A_173 {dimension_numbers = #tpu.dot_dimension_numbers<[1], [1], [0], [0], [0, 0, 1, 0], [], []>, transpose_lhs_hint = false} : vector<512x32xbf16>, vector<512x32xbf16>, vector<512x512xf32> -> vector<512x512xf32>
    %slice3A_175 = vector.extract_strided_slice %dot_general3A_174 {offsets = [0, 0], sizes = [128, 128], strides = [1, 1]} : vector<512x512xf32> to vector<128x128xf32>
    %slice3A_176 = vector.extract_strided_slice %dot_general3A_174 {offsets = [128, 128], sizes = [128, 128], strides = [1, 1]} : vector<512x512xf32> to vector<128x128xf32>
    %slice3A_177 = vector.extract_strided_slice %dot_general3A_174 {offsets = [256, 256], sizes = [128, 128], strides = [1, 1]} : vector<512x512xf32> to vector<128x128xf32>
    %slice3A_178 = vector.extract_strided_slice %dot_general3A_174 {offsets = [384, 384], sizes = [128, 128], strides = [1, 1]} : vector<512x512xf32> to vector<128x128xf32>
    %concatenate3A_179 = tpu.concatenate %slice3A_175, %slice3A_176, %slice3A_177, %slice3A_178 in 0 : vector<128x128xf32>, vector<128x128xf32>, vector<128x128xf32>, vector<128x128xf32> -> vector<512x128xf32>
    %exp3A_180 = math.exp %concatenate3A_179 : vector<512x128xf32>
    %jit3A_181 = arith.constant 0.000000e+00 : f32
    %broadcast_in_dim3A_182 = vector.broadcast %jit3A_181 : f32 to vector<512x128xf32>
    %select_n3A_183 = arith.select %concatenate3A_73, %exp3A_180, %broadcast_in_dim3A_182 : vector<512x128xi1>, vector<512x128xf32>
    %reduce_sum3A_184 = arith.constant dense<0.000000e+00> : vector<512xf32>
    %reduce_sum3A_185 = vector.multi_reduction <add>, %select_n3A_183, %reduce_sum3A_184 [1] : vector<512x128xf32> to vector<512xf32>
    %broadcast_in_dim3A_186 = vector.shape_cast %reduce_sum3A_185 : vector<512xf32> to vector<512x1xf32>
    %div3A_187 = arith.constant 1.000000e+00 : f32
    %div3A_188 = vector.broadcast %div3A_187 : f32 to vector<512x1xf32>
    %div3A_189 = arith.divf %div3A_188, %broadcast_in_dim3A_186 : vector<512x1xf32>
    %mul3A_190 = vector.broadcast %div3A_189 : vector<512x1xf32> to vector<512x128xf32>
    %mul3A_191 = arith.mulf %select_n3A_183, %mul3A_190 : vector<512x128xf32>
    %slice3A_192 = vector.extract_strided_slice %mul3A_191 {offsets = [0, 0], sizes = [128, 128], strides = [1, 1]} : vector<512x128xf32> to vector<128x128xf32>
    %convert_element_type3A_193 = arith.truncf %slice3A_192 : vector<128x128xf32> to vector<128x128xbf16>
    %slice3A_194 = vector.extract_strided_slice %slice3A_170 {offsets = [0, 0], sizes = [128, 32], strides = [1, 1]} : vector<512x32xf32> to vector<128x32xf32>
    %convert_element_type3A_195 = arith.truncf %slice3A_194 : vector<128x32xf32> to vector<128x32xbf16>
    %dot_general3A_196 = arith.constant dense<0.000000e+00> : vector<128x32xf32>
    %dot_general3A_197 = tpu.matmul %convert_element_type3A_193, %convert_element_type3A_195, %dot_general3A_196 {dimension_numbers = #tpu.dot_dimension_numbers<[1], [0], [0], [1], [0, 0, 1, 1], [], []>, transpose_lhs_hint = false} : vector<128x128xbf16>, vector<128x32xbf16>, vector<128x32xf32> -> vector<128x32xf32>
    %slice3A_198 = vector.extract_strided_slice %mul3A_191 {offsets = [128, 0], sizes = [128, 128], strides = [1, 1]} : vector<512x128xf32> to vector<128x128xf32>
    %convert_element_type3A_199 = arith.truncf %slice3A_198 : vector<128x128xf32> to vector<128x128xbf16>
    %slice3A_200 = vector.extract_strided_slice %slice3A_170 {offsets = [128, 0], sizes = [128, 32], strides = [1, 1]} : vector<512x32xf32> to vector<128x32xf32>
    %convert_element_type3A_201 = arith.truncf %slice3A_200 : vector<128x32xf32> to vector<128x32xbf16>
    %dot_general3A_202 = arith.constant dense<0.000000e+00> : vector<128x32xf32>
    %dot_general3A_203 = tpu.matmul %convert_element_type3A_199, %convert_element_type3A_201, %dot_general3A_202 {dimension_numbers = #tpu.dot_dimension_numbers<[1], [0], [0], [1], [0, 0, 1, 1], [], []>, transpose_lhs_hint = false} : vector<128x128xbf16>, vector<128x32xbf16>, vector<128x32xf32> -> vector<128x32xf32>
    %slice3A_204 = vector.extract_strided_slice %mul3A_191 {offsets = [256, 0], sizes = [128, 128], strides = [1, 1]} : vector<512x128xf32> to vector<128x128xf32>
    %convert_element_type3A_205 = arith.truncf %slice3A_204 : vector<128x128xf32> to vector<128x128xbf16>
    %slice3A_206 = vector.extract_strided_slice %slice3A_170 {offsets = [256, 0], sizes = [128, 32], strides = [1, 1]} : vector<512x32xf32> to vector<128x32xf32>
    %convert_element_type3A_207 = arith.truncf %slice3A_206 : vector<128x32xf32> to vector<128x32xbf16>
    %dot_general3A_208 = arith.constant dense<0.000000e+00> : vector<128x32xf32>
    %dot_general3A_209 = tpu.matmul %convert_element_type3A_205, %convert_element_type3A_207, %dot_general3A_208 {dimension_numbers = #tpu.dot_dimension_numbers<[1], [0], [0], [1], [0, 0, 1, 1], [], []>, transpose_lhs_hint = false} : vector<128x128xbf16>, vector<128x32xbf16>, vector<128x32xf32> -> vector<128x32xf32>
    %slice3A_210 = vector.extract_strided_slice %mul3A_191 {offsets = [384, 0], sizes = [128, 128], strides = [1, 1]} : vector<512x128xf32> to vector<128x128xf32>
    %convert_element_type3A_211 = arith.truncf %slice3A_210 : vector<128x128xf32> to vector<128x128xbf16>
    %slice3A_212 = vector.extract_strided_slice %slice3A_170 {offsets = [384, 0], sizes = [128, 32], strides = [1, 1]} : vector<512x32xf32> to vector<128x32xf32>
    %convert_element_type3A_213 = arith.truncf %slice3A_212 : vector<128x32xf32> to vector<128x32xbf16>
    %dot_general3A_214 = arith.constant dense<0.000000e+00> : vector<128x32xf32>
    %dot_general3A_215 = tpu.matmul %convert_element_type3A_211, %convert_element_type3A_213, %dot_general3A_214 {dimension_numbers = #tpu.dot_dimension_numbers<[1], [0], [0], [1], [0, 0, 1, 1], [], []>, transpose_lhs_hint = false} : vector<128x128xbf16>, vector<128x32xbf16>, vector<128x32xf32> -> vector<128x32xf32>
    %concatenate3A_216 = tpu.concatenate %dot_general3A_197, %dot_general3A_203, %dot_general3A_209, %dot_general3A_215 in 0 : vector<128x32xf32>, vector<128x32xf32>, vector<128x32xf32>, vector<128x32xf32> -> vector<512x32xf32>
    %slice3A_217 = vector.extract_strided_slice %mul3A_50 {offsets = [0, 96], sizes = [512, 32], strides = [1, 1]} : vector<512x256xf32> to vector<512x32xf32>
    %slice3A_218 = vector.extract_strided_slice %dot_general3A_39 {offsets = [0, 96], sizes = [512, 32], strides = [1, 1]} : vector<512x256xf32> to vector<512x32xf32>
    %slice3A_219 = vector.extract_strided_slice %dot_general3A_44 {offsets = [0, 96], sizes = [512, 32], strides = [1, 1]} : vector<512x256xf32> to vector<512x32xf32>
    %convert_element_type3A_220 = arith.truncf %slice3A_217 : vector<512x32xf32> to vector<512x32xbf16>
    %convert_element_type3A_221 = arith.truncf %slice3A_218 : vector<512x32xf32> to vector<512x32xbf16>
    %dot_general3A_222 = arith.constant dense<0.000000e+00> : vector<512x512xf32>
    %dot_general3A_223 = tpu.matmul %convert_element_type3A_220, %convert_element_type3A_221, %dot_general3A_222 {dimension_numbers = #tpu.dot_dimension_numbers<[1], [1], [0], [0], [0, 0, 1, 0], [], []>, transpose_lhs_hint = false} : vector<512x32xbf16>, vector<512x32xbf16>, vector<512x512xf32> -> vector<512x512xf32>
    %slice3A_224 = vector.extract_strided_slice %dot_general3A_223 {offsets = [0, 0], sizes = [128, 128], strides = [1, 1]} : vector<512x512xf32> to vector<128x128xf32>
    %slice3A_225 = vector.extract_strided_slice %dot_general3A_223 {offsets = [128, 128], sizes = [128, 128], strides = [1, 1]} : vector<512x512xf32> to vector<128x128xf32>
    %slice3A_226 = vector.extract_strided_slice %dot_general3A_223 {offsets = [256, 256], sizes = [128, 128], strides = [1, 1]} : vector<512x512xf32> to vector<128x128xf32>
    %slice3A_227 = vector.extract_strided_slice %dot_general3A_223 {offsets = [384, 384], sizes = [128, 128], strides = [1, 1]} : vector<512x512xf32> to vector<128x128xf32>
    %concatenate3A_228 = tpu.concatenate %slice3A_224, %slice3A_225, %slice3A_226, %slice3A_227 in 0 : vector<128x128xf32>, vector<128x128xf32>, vector<128x128xf32>, vector<128x128xf32> -> vector<512x128xf32>
    %exp3A_229 = math.exp %concatenate3A_228 : vector<512x128xf32>
    %jit3A_230 = arith.constant 0.000000e+00 : f32
    %broadcast_in_dim3A_231 = vector.broadcast %jit3A_230 : f32 to vector<512x128xf32>
    %select_n3A_232 = arith.select %concatenate3A_73, %exp3A_229, %broadcast_in_dim3A_231 : vector<512x128xi1>, vector<512x128xf32>
    %reduce_sum3A_233 = arith.constant dense<0.000000e+00> : vector<512xf32>
    %reduce_sum3A_234 = vector.multi_reduction <add>, %select_n3A_232, %reduce_sum3A_233 [1] : vector<512x128xf32> to vector<512xf32>
    %broadcast_in_dim3A_235 = vector.shape_cast %reduce_sum3A_234 : vector<512xf32> to vector<512x1xf32>
    %div3A_236 = arith.constant 1.000000e+00 : f32
    %div3A_237 = vector.broadcast %div3A_236 : f32 to vector<512x1xf32>
    %div3A_238 = arith.divf %div3A_237, %broadcast_in_dim3A_235 : vector<512x1xf32>
    %mul3A_239 = vector.broadcast %div3A_238 : vector<512x1xf32> to vector<512x128xf32>
    %mul3A_240 = arith.mulf %select_n3A_232, %mul3A_239 : vector<512x128xf32>
    %slice3A_241 = vector.extract_strided_slice %mul3A_240 {offsets = [0, 0], sizes = [128, 128], strides = [1, 1]} : vector<512x128xf32> to vector<128x128xf32>
    %convert_element_type3A_242 = arith.truncf %slice3A_241 : vector<128x128xf32> to vector<128x128xbf16>
    %slice3A_243 = vector.extract_strided_slice %slice3A_219 {offsets = [0, 0], sizes = [128, 32], strides = [1, 1]} : vector<512x32xf32> to vector<128x32xf32>
    %convert_element_type3A_244 = arith.truncf %slice3A_243 : vector<128x32xf32> to vector<128x32xbf16>
    %dot_general3A_245 = arith.constant dense<0.000000e+00> : vector<128x32xf32>
    %dot_general3A_246 = tpu.matmul %convert_element_type3A_242, %convert_element_type3A_244, %dot_general3A_245 {dimension_numbers = #tpu.dot_dimension_numbers<[1], [0], [0], [1], [0, 0, 1, 1], [], []>, transpose_lhs_hint = false} : vector<128x128xbf16>, vector<128x32xbf16>, vector<128x32xf32> -> vector<128x32xf32>
    %slice3A_247 = vector.extract_strided_slice %mul3A_240 {offsets = [128, 0], sizes = [128, 128], strides = [1, 1]} : vector<512x128xf32> to vector<128x128xf32>
    %convert_element_type3A_248 = arith.truncf %slice3A_247 : vector<128x128xf32> to vector<128x128xbf16>
    %slice3A_249 = vector.extract_strided_slice %slice3A_219 {offsets = [128, 0], sizes = [128, 32], strides = [1, 1]} : vector<512x32xf32> to vector<128x32xf32>
    %convert_element_type3A_250 = arith.truncf %slice3A_249 : vector<128x32xf32> to vector<128x32xbf16>
    %dot_general3A_251 = arith.constant dense<0.000000e+00> : vector<128x32xf32>
    %dot_general3A_252 = tpu.matmul %convert_element_type3A_248, %convert_element_type3A_250, %dot_general3A_251 {dimension_numbers = #tpu.dot_dimension_numbers<[1], [0], [0], [1], [0, 0, 1, 1], [], []>, transpose_lhs_hint = false} : vector<128x128xbf16>, vector<128x32xbf16>, vector<128x32xf32> -> vector<128x32xf32>
    %slice3A_253 = vector.extract_strided_slice %mul3A_240 {offsets = [256, 0], sizes = [128, 128], strides = [1, 1]} : vector<512x128xf32> to vector<128x128xf32>
    %convert_element_type3A_254 = arith.truncf %slice3A_253 : vector<128x128xf32> to vector<128x128xbf16>
    %slice3A_255 = vector.extract_strided_slice %slice3A_219 {offsets = [256, 0], sizes = [128, 32], strides = [1, 1]} : vector<512x32xf32> to vector<128x32xf32>
    %convert_element_type3A_256 = arith.truncf %slice3A_255 : vector<128x32xf32> to vector<128x32xbf16>
    %dot_general3A_257 = arith.constant dense<0.000000e+00> : vector<128x32xf32>
    %dot_general3A_258 = tpu.matmul %convert_element_type3A_254, %convert_element_type3A_256, %dot_general3A_257 {dimension_numbers = #tpu.dot_dimension_numbers<[1], [0], [0], [1], [0, 0, 1, 1], [], []>, transpose_lhs_hint = false} : vector<128x128xbf16>, vector<128x32xbf16>, vector<128x32xf32> -> vector<128x32xf32>
    %slice3A_259 = vector.extract_strided_slice %mul3A_240 {offsets = [384, 0], sizes = [128, 128], strides = [1, 1]} : vector<512x128xf32> to vector<128x128xf32>
    %convert_element_type3A_260 = arith.truncf %slice3A_259 : vector<128x128xf32> to vector<128x128xbf16>
    %slice3A_261 = vector.extract_strided_slice %slice3A_219 {offsets = [384, 0], sizes = [128, 32], strides = [1, 1]} : vector<512x32xf32> to vector<128x32xf32>
    %convert_element_type3A_262 = arith.truncf %slice3A_261 : vector<128x32xf32> to vector<128x32xbf16>
    %dot_general3A_263 = arith.constant dense<0.000000e+00> : vector<128x32xf32>
    %dot_general3A_264 = tpu.matmul %convert_element_type3A_260, %convert_element_type3A_262, %dot_general3A_263 {dimension_numbers = #tpu.dot_dimension_numbers<[1], [0], [0], [1], [0, 0, 1, 1], [], []>, transpose_lhs_hint = false} : vector<128x128xbf16>, vector<128x32xbf16>, vector<128x32xf32> -> vector<128x32xf32>
    %concatenate3A_265 = tpu.concatenate %dot_general3A_246, %dot_general3A_252, %dot_general3A_258, %dot_general3A_264 in 0 : vector<128x32xf32>, vector<128x32xf32>, vector<128x32xf32>, vector<128x32xf32> -> vector<512x32xf32>
    %slice3A_266 = vector.extract_strided_slice %mul3A_50 {offsets = [0, 128], sizes = [512, 32], strides = [1, 1]} : vector<512x256xf32> to vector<512x32xf32>
    %slice3A_267 = vector.extract_strided_slice %dot_general3A_39 {offsets = [0, 128], sizes = [512, 32], strides = [1, 1]} : vector<512x256xf32> to vector<512x32xf32>
    %slice3A_268 = vector.extract_strided_slice %dot_general3A_44 {offsets = [0, 128], sizes = [512, 32], strides = [1, 1]} : vector<512x256xf32> to vector<512x32xf32>
    %convert_element_type3A_269 = arith.truncf %slice3A_266 : vector<512x32xf32> to vector<512x32xbf16>
    %convert_element_type3A_270 = arith.truncf %slice3A_267 : vector<512x32xf32> to vector<512x32xbf16>
    %dot_general3A_271 = arith.constant dense<0.000000e+00> : vector<512x512xf32>
    %dot_general3A_272 = tpu.matmul %convert_element_type3A_269, %convert_element_type3A_270, %dot_general3A_271 {dimension_numbers = #tpu.dot_dimension_numbers<[1], [1], [0], [0], [0, 0, 1, 0], [], []>, transpose_lhs_hint = false} : vector<512x32xbf16>, vector<512x32xbf16>, vector<512x512xf32> -> vector<512x512xf32>
    %slice3A_273 = vector.extract_strided_slice %dot_general3A_272 {offsets = [0, 0], sizes = [128, 128], strides = [1, 1]} : vector<512x512xf32> to vector<128x128xf32>
    %slice3A_274 = vector.extract_strided_slice %dot_general3A_272 {offsets = [128, 128], sizes = [128, 128], strides = [1, 1]} : vector<512x512xf32> to vector<128x128xf32>
    %slice3A_275 = vector.extract_strided_slice %dot_general3A_272 {offsets = [256, 256], sizes = [128, 128], strides = [1, 1]} : vector<512x512xf32> to vector<128x128xf32>
    %slice3A_276 = vector.extract_strided_slice %dot_general3A_272 {offsets = [384, 384], sizes = [128, 128], strides = [1, 1]} : vector<512x512xf32> to vector<128x128xf32>
    %concatenate3A_277 = tpu.concatenate %slice3A_273, %slice3A_274, %slice3A_275, %slice3A_276 in 0 : vector<128x128xf32>, vector<128x128xf32>, vector<128x128xf32>, vector<128x128xf32> -> vector<512x128xf32>
    %exp3A_278 = math.exp %concatenate3A_277 : vector<512x128xf32>
    %jit3A_279 = arith.constant 0.000000e+00 : f32
    %broadcast_in_dim3A_280 = vector.broadcast %jit3A_279 : f32 to vector<512x128xf32>
    %select_n3A_281 = arith.select %concatenate3A_73, %exp3A_278, %broadcast_in_dim3A_280 : vector<512x128xi1>, vector<512x128xf32>
    %reduce_sum3A_282 = arith.constant dense<0.000000e+00> : vector<512xf32>
    %reduce_sum3A_283 = vector.multi_reduction <add>, %select_n3A_281, %reduce_sum3A_282 [1] : vector<512x128xf32> to vector<512xf32>
    %broadcast_in_dim3A_284 = vector.shape_cast %reduce_sum3A_283 : vector<512xf32> to vector<512x1xf32>
    %div3A_285 = arith.constant 1.000000e+00 : f32
    %div3A_286 = vector.broadcast %div3A_285 : f32 to vector<512x1xf32>
    %div3A_287 = arith.divf %div3A_286, %broadcast_in_dim3A_284 : vector<512x1xf32>
    %mul3A_288 = vector.broadcast %div3A_287 : vector<512x1xf32> to vector<512x128xf32>
    %mul3A_289 = arith.mulf %select_n3A_281, %mul3A_288 : vector<512x128xf32>
    %slice3A_290 = vector.extract_strided_slice %mul3A_289 {offsets = [0, 0], sizes = [128, 128], strides = [1, 1]} : vector<512x128xf32> to vector<128x128xf32>
    %convert_element_type3A_291 = arith.truncf %slice3A_290 : vector<128x128xf32> to vector<128x128xbf16>
    %slice3A_292 = vector.extract_strided_slice %slice3A_268 {offsets = [0, 0], sizes = [128, 32], strides = [1, 1]} : vector<512x32xf32> to vector<128x32xf32>
    %convert_element_type3A_293 = arith.truncf %slice3A_292 : vector<128x32xf32> to vector<128x32xbf16>
    %dot_general3A_294 = arith.constant dense<0.000000e+00> : vector<128x32xf32>
    %dot_general3A_295 = tpu.matmul %convert_element_type3A_291, %convert_element_type3A_293, %dot_general3A_294 {dimension_numbers = #tpu.dot_dimension_numbers<[1], [0], [0], [1], [0, 0, 1, 1], [], []>, transpose_lhs_hint = false} : vector<128x128xbf16>, vector<128x32xbf16>, vector<128x32xf32> -> vector<128x32xf32>
    %slice3A_296 = vector.extract_strided_slice %mul3A_289 {offsets = [128, 0], sizes = [128, 128], strides = [1, 1]} : vector<512x128xf32> to vector<128x128xf32>
    %convert_element_type3A_297 = arith.truncf %slice3A_296 : vector<128x128xf32> to vector<128x128xbf16>
    %slice3A_298 = vector.extract_strided_slice %slice3A_268 {offsets = [128, 0], sizes = [128, 32], strides = [1, 1]} : vector<512x32xf32> to vector<128x32xf32>
    %convert_element_type3A_299 = arith.truncf %slice3A_298 : vector<128x32xf32> to vector<128x32xbf16>
    %dot_general3A_300 = arith.constant dense<0.000000e+00> : vector<128x32xf32>
    %dot_general3A_301 = tpu.matmul %convert_element_type3A_297, %convert_element_type3A_299, %dot_general3A_300 {dimension_numbers = #tpu.dot_dimension_numbers<[1], [0], [0], [1], [0, 0, 1, 1], [], []>, transpose_lhs_hint = false} : vector<128x128xbf16>, vector<128x32xbf16>, vector<128x32xf32> -> vector<128x32xf32>
    %slice3A_302 = vector.extract_strided_slice %mul3A_289 {offsets = [256, 0], sizes = [128, 128], strides = [1, 1]} : vector<512x128xf32> to vector<128x128xf32>
    %convert_element_type3A_303 = arith.truncf %slice3A_302 : vector<128x128xf32> to vector<128x128xbf16>
    %slice3A_304 = vector.extract_strided_slice %slice3A_268 {offsets = [256, 0], sizes = [128, 32], strides = [1, 1]} : vector<512x32xf32> to vector<128x32xf32>
    %convert_element_type3A_305 = arith.truncf %slice3A_304 : vector<128x32xf32> to vector<128x32xbf16>
    %dot_general3A_306 = arith.constant dense<0.000000e+00> : vector<128x32xf32>
    %dot_general3A_307 = tpu.matmul %convert_element_type3A_303, %convert_element_type3A_305, %dot_general3A_306 {dimension_numbers = #tpu.dot_dimension_numbers<[1], [0], [0], [1], [0, 0, 1, 1], [], []>, transpose_lhs_hint = false} : vector<128x128xbf16>, vector<128x32xbf16>, vector<128x32xf32> -> vector<128x32xf32>
    %slice3A_308 = vector.extract_strided_slice %mul3A_289 {offsets = [384, 0], sizes = [128, 128], strides = [1, 1]} : vector<512x128xf32> to vector<128x128xf32>
    %convert_element_type3A_309 = arith.truncf %slice3A_308 : vector<128x128xf32> to vector<128x128xbf16>
    %slice3A_310 = vector.extract_strided_slice %slice3A_268 {offsets = [384, 0], sizes = [128, 32], strides = [1, 1]} : vector<512x32xf32> to vector<128x32xf32>
    %convert_element_type3A_311 = arith.truncf %slice3A_310 : vector<128x32xf32> to vector<128x32xbf16>
    %dot_general3A_312 = arith.constant dense<0.000000e+00> : vector<128x32xf32>
    %dot_general3A_313 = tpu.matmul %convert_element_type3A_309, %convert_element_type3A_311, %dot_general3A_312 {dimension_numbers = #tpu.dot_dimension_numbers<[1], [0], [0], [1], [0, 0, 1, 1], [], []>, transpose_lhs_hint = false} : vector<128x128xbf16>, vector<128x32xbf16>, vector<128x32xf32> -> vector<128x32xf32>
    %concatenate3A_314 = tpu.concatenate %dot_general3A_295, %dot_general3A_301, %dot_general3A_307, %dot_general3A_313 in 0 : vector<128x32xf32>, vector<128x32xf32>, vector<128x32xf32>, vector<128x32xf32> -> vector<512x32xf32>
    %slice3A_315 = vector.extract_strided_slice %mul3A_50 {offsets = [0, 160], sizes = [512, 32], strides = [1, 1]} : vector<512x256xf32> to vector<512x32xf32>
    %slice3A_316 = vector.extract_strided_slice %dot_general3A_39 {offsets = [0, 160], sizes = [512, 32], strides = [1, 1]} : vector<512x256xf32> to vector<512x32xf32>
    %slice3A_317 = vector.extract_strided_slice %dot_general3A_44 {offsets = [0, 160], sizes = [512, 32], strides = [1, 1]} : vector<512x256xf32> to vector<512x32xf32>
    %convert_element_type3A_318 = arith.truncf %slice3A_315 : vector<512x32xf32> to vector<512x32xbf16>
    %convert_element_type3A_319 = arith.truncf %slice3A_316 : vector<512x32xf32> to vector<512x32xbf16>
    %dot_general3A_320 = arith.constant dense<0.000000e+00> : vector<512x512xf32>
    %dot_general3A_321 = tpu.matmul %convert_element_type3A_318, %convert_element_type3A_319, %dot_general3A_320 {dimension_numbers = #tpu.dot_dimension_numbers<[1], [1], [0], [0], [0, 0, 1, 0], [], []>, transpose_lhs_hint = false} : vector<512x32xbf16>, vector<512x32xbf16>, vector<512x512xf32> -> vector<512x512xf32>
    %slice3A_322 = vector.extract_strided_slice %dot_general3A_321 {offsets = [0, 0], sizes = [128, 128], strides = [1, 1]} : vector<512x512xf32> to vector<128x128xf32>
    %slice3A_323 = vector.extract_strided_slice %dot_general3A_321 {offsets = [128, 128], sizes = [128, 128], strides = [1, 1]} : vector<512x512xf32> to vector<128x128xf32>
    %slice3A_324 = vector.extract_strided_slice %dot_general3A_321 {offsets = [256, 256], sizes = [128, 128], strides = [1, 1]} : vector<512x512xf32> to vector<128x128xf32>
    %slice3A_325 = vector.extract_strided_slice %dot_general3A_321 {offsets = [384, 384], sizes = [128, 128], strides = [1, 1]} : vector<512x512xf32> to vector<128x128xf32>
    %concatenate3A_326 = tpu.concatenate %slice3A_322, %slice3A_323, %slice3A_324, %slice3A_325 in 0 : vector<128x128xf32>, vector<128x128xf32>, vector<128x128xf32>, vector<128x128xf32> -> vector<512x128xf32>
    %exp3A_327 = math.exp %concatenate3A_326 : vector<512x128xf32>
    %jit3A_328 = arith.constant 0.000000e+00 : f32
    %broadcast_in_dim3A_329 = vector.broadcast %jit3A_328 : f32 to vector<512x128xf32>
    %select_n3A_330 = arith.select %concatenate3A_73, %exp3A_327, %broadcast_in_dim3A_329 : vector<512x128xi1>, vector<512x128xf32>
    %reduce_sum3A_331 = arith.constant dense<0.000000e+00> : vector<512xf32>
    %reduce_sum3A_332 = vector.multi_reduction <add>, %select_n3A_330, %reduce_sum3A_331 [1] : vector<512x128xf32> to vector<512xf32>
    %broadcast_in_dim3A_333 = vector.shape_cast %reduce_sum3A_332 : vector<512xf32> to vector<512x1xf32>
    %div3A_334 = arith.constant 1.000000e+00 : f32
    %div3A_335 = vector.broadcast %div3A_334 : f32 to vector<512x1xf32>
    %div3A_336 = arith.divf %div3A_335, %broadcast_in_dim3A_333 : vector<512x1xf32>
    %mul3A_337 = vector.broadcast %div3A_336 : vector<512x1xf32> to vector<512x128xf32>
    %mul3A_338 = arith.mulf %select_n3A_330, %mul3A_337 : vector<512x128xf32>
    %slice3A_339 = vector.extract_strided_slice %mul3A_338 {offsets = [0, 0], sizes = [128, 128], strides = [1, 1]} : vector<512x128xf32> to vector<128x128xf32>
    %convert_element_type3A_340 = arith.truncf %slice3A_339 : vector<128x128xf32> to vector<128x128xbf16>
    %slice3A_341 = vector.extract_strided_slice %slice3A_317 {offsets = [0, 0], sizes = [128, 32], strides = [1, 1]} : vector<512x32xf32> to vector<128x32xf32>
    %convert_element_type3A_342 = arith.truncf %slice3A_341 : vector<128x32xf32> to vector<128x32xbf16>
    %dot_general3A_343 = arith.constant dense<0.000000e+00> : vector<128x32xf32>
    %dot_general3A_344 = tpu.matmul %convert_element_type3A_340, %convert_element_type3A_342, %dot_general3A_343 {dimension_numbers = #tpu.dot_dimension_numbers<[1], [0], [0], [1], [0, 0, 1, 1], [], []>, transpose_lhs_hint = false} : vector<128x128xbf16>, vector<128x32xbf16>, vector<128x32xf32> -> vector<128x32xf32>
    %slice3A_345 = vector.extract_strided_slice %mul3A_338 {offsets = [128, 0], sizes = [128, 128], strides = [1, 1]} : vector<512x128xf32> to vector<128x128xf32>
    %convert_element_type3A_346 = arith.truncf %slice3A_345 : vector<128x128xf32> to vector<128x128xbf16>
    %slice3A_347 = vector.extract_strided_slice %slice3A_317 {offsets = [128, 0], sizes = [128, 32], strides = [1, 1]} : vector<512x32xf32> to vector<128x32xf32>
    %convert_element_type3A_348 = arith.truncf %slice3A_347 : vector<128x32xf32> to vector<128x32xbf16>
    %dot_general3A_349 = arith.constant dense<0.000000e+00> : vector<128x32xf32>
    %dot_general3A_350 = tpu.matmul %convert_element_type3A_346, %convert_element_type3A_348, %dot_general3A_349 {dimension_numbers = #tpu.dot_dimension_numbers<[1], [0], [0], [1], [0, 0, 1, 1], [], []>, transpose_lhs_hint = false} : vector<128x128xbf16>, vector<128x32xbf16>, vector<128x32xf32> -> vector<128x32xf32>
    %slice3A_351 = vector.extract_strided_slice %mul3A_338 {offsets = [256, 0], sizes = [128, 128], strides = [1, 1]} : vector<512x128xf32> to vector<128x128xf32>
    %convert_element_type3A_352 = arith.truncf %slice3A_351 : vector<128x128xf32> to vector<128x128xbf16>
    %slice3A_353 = vector.extract_strided_slice %slice3A_317 {offsets = [256, 0], sizes = [128, 32], strides = [1, 1]} : vector<512x32xf32> to vector<128x32xf32>
    %convert_element_type3A_354 = arith.truncf %slice3A_353 : vector<128x32xf32> to vector<128x32xbf16>
    %dot_general3A_355 = arith.constant dense<0.000000e+00> : vector<128x32xf32>
    %dot_general3A_356 = tpu.matmul %convert_element_type3A_352, %convert_element_type3A_354, %dot_general3A_355 {dimension_numbers = #tpu.dot_dimension_numbers<[1], [0], [0], [1], [0, 0, 1, 1], [], []>, transpose_lhs_hint = false} : vector<128x128xbf16>, vector<128x32xbf16>, vector<128x32xf32> -> vector<128x32xf32>
    %slice3A_357 = vector.extract_strided_slice %mul3A_338 {offsets = [384, 0], sizes = [128, 128], strides = [1, 1]} : vector<512x128xf32> to vector<128x128xf32>
    %convert_element_type3A_358 = arith.truncf %slice3A_357 : vector<128x128xf32> to vector<128x128xbf16>
    %slice3A_359 = vector.extract_strided_slice %slice3A_317 {offsets = [384, 0], sizes = [128, 32], strides = [1, 1]} : vector<512x32xf32> to vector<128x32xf32>
    %convert_element_type3A_360 = arith.truncf %slice3A_359 : vector<128x32xf32> to vector<128x32xbf16>
    %dot_general3A_361 = arith.constant dense<0.000000e+00> : vector<128x32xf32>
    %dot_general3A_362 = tpu.matmul %convert_element_type3A_358, %convert_element_type3A_360, %dot_general3A_361 {dimension_numbers = #tpu.dot_dimension_numbers<[1], [0], [0], [1], [0, 0, 1, 1], [], []>, transpose_lhs_hint = false} : vector<128x128xbf16>, vector<128x32xbf16>, vector<128x32xf32> -> vector<128x32xf32>
    %concatenate3A_363 = tpu.concatenate %dot_general3A_344, %dot_general3A_350, %dot_general3A_356, %dot_general3A_362 in 0 : vector<128x32xf32>, vector<128x32xf32>, vector<128x32xf32>, vector<128x32xf32> -> vector<512x32xf32>
    %slice3A_364 = vector.extract_strided_slice %mul3A_50 {offsets = [0, 192], sizes = [512, 32], strides = [1, 1]} : vector<512x256xf32> to vector<512x32xf32>
    %slice3A_365 = vector.extract_strided_slice %dot_general3A_39 {offsets = [0, 192], sizes = [512, 32], strides = [1, 1]} : vector<512x256xf32> to vector<512x32xf32>
    %slice3A_366 = vector.extract_strided_slice %dot_general3A_44 {offsets = [0, 192], sizes = [512, 32], strides = [1, 1]} : vector<512x256xf32> to vector<512x32xf32>
    %convert_element_type3A_367 = arith.truncf %slice3A_364 : vector<512x32xf32> to vector<512x32xbf16>
    %convert_element_type3A_368 = arith.truncf %slice3A_365 : vector<512x32xf32> to vector<512x32xbf16>
    %dot_general3A_369 = arith.constant dense<0.000000e+00> : vector<512x512xf32>
    %dot_general3A_370 = tpu.matmul %convert_element_type3A_367, %convert_element_type3A_368, %dot_general3A_369 {dimension_numbers = #tpu.dot_dimension_numbers<[1], [1], [0], [0], [0, 0, 1, 0], [], []>, transpose_lhs_hint = false} : vector<512x32xbf16>, vector<512x32xbf16>, vector<512x512xf32> -> vector<512x512xf32>
    %slice3A_371 = vector.extract_strided_slice %dot_general3A_370 {offsets = [0, 0], sizes = [128, 128], strides = [1, 1]} : vector<512x512xf32> to vector<128x128xf32>
    %slice3A_372 = vector.extract_strided_slice %dot_general3A_370 {offsets = [128, 128], sizes = [128, 128], strides = [1, 1]} : vector<512x512xf32> to vector<128x128xf32>
    %slice3A_373 = vector.extract_strided_slice %dot_general3A_370 {offsets = [256, 256], sizes = [128, 128], strides = [1, 1]} : vector<512x512xf32> to vector<128x128xf32>
    %slice3A_374 = vector.extract_strided_slice %dot_general3A_370 {offsets = [384, 384], sizes = [128, 128], strides = [1, 1]} : vector<512x512xf32> to vector<128x128xf32>
    %concatenate3A_375 = tpu.concatenate %slice3A_371, %slice3A_372, %slice3A_373, %slice3A_374 in 0 : vector<128x128xf32>, vector<128x128xf32>, vector<128x128xf32>, vector<128x128xf32> -> vector<512x128xf32>
    %exp3A_376 = math.exp %concatenate3A_375 : vector<512x128xf32>
    %jit3A_377 = arith.constant 0.000000e+00 : f32
    %broadcast_in_dim3A_378 = vector.broadcast %jit3A_377 : f32 to vector<512x128xf32>
    %select_n3A_379 = arith.select %concatenate3A_73, %exp3A_376, %broadcast_in_dim3A_378 : vector<512x128xi1>, vector<512x128xf32>
    %reduce_sum3A_380 = arith.constant dense<0.000000e+00> : vector<512xf32>
    %reduce_sum3A_381 = vector.multi_reduction <add>, %select_n3A_379, %reduce_sum3A_380 [1] : vector<512x128xf32> to vector<512xf32>
    %broadcast_in_dim3A_382 = vector.shape_cast %reduce_sum3A_381 : vector<512xf32> to vector<512x1xf32>
    %div3A_383 = arith.constant 1.000000e+00 : f32
    %div3A_384 = vector.broadcast %div3A_383 : f32 to vector<512x1xf32>
    %div3A_385 = arith.divf %div3A_384, %broadcast_in_dim3A_382 : vector<512x1xf32>
    %mul3A_386 = vector.broadcast %div3A_385 : vector<512x1xf32> to vector<512x128xf32>
    %mul3A_387 = arith.mulf %select_n3A_379, %mul3A_386 : vector<512x128xf32>
    %slice3A_388 = vector.extract_strided_slice %mul3A_387 {offsets = [0, 0], sizes = [128, 128], strides = [1, 1]} : vector<512x128xf32> to vector<128x128xf32>
    %convert_element_type3A_389 = arith.truncf %slice3A_388 : vector<128x128xf32> to vector<128x128xbf16>
    %slice3A_390 = vector.extract_strided_slice %slice3A_366 {offsets = [0, 0], sizes = [128, 32], strides = [1, 1]} : vector<512x32xf32> to vector<128x32xf32>
    %convert_element_type3A_391 = arith.truncf %slice3A_390 : vector<128x32xf32> to vector<128x32xbf16>
    %dot_general3A_392 = arith.constant dense<0.000000e+00> : vector<128x32xf32>
    %dot_general3A_393 = tpu.matmul %convert_element_type3A_389, %convert_element_type3A_391, %dot_general3A_392 {dimension_numbers = #tpu.dot_dimension_numbers<[1], [0], [0], [1], [0, 0, 1, 1], [], []>, transpose_lhs_hint = false} : vector<128x128xbf16>, vector<128x32xbf16>, vector<128x32xf32> -> vector<128x32xf32>
    %slice3A_394 = vector.extract_strided_slice %mul3A_387 {offsets = [128, 0], sizes = [128, 128], strides = [1, 1]} : vector<512x128xf32> to vector<128x128xf32>
    %convert_element_type3A_395 = arith.truncf %slice3A_394 : vector<128x128xf32> to vector<128x128xbf16>
    %slice3A_396 = vector.extract_strided_slice %slice3A_366 {offsets = [128, 0], sizes = [128, 32], strides = [1, 1]} : vector<512x32xf32> to vector<128x32xf32>
    %convert_element_type3A_397 = arith.truncf %slice3A_396 : vector<128x32xf32> to vector<128x32xbf16>
    %dot_general3A_398 = arith.constant dense<0.000000e+00> : vector<128x32xf32>
    %dot_general3A_399 = tpu.matmul %convert_element_type3A_395, %convert_element_type3A_397, %dot_general3A_398 {dimension_numbers = #tpu.dot_dimension_numbers<[1], [0], [0], [1], [0, 0, 1, 1], [], []>, transpose_lhs_hint = false} : vector<128x128xbf16>, vector<128x32xbf16>, vector<128x32xf32> -> vector<128x32xf32>
    %slice3A_400 = vector.extract_strided_slice %mul3A_387 {offsets = [256, 0], sizes = [128, 128], strides = [1, 1]} : vector<512x128xf32> to vector<128x128xf32>
    %convert_element_type3A_401 = arith.truncf %slice3A_400 : vector<128x128xf32> to vector<128x128xbf16>
    %slice3A_402 = vector.extract_strided_slice %slice3A_366 {offsets = [256, 0], sizes = [128, 32], strides = [1, 1]} : vector<512x32xf32> to vector<128x32xf32>
    %convert_element_type3A_403 = arith.truncf %slice3A_402 : vector<128x32xf32> to vector<128x32xbf16>
    %dot_general3A_404 = arith.constant dense<0.000000e+00> : vector<128x32xf32>
    %dot_general3A_405 = tpu.matmul %convert_element_type3A_401, %convert_element_type3A_403, %dot_general3A_404 {dimension_numbers = #tpu.dot_dimension_numbers<[1], [0], [0], [1], [0, 0, 1, 1], [], []>, transpose_lhs_hint = false} : vector<128x128xbf16>, vector<128x32xbf16>, vector<128x32xf32> -> vector<128x32xf32>
    %slice3A_406 = vector.extract_strided_slice %mul3A_387 {offsets = [384, 0], sizes = [128, 128], strides = [1, 1]} : vector<512x128xf32> to vector<128x128xf32>
    %convert_element_type3A_407 = arith.truncf %slice3A_406 : vector<128x128xf32> to vector<128x128xbf16>
    %slice3A_408 = vector.extract_strided_slice %slice3A_366 {offsets = [384, 0], sizes = [128, 32], strides = [1, 1]} : vector<512x32xf32> to vector<128x32xf32>
    %convert_element_type3A_409 = arith.truncf %slice3A_408 : vector<128x32xf32> to vector<128x32xbf16>
    %dot_general3A_410 = arith.constant dense<0.000000e+00> : vector<128x32xf32>
    %dot_general3A_411 = tpu.matmul %convert_element_type3A_407, %convert_element_type3A_409, %dot_general3A_410 {dimension_numbers = #tpu.dot_dimension_numbers<[1], [0], [0], [1], [0, 0, 1, 1], [], []>, transpose_lhs_hint = false} : vector<128x128xbf16>, vector<128x32xbf16>, vector<128x32xf32> -> vector<128x32xf32>
    %concatenate3A_412 = tpu.concatenate %dot_general3A_393, %dot_general3A_399, %dot_general3A_405, %dot_general3A_411 in 0 : vector<128x32xf32>, vector<128x32xf32>, vector<128x32xf32>, vector<128x32xf32> -> vector<512x32xf32>
    %slice3A_413 = vector.extract_strided_slice %mul3A_50 {offsets = [0, 224], sizes = [512, 32], strides = [1, 1]} : vector<512x256xf32> to vector<512x32xf32>
    %slice3A_414 = vector.extract_strided_slice %dot_general3A_39 {offsets = [0, 224], sizes = [512, 32], strides = [1, 1]} : vector<512x256xf32> to vector<512x32xf32>
    %slice3A_415 = vector.extract_strided_slice %dot_general3A_44 {offsets = [0, 224], sizes = [512, 32], strides = [1, 1]} : vector<512x256xf32> to vector<512x32xf32>
    %convert_element_type3A_416 = arith.truncf %slice3A_413 : vector<512x32xf32> to vector<512x32xbf16>
    %convert_element_type3A_417 = arith.truncf %slice3A_414 : vector<512x32xf32> to vector<512x32xbf16>
    %dot_general3A_418 = arith.constant dense<0.000000e+00> : vector<512x512xf32>
    %dot_general3A_419 = tpu.matmul %convert_element_type3A_416, %convert_element_type3A_417, %dot_general3A_418 {dimension_numbers = #tpu.dot_dimension_numbers<[1], [1], [0], [0], [0, 0, 1, 0], [], []>, transpose_lhs_hint = false} : vector<512x32xbf16>, vector<512x32xbf16>, vector<512x512xf32> -> vector<512x512xf32>
    %slice3A_420 = vector.extract_strided_slice %dot_general3A_419 {offsets = [0, 0], sizes = [128, 128], strides = [1, 1]} : vector<512x512xf32> to vector<128x128xf32>
    %slice3A_421 = vector.extract_strided_slice %dot_general3A_419 {offsets = [128, 128], sizes = [128, 128], strides = [1, 1]} : vector<512x512xf32> to vector<128x128xf32>
    %slice3A_422 = vector.extract_strided_slice %dot_general3A_419 {offsets = [256, 256], sizes = [128, 128], strides = [1, 1]} : vector<512x512xf32> to vector<128x128xf32>
    %slice3A_423 = vector.extract_strided_slice %dot_general3A_419 {offsets = [384, 384], sizes = [128, 128], strides = [1, 1]} : vector<512x512xf32> to vector<128x128xf32>
    %concatenate3A_424 = tpu.concatenate %slice3A_420, %slice3A_421, %slice3A_422, %slice3A_423 in 0 : vector<128x128xf32>, vector<128x128xf32>, vector<128x128xf32>, vector<128x128xf32> -> vector<512x128xf32>
    %exp3A_425 = math.exp %concatenate3A_424 : vector<512x128xf32>
    %jit3A_426 = arith.constant 0.000000e+00 : f32
    %broadcast_in_dim3A_427 = vector.broadcast %jit3A_426 : f32 to vector<512x128xf32>
    %select_n3A_428 = arith.select %concatenate3A_73, %exp3A_425, %broadcast_in_dim3A_427 : vector<512x128xi1>, vector<512x128xf32>
    %reduce_sum3A_429 = arith.constant dense<0.000000e+00> : vector<512xf32>
    %reduce_sum3A_430 = vector.multi_reduction <add>, %select_n3A_428, %reduce_sum3A_429 [1] : vector<512x128xf32> to vector<512xf32>
    %broadcast_in_dim3A_431 = vector.shape_cast %reduce_sum3A_430 : vector<512xf32> to vector<512x1xf32>
    %div3A_432 = arith.constant 1.000000e+00 : f32
    %div3A_433 = vector.broadcast %div3A_432 : f32 to vector<512x1xf32>
    %div3A_434 = arith.divf %div3A_433, %broadcast_in_dim3A_431 : vector<512x1xf32>
    %mul3A_435 = vector.broadcast %div3A_434 : vector<512x1xf32> to vector<512x128xf32>
    %mul3A_436 = arith.mulf %select_n3A_428, %mul3A_435 : vector<512x128xf32>
    %slice3A_437 = vector.extract_strided_slice %mul3A_436 {offsets = [0, 0], sizes = [128, 128], strides = [1, 1]} : vector<512x128xf32> to vector<128x128xf32>
    %convert_element_type3A_438 = arith.truncf %slice3A_437 : vector<128x128xf32> to vector<128x128xbf16>
    %slice3A_439 = vector.extract_strided_slice %slice3A_415 {offsets = [0, 0], sizes = [128, 32], strides = [1, 1]} : vector<512x32xf32> to vector<128x32xf32>
    %convert_element_type3A_440 = arith.truncf %slice3A_439 : vector<128x32xf32> to vector<128x32xbf16>
    %dot_general3A_441 = arith.constant dense<0.000000e+00> : vector<128x32xf32>
    %dot_general3A_442 = tpu.matmul %convert_element_type3A_438, %convert_element_type3A_440, %dot_general3A_441 {dimension_numbers = #tpu.dot_dimension_numbers<[1], [0], [0], [1], [0, 0, 1, 1], [], []>, transpose_lhs_hint = false} : vector<128x128xbf16>, vector<128x32xbf16>, vector<128x32xf32> -> vector<128x32xf32>
    %slice3A_443 = vector.extract_strided_slice %mul3A_436 {offsets = [128, 0], sizes = [128, 128], strides = [1, 1]} : vector<512x128xf32> to vector<128x128xf32>
    %convert_element_type3A_444 = arith.truncf %slice3A_443 : vector<128x128xf32> to vector<128x128xbf16>
    %slice3A_445 = vector.extract_strided_slice %slice3A_415 {offsets = [128, 0], sizes = [128, 32], strides = [1, 1]} : vector<512x32xf32> to vector<128x32xf32>
    %convert_element_type3A_446 = arith.truncf %slice3A_445 : vector<128x32xf32> to vector<128x32xbf16>
    %dot_general3A_447 = arith.constant dense<0.000000e+00> : vector<128x32xf32>
    %dot_general3A_448 = tpu.matmul %convert_element_type3A_444, %convert_element_type3A_446, %dot_general3A_447 {dimension_numbers = #tpu.dot_dimension_numbers<[1], [0], [0], [1], [0, 0, 1, 1], [], []>, transpose_lhs_hint = false} : vector<128x128xbf16>, vector<128x32xbf16>, vector<128x32xf32> -> vector<128x32xf32>
    %slice3A_449 = vector.extract_strided_slice %mul3A_436 {offsets = [256, 0], sizes = [128, 128], strides = [1, 1]} : vector<512x128xf32> to vector<128x128xf32>
    %convert_element_type3A_450 = arith.truncf %slice3A_449 : vector<128x128xf32> to vector<128x128xbf16>
    %slice3A_451 = vector.extract_strided_slice %slice3A_415 {offsets = [256, 0], sizes = [128, 32], strides = [1, 1]} : vector<512x32xf32> to vector<128x32xf32>
    %convert_element_type3A_452 = arith.truncf %slice3A_451 : vector<128x32xf32> to vector<128x32xbf16>
    %dot_general3A_453 = arith.constant dense<0.000000e+00> : vector<128x32xf32>
    %dot_general3A_454 = tpu.matmul %convert_element_type3A_450, %convert_element_type3A_452, %dot_general3A_453 {dimension_numbers = #tpu.dot_dimension_numbers<[1], [0], [0], [1], [0, 0, 1, 1], [], []>, transpose_lhs_hint = false} : vector<128x128xbf16>, vector<128x32xbf16>, vector<128x32xf32> -> vector<128x32xf32>
    %slice3A_455 = vector.extract_strided_slice %mul3A_436 {offsets = [384, 0], sizes = [128, 128], strides = [1, 1]} : vector<512x128xf32> to vector<128x128xf32>
    %convert_element_type3A_456 = arith.truncf %slice3A_455 : vector<128x128xf32> to vector<128x128xbf16>
    %slice3A_457 = vector.extract_strided_slice %slice3A_415 {offsets = [384, 0], sizes = [128, 32], strides = [1, 1]} : vector<512x32xf32> to vector<128x32xf32>
    %convert_element_type3A_458 = arith.truncf %slice3A_457 : vector<128x32xf32> to vector<128x32xbf16>
    %dot_general3A_459 = arith.constant dense<0.000000e+00> : vector<128x32xf32>
    %dot_general3A_460 = tpu.matmul %convert_element_type3A_456, %convert_element_type3A_458, %dot_general3A_459 {dimension_numbers = #tpu.dot_dimension_numbers<[1], [0], [0], [1], [0, 0, 1, 1], [], []>, transpose_lhs_hint = false} : vector<128x128xbf16>, vector<128x32xbf16>, vector<128x32xf32> -> vector<128x32xf32>
    %concatenate3A_461 = tpu.concatenate %dot_general3A_442, %dot_general3A_448, %dot_general3A_454, %dot_general3A_460 in 0 : vector<128x32xf32>, vector<128x32xf32>, vector<128x32xf32>, vector<128x32xf32> -> vector<512x32xf32>
    %concatenate3A_462 = tpu.concatenate %concatenate3A_118, %concatenate3A_167, %concatenate3A_216, %concatenate3A_265, %concatenate3A_314, %concatenate3A_363, %concatenate3A_412, %concatenate3A_461 in 1 : vector<512x32xf32>, vector<512x32xf32>, vector<512x32xf32>, vector<512x32xf32>, vector<512x32xf32>, vector<512x32xf32>, vector<512x32xf32>, vector<512x32xf32> -> vector<512x256xf32>
    %convert_element_type3A_463 = arith.truncf %concatenate3A_462 : vector<512x256xf32> to vector<512x256xbf16>
    %get3A_464 = arith.constant 0 : index
    %get3A_465 = arith.constant 0 : index
    %get3A_466 = vector.load %arg8[%get3A_464, %get3A_465] : memref<256x256xbf16, #tpu.memory_space<vmem>>, vector<256x256xbf16>
    %dot_general3A_467 = arith.constant dense<0.000000e+00> : vector<512x256xf32>
    %dot_general3A_468 = tpu.matmul %convert_element_type3A_463, %get3A_466, %dot_general3A_467 {dimension_numbers = #tpu.dot_dimension_numbers<[1], [0], [0], [1], [0, 0, 1, 1], [], []>, transpose_lhs_hint = false} : vector<512x256xbf16>, vector<256x256xbf16>, vector<512x256xf32> -> vector<512x256xf32>
    %add3A_469 = arith.addf %mul3A_29, %dot_general3A_468 : vector<512x256xf32>
    %get3A_470 = arith.constant 0 : index
    %get3A_471 = arith.constant 0 : index
    %get3A_472 = vector.load %arg9[%get3A_470, %get3A_471] : memref<1x256xf32, #tpu.memory_space<vmem>>, vector<1x256xf32>
    %get3A_473 = arith.constant 0 : index
    %get3A_474 = arith.constant 0 : index
    %get3A_475 = vector.load %arg10[%get3A_473, %get3A_474] : memref<1x256xf32, #tpu.memory_space<vmem>>, vector<1x256xf32>
    %reduce_sum3A_476 = arith.constant dense<0.000000e+00> : vector<512xf32>
    %reduce_sum3A_477 = vector.multi_reduction <add>, %add3A_469, %reduce_sum3A_476 [1] : vector<512x256xf32> to vector<512xf32>
    %broadcast_in_dim3A_478 = vector.shape_cast %reduce_sum3A_477 : vector<512xf32> to vector<512x1xf32>
    %div3A_479 = arith.constant 2.560000e+02 : f32
    %div3A_480 = vector.broadcast %div3A_479 : f32 to vector<512x1xf32>
    %div3A_481 = arith.divf %broadcast_in_dim3A_478, %div3A_480 : vector<512x1xf32>
    %sub3A = vector.broadcast %div3A_481 : vector<512x1xf32> to vector<512x256xf32>
    %sub3A_482 = arith.subf %add3A_469, %sub3A : vector<512x256xf32>
    %mul3A_483 = arith.mulf %sub3A_482, %sub3A_482 : vector<512x256xf32>
    %reduce_sum3A_484 = arith.constant dense<0.000000e+00> : vector<512xf32>
    %reduce_sum3A_485 = vector.multi_reduction <add>, %mul3A_483, %reduce_sum3A_484 [1] : vector<512x256xf32> to vector<512xf32>
    %broadcast_in_dim3A_486 = vector.shape_cast %reduce_sum3A_485 : vector<512xf32> to vector<512x1xf32>
    %div3A_487 = arith.constant 2.560000e+02 : f32
    %div3A_488 = vector.broadcast %div3A_487 : f32 to vector<512x1xf32>
    %div3A_489 = arith.divf %broadcast_in_dim3A_486, %div3A_488 : vector<512x1xf32>
    %add3A_490 = arith.constant 9.99999974E-6 : f32
    %add3A_491 = vector.broadcast %add3A_490 : f32 to vector<512x1xf32>
    %add3A_492 = arith.addf %div3A_489, %add3A_491 : vector<512x1xf32>
    %rsqrt3A = math.rsqrt %add3A_492 : vector<512x1xf32>
    %mul3A_493 = vector.broadcast %rsqrt3A : vector<512x1xf32> to vector<512x256xf32>
    %mul3A_494 = arith.mulf %sub3A_482, %mul3A_493 : vector<512x256xf32>
    %mul3A_495 = vector.broadcast %get3A_472 : vector<1x256xf32> to vector<512x256xf32>
    %mul3A_496 = arith.mulf %mul3A_494, %mul3A_495 : vector<512x256xf32>
    %add3A_497 = vector.broadcast %get3A_475 : vector<1x256xf32> to vector<512x256xf32>
    %add3A_498 = arith.addf %mul3A_496, %add3A_497 : vector<512x256xf32>
    %convert_element_type3A_499 = arith.truncf %add3A_498 : vector<512x256xf32> to vector<512x256xbf16>
    %get3A_500 = arith.constant 0 : index
    %get3A_501 = arith.constant 0 : index
    %get3A_502 = vector.load %arg11[%get3A_500, %get3A_501] : memref<256x1024xbf16, #tpu.memory_space<vmem>>, vector<256x1024xbf16>
    %dot_general3A_503 = arith.constant dense<0.000000e+00> : vector<512x1024xf32>
    %dot_general3A_504 = tpu.matmul %convert_element_type3A_499, %get3A_502, %dot_general3A_503 {dimension_numbers = #tpu.dot_dimension_numbers<[1], [0], [0], [1], [0, 0, 1, 1], [], []>, transpose_lhs_hint = false} : vector<512x256xbf16>, vector<256x1024xbf16>, vector<512x1024xf32> -> vector<512x1024xf32>
    %get3A_505 = arith.constant 0 : index
    %get3A_506 = arith.constant 0 : index
    %get3A_507 = vector.load %arg12[%get3A_505, %get3A_506] : memref<1x1024xf32, #tpu.memory_space<vmem>>, vector<1x1024xf32>
    %add3A_508 = vector.broadcast %get3A_507 : vector<1x1024xf32> to vector<512x1024xf32>
    %add3A_509 = arith.addf %dot_general3A_504, %add3A_508 : vector<512x1024xf32>
    %max3A = arith.constant 0.000000e+00 : f32
    %max3A_510 = vector.broadcast %max3A : f32 to vector<512x1024xf32>
    %max3A_511 = arith.maximumf %add3A_509, %max3A_510 : vector<512x1024xf32>
    %convert_element_type3A_512 = arith.truncf %max3A_511 : vector<512x1024xf32> to vector<512x1024xbf16>
    %get3A_513 = arith.constant 0 : index
    %get3A_514 = arith.constant 0 : index
    %get3A_515 = vector.load %arg13[%get3A_513, %get3A_514] : memref<1024x256xbf16, #tpu.memory_space<vmem>>, vector<1024x256xbf16>
    %dot_general3A_516 = arith.constant dense<0.000000e+00> : vector<512x256xf32>
    %dot_general3A_517 = tpu.matmul %convert_element_type3A_512, %get3A_515, %dot_general3A_516 {dimension_numbers = #tpu.dot_dimension_numbers<[1], [0], [0], [1], [0, 0, 1, 1], [], []>, transpose_lhs_hint = false} : vector<512x1024xbf16>, vector<1024x256xbf16>, vector<512x256xf32> -> vector<512x256xf32>
    %get3A_518 = arith.constant 0 : index
    %get3A_519 = arith.constant 0 : index
    %get3A_520 = vector.load %arg14[%get3A_518, %get3A_519] : memref<1x256xf32, #tpu.memory_space<vmem>>, vector<1x256xf32>
    %add3A_521 = vector.broadcast %get3A_520 : vector<1x256xf32> to vector<512x256xf32>
    %add3A_522 = arith.addf %dot_general3A_517, %add3A_521 : vector<512x256xf32>
    %add3A_523 = arith.addf %add3A_498, %add3A_522 : vector<512x256xf32>
    %get3A_524 = arith.constant 0 : index
    %get3A_525 = arith.constant 0 : index
    %get3A_526 = vector.load %arg15[%get3A_524, %get3A_525] : memref<1x256xf32, #tpu.memory_space<vmem>>, vector<1x256xf32>
    %get3A_527 = arith.constant 0 : index
    %get3A_528 = arith.constant 0 : index
    %get3A_529 = vector.load %arg16[%get3A_527, %get3A_528] : memref<1x256xf32, #tpu.memory_space<vmem>>, vector<1x256xf32>
    %reduce_sum3A_530 = arith.constant dense<0.000000e+00> : vector<512xf32>
    %reduce_sum3A_531 = vector.multi_reduction <add>, %add3A_523, %reduce_sum3A_530 [1] : vector<512x256xf32> to vector<512xf32>
    %broadcast_in_dim3A_532 = vector.shape_cast %reduce_sum3A_531 : vector<512xf32> to vector<512x1xf32>
    %div3A_533 = arith.constant 2.560000e+02 : f32
    %div3A_534 = vector.broadcast %div3A_533 : f32 to vector<512x1xf32>
    %div3A_535 = arith.divf %broadcast_in_dim3A_532, %div3A_534 : vector<512x1xf32>
    %sub3A_536 = vector.broadcast %div3A_535 : vector<512x1xf32> to vector<512x256xf32>
    %sub3A_537 = arith.subf %add3A_523, %sub3A_536 : vector<512x256xf32>
    %mul3A_538 = arith.mulf %sub3A_537, %sub3A_537 : vector<512x256xf32>
    %reduce_sum3A_539 = arith.constant dense<0.000000e+00> : vector<512xf32>
    %reduce_sum3A_540 = vector.multi_reduction <add>, %mul3A_538, %reduce_sum3A_539 [1] : vector<512x256xf32> to vector<512xf32>
    %broadcast_in_dim3A_541 = vector.shape_cast %reduce_sum3A_540 : vector<512xf32> to vector<512x1xf32>
    %div3A_542 = arith.constant 2.560000e+02 : f32
    %div3A_543 = vector.broadcast %div3A_542 : f32 to vector<512x1xf32>
    %div3A_544 = arith.divf %broadcast_in_dim3A_541, %div3A_543 : vector<512x1xf32>
    %add3A_545 = arith.constant 9.99999974E-6 : f32
    %add3A_546 = vector.broadcast %add3A_545 : f32 to vector<512x1xf32>
    %add3A_547 = arith.addf %div3A_544, %add3A_546 : vector<512x1xf32>
    %rsqrt3A_548 = math.rsqrt %add3A_547 : vector<512x1xf32>
    %mul3A_549 = vector.broadcast %rsqrt3A_548 : vector<512x1xf32> to vector<512x256xf32>
    %mul3A_550 = arith.mulf %sub3A_537, %mul3A_549 : vector<512x256xf32>
    %mul3A_551 = vector.broadcast %get3A_526 : vector<1x256xf32> to vector<512x256xf32>
    %mul3A_552 = arith.mulf %mul3A_550, %mul3A_551 : vector<512x256xf32>
    %add3A_553 = vector.broadcast %get3A_529 : vector<1x256xf32> to vector<512x256xf32>
    %add3A_554 = arith.addf %mul3A_552, %add3A_553 : vector<512x256xf32>
    %mul3A_555 = vector.broadcast %convert_element_type3A_16 : vector<512x1xf32> to vector<512x256xf32>
    %mul3A_556 = arith.mulf %add3A_554, %mul3A_555 : vector<512x256xf32>
    %swap3A = arith.constant 0 : index
    %swap3A_557 = arith.constant 0 : index
    %swap3A_558 = arith.constant 0 : index
    %swap3A_559 = vector.load %arg17[%swap3A, %swap3A_557, %swap3A_558] : memref<1x512x256xf32, #tpu.memory_space<vmem>>, vector<1x512x256xf32>
    %swap3A_560 = vector.shape_cast %swap3A_559 : vector<1x512x256xf32> to vector<512x256xf32>
    %swap3A_561 = vector.shape_cast %mul3A_556 : vector<512x256xf32> to vector<1x512x256xf32>
    tpu.vector_store %arg17[%swap3A, %swap3A_557, %swap3A_558], %swap3A_561 {strides = array<i32>} : memref<1x512x256xf32, #tpu.memory_space<vmem>>, vector<1x512x256xf32>,
    %iota3A = tpu.iota {dimensions = array<i32: 0>} : vector<8x512xi32>
    %iota3A_562 = tpu.iota {dimensions = array<i32: 1>} : vector<8x512xi32>
    %jit3A_563 = arith.constant 128 : i32
    %div3A_564 = vector.broadcast %jit3A_563 : i32 to vector<8x512xi32>
    %div3A_565 = arith.divsi %iota3A_562, %div3A_564 : vector<8x512xi32>
    %sign3A = arith.constant 0 : i32
    %sign3A_566 = vector.broadcast %sign3A : i32 to vector<8x512xi32>
    %sign3A_567 = arith.cmpi sgt, %iota3A_562, %sign3A_566 : vector<8x512xi32>
    %sign3A_568 = arith.extui %sign3A_567 : vector<8x512xi1> to vector<8x512xi32>
    %sign3A_569 = arith.constant 0 : i32
    %sign3A_570 = vector.broadcast %sign3A_569 : i32 to vector<8x512xi32>
    %sign3A_571 = arith.cmpi slt, %iota3A_562, %sign3A_570 : vector<8x512xi32>
    %sign3A_572 = arith.extui %sign3A_571 : vector<8x512xi1> to vector<8x512xi32>
    %sign3A_573 = arith.subi %sign3A_568, %sign3A_572 : vector<8x512xi32>
    %sign3A_574 = arith.constant 0 : i32
    %sign3A_575 = arith.cmpi sgt, %jit3A_563, %sign3A_574 : i32
    %sign3A_576 = arith.extui %sign3A_575 : i1 to i32
    %sign3A_577 = arith.constant 0 : i32
    %sign3A_578 = arith.cmpi slt, %jit3A_563, %sign3A_577 : i32
    %sign3A_579 = arith.extui %sign3A_578 : i1 to i32
    %sign3A_580 = arith.subi %sign3A_576, %sign3A_579 : i32
    %ne3A_581 = vector.broadcast %sign3A_580 : i32 to vector<8x512xi32>
    %ne3A_582 = arith.cmpi ne, %sign3A_573, %ne3A_581 : vector<8x512xi32>
    %rem3A = vector.broadcast %jit3A_563 : i32 to vector<8x512xi32>
    %rem3A_583 = arith.remsi %iota3A_562, %rem3A : vector<8x512xi32>
    %ne3A_584 = arith.constant 0 : i32
    %ne3A_585 = vector.broadcast %ne3A_584 : i32 to vector<8x512xi32>
    %ne3A_586 = arith.cmpi ne, %rem3A_583, %ne3A_585 : vector<8x512xi32>
    %and3A = arith.andi %ne3A_582, %ne3A_586 : vector<8x512xi1>
    %sub3A_587 = arith.constant 1 : i32
    %sub3A_588 = vector.broadcast %sub3A_587 : i32 to vector<8x512xi32>
    %sub3A_589 = arith.subi %div3A_565, %sub3A_588 : vector<8x512xi32>
    %select_n3A_590 = arith.select %and3A, %sub3A_589, %div3A_565 : vector<8x512xi1>, vector<8x512xi32>
    %eq3A = arith.cmpi eq, %iota3A, %select_n3A_590 : vector<8x512xi32>
    %convert_element_type3A_591 = arith.extui %eq3A : vector<8x512xi1> to vector<8x512xi32>
    %convert_element_type3A_592 = arith.sitofp %convert_element_type3A_591 : vector<8x512xi32> to vector<8x512xf32>
    %dot_general3A_593 = arith.constant dense<0.000000e+00> : vector<8x256xf32>
    %dot_general3A_594 = tpu.matmul %convert_element_type3A_592, %mul3A_556, %dot_general3A_593 {dimension_numbers = #tpu.dot_dimension_numbers<[1], [0], [0], [1], [0, 0, 1, 1], [], []>, transpose_lhs_hint = false} : vector<8x512xf32>, vector<512x256xf32>, vector<8x256xf32> -> vector<8x256xf32>
    %mul3A_595 = vector.broadcast %convert_element_type3A_11 : vector<1x512xf32> to vector<8x512xf32>
    %mul3A_596 = arith.mulf %convert_element_type3A_592, %mul3A_595 : vector<8x512xf32>
    %reduce_sum3A_597 = arith.constant dense<0.000000e+00> : vector<8xf32>
    %reduce_sum3A_598 = vector.multi_reduction <add>, %mul3A_596, %reduce_sum3A_597 [1] : vector<8x512xf32> to vector<8xf32>
    %broadcast_in_dim3A_599 = vector.shape_cast %reduce_sum3A_598 : vector<8xf32> to vector<8x1xf32>
    %max3A_600 = arith.constant 1.000000e+00 : f32
    %max3A_601 = vector.broadcast %max3A_600 : f32 to vector<8x1xf32>
    %max3A_602 = arith.maximumf %broadcast_in_dim3A_599, %max3A_601 : vector<8x1xf32>
    %sqrt3A = math.sqrt %max3A_602 : vector<8x1xf32>
    %pow3A_603 = arith.constant 2.560000e+02 : f32
    %pow3A_604 = arith.constant 5.000000e-01 : f32
    %pow3A_605 = math.powf %pow3A_603, %pow3A_604 : f32
    %mul3A_606 = vector.broadcast %pow3A_605 : f32 to vector<8x1xf32>
    %mul3A_607 = arith.mulf %sqrt3A, %mul3A_606 : vector<8x1xf32>
    %div3A_608 = vector.broadcast %mul3A_607 : vector<8x1xf32> to vector<8x256xf32>
    %div3A_609 = arith.divf %dot_general3A_594, %div3A_608 : vector<8x256xf32>
    %swap3A_610 = arith.constant 0 : index
    %swap3A_611 = arith.constant 0 : index
    %swap3A_612 = arith.constant 0 : index
    %swap3A_613 = vector.load %arg18[%swap3A_610, %swap3A_611, %swap3A_612] : memref<1x8x256xf32, #tpu.memory_space<vmem>>, vector<1x8x256xf32>
    %swap3A_614 = vector.shape_cast %swap3A_613 : vector<1x8x256xf32> to vector<8x256xf32>
    %swap3A_615 = vector.shape_cast %div3A_609 : vector<8x256xf32> to vector<1x8x256xf32>
    tpu.vector_store %arg18[%swap3A_610, %swap3A_611, %swap3A_612], %swap3A_615 {strides = array<i32>} : memref<1x8x256xf32, #tpu.memory_space<vmem>>, vector<1x8x256xf32>,
    return
  }
  func.func @transform_0(%arg0: i32) -> (i32, i32, i32) {
    %c0_i32 = arith.constant 0 : i32
    %c0_i32_0 = arith.constant 0 : i32
    %c0_i32_1 = arith.constant 0 : i32
    return %arg0, %c0_i32, %c0_i32_0 : i32, i32, i32
  }
  func.func @transform_1(%arg0: i32) -> (i32, i32, i32) {
    %c0_i32 = arith.constant 0 : i32
    %c0_i32_0 = arith.constant 0 : i32
    %c0_i32_1 = arith.constant 0 : i32
    return %arg0, %c0_i32, %c0_i32_0 : i32, i32, i32
  }
  func.func @transform_2(%arg0: i32) -> (i32, i32, i32) {
    %c0_i32 = arith.constant 0 : i32
    %c0_i32_0 = arith.constant 0 : i32
    %c0_i32_1 = arith.constant 0 : i32
    return %arg0, %c0_i32, %c0_i32_0 : i32, i32, i32
  }
  func.func @transform_3(%arg0: i32) -> (i32, i32) {
    %c0_i32 = arith.constant 0 : i32
    %c0_i32_0 = arith.constant 0 : i32
    %c0_i32_1 = arith.constant 0 : i32
    return %c0_i32, %c0_i32_0 : i32, i32
  }
  func.func @transform_4(%arg0: i32) -> (i32, i32) {
    %c0_i32 = arith.constant 0 : i32
    %c0_i32_0 = arith.constant 0 : i32
    %c0_i32_1 = arith.constant 0 : i32
    return %c0_i32, %c0_i32_0 : i32, i32
  }
  func.func @transform_5(%arg0: i32) -> (i32, i32) {
    %c0_i32 = arith.constant 0 : i32
    %c0_i32_0 = arith.constant 0 : i32
    %c0_i32_1 = arith.constant 0 : i32
    return %c0_i32, %c0_i32_0 : i32, i32
  }
  func.func @transform_6(%arg0: i32) -> (i32, i32) {
    %c0_i32 = arith.constant 0 : i32
    %c0_i32_0 = arith.constant 0 : i32
    %c0_i32_1 = arith.constant 0 : i32
    return %c0_i32, %c0_i32_0 : i32, i32
  }
  func.func @transform_7(%arg0: i32) -> (i32, i32) {
    %c0_i32 = arith.constant 0 : i32
    %c0_i32_0 = arith.constant 0 : i32
    %c0_i32_1 = arith.constant 0 : i32
    return %c0_i32, %c0_i32_0 : i32, i32
  }
  func.func @transform_8(%arg0: i32) -> (i32, i32) {
    %c0_i32 = arith.constant 0 : i32
    %c0_i32_0 = arith.constant 0 : i32
    %c0_i32_1 = arith.constant 0 : i32
    return %c0_i32, %c0_i32_0 : i32, i32
  }
  func.func @transform_9(%arg0: i32) -> (i32, i32) {
    %c0_i32 = arith.constant 0 : i32
    %c0_i32_0 = arith.constant 0 : i32
    %c0_i32_1 = arith.constant 0 : i32
    return %c0_i32, %c0_i32_0 : i32, i32
  }
  func.func @transform_10(%arg0: i32) -> (i32, i32) {
    %c0_i32 = arith.constant 0 : i32
    %c0_i32_0 = arith.constant 0 : i32
    %c0_i32_1 = arith.constant 0 : i32
    return %c0_i32, %c0_i32_0 : i32, i32
  }
  func.func @transform_11(%arg0: i32) -> (i32, i32) {
    %c0_i32 = arith.constant 0 : i32
    %c0_i32_0 = arith.constant 0 : i32
    %c0_i32_1 = arith.constant 0 : i32
    return %c0_i32, %c0_i32_0 : i32, i32
  }
  func.func @transform_12(%arg0: i32) -> (i32, i32) {
    %c0_i32 = arith.constant 0 : i32
    %c0_i32_0 = arith.constant 0 : i32
    %c0_i32_1 = arith.constant 0 : i32
    return %c0_i32, %c0_i32_0 : i32, i32
  }
  func.func @transform_13(%arg0: i32) -> (i32, i32) {
    %c0_i32 = arith.constant 0 : i32
    %c0_i32_0 = arith.constant 0 : i32
    %c0_i32_1 = arith.constant 0 : i32
    return %c0_i32, %c0_i32_0 : i32, i32
  }
  func.func @transform_14(%arg0: i32) -> (i32, i32) {
    %c0_i32 = arith.constant 0 : i32
    %c0_i32_0 = arith.constant 0 : i32
    %c0_i32_1 = arith.constant 0 : i32
    return %c0_i32, %c0_i32_0 : i32, i32
  }
  func.func @transform_15(%arg0: i32) -> (i32, i32) {
    %c0_i32 = arith.constant 0 : i32
    %c0_i32_0 = arith.constant 0 : i32
    %c0_i32_1 = arith.constant 0 : i32
    return %c0_i32, %c0_i32_0 : i32, i32
  }
  func.func @transform_16(%arg0: i32) -> (i32, i32, i32) {
    %c0_i32 = arith.constant 0 : i32
    %c0_i32_0 = arith.constant 0 : i32
    %c0_i32_1 = arith.constant 0 : i32
    return %arg0, %c0_i32, %c0_i32_0 : i32, i32, i32
  }
  func.func @transform_17(%arg0: i32) -> (i32, i32, i32) {
    %c0_i32 = arith.constant 0 : i32
    %c0_i32_0 = arith.constant 0 : i32
    %c0_i32_1 = arith.constant 0 : i32
    return %arg0, %c0_i32, %c0_i32_0 : i32, i32, i32
  }
}

module attributes {stable_mosaic.version = 14 : i64} {
  func.func @_encoder_body(%arg0: i32, %arg1: memref<1x512x256xf32, #tpu.memory_space<vmem>>, %arg2: memref<1x1x512xi32, #tpu.memory_space<vmem>>, %arg3: memref<1x512x1xi32, #tpu.memory_space<vmem>>, %arg4: memref<512x256xf32, #tpu.memory_space<vmem>>, %arg5: memref<256x256xbf16, #tpu.memory_space<vmem>>, %arg6: memref<256x256xbf16, #tpu.memory_space<vmem>>, %arg7: memref<256x256xbf16, #tpu.memory_space<vmem>>, %arg8: memref<256x256xbf16, #tpu.memory_space<vmem>>, %arg9: memref<1x256xf32, #tpu.memory_space<vmem>>, %arg10: memref<1x256xf32, #tpu.memory_space<vmem>>, %arg11: memref<256x1024xbf16, #tpu.memory_space<vmem>>, %arg12: memref<1x1024xf32, #tpu.memory_space<vmem>>, %arg13: memref<1024x256xbf16, #tpu.memory_space<vmem>>, %arg14: memref<1x256xf32, #tpu.memory_space<vmem>>, %arg15: memref<1x256xf32, #tpu.memory_space<vmem>>, %arg16: memref<1x256xf32, #tpu.memory_space<vmem>>, %arg17: memref<1x512x256xf32, #tpu.memory_space<vmem>>, %arg18: memref<1x8x256xf32, #tpu.memory_space<vmem>>) attributes {dimension_semantics = [#tpu.dimension_semantics<arbitrary>], iteration_bounds = array<i64: 8>, scalar_prefetch = 0 : i64, scratch_operands = 0 : i64, tpu.core_type = #tpu.core_type<tc>, window_params = [{transform_indices = @transform_0, window_bounds = array<i64: 1, 512, 256>}, {transform_indices = @transform_1, window_bounds = array<i64: 1, 1, 512>}, {transform_indices = @transform_2, window_bounds = array<i64: 1, 512, 1>}, {pipeline_mode = #tpu.pipeline_mode<synchronous>, transform_indices = @transform_3, window_bounds = array<i64: 512, 256>}, {pipeline_mode = #tpu.pipeline_mode<synchronous>, transform_indices = @transform_4, window_bounds = array<i64: 256, 256>}, {pipeline_mode = #tpu.pipeline_mode<synchronous>, transform_indices = @transform_5, window_bounds = array<i64: 256, 256>}, {pipeline_mode = #tpu.pipeline_mode<synchronous>, transform_indices = @transform_6, window_bounds = array<i64: 256, 256>}, {pipeline_mode = #tpu.pipeline_mode<synchronous>, transform_indices = @transform_7, window_bounds = array<i64: 256, 256>}, {pipeline_mode = #tpu.pipeline_mode<synchronous>, transform_indices = @transform_8, window_bounds = array<i64: 1, 256>}, {pipeline_mode = #tpu.pipeline_mode<synchronous>, transform_indices = @transform_9, window_bounds = array<i64: 1, 256>}, {pipeline_mode = #tpu.pipeline_mode<synchronous>, transform_indices = @transform_10, window_bounds = array<i64: 256, 1024>}, {pipeline_mode = #tpu.pipeline_mode<synchronous>, transform_indices = @transform_11, window_bounds = array<i64: 1, 1024>}, {pipeline_mode = #tpu.pipeline_mode<synchronous>, transform_indices = @transform_12, window_bounds = array<i64: 1024, 256>}, {pipeline_mode = #tpu.pipeline_mode<synchronous>, transform_indices = @transform_13, window_bounds = array<i64: 1, 256>}, {pipeline_mode = #tpu.pipeline_mode<synchronous>, transform_indices = @transform_14, window_bounds = array<i64: 1, 256>}, {pipeline_mode = #tpu.pipeline_mode<synchronous>, transform_indices = @transform_15, window_bounds = array<i64: 1, 256>}, {transform_indices = @transform_16, window_bounds = array<i64: 1, 512, 256>}, {transform_indices = @transform_17, window_bounds = array<i64: 1, 8, 256>}]} {
    %get3A = arith.constant 0 : index
    %get3A_0 = arith.constant 0 : index
    %get3A_1 = arith.constant 0 : index
    %get3A_2 = vector.load %arg2[%get3A, %get3A_0, %get3A_1] : memref<1x1x512xi32, #tpu.memory_space<vmem>>, vector<1x1x512xi32>
    %get3A_3 = vector.shape_cast %get3A_2 : vector<1x1x512xi32> to vector<1x512xi32>
    %get3A_4 = arith.constant 0 : index
    %get3A_5 = arith.constant 0 : index
    %get3A_6 = arith.constant 0 : index
    %get3A_7 = vector.load %arg3[%get3A_4, %get3A_5, %get3A_6] : memref<1x512x1xi32, #tpu.memory_space<vmem>>, vector<1x512x1xi32>
    %get3A_8 = vector.shape_cast %get3A_7 : vector<1x512x1xi32> to vector<512x1xi32>
    %ne3A = arith.constant 0 : i32
    %ne3A_9 = vector.broadcast %ne3A : i32 to vector<1x512xi32>
    %ne3A_10 = arith.cmpi ne, %get3A_3, %ne3A_9 : vector<1x512xi32>
    %convert_element_type3A = arith.extui %ne3A_10 : vector<1x512xi1> to vector<1x512xi32>
    %convert_element_type3A_11 = arith.sitofp %convert_element_type3A : vector<1x512xi32> to vector<1x512xf32>
    %ne3A_12 = arith.constant 0 : i32
    %ne3A_13 = vector.broadcast %ne3A_12 : i32 to vector<512x1xi32>
    %ne3A_14 = arith.cmpi ne, %get3A_8, %ne3A_13 : vector<512x1xi32>
    %convert_element_type3A_15 = arith.extui %ne3A_14 : vector<512x1xi1> to vector<512x1xi32>
    %convert_element_type3A_16 = arith.sitofp %convert_element_type3A_15 : vector<512x1xi32> to vector<512x1xf32>
    %get3A_17 = arith.constant 0 : index
    %get3A_18 = arith.constant 0 : index
    %get3A_19 = vector.load %arg4[%get3A_17, %get3A_18] : memref<512x256xf32, #tpu.memory_space<vmem>>, vector<512x256xf32>
    %get3A_20 = arith.constant 0 : index
    %get3A_21 = arith.constant 0 : index
    %get3A_22 = arith.constant 0 : index
    %get3A_23 = vector.load %arg1[%get3A_20, %get3A_21, %get3A_22] : memref<1x512x256xf32, #tpu.memory_space<vmem>>, vector<1x512x256xf32>
    %get3A_24 = vector.shape_cast %get3A_23 : vector<1x512x256xf32> to vector<512x256xf32>
    %pow3A = arith.constant 2.560000e+02 : f32
    %pow3A_25 = arith.constant 5.000000e-01 : f32
    %pow3A_26 = math.powf %pow3A, %pow3A_25 : f32
    %mul3A = vector.broadcast %pow3A_26 : f32 to vector<512x256xf32>
    %mul3A_27 = arith.mulf %get3A_24, %mul3A : vector<512x256xf32>
    %add3A = arith.addf %mul3A_27, %get3A_19 : vector<512x256xf32>
    %mul3A_28 = vector.broadcast %convert_element_type3A_16 : vector<512x1xf32> to vector<512x256xf32>
    %mul3A_29 = arith.mulf %add3A, %mul3A_28 : vector<512x256xf32>
    %convert_element_type3A_30 = arith.truncf %mul3A_29 : vector<512x256xf32> to vector<512x256xbf16>
    %get3A_31 = arith.constant 0 : index
    %get3A_32 = arith.constant 0 : index
    %get3A_33 = vector.load %arg5[%get3A_31, %get3A_32] : memref<256x256xbf16, #tpu.memory_space<vmem>>, vector<256x256xbf16>
    %dot_general3A = arith.constant dense<0.000000e+00> : vector<512x256xf32>
    %dot_general3A_34 = tpu.matmul %convert_element_type3A_30, %get3A_33, %dot_general3A {dimension_numbers = #tpu.dot_dimension_numbers<[1], [0], [0], [1], [0, 0, 1, 1], [], []>, transpose_lhs_hint = false} : vector<512x256xbf16>, vector<256x256xbf16>, vector<512x256xf32> -> vector<512x256xf32>
    %get3A_35 = arith.constant 0 : index
    %get3A_36 = arith.constant 0 : index
    %get3A_37 = vector.load %arg6[%get3A_35, %get3A_36] : memref<256x256xbf16, #tpu.memory_space<vmem>>, vector<256x256xbf16>
    %dot_general3A_38 = arith.constant dense<0.000000e+00> : vector<512x256xf32>
    %dot_general3A_39 = tpu.matmul %convert_element_type3A_30, %get3A_37, %dot_general3A_38 {dimension_numbers = #tpu.dot_dimension_numbers<[1], [0], [0], [1], [0, 0, 1, 1], [], []>, transpose_lhs_hint = false} : vector<512x256xbf16>, vector<256x256xbf16>, vector<512x256xf32> -> vector<512x256xf32>
    %get3A_40 = arith.constant 0 : index
    %get3A_41 = arith.constant 0 : index
    %get3A_42 = vector.load %arg7[%get3A_40, %get3A_41] : memref<256x256xbf16, #tpu.memory_space<vmem>>, vector<256x256xbf16>
    %dot_general3A_43 = arith.constant dense<0.000000e+00> : vector<512x256xf32>
    %dot_general3A_44 = tpu.matmul %convert_element_type3A_30, %get3A_42, %dot_general3A_43 {dimension_numbers = #tpu.dot_dimension_numbers<[1], [0], [0], [1], [0, 0, 1, 1], [], []>, transpose_lhs_hint = false} : vector<512x256xbf16>, vector<256x256xbf16>, vector<512x256xf32> -> vector<512x256xf32>
    %pow3A_45 = arith.constant 3.200000e+01 : f32
    %pow3A_46 = arith.constant 5.000000e-01 : f32
    %pow3A_47 = math.powf %pow3A_45, %pow3A_46 : f32
    %div3A = arith.constant 1.000000e+00 : f32
    %div3A_48 = arith.divf %div3A, %pow3A_47 : f32
    %mul3A_49 = vector.broadcast %div3A_48 : f32 to vector<512x256xf32>
    %mul3A_50 = arith.mulf %dot_general3A_34, %mul3A_49 : vector<512x256xf32>
    %ne3A_51 = arith.constant 0 : i32
    %ne3A_52 = vector.broadcast %ne3A_51 : i32 to vector<1x512xi32>
    %ne3A_53 = arith.cmpi ne, %get3A_3, %ne3A_52 : vector<1x512xi32>
    %broadcast_in_dim3A = vector.shape_cast %ne3A_53 : vector<1x512xi1> to vector<1x512xi1>
    %broadcast_in_dim3A_54 = vector.broadcast %broadcast_in_dim3A : vector<1x512xi1> to vector<512x512xi1>
    %slice3A = vector.extract_strided_slice %mul3A_50 {offsets = [0, 0], sizes = [512, 32], strides = [1, 1]} : vector<512x256xf32> to vector<512x32xf32>
    %slice3A_55 = vector.extract_strided_slice %dot_general3A_39 {offsets = [0, 0], sizes = [512, 32], strides = [1, 1]} : vector<512x256xf32> to vector<512x32xf32>
    %slice3A_56 = vector.extract_strided_slice %dot_general3A_44 {offsets = [0, 0], sizes = [512, 32], strides = [1, 1]} : vector<512x256xf32> to vector<512x32xf32>
    %convert_element_type3A_57 = arith.truncf %slice3A : vector<512x32xf32> to vector<512x32xbf16>
    %convert_element_type3A_58 = arith.truncf %slice3A_55 : vector<512x32xf32> to vector<512x32xbf16>
    %dot_general3A_59 = arith.constant dense<0.000000e+00> : vector<512x512xf32>
    %dot_general3A_60 = tpu.matmul %convert_element_type3A_57, %convert_element_type3A_58, %dot_general3A_59 {dimension_numbers = #tpu.dot_dimension_numbers<[1], [1], [0], [0], [0, 0, 1, 0], [], []>, transpose_lhs_hint = false} : vector<512x32xbf16>, vector<512x32xbf16>, vector<512x512xf32> -> vector<512x512xf32>
    %exp3A = math.exp %dot_general3A_60 : vector<512x512xf32>
    %jit3A = arith.constant 0.000000e+00 : f32
    %broadcast_in_dim3A_61 = vector.broadcast %jit3A : f32 to vector<512x512xf32>
    %select_n3A = arith.select %broadcast_in_dim3A_54, %exp3A, %broadcast_in_dim3A_61 : vector<512x512xi1>, vector<512x512xf32>
    %reduce_sum3A = arith.constant dense<0.000000e+00> : vector<512xf32>
    %reduce_sum3A_62 = vector.multi_reduction <add>, %select_n3A, %reduce_sum3A [1] : vector<512x512xf32> to vector<512xf32>
    %broadcast_in_dim3A_63 = vector.shape_cast %reduce_sum3A_62 : vector<512xf32> to vector<512x1xf32>
    %div3A_64 = arith.constant 1.000000e+00 : f32
    %div3A_65 = vector.broadcast %div3A_64 : f32 to vector<512x1xf32>
    %div3A_66 = arith.divf %div3A_65, %broadcast_in_dim3A_63 : vector<512x1xf32>
    %mul3A_67 = vector.broadcast %div3A_66 : vector<512x1xf32> to vector<512x512xf32>
    %mul3A_68 = arith.mulf %select_n3A, %mul3A_67 : vector<512x512xf32>
    %convert_element_type3A_69 = arith.truncf %mul3A_68 : vector<512x512xf32> to vector<512x512xbf16>
    %convert_element_type3A_70 = arith.truncf %slice3A_56 : vector<512x32xf32> to vector<512x32xbf16>
    %dot_general3A_71 = arith.constant dense<0.000000e+00> : vector<512x32xf32>
    %dot_general3A_72 = tpu.matmul %convert_element_type3A_69, %convert_element_type3A_70, %dot_general3A_71 {dimension_numbers = #tpu.dot_dimension_numbers<[1], [0], [0], [1], [0, 0, 1, 1], [], []>, transpose_lhs_hint = false} : vector<512x512xbf16>, vector<512x32xbf16>, vector<512x32xf32> -> vector<512x32xf32>
    %slice3A_73 = vector.extract_strided_slice %mul3A_50 {offsets = [0, 32], sizes = [512, 32], strides = [1, 1]} : vector<512x256xf32> to vector<512x32xf32>
    %slice3A_74 = vector.extract_strided_slice %dot_general3A_39 {offsets = [0, 32], sizes = [512, 32], strides = [1, 1]} : vector<512x256xf32> to vector<512x32xf32>
    %slice3A_75 = vector.extract_strided_slice %dot_general3A_44 {offsets = [0, 32], sizes = [512, 32], strides = [1, 1]} : vector<512x256xf32> to vector<512x32xf32>
    %convert_element_type3A_76 = arith.truncf %slice3A_73 : vector<512x32xf32> to vector<512x32xbf16>
    %convert_element_type3A_77 = arith.truncf %slice3A_74 : vector<512x32xf32> to vector<512x32xbf16>
    %dot_general3A_78 = arith.constant dense<0.000000e+00> : vector<512x512xf32>
    %dot_general3A_79 = tpu.matmul %convert_element_type3A_76, %convert_element_type3A_77, %dot_general3A_78 {dimension_numbers = #tpu.dot_dimension_numbers<[1], [1], [0], [0], [0, 0, 1, 0], [], []>, transpose_lhs_hint = false} : vector<512x32xbf16>, vector<512x32xbf16>, vector<512x512xf32> -> vector<512x512xf32>
    %exp3A_80 = math.exp %dot_general3A_79 : vector<512x512xf32>
    %jit3A_81 = arith.constant 0.000000e+00 : f32
    %broadcast_in_dim3A_82 = vector.broadcast %jit3A_81 : f32 to vector<512x512xf32>
    %select_n3A_83 = arith.select %broadcast_in_dim3A_54, %exp3A_80, %broadcast_in_dim3A_82 : vector<512x512xi1>, vector<512x512xf32>
    %reduce_sum3A_84 = arith.constant dense<0.000000e+00> : vector<512xf32>
    %reduce_sum3A_85 = vector.multi_reduction <add>, %select_n3A_83, %reduce_sum3A_84 [1] : vector<512x512xf32> to vector<512xf32>
    %broadcast_in_dim3A_86 = vector.shape_cast %reduce_sum3A_85 : vector<512xf32> to vector<512x1xf32>
    %div3A_87 = arith.constant 1.000000e+00 : f32
    %div3A_88 = vector.broadcast %div3A_87 : f32 to vector<512x1xf32>
    %div3A_89 = arith.divf %div3A_88, %broadcast_in_dim3A_86 : vector<512x1xf32>
    %mul3A_90 = vector.broadcast %div3A_89 : vector<512x1xf32> to vector<512x512xf32>
    %mul3A_91 = arith.mulf %select_n3A_83, %mul3A_90 : vector<512x512xf32>
    %convert_element_type3A_92 = arith.truncf %mul3A_91 : vector<512x512xf32> to vector<512x512xbf16>
    %convert_element_type3A_93 = arith.truncf %slice3A_75 : vector<512x32xf32> to vector<512x32xbf16>
    %dot_general3A_94 = arith.constant dense<0.000000e+00> : vector<512x32xf32>
    %dot_general3A_95 = tpu.matmul %convert_element_type3A_92, %convert_element_type3A_93, %dot_general3A_94 {dimension_numbers = #tpu.dot_dimension_numbers<[1], [0], [0], [1], [0, 0, 1, 1], [], []>, transpose_lhs_hint = false} : vector<512x512xbf16>, vector<512x32xbf16>, vector<512x32xf32> -> vector<512x32xf32>
    %slice3A_96 = vector.extract_strided_slice %mul3A_50 {offsets = [0, 64], sizes = [512, 32], strides = [1, 1]} : vector<512x256xf32> to vector<512x32xf32>
    %slice3A_97 = vector.extract_strided_slice %dot_general3A_39 {offsets = [0, 64], sizes = [512, 32], strides = [1, 1]} : vector<512x256xf32> to vector<512x32xf32>
    %slice3A_98 = vector.extract_strided_slice %dot_general3A_44 {offsets = [0, 64], sizes = [512, 32], strides = [1, 1]} : vector<512x256xf32> to vector<512x32xf32>
    %convert_element_type3A_99 = arith.truncf %slice3A_96 : vector<512x32xf32> to vector<512x32xbf16>
    %convert_element_type3A_100 = arith.truncf %slice3A_97 : vector<512x32xf32> to vector<512x32xbf16>
    %dot_general3A_101 = arith.constant dense<0.000000e+00> : vector<512x512xf32>
    %dot_general3A_102 = tpu.matmul %convert_element_type3A_99, %convert_element_type3A_100, %dot_general3A_101 {dimension_numbers = #tpu.dot_dimension_numbers<[1], [1], [0], [0], [0, 0, 1, 0], [], []>, transpose_lhs_hint = false} : vector<512x32xbf16>, vector<512x32xbf16>, vector<512x512xf32> -> vector<512x512xf32>
    %exp3A_103 = math.exp %dot_general3A_102 : vector<512x512xf32>
    %jit3A_104 = arith.constant 0.000000e+00 : f32
    %broadcast_in_dim3A_105 = vector.broadcast %jit3A_104 : f32 to vector<512x512xf32>
    %select_n3A_106 = arith.select %broadcast_in_dim3A_54, %exp3A_103, %broadcast_in_dim3A_105 : vector<512x512xi1>, vector<512x512xf32>
    %reduce_sum3A_107 = arith.constant dense<0.000000e+00> : vector<512xf32>
    %reduce_sum3A_108 = vector.multi_reduction <add>, %select_n3A_106, %reduce_sum3A_107 [1] : vector<512x512xf32> to vector<512xf32>
    %broadcast_in_dim3A_109 = vector.shape_cast %reduce_sum3A_108 : vector<512xf32> to vector<512x1xf32>
    %div3A_110 = arith.constant 1.000000e+00 : f32
    %div3A_111 = vector.broadcast %div3A_110 : f32 to vector<512x1xf32>
    %div3A_112 = arith.divf %div3A_111, %broadcast_in_dim3A_109 : vector<512x1xf32>
    %mul3A_113 = vector.broadcast %div3A_112 : vector<512x1xf32> to vector<512x512xf32>
    %mul3A_114 = arith.mulf %select_n3A_106, %mul3A_113 : vector<512x512xf32>
    %convert_element_type3A_115 = arith.truncf %mul3A_114 : vector<512x512xf32> to vector<512x512xbf16>
    %convert_element_type3A_116 = arith.truncf %slice3A_98 : vector<512x32xf32> to vector<512x32xbf16>
    %dot_general3A_117 = arith.constant dense<0.000000e+00> : vector<512x32xf32>
    %dot_general3A_118 = tpu.matmul %convert_element_type3A_115, %convert_element_type3A_116, %dot_general3A_117 {dimension_numbers = #tpu.dot_dimension_numbers<[1], [0], [0], [1], [0, 0, 1, 1], [], []>, transpose_lhs_hint = false} : vector<512x512xbf16>, vector<512x32xbf16>, vector<512x32xf32> -> vector<512x32xf32>
    %slice3A_119 = vector.extract_strided_slice %mul3A_50 {offsets = [0, 96], sizes = [512, 32], strides = [1, 1]} : vector<512x256xf32> to vector<512x32xf32>
    %slice3A_120 = vector.extract_strided_slice %dot_general3A_39 {offsets = [0, 96], sizes = [512, 32], strides = [1, 1]} : vector<512x256xf32> to vector<512x32xf32>
    %slice3A_121 = vector.extract_strided_slice %dot_general3A_44 {offsets = [0, 96], sizes = [512, 32], strides = [1, 1]} : vector<512x256xf32> to vector<512x32xf32>
    %convert_element_type3A_122 = arith.truncf %slice3A_119 : vector<512x32xf32> to vector<512x32xbf16>
    %convert_element_type3A_123 = arith.truncf %slice3A_120 : vector<512x32xf32> to vector<512x32xbf16>
    %dot_general3A_124 = arith.constant dense<0.000000e+00> : vector<512x512xf32>
    %dot_general3A_125 = tpu.matmul %convert_element_type3A_122, %convert_element_type3A_123, %dot_general3A_124 {dimension_numbers = #tpu.dot_dimension_numbers<[1], [1], [0], [0], [0, 0, 1, 0], [], []>, transpose_lhs_hint = false} : vector<512x32xbf16>, vector<512x32xbf16>, vector<512x512xf32> -> vector<512x512xf32>
    %exp3A_126 = math.exp %dot_general3A_125 : vector<512x512xf32>
    %jit3A_127 = arith.constant 0.000000e+00 : f32
    %broadcast_in_dim3A_128 = vector.broadcast %jit3A_127 : f32 to vector<512x512xf32>
    %select_n3A_129 = arith.select %broadcast_in_dim3A_54, %exp3A_126, %broadcast_in_dim3A_128 : vector<512x512xi1>, vector<512x512xf32>
    %reduce_sum3A_130 = arith.constant dense<0.000000e+00> : vector<512xf32>
    %reduce_sum3A_131 = vector.multi_reduction <add>, %select_n3A_129, %reduce_sum3A_130 [1] : vector<512x512xf32> to vector<512xf32>
    %broadcast_in_dim3A_132 = vector.shape_cast %reduce_sum3A_131 : vector<512xf32> to vector<512x1xf32>
    %div3A_133 = arith.constant 1.000000e+00 : f32
    %div3A_134 = vector.broadcast %div3A_133 : f32 to vector<512x1xf32>
    %div3A_135 = arith.divf %div3A_134, %broadcast_in_dim3A_132 : vector<512x1xf32>
    %mul3A_136 = vector.broadcast %div3A_135 : vector<512x1xf32> to vector<512x512xf32>
    %mul3A_137 = arith.mulf %select_n3A_129, %mul3A_136 : vector<512x512xf32>
    %convert_element_type3A_138 = arith.truncf %mul3A_137 : vector<512x512xf32> to vector<512x512xbf16>
    %convert_element_type3A_139 = arith.truncf %slice3A_121 : vector<512x32xf32> to vector<512x32xbf16>
    %dot_general3A_140 = arith.constant dense<0.000000e+00> : vector<512x32xf32>
    %dot_general3A_141 = tpu.matmul %convert_element_type3A_138, %convert_element_type3A_139, %dot_general3A_140 {dimension_numbers = #tpu.dot_dimension_numbers<[1], [0], [0], [1], [0, 0, 1, 1], [], []>, transpose_lhs_hint = false} : vector<512x512xbf16>, vector<512x32xbf16>, vector<512x32xf32> -> vector<512x32xf32>
    %slice3A_142 = vector.extract_strided_slice %mul3A_50 {offsets = [0, 128], sizes = [512, 32], strides = [1, 1]} : vector<512x256xf32> to vector<512x32xf32>
    %slice3A_143 = vector.extract_strided_slice %dot_general3A_39 {offsets = [0, 128], sizes = [512, 32], strides = [1, 1]} : vector<512x256xf32> to vector<512x32xf32>
    %slice3A_144 = vector.extract_strided_slice %dot_general3A_44 {offsets = [0, 128], sizes = [512, 32], strides = [1, 1]} : vector<512x256xf32> to vector<512x32xf32>
    %convert_element_type3A_145 = arith.truncf %slice3A_142 : vector<512x32xf32> to vector<512x32xbf16>
    %convert_element_type3A_146 = arith.truncf %slice3A_143 : vector<512x32xf32> to vector<512x32xbf16>
    %dot_general3A_147 = arith.constant dense<0.000000e+00> : vector<512x512xf32>
    %dot_general3A_148 = tpu.matmul %convert_element_type3A_145, %convert_element_type3A_146, %dot_general3A_147 {dimension_numbers = #tpu.dot_dimension_numbers<[1], [1], [0], [0], [0, 0, 1, 0], [], []>, transpose_lhs_hint = false} : vector<512x32xbf16>, vector<512x32xbf16>, vector<512x512xf32> -> vector<512x512xf32>
    %exp3A_149 = math.exp %dot_general3A_148 : vector<512x512xf32>
    %jit3A_150 = arith.constant 0.000000e+00 : f32
    %broadcast_in_dim3A_151 = vector.broadcast %jit3A_150 : f32 to vector<512x512xf32>
    %select_n3A_152 = arith.select %broadcast_in_dim3A_54, %exp3A_149, %broadcast_in_dim3A_151 : vector<512x512xi1>, vector<512x512xf32>
    %reduce_sum3A_153 = arith.constant dense<0.000000e+00> : vector<512xf32>
    %reduce_sum3A_154 = vector.multi_reduction <add>, %select_n3A_152, %reduce_sum3A_153 [1] : vector<512x512xf32> to vector<512xf32>
    %broadcast_in_dim3A_155 = vector.shape_cast %reduce_sum3A_154 : vector<512xf32> to vector<512x1xf32>
    %div3A_156 = arith.constant 1.000000e+00 : f32
    %div3A_157 = vector.broadcast %div3A_156 : f32 to vector<512x1xf32>
    %div3A_158 = arith.divf %div3A_157, %broadcast_in_dim3A_155 : vector<512x1xf32>
    %mul3A_159 = vector.broadcast %div3A_158 : vector<512x1xf32> to vector<512x512xf32>
    %mul3A_160 = arith.mulf %select_n3A_152, %mul3A_159 : vector<512x512xf32>
    %convert_element_type3A_161 = arith.truncf %mul3A_160 : vector<512x512xf32> to vector<512x512xbf16>
    %convert_element_type3A_162 = arith.truncf %slice3A_144 : vector<512x32xf32> to vector<512x32xbf16>
    %dot_general3A_163 = arith.constant dense<0.000000e+00> : vector<512x32xf32>
    %dot_general3A_164 = tpu.matmul %convert_element_type3A_161, %convert_element_type3A_162, %dot_general3A_163 {dimension_numbers = #tpu.dot_dimension_numbers<[1], [0], [0], [1], [0, 0, 1, 1], [], []>, transpose_lhs_hint = false} : vector<512x512xbf16>, vector<512x32xbf16>, vector<512x32xf32> -> vector<512x32xf32>
    %slice3A_165 = vector.extract_strided_slice %mul3A_50 {offsets = [0, 160], sizes = [512, 32], strides = [1, 1]} : vector<512x256xf32> to vector<512x32xf32>
    %slice3A_166 = vector.extract_strided_slice %dot_general3A_39 {offsets = [0, 160], sizes = [512, 32], strides = [1, 1]} : vector<512x256xf32> to vector<512x32xf32>
    %slice3A_167 = vector.extract_strided_slice %dot_general3A_44 {offsets = [0, 160], sizes = [512, 32], strides = [1, 1]} : vector<512x256xf32> to vector<512x32xf32>
    %convert_element_type3A_168 = arith.truncf %slice3A_165 : vector<512x32xf32> to vector<512x32xbf16>
    %convert_element_type3A_169 = arith.truncf %slice3A_166 : vector<512x32xf32> to vector<512x32xbf16>
    %dot_general3A_170 = arith.constant dense<0.000000e+00> : vector<512x512xf32>
    %dot_general3A_171 = tpu.matmul %convert_element_type3A_168, %convert_element_type3A_169, %dot_general3A_170 {dimension_numbers = #tpu.dot_dimension_numbers<[1], [1], [0], [0], [0, 0, 1, 0], [], []>, transpose_lhs_hint = false} : vector<512x32xbf16>, vector<512x32xbf16>, vector<512x512xf32> -> vector<512x512xf32>
    %exp3A_172 = math.exp %dot_general3A_171 : vector<512x512xf32>
    %jit3A_173 = arith.constant 0.000000e+00 : f32
    %broadcast_in_dim3A_174 = vector.broadcast %jit3A_173 : f32 to vector<512x512xf32>
    %select_n3A_175 = arith.select %broadcast_in_dim3A_54, %exp3A_172, %broadcast_in_dim3A_174 : vector<512x512xi1>, vector<512x512xf32>
    %reduce_sum3A_176 = arith.constant dense<0.000000e+00> : vector<512xf32>
    %reduce_sum3A_177 = vector.multi_reduction <add>, %select_n3A_175, %reduce_sum3A_176 [1] : vector<512x512xf32> to vector<512xf32>
    %broadcast_in_dim3A_178 = vector.shape_cast %reduce_sum3A_177 : vector<512xf32> to vector<512x1xf32>
    %div3A_179 = arith.constant 1.000000e+00 : f32
    %div3A_180 = vector.broadcast %div3A_179 : f32 to vector<512x1xf32>
    %div3A_181 = arith.divf %div3A_180, %broadcast_in_dim3A_178 : vector<512x1xf32>
    %mul3A_182 = vector.broadcast %div3A_181 : vector<512x1xf32> to vector<512x512xf32>
    %mul3A_183 = arith.mulf %select_n3A_175, %mul3A_182 : vector<512x512xf32>
    %convert_element_type3A_184 = arith.truncf %mul3A_183 : vector<512x512xf32> to vector<512x512xbf16>
    %convert_element_type3A_185 = arith.truncf %slice3A_167 : vector<512x32xf32> to vector<512x32xbf16>
    %dot_general3A_186 = arith.constant dense<0.000000e+00> : vector<512x32xf32>
    %dot_general3A_187 = tpu.matmul %convert_element_type3A_184, %convert_element_type3A_185, %dot_general3A_186 {dimension_numbers = #tpu.dot_dimension_numbers<[1], [0], [0], [1], [0, 0, 1, 1], [], []>, transpose_lhs_hint = false} : vector<512x512xbf16>, vector<512x32xbf16>, vector<512x32xf32> -> vector<512x32xf32>
    %slice3A_188 = vector.extract_strided_slice %mul3A_50 {offsets = [0, 192], sizes = [512, 32], strides = [1, 1]} : vector<512x256xf32> to vector<512x32xf32>
    %slice3A_189 = vector.extract_strided_slice %dot_general3A_39 {offsets = [0, 192], sizes = [512, 32], strides = [1, 1]} : vector<512x256xf32> to vector<512x32xf32>
    %slice3A_190 = vector.extract_strided_slice %dot_general3A_44 {offsets = [0, 192], sizes = [512, 32], strides = [1, 1]} : vector<512x256xf32> to vector<512x32xf32>
    %convert_element_type3A_191 = arith.truncf %slice3A_188 : vector<512x32xf32> to vector<512x32xbf16>
    %convert_element_type3A_192 = arith.truncf %slice3A_189 : vector<512x32xf32> to vector<512x32xbf16>
    %dot_general3A_193 = arith.constant dense<0.000000e+00> : vector<512x512xf32>
    %dot_general3A_194 = tpu.matmul %convert_element_type3A_191, %convert_element_type3A_192, %dot_general3A_193 {dimension_numbers = #tpu.dot_dimension_numbers<[1], [1], [0], [0], [0, 0, 1, 0], [], []>, transpose_lhs_hint = false} : vector<512x32xbf16>, vector<512x32xbf16>, vector<512x512xf32> -> vector<512x512xf32>
    %exp3A_195 = math.exp %dot_general3A_194 : vector<512x512xf32>
    %jit3A_196 = arith.constant 0.000000e+00 : f32
    %broadcast_in_dim3A_197 = vector.broadcast %jit3A_196 : f32 to vector<512x512xf32>
    %select_n3A_198 = arith.select %broadcast_in_dim3A_54, %exp3A_195, %broadcast_in_dim3A_197 : vector<512x512xi1>, vector<512x512xf32>
    %reduce_sum3A_199 = arith.constant dense<0.000000e+00> : vector<512xf32>
    %reduce_sum3A_200 = vector.multi_reduction <add>, %select_n3A_198, %reduce_sum3A_199 [1] : vector<512x512xf32> to vector<512xf32>
    %broadcast_in_dim3A_201 = vector.shape_cast %reduce_sum3A_200 : vector<512xf32> to vector<512x1xf32>
    %div3A_202 = arith.constant 1.000000e+00 : f32
    %div3A_203 = vector.broadcast %div3A_202 : f32 to vector<512x1xf32>
    %div3A_204 = arith.divf %div3A_203, %broadcast_in_dim3A_201 : vector<512x1xf32>
    %mul3A_205 = vector.broadcast %div3A_204 : vector<512x1xf32> to vector<512x512xf32>
    %mul3A_206 = arith.mulf %select_n3A_198, %mul3A_205 : vector<512x512xf32>
    %convert_element_type3A_207 = arith.truncf %mul3A_206 : vector<512x512xf32> to vector<512x512xbf16>
    %convert_element_type3A_208 = arith.truncf %slice3A_190 : vector<512x32xf32> to vector<512x32xbf16>
    %dot_general3A_209 = arith.constant dense<0.000000e+00> : vector<512x32xf32>
    %dot_general3A_210 = tpu.matmul %convert_element_type3A_207, %convert_element_type3A_208, %dot_general3A_209 {dimension_numbers = #tpu.dot_dimension_numbers<[1], [0], [0], [1], [0, 0, 1, 1], [], []>, transpose_lhs_hint = false} : vector<512x512xbf16>, vector<512x32xbf16>, vector<512x32xf32> -> vector<512x32xf32>
    %slice3A_211 = vector.extract_strided_slice %mul3A_50 {offsets = [0, 224], sizes = [512, 32], strides = [1, 1]} : vector<512x256xf32> to vector<512x32xf32>
    %slice3A_212 = vector.extract_strided_slice %dot_general3A_39 {offsets = [0, 224], sizes = [512, 32], strides = [1, 1]} : vector<512x256xf32> to vector<512x32xf32>
    %slice3A_213 = vector.extract_strided_slice %dot_general3A_44 {offsets = [0, 224], sizes = [512, 32], strides = [1, 1]} : vector<512x256xf32> to vector<512x32xf32>
    %convert_element_type3A_214 = arith.truncf %slice3A_211 : vector<512x32xf32> to vector<512x32xbf16>
    %convert_element_type3A_215 = arith.truncf %slice3A_212 : vector<512x32xf32> to vector<512x32xbf16>
    %dot_general3A_216 = arith.constant dense<0.000000e+00> : vector<512x512xf32>
    %dot_general3A_217 = tpu.matmul %convert_element_type3A_214, %convert_element_type3A_215, %dot_general3A_216 {dimension_numbers = #tpu.dot_dimension_numbers<[1], [1], [0], [0], [0, 0, 1, 0], [], []>, transpose_lhs_hint = false} : vector<512x32xbf16>, vector<512x32xbf16>, vector<512x512xf32> -> vector<512x512xf32>
    %exp3A_218 = math.exp %dot_general3A_217 : vector<512x512xf32>
    %jit3A_219 = arith.constant 0.000000e+00 : f32
    %broadcast_in_dim3A_220 = vector.broadcast %jit3A_219 : f32 to vector<512x512xf32>
    %select_n3A_221 = arith.select %broadcast_in_dim3A_54, %exp3A_218, %broadcast_in_dim3A_220 : vector<512x512xi1>, vector<512x512xf32>
    %reduce_sum3A_222 = arith.constant dense<0.000000e+00> : vector<512xf32>
    %reduce_sum3A_223 = vector.multi_reduction <add>, %select_n3A_221, %reduce_sum3A_222 [1] : vector<512x512xf32> to vector<512xf32>
    %broadcast_in_dim3A_224 = vector.shape_cast %reduce_sum3A_223 : vector<512xf32> to vector<512x1xf32>
    %div3A_225 = arith.constant 1.000000e+00 : f32
    %div3A_226 = vector.broadcast %div3A_225 : f32 to vector<512x1xf32>
    %div3A_227 = arith.divf %div3A_226, %broadcast_in_dim3A_224 : vector<512x1xf32>
    %mul3A_228 = vector.broadcast %div3A_227 : vector<512x1xf32> to vector<512x512xf32>
    %mul3A_229 = arith.mulf %select_n3A_221, %mul3A_228 : vector<512x512xf32>
    %convert_element_type3A_230 = arith.truncf %mul3A_229 : vector<512x512xf32> to vector<512x512xbf16>
    %convert_element_type3A_231 = arith.truncf %slice3A_213 : vector<512x32xf32> to vector<512x32xbf16>
    %dot_general3A_232 = arith.constant dense<0.000000e+00> : vector<512x32xf32>
    %dot_general3A_233 = tpu.matmul %convert_element_type3A_230, %convert_element_type3A_231, %dot_general3A_232 {dimension_numbers = #tpu.dot_dimension_numbers<[1], [0], [0], [1], [0, 0, 1, 1], [], []>, transpose_lhs_hint = false} : vector<512x512xbf16>, vector<512x32xbf16>, vector<512x32xf32> -> vector<512x32xf32>
    %concatenate3A = tpu.concatenate %dot_general3A_72, %dot_general3A_95, %dot_general3A_118, %dot_general3A_141, %dot_general3A_164, %dot_general3A_187, %dot_general3A_210, %dot_general3A_233 in 1 : vector<512x32xf32>, vector<512x32xf32>, vector<512x32xf32>, vector<512x32xf32>, vector<512x32xf32>, vector<512x32xf32>, vector<512x32xf32>, vector<512x32xf32> -> vector<512x256xf32>
    %convert_element_type3A_234 = arith.truncf %concatenate3A : vector<512x256xf32> to vector<512x256xbf16>
    %get3A_235 = arith.constant 0 : index
    %get3A_236 = arith.constant 0 : index
    %get3A_237 = vector.load %arg8[%get3A_235, %get3A_236] : memref<256x256xbf16, #tpu.memory_space<vmem>>, vector<256x256xbf16>
    %dot_general3A_238 = arith.constant dense<0.000000e+00> : vector<512x256xf32>
    %dot_general3A_239 = tpu.matmul %convert_element_type3A_234, %get3A_237, %dot_general3A_238 {dimension_numbers = #tpu.dot_dimension_numbers<[1], [0], [0], [1], [0, 0, 1, 1], [], []>, transpose_lhs_hint = false} : vector<512x256xbf16>, vector<256x256xbf16>, vector<512x256xf32> -> vector<512x256xf32>
    %add3A_240 = arith.addf %mul3A_29, %dot_general3A_239 : vector<512x256xf32>
    %get3A_241 = arith.constant 0 : index
    %get3A_242 = arith.constant 0 : index
    %get3A_243 = vector.load %arg9[%get3A_241, %get3A_242] : memref<1x256xf32, #tpu.memory_space<vmem>>, vector<1x256xf32>
    %get3A_244 = arith.constant 0 : index
    %get3A_245 = arith.constant 0 : index
    %get3A_246 = vector.load %arg10[%get3A_244, %get3A_245] : memref<1x256xf32, #tpu.memory_space<vmem>>, vector<1x256xf32>
    %reduce_sum3A_247 = arith.constant dense<0.000000e+00> : vector<512xf32>
    %reduce_sum3A_248 = vector.multi_reduction <add>, %add3A_240, %reduce_sum3A_247 [1] : vector<512x256xf32> to vector<512xf32>
    %broadcast_in_dim3A_249 = vector.shape_cast %reduce_sum3A_248 : vector<512xf32> to vector<512x1xf32>
    %div3A_250 = arith.constant 2.560000e+02 : f32
    %div3A_251 = vector.broadcast %div3A_250 : f32 to vector<512x1xf32>
    %div3A_252 = arith.divf %broadcast_in_dim3A_249, %div3A_251 : vector<512x1xf32>
    %sub3A = vector.broadcast %div3A_252 : vector<512x1xf32> to vector<512x256xf32>
    %sub3A_253 = arith.subf %add3A_240, %sub3A : vector<512x256xf32>
    %mul3A_254 = arith.mulf %sub3A_253, %sub3A_253 : vector<512x256xf32>
    %reduce_sum3A_255 = arith.constant dense<0.000000e+00> : vector<512xf32>
    %reduce_sum3A_256 = vector.multi_reduction <add>, %mul3A_254, %reduce_sum3A_255 [1] : vector<512x256xf32> to vector<512xf32>
    %broadcast_in_dim3A_257 = vector.shape_cast %reduce_sum3A_256 : vector<512xf32> to vector<512x1xf32>
    %div3A_258 = arith.constant 2.560000e+02 : f32
    %div3A_259 = vector.broadcast %div3A_258 : f32 to vector<512x1xf32>
    %div3A_260 = arith.divf %broadcast_in_dim3A_257, %div3A_259 : vector<512x1xf32>
    %add3A_261 = arith.constant 9.99999974E-6 : f32
    %add3A_262 = vector.broadcast %add3A_261 : f32 to vector<512x1xf32>
    %add3A_263 = arith.addf %div3A_260, %add3A_262 : vector<512x1xf32>
    %rsqrt3A = math.rsqrt %add3A_263 : vector<512x1xf32>
    %mul3A_264 = vector.broadcast %rsqrt3A : vector<512x1xf32> to vector<512x256xf32>
    %mul3A_265 = arith.mulf %sub3A_253, %mul3A_264 : vector<512x256xf32>
    %mul3A_266 = vector.broadcast %get3A_243 : vector<1x256xf32> to vector<512x256xf32>
    %mul3A_267 = arith.mulf %mul3A_265, %mul3A_266 : vector<512x256xf32>
    %add3A_268 = vector.broadcast %get3A_246 : vector<1x256xf32> to vector<512x256xf32>
    %add3A_269 = arith.addf %mul3A_267, %add3A_268 : vector<512x256xf32>
    %convert_element_type3A_270 = arith.truncf %add3A_269 : vector<512x256xf32> to vector<512x256xbf16>
    %get3A_271 = arith.constant 0 : index
    %get3A_272 = arith.constant 0 : index
    %get3A_273 = vector.load %arg11[%get3A_271, %get3A_272] : memref<256x1024xbf16, #tpu.memory_space<vmem>>, vector<256x1024xbf16>
    %dot_general3A_274 = arith.constant dense<0.000000e+00> : vector<512x1024xf32>
    %dot_general3A_275 = tpu.matmul %convert_element_type3A_270, %get3A_273, %dot_general3A_274 {dimension_numbers = #tpu.dot_dimension_numbers<[1], [0], [0], [1], [0, 0, 1, 1], [], []>, transpose_lhs_hint = false} : vector<512x256xbf16>, vector<256x1024xbf16>, vector<512x1024xf32> -> vector<512x1024xf32>
    %get3A_276 = arith.constant 0 : index
    %get3A_277 = arith.constant 0 : index
    %get3A_278 = vector.load %arg12[%get3A_276, %get3A_277] : memref<1x1024xf32, #tpu.memory_space<vmem>>, vector<1x1024xf32>
    %add3A_279 = vector.broadcast %get3A_278 : vector<1x1024xf32> to vector<512x1024xf32>
    %add3A_280 = arith.addf %dot_general3A_275, %add3A_279 : vector<512x1024xf32>
    %max3A = arith.constant 0.000000e+00 : f32
    %max3A_281 = vector.broadcast %max3A : f32 to vector<512x1024xf32>
    %max3A_282 = arith.maximumf %add3A_280, %max3A_281 : vector<512x1024xf32>
    %convert_element_type3A_283 = arith.truncf %max3A_282 : vector<512x1024xf32> to vector<512x1024xbf16>
    %get3A_284 = arith.constant 0 : index
    %get3A_285 = arith.constant 0 : index
    %get3A_286 = vector.load %arg13[%get3A_284, %get3A_285] : memref<1024x256xbf16, #tpu.memory_space<vmem>>, vector<1024x256xbf16>
    %dot_general3A_287 = arith.constant dense<0.000000e+00> : vector<512x256xf32>
    %dot_general3A_288 = tpu.matmul %convert_element_type3A_283, %get3A_286, %dot_general3A_287 {dimension_numbers = #tpu.dot_dimension_numbers<[1], [0], [0], [1], [0, 0, 1, 1], [], []>, transpose_lhs_hint = false} : vector<512x1024xbf16>, vector<1024x256xbf16>, vector<512x256xf32> -> vector<512x256xf32>
    %get3A_289 = arith.constant 0 : index
    %get3A_290 = arith.constant 0 : index
    %get3A_291 = vector.load %arg14[%get3A_289, %get3A_290] : memref<1x256xf32, #tpu.memory_space<vmem>>, vector<1x256xf32>
    %add3A_292 = vector.broadcast %get3A_291 : vector<1x256xf32> to vector<512x256xf32>
    %add3A_293 = arith.addf %dot_general3A_288, %add3A_292 : vector<512x256xf32>
    %add3A_294 = arith.addf %add3A_269, %add3A_293 : vector<512x256xf32>
    %get3A_295 = arith.constant 0 : index
    %get3A_296 = arith.constant 0 : index
    %get3A_297 = vector.load %arg15[%get3A_295, %get3A_296] : memref<1x256xf32, #tpu.memory_space<vmem>>, vector<1x256xf32>
    %get3A_298 = arith.constant 0 : index
    %get3A_299 = arith.constant 0 : index
    %get3A_300 = vector.load %arg16[%get3A_298, %get3A_299] : memref<1x256xf32, #tpu.memory_space<vmem>>, vector<1x256xf32>
    %reduce_sum3A_301 = arith.constant dense<0.000000e+00> : vector<512xf32>
    %reduce_sum3A_302 = vector.multi_reduction <add>, %add3A_294, %reduce_sum3A_301 [1] : vector<512x256xf32> to vector<512xf32>
    %broadcast_in_dim3A_303 = vector.shape_cast %reduce_sum3A_302 : vector<512xf32> to vector<512x1xf32>
    %div3A_304 = arith.constant 2.560000e+02 : f32
    %div3A_305 = vector.broadcast %div3A_304 : f32 to vector<512x1xf32>
    %div3A_306 = arith.divf %broadcast_in_dim3A_303, %div3A_305 : vector<512x1xf32>
    %sub3A_307 = vector.broadcast %div3A_306 : vector<512x1xf32> to vector<512x256xf32>
    %sub3A_308 = arith.subf %add3A_294, %sub3A_307 : vector<512x256xf32>
    %mul3A_309 = arith.mulf %sub3A_308, %sub3A_308 : vector<512x256xf32>
    %reduce_sum3A_310 = arith.constant dense<0.000000e+00> : vector<512xf32>
    %reduce_sum3A_311 = vector.multi_reduction <add>, %mul3A_309, %reduce_sum3A_310 [1] : vector<512x256xf32> to vector<512xf32>
    %broadcast_in_dim3A_312 = vector.shape_cast %reduce_sum3A_311 : vector<512xf32> to vector<512x1xf32>
    %div3A_313 = arith.constant 2.560000e+02 : f32
    %div3A_314 = vector.broadcast %div3A_313 : f32 to vector<512x1xf32>
    %div3A_315 = arith.divf %broadcast_in_dim3A_312, %div3A_314 : vector<512x1xf32>
    %add3A_316 = arith.constant 9.99999974E-6 : f32
    %add3A_317 = vector.broadcast %add3A_316 : f32 to vector<512x1xf32>
    %add3A_318 = arith.addf %div3A_315, %add3A_317 : vector<512x1xf32>
    %rsqrt3A_319 = math.rsqrt %add3A_318 : vector<512x1xf32>
    %mul3A_320 = vector.broadcast %rsqrt3A_319 : vector<512x1xf32> to vector<512x256xf32>
    %mul3A_321 = arith.mulf %sub3A_308, %mul3A_320 : vector<512x256xf32>
    %mul3A_322 = vector.broadcast %get3A_297 : vector<1x256xf32> to vector<512x256xf32>
    %mul3A_323 = arith.mulf %mul3A_321, %mul3A_322 : vector<512x256xf32>
    %add3A_324 = vector.broadcast %get3A_300 : vector<1x256xf32> to vector<512x256xf32>
    %add3A_325 = arith.addf %mul3A_323, %add3A_324 : vector<512x256xf32>
    %mul3A_326 = vector.broadcast %convert_element_type3A_16 : vector<512x1xf32> to vector<512x256xf32>
    %mul3A_327 = arith.mulf %add3A_325, %mul3A_326 : vector<512x256xf32>
    %swap3A = arith.constant 0 : index
    %swap3A_328 = arith.constant 0 : index
    %swap3A_329 = arith.constant 0 : index
    %swap3A_330 = vector.load %arg17[%swap3A, %swap3A_328, %swap3A_329] : memref<1x512x256xf32, #tpu.memory_space<vmem>>, vector<1x512x256xf32>
    %swap3A_331 = vector.shape_cast %swap3A_330 : vector<1x512x256xf32> to vector<512x256xf32>
    %swap3A_332 = vector.shape_cast %mul3A_327 : vector<512x256xf32> to vector<1x512x256xf32>
    tpu.vector_store %arg17[%swap3A, %swap3A_328, %swap3A_329], %swap3A_332 {strides = array<i32>} : memref<1x512x256xf32, #tpu.memory_space<vmem>>, vector<1x512x256xf32>,
    %iota3A = tpu.iota {dimensions = array<i32: 0>} : vector<8x512xi32>
    %broadcast_in_dim3A_333 = arith.constant 0 : i32
    %broadcast_in_dim3A_334 = vector.broadcast %broadcast_in_dim3A_333 : i32 to vector<8x512xi32>
    %eq3A = arith.cmpi eq, %iota3A, %broadcast_in_dim3A_334 : vector<8x512xi32>
    %convert_element_type3A_335 = arith.extui %eq3A : vector<8x512xi1> to vector<8x512xi32>
    %convert_element_type3A_336 = arith.sitofp %convert_element_type3A_335 : vector<8x512xi32> to vector<8x512xf32>
    %dot_general3A_337 = arith.constant dense<0.000000e+00> : vector<8x256xf32>
    %dot_general3A_338 = tpu.matmul %convert_element_type3A_336, %mul3A_327, %dot_general3A_337 {dimension_numbers = #tpu.dot_dimension_numbers<[1], [0], [0], [1], [0, 0, 1, 1], [], []>, transpose_lhs_hint = false} : vector<8x512xf32>, vector<512x256xf32>, vector<8x256xf32> -> vector<8x256xf32>
    %mul3A_339 = vector.broadcast %convert_element_type3A_11 : vector<1x512xf32> to vector<8x512xf32>
    %mul3A_340 = arith.mulf %convert_element_type3A_336, %mul3A_339 : vector<8x512xf32>
    %reduce_sum3A_341 = arith.constant dense<0.000000e+00> : vector<8xf32>
    %reduce_sum3A_342 = vector.multi_reduction <add>, %mul3A_340, %reduce_sum3A_341 [1] : vector<8x512xf32> to vector<8xf32>
    %broadcast_in_dim3A_343 = vector.shape_cast %reduce_sum3A_342 : vector<8xf32> to vector<8x1xf32>
    %max3A_344 = arith.constant 1.000000e+00 : f32
    %max3A_345 = vector.broadcast %max3A_344 : f32 to vector<8x1xf32>
    %max3A_346 = arith.maximumf %broadcast_in_dim3A_343, %max3A_345 : vector<8x1xf32>
    %sqrt3A = math.sqrt %max3A_346 : vector<8x1xf32>
    %pow3A_347 = arith.constant 2.560000e+02 : f32
    %pow3A_348 = arith.constant 5.000000e-01 : f32
    %pow3A_349 = math.powf %pow3A_347, %pow3A_348 : f32
    %mul3A_350 = vector.broadcast %pow3A_349 : f32 to vector<8x1xf32>
    %mul3A_351 = arith.mulf %sqrt3A, %mul3A_350 : vector<8x1xf32>
    %div3A_352 = vector.broadcast %mul3A_351 : vector<8x1xf32> to vector<8x256xf32>
    %div3A_353 = arith.divf %dot_general3A_338, %div3A_352 : vector<8x256xf32>
    %swap3A_354 = arith.constant 0 : index
    %swap3A_355 = arith.constant 0 : index
    %swap3A_356 = arith.constant 0 : index
    %swap3A_357 = vector.load %arg18[%swap3A_354, %swap3A_355, %swap3A_356] : memref<1x8x256xf32, #tpu.memory_space<vmem>>, vector<1x8x256xf32>
    %swap3A_358 = vector.shape_cast %swap3A_357 : vector<1x8x256xf32> to vector<8x256xf32>
    %swap3A_359 = vector.shape_cast %div3A_353 : vector<8x256xf32> to vector<1x8x256xf32>
    tpu.vector_store %arg18[%swap3A_354, %swap3A_355, %swap3A_356], %swap3A_359 {strides = array<i32>} : memref<1x8x256xf32, #tpu.memory_space<vmem>>, vector<1x8x256xf32>,
    return
  }
  func.func @transform_0(%arg0: i32) -> (i32, i32, i32) {
    %c0_i32 = arith.constant 0 : i32
    %c0_i32_0 = arith.constant 0 : i32
    %c0_i32_1 = arith.constant 0 : i32
    return %arg0, %c0_i32, %c0_i32_0 : i32, i32, i32
  }
  func.func @transform_1(%arg0: i32) -> (i32, i32, i32) {
    %c0_i32 = arith.constant 0 : i32
    %c0_i32_0 = arith.constant 0 : i32
    %c0_i32_1 = arith.constant 0 : i32
    return %arg0, %c0_i32, %c0_i32_0 : i32, i32, i32
  }
  func.func @transform_2(%arg0: i32) -> (i32, i32, i32) {
    %c0_i32 = arith.constant 0 : i32
    %c0_i32_0 = arith.constant 0 : i32
    %c0_i32_1 = arith.constant 0 : i32
    return %arg0, %c0_i32, %c0_i32_0 : i32, i32, i32
  }
  func.func @transform_3(%arg0: i32) -> (i32, i32) {
    %c0_i32 = arith.constant 0 : i32
    %c0_i32_0 = arith.constant 0 : i32
    %c0_i32_1 = arith.constant 0 : i32
    return %c0_i32, %c0_i32_0 : i32, i32
  }
  func.func @transform_4(%arg0: i32) -> (i32, i32) {
    %c0_i32 = arith.constant 0 : i32
    %c0_i32_0 = arith.constant 0 : i32
    %c0_i32_1 = arith.constant 0 : i32
    return %c0_i32, %c0_i32_0 : i32, i32
  }
  func.func @transform_5(%arg0: i32) -> (i32, i32) {
    %c0_i32 = arith.constant 0 : i32
    %c0_i32_0 = arith.constant 0 : i32
    %c0_i32_1 = arith.constant 0 : i32
    return %c0_i32, %c0_i32_0 : i32, i32
  }
  func.func @transform_6(%arg0: i32) -> (i32, i32) {
    %c0_i32 = arith.constant 0 : i32
    %c0_i32_0 = arith.constant 0 : i32
    %c0_i32_1 = arith.constant 0 : i32
    return %c0_i32, %c0_i32_0 : i32, i32
  }
  func.func @transform_7(%arg0: i32) -> (i32, i32) {
    %c0_i32 = arith.constant 0 : i32
    %c0_i32_0 = arith.constant 0 : i32
    %c0_i32_1 = arith.constant 0 : i32
    return %c0_i32, %c0_i32_0 : i32, i32
  }
  func.func @transform_8(%arg0: i32) -> (i32, i32) {
    %c0_i32 = arith.constant 0 : i32
    %c0_i32_0 = arith.constant 0 : i32
    %c0_i32_1 = arith.constant 0 : i32
    return %c0_i32, %c0_i32_0 : i32, i32
  }
  func.func @transform_9(%arg0: i32) -> (i32, i32) {
    %c0_i32 = arith.constant 0 : i32
    %c0_i32_0 = arith.constant 0 : i32
    %c0_i32_1 = arith.constant 0 : i32
    return %c0_i32, %c0_i32_0 : i32, i32
  }
  func.func @transform_10(%arg0: i32) -> (i32, i32) {
    %c0_i32 = arith.constant 0 : i32
    %c0_i32_0 = arith.constant 0 : i32
    %c0_i32_1 = arith.constant 0 : i32
    return %c0_i32, %c0_i32_0 : i32, i32
  }
  func.func @transform_11(%arg0: i32) -> (i32, i32) {
    %c0_i32 = arith.constant 0 : i32
    %c0_i32_0 = arith.constant 0 : i32
    %c0_i32_1 = arith.constant 0 : i32
    return %c0_i32, %c0_i32_0 : i32, i32
  }
  func.func @transform_12(%arg0: i32) -> (i32, i32) {
    %c0_i32 = arith.constant 0 : i32
    %c0_i32_0 = arith.constant 0 : i32
    %c0_i32_1 = arith.constant 0 : i32
    return %c0_i32, %c0_i32_0 : i32, i32
  }
  func.func @transform_13(%arg0: i32) -> (i32, i32) {
    %c0_i32 = arith.constant 0 : i32
    %c0_i32_0 = arith.constant 0 : i32
    %c0_i32_1 = arith.constant 0 : i32
    return %c0_i32, %c0_i32_0 : i32, i32
  }
  func.func @transform_14(%arg0: i32) -> (i32, i32) {
    %c0_i32 = arith.constant 0 : i32
    %c0_i32_0 = arith.constant 0 : i32
    %c0_i32_1 = arith.constant 0 : i32
    return %c0_i32, %c0_i32_0 : i32, i32
  }
  func.func @transform_15(%arg0: i32) -> (i32, i32) {
    %c0_i32 = arith.constant 0 : i32
    %c0_i32_0 = arith.constant 0 : i32
    %c0_i32_1 = arith.constant 0 : i32
    return %c0_i32, %c0_i32_0 : i32, i32
  }
  func.func @transform_16(%arg0: i32) -> (i32, i32, i32) {
    %c0_i32 = arith.constant 0 : i32
    %c0_i32_0 = arith.constant 0 : i32
    %c0_i32_1 = arith.constant 0 : i32
    return %arg0, %c0_i32, %c0_i32_0 : i32, i32, i32
  }
  func.func @transform_17(%arg0: i32) -> (i32, i32, i32) {
    %c0_i32 = arith.constant 0 : i32
    %c0_i32_0 = arith.constant 0 : i32
    %c0_i32_1 = arith.constant 0 : i32
    return %arg0, %c0_i32, %c0_i32_0 : i32, i32, i32
  }
}

module attributes {stable_mosaic.version = 14 : i64} {
  func.func @_select_body(%arg0: memref<8x16x256xf32, #tpu.memory_space<vmem>>, %arg1: memref<8x256xf32, #tpu.memory_space<vmem>>, %arg2: memref<8x16xi32, #tpu.memory_space<vmem>>, %arg3: memref<8x16xf32, #tpu.memory_space<vmem>>, %arg4: memref<8x1xi32, #tpu.memory_space<vmem>>) attributes {dimension_semantics = [], scalar_prefetch = 0 : i64, scratch_operands = 0 : i64, tpu.core_type = #tpu.core_type<tc>} {
    %get3A = arith.constant 0 : index
    %get3A_0 = arith.constant 0 : index
    %get3A_1 = arith.constant 0 : index
    %get3A_2 = vector.load %arg0[%get3A, %get3A_0, %get3A_1] : memref<8x16x256xf32, #tpu.memory_space<vmem>>, vector<1x16x256xf32>
    %get3A_3 = vector.shape_cast %get3A_2 : vector<1x16x256xf32> to vector<16x256xf32>
    %get3A_4 = arith.constant 0 : index
    %get3A_5 = arith.constant 0 : index
    %get3A_6 = vector.load %arg1[%get3A_4, %get3A_5] : memref<8x256xf32, #tpu.memory_space<vmem>>, vector<1x256xf32>
    %dot_general3A = arith.constant dense<0.000000e+00> : vector<1x16xf32>
    %dot_general3A_7 = tpu.matmul %get3A_6, %get3A_3, %dot_general3A {dimension_numbers = #tpu.dot_dimension_numbers<[1], [1], [0], [0], [0, 0, 1, 0], [], []>, transpose_lhs_hint = false} : vector<1x256xf32>, vector<16x256xf32>, vector<1x16xf32> -> vector<1x16xf32>
    %get3A_8 = arith.constant 1 : index
    %get3A_9 = arith.constant 0 : index
    %get3A_10 = arith.constant 0 : index
    %get3A_11 = vector.load %arg0[%get3A_8, %get3A_9, %get3A_10] : memref<8x16x256xf32, #tpu.memory_space<vmem>>, vector<1x16x256xf32>
    %get3A_12 = vector.shape_cast %get3A_11 : vector<1x16x256xf32> to vector<16x256xf32>
    %get3A_13 = arith.constant 1 : index
    %get3A_14 = arith.constant 0 : index
    %get3A_15 = vector.load %arg1[%get3A_13, %get3A_14] : memref<8x256xf32, #tpu.memory_space<vmem>>, vector<1x256xf32>
    %dot_general3A_16 = arith.constant dense<0.000000e+00> : vector<1x16xf32>
    %dot_general3A_17 = tpu.matmul %get3A_15, %get3A_12, %dot_general3A_16 {dimension_numbers = #tpu.dot_dimension_numbers<[1], [1], [0], [0], [0, 0, 1, 0], [], []>, transpose_lhs_hint = false} : vector<1x256xf32>, vector<16x256xf32>, vector<1x16xf32> -> vector<1x16xf32>
    %get3A_18 = arith.constant 2 : index
    %get3A_19 = arith.constant 0 : index
    %get3A_20 = arith.constant 0 : index
    %get3A_21 = vector.load %arg0[%get3A_18, %get3A_19, %get3A_20] : memref<8x16x256xf32, #tpu.memory_space<vmem>>, vector<1x16x256xf32>
    %get3A_22 = vector.shape_cast %get3A_21 : vector<1x16x256xf32> to vector<16x256xf32>
    %get3A_23 = arith.constant 2 : index
    %get3A_24 = arith.constant 0 : index
    %get3A_25 = vector.load %arg1[%get3A_23, %get3A_24] : memref<8x256xf32, #tpu.memory_space<vmem>>, vector<1x256xf32>
    %dot_general3A_26 = arith.constant dense<0.000000e+00> : vector<1x16xf32>
    %dot_general3A_27 = tpu.matmul %get3A_25, %get3A_22, %dot_general3A_26 {dimension_numbers = #tpu.dot_dimension_numbers<[1], [1], [0], [0], [0, 0, 1, 0], [], []>, transpose_lhs_hint = false} : vector<1x256xf32>, vector<16x256xf32>, vector<1x16xf32> -> vector<1x16xf32>
    %get3A_28 = arith.constant 3 : index
    %get3A_29 = arith.constant 0 : index
    %get3A_30 = arith.constant 0 : index
    %get3A_31 = vector.load %arg0[%get3A_28, %get3A_29, %get3A_30] : memref<8x16x256xf32, #tpu.memory_space<vmem>>, vector<1x16x256xf32>
    %get3A_32 = vector.shape_cast %get3A_31 : vector<1x16x256xf32> to vector<16x256xf32>
    %get3A_33 = arith.constant 3 : index
    %get3A_34 = arith.constant 0 : index
    %get3A_35 = vector.load %arg1[%get3A_33, %get3A_34] : memref<8x256xf32, #tpu.memory_space<vmem>>, vector<1x256xf32>
    %dot_general3A_36 = arith.constant dense<0.000000e+00> : vector<1x16xf32>
    %dot_general3A_37 = tpu.matmul %get3A_35, %get3A_32, %dot_general3A_36 {dimension_numbers = #tpu.dot_dimension_numbers<[1], [1], [0], [0], [0, 0, 1, 0], [], []>, transpose_lhs_hint = false} : vector<1x256xf32>, vector<16x256xf32>, vector<1x16xf32> -> vector<1x16xf32>
    %get3A_38 = arith.constant 4 : index
    %get3A_39 = arith.constant 0 : index
    %get3A_40 = arith.constant 0 : index
    %get3A_41 = vector.load %arg0[%get3A_38, %get3A_39, %get3A_40] : memref<8x16x256xf32, #tpu.memory_space<vmem>>, vector<1x16x256xf32>
    %get3A_42 = vector.shape_cast %get3A_41 : vector<1x16x256xf32> to vector<16x256xf32>
    %get3A_43 = arith.constant 4 : index
    %get3A_44 = arith.constant 0 : index
    %get3A_45 = vector.load %arg1[%get3A_43, %get3A_44] : memref<8x256xf32, #tpu.memory_space<vmem>>, vector<1x256xf32>
    %dot_general3A_46 = arith.constant dense<0.000000e+00> : vector<1x16xf32>
    %dot_general3A_47 = tpu.matmul %get3A_45, %get3A_42, %dot_general3A_46 {dimension_numbers = #tpu.dot_dimension_numbers<[1], [1], [0], [0], [0, 0, 1, 0], [], []>, transpose_lhs_hint = false} : vector<1x256xf32>, vector<16x256xf32>, vector<1x16xf32> -> vector<1x16xf32>
    %get3A_48 = arith.constant 5 : index
    %get3A_49 = arith.constant 0 : index
    %get3A_50 = arith.constant 0 : index
    %get3A_51 = vector.load %arg0[%get3A_48, %get3A_49, %get3A_50] : memref<8x16x256xf32, #tpu.memory_space<vmem>>, vector<1x16x256xf32>
    %get3A_52 = vector.shape_cast %get3A_51 : vector<1x16x256xf32> to vector<16x256xf32>
    %get3A_53 = arith.constant 5 : index
    %get3A_54 = arith.constant 0 : index
    %get3A_55 = vector.load %arg1[%get3A_53, %get3A_54] : memref<8x256xf32, #tpu.memory_space<vmem>>, vector<1x256xf32>
    %dot_general3A_56 = arith.constant dense<0.000000e+00> : vector<1x16xf32>
    %dot_general3A_57 = tpu.matmul %get3A_55, %get3A_52, %dot_general3A_56 {dimension_numbers = #tpu.dot_dimension_numbers<[1], [1], [0], [0], [0, 0, 1, 0], [], []>, transpose_lhs_hint = false} : vector<1x256xf32>, vector<16x256xf32>, vector<1x16xf32> -> vector<1x16xf32>
    %get3A_58 = arith.constant 6 : index
    %get3A_59 = arith.constant 0 : index
    %get3A_60 = arith.constant 0 : index
    %get3A_61 = vector.load %arg0[%get3A_58, %get3A_59, %get3A_60] : memref<8x16x256xf32, #tpu.memory_space<vmem>>, vector<1x16x256xf32>
    %get3A_62 = vector.shape_cast %get3A_61 : vector<1x16x256xf32> to vector<16x256xf32>
    %get3A_63 = arith.constant 6 : index
    %get3A_64 = arith.constant 0 : index
    %get3A_65 = vector.load %arg1[%get3A_63, %get3A_64] : memref<8x256xf32, #tpu.memory_space<vmem>>, vector<1x256xf32>
    %dot_general3A_66 = arith.constant dense<0.000000e+00> : vector<1x16xf32>
    %dot_general3A_67 = tpu.matmul %get3A_65, %get3A_62, %dot_general3A_66 {dimension_numbers = #tpu.dot_dimension_numbers<[1], [1], [0], [0], [0, 0, 1, 0], [], []>, transpose_lhs_hint = false} : vector<1x256xf32>, vector<16x256xf32>, vector<1x16xf32> -> vector<1x16xf32>
    %get3A_68 = arith.constant 7 : index
    %get3A_69 = arith.constant 0 : index
    %get3A_70 = arith.constant 0 : index
    %get3A_71 = vector.load %arg0[%get3A_68, %get3A_69, %get3A_70] : memref<8x16x256xf32, #tpu.memory_space<vmem>>, vector<1x16x256xf32>
    %get3A_72 = vector.shape_cast %get3A_71 : vector<1x16x256xf32> to vector<16x256xf32>
    %get3A_73 = arith.constant 7 : index
    %get3A_74 = arith.constant 0 : index
    %get3A_75 = vector.load %arg1[%get3A_73, %get3A_74] : memref<8x256xf32, #tpu.memory_space<vmem>>, vector<1x256xf32>
    %dot_general3A_76 = arith.constant dense<0.000000e+00> : vector<1x16xf32>
    %dot_general3A_77 = tpu.matmul %get3A_75, %get3A_72, %dot_general3A_76 {dimension_numbers = #tpu.dot_dimension_numbers<[1], [1], [0], [0], [0, 0, 1, 0], [], []>, transpose_lhs_hint = false} : vector<1x256xf32>, vector<16x256xf32>, vector<1x16xf32> -> vector<1x16xf32>
    %concatenate3A = tpu.concatenate %dot_general3A_7, %dot_general3A_17, %dot_general3A_27, %dot_general3A_37, %dot_general3A_47, %dot_general3A_57, %dot_general3A_67, %dot_general3A_77 in 0 : vector<1x16xf32>, vector<1x16xf32>, vector<1x16xf32>, vector<1x16xf32>, vector<1x16xf32>, vector<1x16xf32>, vector<1x16xf32>, vector<1x16xf32> -> vector<8x16xf32>
    %get3A_78 = arith.constant 0 : index
    %get3A_79 = arith.constant 0 : index
    %get3A_80 = vector.load %arg2[%get3A_78, %get3A_79] : memref<8x16xi32, #tpu.memory_space<vmem>>, vector<8x16xi32>
    %ne3A = arith.constant 0 : i32
    %ne3A_81 = vector.broadcast %ne3A : i32 to vector<8x16xi32>
    %ne3A_82 = arith.cmpi ne, %get3A_80, %ne3A_81 : vector<8x16xi32>
    %jit3A = arith.constant -1.000000e+20 : f32
    %broadcast_in_dim3A = vector.broadcast %jit3A : f32 to vector<8x16xf32>
    %select_n3A = arith.select %ne3A_82, %concatenate3A, %broadcast_in_dim3A : vector<8x16xi1>, vector<8x16xf32>
    %reduce_max3A = arith.constant dense<0xFF800000> : vector<8xf32>
    %reduce_max3A_83 = vector.multi_reduction <maximumf>, %select_n3A, %reduce_max3A [1] : vector<8x16xf32> to vector<8xf32>
    %broadcast_in_dim3A_84 = vector.shape_cast %reduce_max3A_83 : vector<8xf32> to vector<8x1xf32>
    %iota3A = tpu.iota {dimensions = array<i32: 1>} : vector<8x16xi32>
    %eq3A = vector.broadcast %broadcast_in_dim3A_84 : vector<8x1xf32> to vector<8x16xf32>
    %eq3A_85 = arith.cmpf oeq, %select_n3A, %eq3A : vector<8x16xf32>
    %jit3A_86 = arith.constant 16 : i32
    %broadcast_in_dim3A_87 = vector.broadcast %jit3A_86 : i32 to vector<8x16xi32>
    %select_n3A_88 = arith.select %eq3A_85, %iota3A, %broadcast_in_dim3A_87 : vector<8x16xi1>, vector<8x16xi32>
    %reduce_min3A = arith.constant dense<2147483647> : vector<8xi32>
    %reduce_min3A_89 = vector.multi_reduction <minsi>, %select_n3A_88, %reduce_min3A [1] : vector<8x16xi32> to vector<8xi32>
    %jit3A_90 = arith.constant 0.000000e+00 : f32
    %broadcast_in_dim3A_91 = vector.broadcast %jit3A_90 : f32 to vector<8x16xf32>
    %select_n3A_92 = arith.select %ne3A_82, %concatenate3A, %broadcast_in_dim3A_91 : vector<8x16xi1>, vector<8x16xf32>
    %swap3A = arith.constant 0 : index
    %swap3A_93 = arith.constant 0 : index
    %swap3A_94 = vector.load %arg3[%swap3A, %swap3A_93] : memref<8x16xf32, #tpu.memory_space<vmem>>, vector<8x16xf32>
    tpu.vector_store %arg3[%swap3A, %swap3A_93], %select_n3A_92 {strides = array<i32>} : memref<8x16xf32, #tpu.memory_space<vmem>>, vector<8x16xf32>,
    %broadcast_in_dim3A_95 = vector.shape_cast %reduce_min3A_89 : vector<8xi32> to vector<8x1xi32>
    %swap3A_96 = arith.constant 0 : index
    %swap3A_97 = arith.constant 0 : index
    %swap3A_98 = vector.load %arg4[%swap3A_96, %swap3A_97] : memref<8x1xi32, #tpu.memory_space<vmem>>, vector<8x1xi32>
    tpu.vector_store %arg4[%swap3A_96, %swap3A_97], %broadcast_in_dim3A_95 {strides = array<i32>} : memref<8x1xi32, #tpu.memory_space<vmem>>, vector<8x1xi32>,
    return
  }
}

module attributes {stable_mosaic.version = 14 : i64} {
  func.func @body(%arg0: i32, %arg1: memref<8xi32, #tpu.memory_space<smem>>, %arg2: memref<1x128x256xf32, #tpu.memory_space<vmem>>, %arg3: memref<1x128x256xf32, #tpu.memory_space<vmem>>, %arg4: memref<1x128x256xf32, #tpu.memory_space<vmem>>, %arg5: memref<1x128x256xf32, #tpu.memory_space<vmem>>, %arg6: memref<1x512x256xf32, #tpu.memory_space<vmem>>, %arg7: memref<1x1x1x128xi32, #tpu.memory_space<vmem>>, %arg8: memref<1x640x256xf32, #tpu.memory_space<vmem>>, %arg9: memref<1x1x128xi32, #tpu.memory_space<vmem>>) attributes {dimension_semantics = [#tpu.dimension_semantics<arbitrary>], iteration_bounds = array<i64: 8>, scalar_prefetch = 1 : i64, scratch_operands = 0 : i64, tpu.core_type = #tpu.core_type<tc>, window_params = [{transform_indices = @transform_0, window_bounds = array<i64: 1, 128, 256>}, {transform_indices = @transform_1, window_bounds = array<i64: 1, 128, 256>}, {transform_indices = @transform_2, window_bounds = array<i64: 1, 128, 256>}, {transform_indices = @transform_3, window_bounds = array<i64: 1, 128, 256>}, {transform_indices = @transform_4, window_bounds = array<i64: 1, 512, 256>}, {transform_indices = @transform_5, window_bounds = array<i64: 1, 1, 1, 128>}, {transform_indices = @transform_6, window_bounds = array<i64: 1, 640, 256>}, {transform_indices = @transform_7, window_bounds = array<i64: 1, 1, 128>}]} {
    %mul3A = arith.constant 16 : i32
    %mul3A_0 = arith.muli %arg0, %mul3A : i32
    %get3A = arith.index_cast %arg0 : i32 to index
    %get3A_1 = memref.load %arg1[%get3A] : memref<8xi32, #tpu.memory_space<smem>>
    %add3A = arith.addi %mul3A_0, %get3A_1 : i32
    %get3A_2 = arith.constant 0 : index
    %get3A_3 = arith.constant 0 : index
    %get3A_4 = arith.constant 0 : index
    %get3A_5 = vector.load %arg2[%get3A_2, %get3A_3, %get3A_4] : memref<1x128x256xf32, #tpu.memory_space<vmem>>, vector<1x128x256xf32>
    %get3A_6 = vector.shape_cast %get3A_5 : vector<1x128x256xf32> to vector<128x256xf32>
    %ge3A = arith.constant 32 : i32
    %ge3A_7 = arith.cmpi sge, %add3A, %ge3A : i32
    %lt3A = arith.constant 64 : i32
    %lt3A_8 = arith.cmpi slt, %add3A, %lt3A : i32
    %and3A = arith.andi %ge3A_7, %lt3A_8 : i1
    %get3A_9 = arith.constant 0 : index
    %get3A_10 = arith.constant 0 : index
    %get3A_11 = arith.constant 0 : index
    %get3A_12 = vector.load %arg3[%get3A_9, %get3A_10, %get3A_11] : memref<1x128x256xf32, #tpu.memory_space<vmem>>, vector<1x128x256xf32>
    %get3A_13 = vector.shape_cast %get3A_12 : vector<1x128x256xf32> to vector<128x256xf32>
    %select_n3A = arith.select %and3A, %get3A_13, %get3A_6 : vector<128x256xf32>
    %ge3A_14 = arith.constant 64 : i32
    %ge3A_15 = arith.cmpi sge, %add3A, %ge3A_14 : i32
    %lt3A_16 = arith.constant 96 : i32
    %lt3A_17 = arith.cmpi slt, %add3A, %lt3A_16 : i32
    %and3A_18 = arith.andi %ge3A_15, %lt3A_17 : i1
    %get3A_19 = arith.constant 0 : index
    %get3A_20 = arith.constant 0 : index
    %get3A_21 = arith.constant 0 : index
    %get3A_22 = vector.load %arg4[%get3A_19, %get3A_20, %get3A_21] : memref<1x128x256xf32, #tpu.memory_space<vmem>>, vector<1x128x256xf32>
    %get3A_23 = vector.shape_cast %get3A_22 : vector<1x128x256xf32> to vector<128x256xf32>
    %select_n3A_24 = arith.select %and3A_18, %get3A_23, %select_n3A : vector<128x256xf32>
    %ge3A_25 = arith.constant 96 : i32
    %ge3A_26 = arith.cmpi sge, %add3A, %ge3A_25 : i32
    %lt3A_27 = arith.constant 128 : i32
    %lt3A_28 = arith.cmpi slt, %add3A, %lt3A_27 : i32
    %and3A_29 = arith.andi %ge3A_26, %lt3A_28 : i1
    %get3A_30 = arith.constant 0 : index
    %get3A_31 = arith.constant 0 : index
    %get3A_32 = arith.constant 0 : index
    %get3A_33 = vector.load %arg5[%get3A_30, %get3A_31, %get3A_32] : memref<1x128x256xf32, #tpu.memory_space<vmem>>, vector<1x128x256xf32>
    %get3A_34 = vector.shape_cast %get3A_33 : vector<1x128x256xf32> to vector<128x256xf32>
    %select_n3A_35 = arith.select %and3A_29, %get3A_34, %select_n3A_24 : vector<128x256xf32>
    %swap3A = arith.constant 0 : index
    %swap3A_36 = arith.constant 0 : index
    %swap3A_37 = arith.constant 0 : index
    %swap3A_38 = vector.load %arg8[%swap3A, %swap3A_36, %swap3A_37] : memref<1x640x256xf32, #tpu.memory_space<vmem>>, vector<1x128x256xf32>
    %swap3A_39 = vector.shape_cast %swap3A_38 : vector<1x128x256xf32> to vector<128x256xf32>
    %swap3A_40 = vector.shape_cast %select_n3A_35 : vector<128x256xf32> to vector<1x128x256xf32>
    tpu.vector_store %arg8[%swap3A, %swap3A_36, %swap3A_37], %swap3A_40 {strides = array<i32>} : memref<1x640x256xf32, #tpu.memory_space<vmem>>, vector<1x128x256xf32>,
    %get3A_41 = arith.constant 0 : index
    %get3A_42 = arith.constant 0 : index
    %get3A_43 = arith.constant 0 : index
    %get3A_44 = vector.load %arg6[%get3A_41, %get3A_42, %get3A_43] : memref<1x512x256xf32, #tpu.memory_space<vmem>>, vector<1x512x256xf32>
    %get3A_45 = vector.shape_cast %get3A_44 : vector<1x512x256xf32> to vector<512x256xf32>
    %swap3A_46 = arith.constant 0 : index
    %swap3A_47 = arith.constant 128 : index
    %swap3A_48 = arith.constant 0 : index
    %swap3A_49 = vector.load %arg8[%swap3A_46, %swap3A_47, %swap3A_48] : memref<1x640x256xf32, #tpu.memory_space<vmem>>, vector<1x512x256xf32>
    %swap3A_50 = vector.shape_cast %swap3A_49 : vector<1x512x256xf32> to vector<512x256xf32>
    %swap3A_51 = vector.shape_cast %get3A_45 : vector<512x256xf32> to vector<1x512x256xf32>
    tpu.vector_store %arg8[%swap3A_46, %swap3A_47, %swap3A_48], %swap3A_51 {strides = array<i32>} : memref<1x640x256xf32, #tpu.memory_space<vmem>>, vector<1x512x256xf32>,
    %get3A_52 = arith.constant 0 : index
    %get3A_53 = arith.constant 0 : index
    %get3A_54 = arith.constant 0 : index
    %get3A_55 = arith.constant 0 : index
    %get3A_56 = vector.load %arg7[%get3A_52, %get3A_53, %get3A_54, %get3A_55] : memref<1x1x1x128xi32, #tpu.memory_space<vmem>>, vector<1x1x1x128xi32>
    %get3A_57 = vector.shape_cast %get3A_56 : vector<1x1x1x128xi32> to vector<1x128xi32>
    %ne3A = arith.constant 0 : i32
    %ne3A_58 = vector.broadcast %ne3A : i32 to vector<1x128xi32>
    %ne3A_59 = arith.cmpi ne, %get3A_57, %ne3A_58 : vector<1x128xi32>
    %convert_element_type3A = arith.extui %ne3A_59 : vector<1x128xi1> to vector<1x128xi32>
    %swap3A_60 = arith.constant 0 : index
    %swap3A_61 = arith.constant 0 : index
    %swap3A_62 = arith.constant 0 : index
    %swap3A_63 = vector.load %arg9[%swap3A_60, %swap3A_61, %swap3A_62] : memref<1x1x128xi32, #tpu.memory_space<vmem>>, vector<1x1x128xi32>
    %swap3A_64 = vector.shape_cast %swap3A_63 : vector<1x1x128xi32> to vector<1x128xi32>
    %swap3A_65 = vector.shape_cast %convert_element_type3A : vector<1x128xi32> to vector<1x1x128xi32>
    tpu.vector_store %arg9[%swap3A_60, %swap3A_61, %swap3A_62], %swap3A_65 {strides = array<i32>} : memref<1x1x128xi32, #tpu.memory_space<vmem>>, vector<1x1x128xi32>,
    return
  }
  func.func @transform_0(%arg0: i32, %arg1: memref<8xi32, #tpu.memory_space<smem>>) -> (i32, i32, i32) {
    %mul3A = arith.constant 16 : i32
    %mul3A_0 = arith.muli %arg0, %mul3A : i32
    %get3A = arith.index_cast %arg0 : i32 to index
    %get3A_1 = memref.load %arg1[%get3A] : memref<8xi32, #tpu.memory_space<smem>>
    %add3A = arith.addi %mul3A_0, %get3A_1 : i32
    %sub3A = arith.constant 0 : i32
    %sub3A_2 = arith.subi %add3A, %sub3A : i32
    %jit3A = arith.constant 0 : i32
    %jit3A_3 = arith.constant 31 : i32
    %max3A = arith.maxsi %jit3A, %sub3A_2 : i32
    %min3A = arith.minsi %jit3A_3, %max3A : i32
    %c0_i32 = arith.constant 0 : i32
    %c0_i32_4 = arith.constant 0 : i32
    %c0_i32_5 = arith.constant 0 : i32
    return %min3A, %c0_i32, %c0_i32_4 : i32, i32, i32
  }
  func.func @transform_1(%arg0: i32, %arg1: memref<8xi32, #tpu.memory_space<smem>>) -> (i32, i32, i32) {
    %mul3A = arith.constant 16 : i32
    %mul3A_0 = arith.muli %arg0, %mul3A : i32
    %get3A = arith.index_cast %arg0 : i32 to index
    %get3A_1 = memref.load %arg1[%get3A] : memref<8xi32, #tpu.memory_space<smem>>
    %add3A = arith.addi %mul3A_0, %get3A_1 : i32
    %sub3A = arith.constant 32 : i32
    %sub3A_2 = arith.subi %add3A, %sub3A : i32
    %jit3A = arith.constant 0 : i32
    %jit3A_3 = arith.constant 31 : i32
    %max3A = arith.maxsi %jit3A, %sub3A_2 : i32
    %min3A = arith.minsi %jit3A_3, %max3A : i32
    %c0_i32 = arith.constant 0 : i32
    %c0_i32_4 = arith.constant 0 : i32
    %c0_i32_5 = arith.constant 0 : i32
    return %min3A, %c0_i32, %c0_i32_4 : i32, i32, i32
  }
  func.func @transform_2(%arg0: i32, %arg1: memref<8xi32, #tpu.memory_space<smem>>) -> (i32, i32, i32) {
    %mul3A = arith.constant 16 : i32
    %mul3A_0 = arith.muli %arg0, %mul3A : i32
    %get3A = arith.index_cast %arg0 : i32 to index
    %get3A_1 = memref.load %arg1[%get3A] : memref<8xi32, #tpu.memory_space<smem>>
    %add3A = arith.addi %mul3A_0, %get3A_1 : i32
    %sub3A = arith.constant 64 : i32
    %sub3A_2 = arith.subi %add3A, %sub3A : i32
    %jit3A = arith.constant 0 : i32
    %jit3A_3 = arith.constant 31 : i32
    %max3A = arith.maxsi %jit3A, %sub3A_2 : i32
    %min3A = arith.minsi %jit3A_3, %max3A : i32
    %c0_i32 = arith.constant 0 : i32
    %c0_i32_4 = arith.constant 0 : i32
    %c0_i32_5 = arith.constant 0 : i32
    return %min3A, %c0_i32, %c0_i32_4 : i32, i32, i32
  }
  func.func @transform_3(%arg0: i32, %arg1: memref<8xi32, #tpu.memory_space<smem>>) -> (i32, i32, i32) {
    %mul3A = arith.constant 16 : i32
    %mul3A_0 = arith.muli %arg0, %mul3A : i32
    %get3A = arith.index_cast %arg0 : i32 to index
    %get3A_1 = memref.load %arg1[%get3A] : memref<8xi32, #tpu.memory_space<smem>>
    %add3A = arith.addi %mul3A_0, %get3A_1 : i32
    %sub3A = arith.constant 96 : i32
    %sub3A_2 = arith.subi %add3A, %sub3A : i32
    %jit3A = arith.constant 0 : i32
    %jit3A_3 = arith.constant 31 : i32
    %max3A = arith.maxsi %jit3A, %sub3A_2 : i32
    %min3A = arith.minsi %jit3A_3, %max3A : i32
    %c0_i32 = arith.constant 0 : i32
    %c0_i32_4 = arith.constant 0 : i32
    %c0_i32_5 = arith.constant 0 : i32
    return %min3A, %c0_i32, %c0_i32_4 : i32, i32, i32
  }
  func.func @transform_4(%arg0: i32, %arg1: memref<8xi32, #tpu.memory_space<smem>>) -> (i32, i32, i32) {
    %c0_i32 = arith.constant 0 : i32
    %c0_i32_0 = arith.constant 0 : i32
    %c0_i32_1 = arith.constant 0 : i32
    return %arg0, %c0_i32, %c0_i32_0 : i32, i32, i32
  }
  func.func @transform_5(%arg0: i32, %arg1: memref<8xi32, #tpu.memory_space<smem>>) -> (i32, i32, i32, i32) {
    %get3A = arith.index_cast %arg0 : i32 to index
    %get3A_0 = memref.load %arg1[%get3A] : memref<8xi32, #tpu.memory_space<smem>>
    %c0_i32 = arith.constant 0 : i32
    %c0_i32_1 = arith.constant 0 : i32
    %c0_i32_2 = arith.constant 0 : i32
    return %arg0, %get3A_0, %c0_i32, %c0_i32_1 : i32, i32, i32, i32
  }
  func.func @transform_6(%arg0: i32, %arg1: memref<8xi32, #tpu.memory_space<smem>>) -> (i32, i32, i32) {
    %c0_i32 = arith.constant 0 : i32
    %c0_i32_0 = arith.constant 0 : i32
    %c0_i32_1 = arith.constant 0 : i32
    return %arg0, %c0_i32, %c0_i32_0 : i32, i32, i32
  }
  func.func @transform_7(%arg0: i32, %arg1: memref<8xi32, #tpu.memory_space<smem>>) -> (i32, i32, i32) {
    %c0_i32 = arith.constant 0 : i32
    %c0_i32_0 = arith.constant 0 : i32
    %c0_i32_1 = arith.constant 0 : i32
    return %arg0, %c0_i32, %c0_i32_0 : i32, i32, i32
  }
}

</mosaic_0001>

<sc_bundles>
// kernel: kernel.14.cloned.1.call-start
scs
__scs_entry_jumppad:
0x0: {  	(pc) =	sbr.rel $0x88, $3  }
0x1: {  	(tag) =	ssettag $0x0;
	lr =	simm.s32 $0x1  }
0x2: {  	[smem:$0x3F8E] =	sst lr;
	_ =	strace $0xD0000000  }
0x3: {  	_ = 	snop  }
0x4: {  	_ = 	snop  }
0x5: {  	_ = 	snop  }
0x6: {  	_ = 	snop  }
0x7: {  	_ = 	snop  }
__scs_overlays_trampoline_lowered:
0x8: {  	[smem:$0x3F9D] =	sst s0  }
0x9: {  	[smem:$0x3F9E] =	sst s1  }
0xa: {  	[smem:$0x3F9F] =	sst s2  }
0xb: {  	[smem:$0x3FA0] =	sst s3  }
0xc: {  	[smem:$0x3FA1] =	sst s4  }
0xd: {  	[smem:$0x3FA2] =	sst s5  }
0xe: {  	[smem:$0x3FA3] =	sst s6  }
0xf: {  	[smem:$0x3FA4] =	sst s7  }
0x10: {  	[smem:$0x3FA5] =	sst s8  }
0x11: {  	[smem:$0x3FA6] =	sst s9;
	s0 =	simm.s32 @!p0 $0x0  }
0x12: {  	s1 =	sld [smem:$0x3F8C];
	s0 =	simm.s32 @p0 $0x1  }
0x13: {  	[smem:$0x3FA7] =	sst s0;
	s0 =	simm.s32 @!p1 $0x0  }
0x14: {  	s2 =	sld [smem:$0x3F8B];
	s0 =	simm.s32 @p1 $0x1  }
0x15: {  	[smem:$0x3FA8] =	sst s0;
	s0 =	simm.s32 @!p2 $0x0  }
0x16: {  	s3 =	sld [smem:$0x3FDB];
	s0 =	simm.s32 @p2 $0x1  }
0x17: {  	s4 =	simm.s32 $0x1BF5;
	[smem:$0x3FAA] =	sst s0  }
0x18: {  	s0 =	sld [smem:$0x3F8D];
	_ =	swait.ge [sflag:s4], $0x0  }
0x19: {  	s7 =	sld [smem:$0x3F8E]  }
0x1a: {  	s8 =	sadd.s32 $0xFFFFE003, lr  }
0x1b: {  	s9 =	sadd.s32 $0xFFFFFEF7, lr;
	s5 =	simm.s32 $0xFFFFFFFF;
	p2 =	slt.u32 s8, $0xFFFFF086  }
0x1c: {  	p1 =	slt.u32 s9, $0xF7A;
	s5 =	simm.s32 @!p2 $0x0  }
0x1d: {  	s5 =	simm.s32 @p1 $0x1;
	p0 =	seq.s32 s7, s2  }
0x1e: {  	s7 =	smul.u32 @!p0 $0xF7A, s2;
	p2 =	seq.s32 @!p0 s5, $0x0  }
0x1f: {  	s9 =	smul.u32 $0xF7A, s1;
	s8 =	simm.s32 @!p0 $0x1BF5;
	p2 =	por !p2, p0  }
0x20: {  	[sflag:s8] =	ssyncset.s32 @!p0 $0xFFFFF086;
	s6 =	sadd.s32 @!p0 s3, s7;
	s7 =	simm.s32 @!p0 $0x108  }
0x21: {  	s3 =	sadd.s32 s3, s9;
	s6 =	sadd.s32 @!p0 $0x88, s6;
	s7 =	simm.s32 @p2 $0x1082  }
0x22: {  	[simem:s7], [sflag:s8] =	dma.local @!p0 [hbm:s6], $0xF7A  }
0x23: {  	s9 =	sor.u32 $0xD0000000, s2;
	s6 =	simm.s32 $0x108;
	_ =	swait.ge @!p0 [sflag:s8], $0x0  }
0x24: {  	s3 =	sadd.s32 $0x88, s3;
	s6 =	simm.s32 @!p1 $0x1082;
	[sflag:s4] =	ssyncset.s32 $0xFFFFF086  }
0x25: {  	[simem:s6], [sflag:s4] =	dma.local [hbm:s3], $0xF7A  }
0x26: {  	[smem:$0x3F8E] =	sst s1;
	(tag) =	ssettag s2;
	_ =	strace s9  }
0x27: {  	s1 =	sld [smem:$0x3F9E]  }
0x28: {  	s2 =	sld [smem:$0x3F9F]  }
0x29: {  	s4 =	sld [smem:$0x3FA1]  }
0x2a: {  	p0 =	seq.s32 s5, $0x0;
	s5 =	sld [smem:$0x3FA2]  }
0x2b: {  	s6 =	sld [smem:$0x3FA3]  }
0x2c: {  	s7 =	sld [smem:$0x3FA4]  }
0x2d: {  	s3 =	simm.s32 $0x108;
	s8 =	sld [smem:$0x3FA5]  }
0x2e: {  	s3 =	simm.s32 @!p0 $0x1082;
	s9 =	sld [smem:$0x3FA6]  }
0x2f: {  	lr =	sadd.s32 s0, s3;
	s0 =	sld [smem:$0x3F9D]  }
0x30: {  	s3 =	sld [smem:$0x3FA0]  }
0x31: {  	[smem:$0x3FA9] =	sst s10  }
0x32: {  	s10 =	sld [smem:$0x3FA7];
	_ =	sdelay $0x3  }
0x33: {  	p0 =	seq.s32 s10, $0x1;
	s10 =	sld [smem:$0x3FA9];
	_ =	sdelay $0x3  }
0x34: {  	[smem:$0x3FA9] =	sst s10  }
0x35: {  	s10 =	sld [smem:$0x3FA8];
	_ =	sdelay $0x3  }
0x36: {  	p1 =	seq.s32 s10, $0x1;
	s10 =	sld [smem:$0x3FA9];
	_ =	sdelay $0x3  }
0x37: {  	[smem:$0x3FA9] =	sst s10  }
0x38: {  	s10 =	sld [smem:$0x3FAA]  }
0x39: {  	_ = 	snop;
	(pc) =	sbr.ind lr, $3  }
0x3a: {  	_ = 	snop  }
0x3b: {  	_ = 	snop  }
0x3c: {  	p2 =	seq.s32 s10, $0x1;
	s10 =	sld [smem:$0x3FA9]  }
0x3d: {  	_ =	shalt  }
0x3e: {  	_ =	shalt  }
0x3f: {  	_ =	shalt  }
0x40: {  	_ =	shalt  }
0x41: {  	_ =	shalt  }
0x42: {  	_ =	shalt  }
0x43: {  	_ =	shalt  }
0x44: {  	_ =	shalt  }
0x45: {  	_ =	shalt  }
0x46: {  	_ =	shalt  }
0x47: {  	_ =	shalt  }
0x48: {  	_ =	shalt  }
0x49: {  	_ =	shalt  }
0x4a: {  	_ =	shalt  }
0x4b: {  	_ =	shalt  }
0x4c: {  	_ =	shalt  }
0x4d: {  	_ =	shalt  }
0x4e: {  	_ =	shalt  }
0x4f: {  	_ =	shalt  }
0x50: {  	_ =	shalt  }
0x51: {  	_ =	shalt  }
0x52: {  	_ =	shalt  }
0x53: {  	_ =	shalt  }
0x54: {  	_ =	shalt  }
0x55: {  	_ =	shalt  }
0x56: {  	_ =	shalt  }
0x57: {  	_ =	shalt  }
0x58: {  	_ =	shalt  }
0x59: {  	_ =	shalt  }
0x5a: {  	_ =	shalt  }
0x5b: {  	_ =	shalt  }
0x5c: {  	_ =	shalt  }
0x5d: {  	_ =	shalt  }
0x5e: {  	_ =	shalt  }
0x5f: {  	_ =	shalt  }
0x60: {  	_ =	shalt  }
0x61: {  	_ =	shalt  }
0x62: {  	_ =	shalt  }
0x63: {  	_ =	shalt  }
0x64: {  	_ =	shalt  }
0x65: {  	_ =	shalt  }
0x66: {  	_ =	shalt  }
0x67: {  	_ =	shalt  }
0x68: {  	_ =	shalt  }
0x69: {  	_ =	shalt  }
0x6a: {  	_ =	shalt  }
0x6b: {  	_ =	shalt  }
0x6c: {  	_ =	shalt  }
0x6d: {  	_ =	shalt  }
0x6e: {  	_ =	shalt  }
0x6f: {  	_ =	shalt  }
0x70: {  	_ =	shalt  }
0x71: {  	_ =	shalt  }
0x72: {  	_ =	shalt  }
0x73: {  	_ =	shalt  }
0x74: {  	_ =	shalt  }
0x75: {  	_ =	shalt  }
0x76: {  	_ =	shalt  }
0x77: {  	_ =	shalt  }
0x78: {  	_ =	shalt  }
0x79: {  	_ =	shalt  }
0x7a: {  	_ =	shalt  }
0x7b: {  	_ =	shalt  }
0x7c: {  	_ =	shalt  }
0x7d: {  	_ =	shalt  }
0x7e: {  	_ =	shalt  }
0x7f: {  	_ =	shalt  }
0x80: {  	_ =	shalt  }
0x81: {  	_ =	shalt  }
0x82: {  	_ =	shalt  }
0x83: {  	_ =	shalt  }
0x84: {  	_ =	shalt  }
0x85: {  	_ =	shalt  }
0x86: {  	_ =	shalt  }
0x87: {  	_ =	shalt  }
.Lfunc_end0:
.L_simem_size_0:
called_computation_lowered:
.L_overlay_start_0:
0x88: {  	s2 =	sld [smem:$0x3FD9]  }
0x89: {  	s3 =	sld [smem:$0x3FFE];
	_ =	sdelay $0x1  }
0x8a: {  	s1 =	srdreg.scid  }
0x8b: {  	s0 =	sand.u32 $0x1, s1  }
0x8c: {  	s17 =	sshll.u32 s0, $0xA;
	s2 =	sadd.s32 s3, s2  }
0x8d: {  	s2 =	sadd.s32 s2, s17  }
0x8e: {  	[smem:$0x3FB5] =	sst s2  }
0x8f: {  	_ = 	snop  }
0x90: {  	s18 =	sld [smem:$0x3FC1];
	(tm) =	ssettm $0x1  }
0x91: {  	s19 =	sld [smem:$0x3FFB];
	_ =	sdelay $0x3  }
0x92: {  	_ =	strace s19  }
0x93: {  	s2 =	sld [smem:$0x3FFC];
	_ =	sdelay $0x3  }
0x94: {  	_ =	strace s2  }
0x95: {  	s2 =	sld [smem:$0x3FFD];
	_ =	sdelay $0x3  }
0x96: {  	_ =	strace s2  }
0x97: {  	_ =	strace $0x8FFFFFFF  }
0x98: {  	s20 =	sld [smem:$0x3FDB];
	_ =	sdelay $0x1  }
0x99: {  	s4 =	simm.s32 $_scs_section_size  }
0x9a: {  	s5 =	simm.s32 $_size__tile_overlayer_lowered;
	s6 =	simm.s32 $_tile_overlayer_lowered  }
0x9b: {  	s7 =	simm.s32 $0x1BFF;
	s21 =	sshll.u32 s6, $0x1;
	s4 =	sadd.s32 s4, s20  }
0x9c: {  	s22 =	simm.s32 $0x0;
	s5 =	sshll.u32 s5, $0x1;
	s6 =	sadd.s32 s21, s4  }
0x9d: {  	[timem:s22], [sflag:s7] =	dma.local [hbm:s6], s5  }
0x9e: {  	_ =	swait.ge [sflag:s7], s5  }
0x9f: {  	s5 =	ssub.s32 $0x0, s5;
	[sflag:s7] =	ssyncset.done $0x0  }
0xa0: {  	[sflag:s7] =	ssyncadd.s32 s5;
	_ =	sdelay $0x1  }
0xa1: {  	s23 =	simm.s32 $0x1B8B  }
0xa2: {  	_ =	swait.ge [sflag:s23], $0x1  }
0xa3: {  	[sflag:s23] =	ssyncset.done $0x0  }
0xa4: {  	[sflag:s23] =	ssyncadd.s32 $0xFFFFFFFF  }
0xa5: {  	s5 =	sld [smem:$0x0]  }
0xa6: {  	s6 =	sand.u32 $0xFFFFFFFE, s1  }
0xa7: {  	p0 =	sne.s32 s1, s6  }
0xa8: {  	s6 =	sshll.u32 @p0 s6, $0xE  }
0xa9: {  	s6 =	sadd.s32 @p0 $0x11B8D, s6;
	s7 =	sshll.u32 @p0 s5, $0x11  }
0xaa: {  	s6 =	sor.u32 @p0 s7, s6  }
0xab: {  	[sflag:s6] =	ssyncadd.remote.s32 @p0 $0x1;
	_ =	sdelay $0x1  }
0xac: {  	s6 =	simm.s32 @p0 $0x1B8D  }
0xad: {  	_ =	swait.eq @p0 [sflag:s6], $0x1  }
0xae: {  	[sflag:s6] =	ssyncadd.s32 @p0 $0xFFFFFFFF  }
0xaf: {  	s7 =	sshll.u32 @!p0 s1, $0xE  }
0xb0: {  	s7 =	sor.u32 @!p0 $0x4000, s7;
	s6 =	simm.s32 @!p0 $0x1B8D  }
0xb1: {  	s5 =	sshll.u32 @!p0 s5, $0x11;
	s7 =	sadd.s32 @!p0 $0x11B8D, s7;
	_ =	swait.eq @!p0 [sflag:s6], $0x1  }
0xb2: {  	s5 =	sor.u32 @!p0 s5, s7;
	[sflag:s6] =	ssyncadd.s32 @!p0 $0xFFFFFFFF  }
0xb3: {  	s25 =	simm.s32 $0x1B8E;
	s24 =	sld [smem:$0x3FFE];
	[sflag:s5] =	ssyncadd.remote.s32 @!p0 $0x1  }
0xb4: {  	s26 =	simm.s32 $execute0_lowered;
	[smem:$0x3FD2] =	sst s25  }
0xb5: {  	s6 =	sshll.u32 s26, $0x1;
	_ =	strace $0x80000052;
	[dreg:$0x1] =	wrdreg $0xFFFFFFFF  }
0xb6: {  	s28 =	simm.s32 $_size_execute0_lowered;
	s4 =	sadd.s32 s4, s6;
	[dreg:$0x0] =	wrdreg $0x0  }
0xb7: {  	s6 =	sshll.u32 s28, $0x1;
	[dreg:$0x2] =	wrdreg s4  }
0xb8: {  	[dreg:$0x3] =	wrdreg s6  }
0xb9: {  	[dreg:$0x4] =	wrdreg $0xC0  }
0xba: {  	_ =	task [dreg:s22], $0x5FFFF  }
0xbb: {  	[dreg:$0x1] =	wrdreg $0xFFFFFFFF  }
0xbc: {  	[dreg:$0x0] =	wrdreg $0x60  }
0xbd: {  	[dreg:$0x2] =	wrdreg s18  }
0xbe: {  	[dreg:$0x3] =	wrdreg s24  }
0xbf: {  	[dreg:$0x4] =	wrdreg $0x9  }
0xc0: {  	_ =	task.clear_ibuf [dreg:s22], $0x5FFFF;
	_ =	strace $0x90000052  }
0xc1: {  	s29 =	simm.s32 $0x9;
	_ =	strace $0x80000054  }
0xc2: {  	_ =	swait.ge [sflag:s29], $0x1  }
0xc3: {  	[sflag:s29] =	ssyncadd.s32 $0xFFFFFFFF  }
0xc4: {  	_ =	strace $0x90000054  }
0xc5: {  	_ =	sfence  }
0xc6: {  	s30 =	sld [smem:$0x0];
	_ =	sdelay $0x2  }
0xc7: {  	s31 =	sshll.u32 s1, $0xD;
	s1 =	sshrl.u32 s1, $0x2  }
0xc8: {  	s4 =	sand.u32 $0x4000, s31;
	s1 =	sadd.s32 s1, s30  }
0xc9: {  	s0 =	sor.u32 s4, s0;
	s1 =	sshll.u32 s1, $0x11  }
0xca: {  	s0 =	sor.u32 s1, s0  }
0xcb: {  	s0 =	sadd.s32 $0x8F2B, s0  }
0xcc: {  	[sflag:s0] =	ssyncadd.remote.s32 $0x1  }
0xcd: {  	_ =	sfence.sel $0xFFFF  }
0xce: {  	[dreg:$0x0] =	wrdreg $0xFFFFFFFF;
	(pc) =	sbr.abs _section_cstart, $3  }
0xcf: {  	[dreg:$0x1] =	wrdreg $0xFFFFFFFF  }
0xd0: {  	_ =	task.clear_ibuf [dreg:s22], $0x2FFFF;
	_ =	strace $0x9FFFFFFF  }
0xd1: {  	(tm) =	ssettm $0x7FFFFFFF  }
tec
execute0_lowered:
.L_overlay_start_1:
0x0: {  	(tag) =	ssettag $0x1  }
0x1: {  	s1 =	rddreg [dreg:$0x0]  }
0x2: {  	s4 =	rddreg [dreg:$0x1]  }
0x3: {  	s0 =	rddreg [dreg:$0x2]  }
0x4: {  	s5 =	srdreg.scid;
	s3 =	simm.s32 $0x0;
	s2 =	stileid.u32  }
0x5: {  	s14 =	simm.s32 $0x5;
	s15 =	simm.s32 $0x80;
	s16 =	simm.s32 $0x880  }
0x6: {  	s17 =	simm.s32 $0x1080;
	s18 =	simm.s32 $0x1880;
	s19 =	simm.s32 $0x2080  }
0x7: {  	s20 =	simm.s32 $0x2880;
	s21 =	simm.s32 $0x3080;
	s22 =	simm.s32 $0x3880  }
0x8: {  	s23 =	simm.s32 $0x1;
	s24 =	simm.s32 $0x2;
	s25 =	simm.s32 $0x3  }
0x9: {  	s26 =	simm.s32 $0x4;
	s5 =	sand.u32 $0x1, s5;
	[smem:$0x7FF] =	sst s3  }
0xa: {  	s6 =	sshll.u32 s2, $0x8;
	s7 =	sshll.u32 s5, $0x7;
	s5 =	ssub.s32 $0x2, s5  }
0xb: {  	_ =	strace $0x80000053;
	s6 =	sor.u32 s7, s6;
	s31 =	sshrl.u32 s5, $0x1  }
0xc: {  	s7 =	sshrl.u32 s6, $0x3;
	s6 =	sshll.u32 s6, $0x5;
	s13 =	ssub.s32 s5, s31  }
0xd: {  	s7 =	sadd.s32 s7, s4;
	s12 =	sadd.s32 s6, s4;
	s13 =	smax.u32 s13, $0x1  }
0xe: {  	v2 =	vlaneseq.u32;
	s4 =	sadd.s32 $0x66200, s7;
	s5 =	sadd.s32 $0x66400, s12;
	s6 =	sadd.s32 $0x66600, s12  }
0xf: {  	vm0 =	vmmov $0xffff;
	v1 =	vshrl.u32 v2, $0x3;
	s7 =	sadd.s32 $0x66800, s12;
	s8 =	sadd.s32 $0x66A00, s12;
	s9 =	sadd.s32 $0x66C00, s12  }
0x10: {  	v0 =	vand.u32 $0x7, v2;
	v2 =	vor.u32 $0x8, v2;
	v1 =	vmul.u32 $0x8, v1;
	s10 =	sadd.s32 $0x66E00, s12;
	s11 =	sadd.s32 $0x67000, s12;
	s12 =	sadd.s32 $0x67200, s12  }
.LBB2_1:
0x11: {  	[tilespmem:s3], [sflag:$0x5] =	stream.linear.gather [hbm4b:s4+s3], $0x80, $0x38;
	[tilespmem:$0x4080] =	vst v63  }
0x12: {  	_ =	swait.ge [sflag:s14], $0x80  }
0x13: {  	[sflag:s14] =	ssyncset.done $0x0  }
0x14: {  	[sflag:s14] =	ssyncadd.s32 $0xFFFFFF80  }
0x15: {  	v3 =	vld [tilespmem:$0x0];
	_ =	sdelay $0x4  }
0x16: {  	v4 =	vshll.u32 v3, $0x1  }
0x17: {  	v3 =	vand.u32 $0x7, v3;
	v4 =	vand.u32 $0xFFFFFFF0, v4  }
0x18: {  	v3 =	vor.u32 v3, v4  }
0x19: {  	v4 =	vperm.xlane v3, v0;
	_ =	sdelay $0x1  }
0x1a: {  	v3 =	vperm.xlane v3, v2;
	v4 =	vadd.s32 v1, v4;
	_ =	sdelay $0x1  }
0x1b: {  	v3 =	vadd.s32 v1, v3;
	_ =	sdelay $0x2  }
0x1c: {  	[tilespmem:s15], [sflag:$0x1] =	stream.indirect_vreg.gather [hbm4b:s1+s3], $0x80, v4, vm0, $0xb8;
	[tilespmem:$0x4080] =	vst v63  }
0x1d: {  	_ = 	snop  }
0x1e: {  	[tilespmem:s16], [sflag:$0x1] =	stream.indirect_vreg.gather [hbm4b:s1+s3], $0x80, v3, vm0, $0xb8;
	[tilespmem:$0x4080] =	vst v63  }
0x1f: {  	v3 =	vld [tilespmem:$0x10];
	_ =	sdelay $0x4  }
0x20: {  	v57 =	vshll.u32 v3, $0x1  }
0x21: {  	v3 =	vand.u32 $0x7, v3;
	v4 =	vand.u32 $0xFFFFFFF0, v57  }
0x22: {  	v3 =	vor.u32 v3, v4  }
0x23: {  	v4 =	vperm.xlane v3, v0;
	_ =	sdelay $0x1  }
0x24: {  	v3 =	vperm.xlane v3, v2;
	v4 =	vadd.s32 v1, v4;
	_ =	sdelay $0x1  }
0x25: {  	v3 =	vadd.s32 v1, v3;
	_ =	sdelay $0x2  }
0x26: {  	[tilespmem:s17], [sflag:$0x2] =	stream.indirect_vreg.gather [hbm4b:s1+s3], $0x80, v4, vm0, $0xb8;
	[tilespmem:$0x4080] =	vst v63  }
0x27: {  	_ = 	snop  }
0x28: {  	[tilespmem:s18], [sflag:$0x2] =	stream.indirect_vreg.gather [hbm4b:s1+s3], $0x80, v3, vm0, $0xb8;
	[tilespmem:$0x4080] =	vst v63  }
0x29: {  	v3 =	vld [tilespmem:$0x20];
	_ =	sdelay $0x4  }
0x2a: {  	v58 =	vshll.u32 v3, $0x1  }
0x2b: {  	v3 =	vand.u32 $0x7, v3;
	v4 =	vand.u32 $0xFFFFFFF0, v58  }
0x2c: {  	v3 =	vor.u32 v3, v4  }
0x2d: {  	v4 =	vperm.xlane v3, v0;
	_ =	sdelay $0x1  }
0x2e: {  	v3 =	vperm.xlane v3, v2;
	v4 =	vadd.s32 v1, v4;
	_ =	sdelay $0x1  }
0x2f: {  	v3 =	vadd.s32 v1, v3;
	_ =	sdelay $0x2  }
0x30: {  	[tilespmem:s19], [sflag:$0x3] =	stream.indirect_vreg.gather [hbm4b:s1+s3], $0x80, v4, vm0, $0xb8;
	[tilespmem:$0x4080] =	vst v63  }
0x31: {  	_ = 	snop  }
0x32: {  	[tilespmem:s20], [sflag:$0x3] =	stream.indirect_vreg.gather [hbm4b:s1+s3], $0x80, v3, vm0, $0xb8;
	[tilespmem:$0x4080] =	vst v63  }
0x33: {  	v3 =	vld [tilespmem:$0x30];
	_ =	sdelay $0x4  }
0x34: {  	v59 =	vshll.u32 v3, $0x1  }
0x35: {  	v3 =	vand.u32 $0x7, v3;
	v4 =	vand.u32 $0xFFFFFFF0, v59  }
0x36: {  	v3 =	vor.u32 v3, v4  }
0x37: {  	v4 =	vperm.xlane v3, v0;
	_ =	sdelay $0x1  }
0x38: {  	v3 =	vperm.xlane v3, v2;
	v4 =	vadd.s32 v1, v4;
	_ =	sdelay $0x1  }
0x39: {  	v3 =	vadd.s32 v1, v3;
	_ =	sdelay $0x2  }
0x3a: {  	[tilespmem:s21], [sflag:$0x4] =	stream.indirect_vreg.gather [hbm4b:s1+s3], $0x80, v4, vm0, $0xb8;
	[tilespmem:$0x4080] =	vst v63  }
0x3b: {  	_ = 	snop  }
0x3c: {  	[tilespmem:s22], [sflag:$0x4] =	stream.indirect_vreg.gather [hbm4b:s1+s3], $0x80, v3, vm0, $0xb8;
	[tilespmem:$0x4080] =	vst v63  }
0x3d: {  	_ =	swait.ge [sflag:s23], $0x1000  }
0x3e: {  	[sflag:s23] =	ssyncset.done $0x0  }
0x3f: {  	[sflag:s23] =	ssyncadd.s32 $0xFFFFF000  }
0x40: {  	[hbm4b:s5+s3] =	stream.linear.scatter [tilespmem:s15], [sflag:$0x5], $0x1000, $0x38;
	[tilespmem:$0x4080] =	vst v63  }
0x41: {  	_ =	swait.ge [sflag:s14], $0x1000  }
0x42: {  	[sflag:s14] =	ssyncset.done $0x0  }
0x43: {  	[sflag:s14] =	ssyncadd.s32 $0xFFFFF000  }
0x44: {  	v3 =	vld [tilespmem:$0x40];
	_ =	sdelay $0x4  }
0x45: {  	v60 =	vshll.u32 v3, $0x1  }
0x46: {  	v3 =	vand.u32 $0x7, v3;
	v4 =	vand.u32 $0xFFFFFFF0, v60  }
0x47: {  	v3 =	vor.u32 v3, v4  }
0x48: {  	v4 =	vperm.xlane v3, v0;
	_ =	sdelay $0x1  }
0x49: {  	v3 =	vperm.xlane v3, v2;
	v4 =	vadd.s32 v1, v4;
	_ =	sdelay $0x1  }
0x4a: {  	v3 =	vadd.s32 v1, v3;
	_ =	sdelay $0x2  }
0x4b: {  	[tilespmem:s15], [sflag:$0x1] =	stream.indirect_vreg.gather [hbm4b:s1+s3], $0x80, v4, vm0, $0xb8;
	[tilespmem:$0x4080] =	vst v63  }
0x4c: {  	_ = 	snop  }
0x4d: {  	[tilespmem:s16], [sflag:$0x1] =	stream.indirect_vreg.gather [hbm4b:s1+s3], $0x80, v3, vm0, $0xb8;
	[tilespmem:$0x4080] =	vst v63  }
0x4e: {  	_ =	swait.ge [sflag:s24], $0x1000  }
0x4f: {  	[sflag:s24] =	ssyncset.done $0x0  }
0x50: {  	[sflag:s24] =	ssyncadd.s32 $0xFFFFF000  }
0x51: {  	[hbm4b:s6+s3] =	stream.linear.scatter [tilespmem:s17], [sflag:$0x5], $0x1000, $0x38;
	[tilespmem:$0x4080] =	vst v63  }
0x52: {  	_ =	swait.ge [sflag:s14], $0x1000  }
0x53: {  	[sflag:s14] =	ssyncset.done $0x0  }
0x54: {  	[sflag:s14] =	ssyncadd.s32 $0xFFFFF000  }
0x55: {  	v3 =	vld [tilespmem:$0x50];
	_ =	sdelay $0x4  }
0x56: {  	v61 =	vshll.u32 v3, $0x1  }
0x57: {  	v3 =	vand.u32 $0x7, v3;
	v4 =	vand.u32 $0xFFFFFFF0, v61  }
0x58: {  	v3 =	vor.u32 v3, v4  }
0x59: {  	v4 =	vperm.xlane v3, v0;
	_ =	sdelay $0x1  }
0x5a: {  	v3 =	vperm.xlane v3, v2;
	v4 =	vadd.s32 v1, v4;
	_ =	sdelay $0x1  }
0x5b: {  	v3 =	vadd.s32 v1, v3;
	_ =	sdelay $0x2  }
0x5c: {  	[tilespmem:s17], [sflag:$0x2] =	stream.indirect_vreg.gather [hbm4b:s1+s3], $0x80, v4, vm0, $0xb8;
	[tilespmem:$0x4080] =	vst v63  }
0x5d: {  	_ = 	snop  }
0x5e: {  	[tilespmem:s18], [sflag:$0x2] =	stream.indirect_vreg.gather [hbm4b:s1+s3], $0x80, v3, vm0, $0xb8;
	[tilespmem:$0x4080] =	vst v63  }
0x5f: {  	_ =	swait.ge [sflag:s25], $0x1000  }
0x60: {  	[sflag:s25] =	ssyncset.done $0x0  }
0x61: {  	[sflag:s25] =	ssyncadd.s32 $0xFFFFF000  }
0x62: {  	[hbm4b:s7+s3] =	stream.linear.scatter [tilespmem:s19], [sflag:$0x5], $0x1000, $0x38;
	[tilespmem:$0x4080] =	vst v63  }
0x63: {  	_ =	swait.ge [sflag:s14], $0x1000  }
0x64: {  	[sflag:s14] =	ssyncset.done $0x0  }
0x65: {  	[sflag:s14] =	ssyncadd.s32 $0xFFFFF000  }
0x66: {  	v3 =	vld [tilespmem:$0x60];
	_ =	sdelay $0x4  }
0x67: {  	v62 =	vshll.u32 v3, $0x1  }
0x68: {  	v3 =	vand.u32 $0x7, v3;
	v4 =	vand.u32 $0xFFFFFFF0, v62  }
0x69: {  	v3 =	vor.u32 v3, v4  }
0x6a: {  	v4 =	vperm.xlane v3, v0;
	_ =	sdelay $0x1  }
0x6b: {  	v3 =	vperm.xlane v3, v2;
	v4 =	vadd.s32 v1, v4;
	_ =	sdelay $0x1  }
0x6c: {  	v3 =	vadd.s32 v1, v3;
	_ =	sdelay $0x2  }
0x6d: {  	[tilespmem:s19], [sflag:$0x3] =	stream.indirect_vreg.gather [hbm4b:s1+s3], $0x80, v4, vm0, $0xb8;
	[tilespmem:$0x4080] =	vst v63  }
0x6e: {  	_ = 	snop  }
0x6f: {  	[tilespmem:s20], [sflag:$0x3] =	stream.indirect_vreg.gather [hbm4b:s1+s3], $0x80, v3, vm0, $0xb8;
	[tilespmem:$0x4080] =	vst v63  }
0x70: {  	_ =	swait.ge [sflag:s26], $0x1000  }
0x71: {  	[sflag:s26] =	ssyncset.done $0x0  }
0x72: {  	[sflag:s26] =	ssyncadd.s32 $0xFFFFF000  }
0x73: {  	[hbm4b:s8+s3] =	stream.linear.scatter [tilespmem:s21], [sflag:$0x5], $0x1000, $0x38;
	[tilespmem:$0x4080] =	vst v63  }
0x74: {  	_ =	swait.ge [sflag:s14], $0x1000  }
0x75: {  	[sflag:s14] =	ssyncset.done $0x0  }
0x76: {  	[sflag:s14] =	ssyncadd.s32 $0xFFFFF000  }
0x77: {  	v3 =	vld [tilespmem:$0x70];
	_ =	sdelay $0x4  }
0x78: {  	v63 =	vshll.u32 v3, $0x1  }
0x79: {  	v3 =	vand.u32 $0x7, v3;
	v4 =	vand.u32 $0xFFFFFFF0, v63  }
0x7a: {  	v3 =	vor.u32 v3, v4  }
0x7b: {  	v4 =	vperm.xlane v3, v0;
	_ =	sdelay $0x1  }
0x7c: {  	v3 =	vperm.xlane v3, v2;
	v4 =	vadd.s32 v1, v4;
	_ =	sdelay $0x1  }
0x7d: {  	v3 =	vadd.s32 v1, v3;
	_ =	sdelay $0x2  }
0x7e: {  	[tilespmem:s21], [sflag:$0x4] =	stream.indirect_vreg.gather [hbm4b:s1+s3], $0x80, v4, vm0, $0xb8;
	[tilespmem:$0x4080] =	vst v63  }
0x7f: {  	_ = 	snop  }
0x80: {  	[tilespmem:s22], [sflag:$0x4] =	stream.indirect_vreg.gather [hbm4b:s1+s3], $0x80, v3, vm0, $0xb8;
	[tilespmem:$0x4080] =	vst v63  }
0x81: {  	_ =	swait.ge [sflag:s23], $0x1000  }
0x82: {  	[sflag:s23] =	ssyncset.done $0x0  }
0x83: {  	[sflag:s23] =	ssyncadd.s32 $0xFFFFF000  }
0x84: {  	[hbm4b:s9+s3] =	stream.linear.scatter [tilespmem:s15], [sflag:$0x5], $0x1000, $0x38;
	[tilespmem:$0x4080] =	vst v63  }
0x85: {  	_ =	swait.ge [sflag:s14], $0x1000  }
0x86: {  	[sflag:s14] =	ssyncset.done $0x0  }
0x87: {  	[sflag:s14] =	ssyncadd.s32 $0xFFFFF000  }
0x88: {  	_ =	swait.ge [sflag:s24], $0x1000  }
0x89: {  	[sflag:s24] =	ssyncset.done $0x0  }
0x8a: {  	[sflag:s24] =	ssyncadd.s32 $0xFFFFF000  }
0x8b: {  	[hbm4b:s10+s3] =	stream.linear.scatter [tilespmem:s17], [sflag:$0x5], $0x1000, $0x38;
	[tilespmem:$0x4080] =	vst v63  }
0x8c: {  	_ =	swait.ge [sflag:s14], $0x1000  }
0x8d: {  	[sflag:s14] =	ssyncset.done $0x0  }
0x8e: {  	[sflag:s14] =	ssyncadd.s32 $0xFFFFF000  }
0x8f: {  	_ =	swait.ge [sflag:s25], $0x1000  }
0x90: {  	[sflag:s25] =	ssyncset.done $0x0  }
0x91: {  	[sflag:s25] =	ssyncadd.s32 $0xFFFFF000  }
0x92: {  	[hbm4b:s11+s3] =	stream.linear.scatter [tilespmem:s19], [sflag:$0x5], $0x1000, $0x38;
	[tilespmem:$0x4080] =	vst v63  }
0x93: {  	_ =	swait.ge [sflag:s14], $0x1000  }
0x94: {  	[sflag:s14] =	ssyncset.done $0x0  }
0x95: {  	[sflag:s14] =	ssyncadd.s32 $0xFFFFF000  }
0x96: {  	_ =	swait.ge [sflag:s26], $0x1000  }
0x97: {  	p0 =	sne.s32 s13, $0x1;
	[sflag:s26] =	ssyncset.done $0x0  }
.Ltmp0:
0x98: {  	[sflag:s26] =	ssyncadd.s32 $0xFFFFF000;
	(pc) =	sbr.rel @p0 .LBB2_1-.Ltmp0, $4  }
0x99: {  	[hbm4b:s12+s3] =	stream.linear.scatter [tilespmem:s21], [sflag:$0x5], $0x1000, $0x38;
	[tilespmem:$0x4080] =	vst v63  }
0x9a: {  	_ =	swait.ge [sflag:s14], $0x1000  }
0x9b: {  	[sflag:s14] =	ssyncset.done $0x0  }
0x9c: {  	s13 =	sadd.s32 $0xFFFFFFFF, s13;
	[sflag:s14] =	ssyncadd.s32 $0xFFFFF000  }
0x9d: {  	_ =	sfence.sel $0x180000  }
0x9e: {  	[bflag:$0x0] =	sbarrier.arrive $0xFFFF  }
0x9f: {  	p0 =	sne.s32 s2, $0x0;
	_ =	strace $0x90000053  }
0xa0: {  	s0 =	sadd.s32 @!p0 $0x100000, s0;
	[bflag:$0x2] =	sbarrier.arrive $0xFFFF  }
0xa1: {  	[sflag:s0] =	ssyncadd.tile.s32 @!p0 $0x1;
	_ =	shalt  }
.Lfunc_end2:
_tile_overlayer_lowered:
.L_overlay_start_2:
0xa2: {  	(tag) =	ssettag $0x2  }
0xa3: {  	s0 =	rddreg [dreg:$0x0];
	s2 =	stileid.u32  }
0xa4: {  	s1 =	rddreg [dreg:$0x1];
	p0 =	sne.s32 s2, $0x0  }
0xa5: {  	s3 =	rddreg [dreg:$0x2];
	[bflag:$0x3] =	sbarrier.arrive $0xFFFF;
	s2 =	simm.s32 @!p0 $0x1C05  }
0xa6: {  	[timem:s3], [sflag:s2] =	dma.local @!p0 [hbm:s0], s1  }
0xa7: {  	s0 =	simm.s32 @!p0 $0x5  }
0xa8: {  	_ =	swait.ge @!p0 [sflag:s0], s1  }
0xa9: {  	s1 =	ssub.s32 @!p0 $0x0, s1;
	[sflag:s0] =	ssyncset.done @!p0 $0x0  }
0xaa: {  	[sflag:s0] =	ssyncadd.s32 @!p0 s1  }
0xab: {  	[bflag:$0x3] =	sbarrier.arrive $0xFFFF  }
0xac: {  	_ =	shalt  }

// kernel: kernel.17.cloned.1.call-start
scs
__scs_entry_jumppad:
0x0: {  	(pc) =	sbr.rel $0x88, $3  }
0x1: {  	(tag) =	ssettag $0x0;
	lr =	simm.s32 $0x1  }
0x2: {  	[smem:$0x3F8E] =	sst lr;
	_ =	strace $0xD0000000  }
0x3: {  	_ = 	snop  }
0x4: {  	_ = 	snop  }
0x5: {  	_ = 	snop  }
0x6: {  	_ = 	snop  }
0x7: {  	_ = 	snop  }
__scs_overlays_trampoline_lowered:
0x8: {  	[smem:$0x3F9D] =	sst s0  }
0x9: {  	[smem:$0x3F9E] =	sst s1  }
0xa: {  	[smem:$0x3F9F] =	sst s2  }
0xb: {  	[smem:$0x3FA0] =	sst s3  }
0xc: {  	[smem:$0x3FA1] =	sst s4  }
0xd: {  	[smem:$0x3FA2] =	sst s5  }
0xe: {  	[smem:$0x3FA3] =	sst s6  }
0xf: {  	[smem:$0x3FA4] =	sst s7  }
0x10: {  	[smem:$0x3FA5] =	sst s8  }
0x11: {  	[smem:$0x3FA6] =	sst s9;
	s0 =	simm.s32 @!p0 $0x0  }
0x12: {  	s1 =	sld [smem:$0x3F8C];
	s0 =	simm.s32 @p0 $0x1  }
0x13: {  	[smem:$0x3FA7] =	sst s0;
	s0 =	simm.s32 @!p1 $0x0  }
0x14: {  	s2 =	sld [smem:$0x3F8B];
	s0 =	simm.s32 @p1 $0x1  }
0x15: {  	[smem:$0x3FA8] =	sst s0;
	s0 =	simm.s32 @!p2 $0x0  }
0x16: {  	s3 =	sld [smem:$0x3FDB];
	s0 =	simm.s32 @p2 $0x1  }
0x17: {  	s4 =	simm.s32 $0x1BF5;
	[smem:$0x3FAA] =	sst s0  }
0x18: {  	s0 =	sld [smem:$0x3F8D];
	_ =	swait.ge [sflag:s4], $0x0  }
0x19: {  	s7 =	sld [smem:$0x3F8E]  }
0x1a: {  	s8 =	sadd.s32 $0xFFFFE003, lr  }
0x1b: {  	s9 =	sadd.s32 $0xFFFFFEF7, lr;
	s5 =	simm.s32 $0xFFFFFFFF;
	p2 =	slt.u32 s8, $0xFFFFF086  }
0x1c: {  	p1 =	slt.u32 s9, $0xF7A;
	s5 =	simm.s32 @!p2 $0x0  }
0x1d: {  	s5 =	simm.s32 @p1 $0x1;
	p0 =	seq.s32 s7, s2  }
0x1e: {  	s7 =	smul.u32 @!p0 $0xF7A, s2;
	p2 =	seq.s32 @!p0 s5, $0x0  }
0x1f: {  	s9 =	smul.u32 $0xF7A, s1;
	s8 =	simm.s32 @!p0 $0x1BF5;
	p2 =	por !p2, p0  }
0x20: {  	[sflag:s8] =	ssyncset.s32 @!p0 $0xFFFFF086;
	s6 =	sadd.s32 @!p0 s3, s7;
	s7 =	simm.s32 @!p0 $0x108  }
0x21: {  	s3 =	sadd.s32 s3, s9;
	s6 =	sadd.s32 @!p0 $0x88, s6;
	s7 =	simm.s32 @p2 $0x1082  }
0x22: {  	[simem:s7], [sflag:s8] =	dma.local @!p0 [hbm:s6], $0xF7A  }
0x23: {  	s9 =	sor.u32 $0xD0000000, s2;
	s6 =	simm.s32 $0x108;
	_ =	swait.ge @!p0 [sflag:s8], $0x0  }
0x24: {  	s3 =	sadd.s32 $0x88, s3;
	s6 =	simm.s32 @!p1 $0x1082;
	[sflag:s4] =	ssyncset.s32 $0xFFFFF086  }
0x25: {  	[simem:s6], [sflag:s4] =	dma.local [hbm:s3], $0xF7A  }
0x26: {  	[smem:$0x3F8E] =	sst s1;
	(tag) =	ssettag s2;
	_ =	strace s9  }
0x27: {  	s1 =	sld [smem:$0x3F9E]  }
0x28: {  	s2 =	sld [smem:$0x3F9F]  }
0x29: {  	s4 =	sld [smem:$0x3FA1]  }
0x2a: {  	p0 =	seq.s32 s5, $0x0;
	s5 =	sld [smem:$0x3FA2]  }
0x2b: {  	s6 =	sld [smem:$0x3FA3]  }
0x2c: {  	s7 =	sld [smem:$0x3FA4]  }
0x2d: {  	s3 =	simm.s32 $0x108;
	s8 =	sld [smem:$0x3FA5]  }
0x2e: {  	s3 =	simm.s32 @!p0 $0x1082;
	s9 =	sld [smem:$0x3FA6]  }
0x2f: {  	lr =	sadd.s32 s0, s3;
	s0 =	sld [smem:$0x3F9D]  }
0x30: {  	s3 =	sld [smem:$0x3FA0]  }
0x31: {  	[smem:$0x3FA9] =	sst s10  }
0x32: {  	s10 =	sld [smem:$0x3FA7];
	_ =	sdelay $0x3  }
0x33: {  	p0 =	seq.s32 s10, $0x1;
	s10 =	sld [smem:$0x3FA9];
	_ =	sdelay $0x3  }
0x34: {  	[smem:$0x3FA9] =	sst s10  }
0x35: {  	s10 =	sld [smem:$0x3FA8];
	_ =	sdelay $0x3  }
0x36: {  	p1 =	seq.s32 s10, $0x1;
	s10 =	sld [smem:$0x3FA9];
	_ =	sdelay $0x3  }
0x37: {  	[smem:$0x3FA9] =	sst s10  }
0x38: {  	s10 =	sld [smem:$0x3FAA]  }
0x39: {  	_ = 	snop;
	(pc) =	sbr.ind lr, $3  }
0x3a: {  	_ = 	snop  }
0x3b: {  	_ = 	snop  }
0x3c: {  	p2 =	seq.s32 s10, $0x1;
	s10 =	sld [smem:$0x3FA9]  }
0x3d: {  	_ =	shalt  }
0x3e: {  	_ =	shalt  }
0x3f: {  	_ =	shalt  }
0x40: {  	_ =	shalt  }
0x41: {  	_ =	shalt  }
0x42: {  	_ =	shalt  }
0x43: {  	_ =	shalt  }
0x44: {  	_ =	shalt  }
0x45: {  	_ =	shalt  }
0x46: {  	_ =	shalt  }
0x47: {  	_ =	shalt  }
0x48: {  	_ =	shalt  }
0x49: {  	_ =	shalt  }
0x4a: {  	_ =	shalt  }
0x4b: {  	_ =	shalt  }
0x4c: {  	_ =	shalt  }
0x4d: {  	_ =	shalt  }
0x4e: {  	_ =	shalt  }
0x4f: {  	_ =	shalt  }
0x50: {  	_ =	shalt  }
0x51: {  	_ =	shalt  }
0x52: {  	_ =	shalt  }
0x53: {  	_ =	shalt  }
0x54: {  	_ =	shalt  }
0x55: {  	_ =	shalt  }
0x56: {  	_ =	shalt  }
0x57: {  	_ =	shalt  }
0x58: {  	_ =	shalt  }
0x59: {  	_ =	shalt  }
0x5a: {  	_ =	shalt  }
0x5b: {  	_ =	shalt  }
0x5c: {  	_ =	shalt  }
0x5d: {  	_ =	shalt  }
0x5e: {  	_ =	shalt  }
0x5f: {  	_ =	shalt  }
0x60: {  	_ =	shalt  }
0x61: {  	_ =	shalt  }
0x62: {  	_ =	shalt  }
0x63: {  	_ =	shalt  }
0x64: {  	_ =	shalt  }
0x65: {  	_ =	shalt  }
0x66: {  	_ =	shalt  }
0x67: {  	_ =	shalt  }
0x68: {  	_ =	shalt  }
0x69: {  	_ =	shalt  }
0x6a: {  	_ =	shalt  }
0x6b: {  	_ =	shalt  }
0x6c: {  	_ =	shalt  }
0x6d: {  	_ =	shalt  }
0x6e: {  	_ =	shalt  }
0x6f: {  	_ =	shalt  }
0x70: {  	_ =	shalt  }
0x71: {  	_ =	shalt  }
0x72: {  	_ =	shalt  }
0x73: {  	_ =	shalt  }
0x74: {  	_ =	shalt  }
0x75: {  	_ =	shalt  }
0x76: {  	_ =	shalt  }
0x77: {  	_ =	shalt  }
0x78: {  	_ =	shalt  }
0x79: {  	_ =	shalt  }
0x7a: {  	_ =	shalt  }
0x7b: {  	_ =	shalt  }
0x7c: {  	_ =	shalt  }
0x7d: {  	_ =	shalt  }
0x7e: {  	_ =	shalt  }
0x7f: {  	_ =	shalt  }
0x80: {  	_ =	shalt  }
0x81: {  	_ =	shalt  }
0x82: {  	_ =	shalt  }
0x83: {  	_ =	shalt  }
0x84: {  	_ =	shalt  }
0x85: {  	_ =	shalt  }
0x86: {  	_ =	shalt  }
0x87: {  	_ =	shalt  }
.Lfunc_end0:
.L_simem_size_0:
called_computation.1_lowered:
.L_overlay_start_0:
0x88: {  	s2 =	sld [smem:$0x3FD9]  }
0x89: {  	s3 =	sld [smem:$0x3FFE];
	_ =	sdelay $0x1  }
0x8a: {  	s1 =	srdreg.scid  }
0x8b: {  	s0 =	sand.u32 $0x1, s1  }
0x8c: {  	s15 =	sshll.u32 s0, $0xA;
	s2 =	sadd.s32 s3, s2  }
0x8d: {  	s2 =	sadd.s32 s2, s15  }
0x8e: {  	[smem:$0x3FB5] =	sst s2  }
0x8f: {  	_ = 	snop  }
0x90: {  	s16 =	sld [smem:$0x3FD0];
	_ =	sdelay $0x2  }
0x91: {  	s4 =	simm.s32 $0xE;
	s5 =	simm.s32 $0x10;
	s2 =	sld [smem:$0x3FC1]  }
0x92: {  	[smem:s5], [sflag:s4] =	dma.local [hbm:s16], $0x1  }
0x93: {  	_ =	swait.eq [sflag:s4], $0x1  }
0x94: {  	[sflag:s4] =	ssyncset.done $0x0  }
0x95: {  	[sflag:s4] =	ssyncadd.s32 $0xFFFFFFFF  }
0x96: {  	s17 =	sld [smem:$0x10];
	(tm) =	ssettm $0x1  }
0x97: {  	s18 =	sld [smem:$0x3FFB];
	_ =	sdelay $0x3  }
0x98: {  	_ =	strace s18  }
0x99: {  	s3 =	sld [smem:$0x3FFC];
	_ =	sdelay $0x3  }
0x9a: {  	_ =	strace s3  }
0x9b: {  	s3 =	sld [smem:$0x3FFD];
	_ =	sdelay $0x3  }
0x9c: {  	_ =	strace s3  }
0x9d: {  	_ =	strace $0x8FFFFFFF  }
0x9e: {  	s19 =	sld [smem:$0x3FDB];
	_ =	sdelay $0x1  }
0x9f: {  	s20 =	simm.s32 $_scs_section_size  }
0xa0: {  	s6 =	simm.s32 $_size__tile_overlayer_lowered;
	s7 =	simm.s32 $_tile_overlayer_lowered  }
0xa1: {  	s8 =	simm.s32 $0x1BFF;
	s21 =	sshll.u32 s7, $0x1;
	s5 =	sadd.s32 s20, s19  }
0xa2: {  	s22 =	simm.s32 $0x0;
	s6 =	sshll.u32 s6, $0x1;
	s7 =	sadd.s32 s21, s5  }
0xa3: {  	[timem:s22], [sflag:s8] =	dma.local [hbm:s7], s6  }
0xa4: {  	_ =	swait.ge [sflag:s8], s6  }
0xa5: {  	s6 =	ssub.s32 $0x0, s6;
	[sflag:s8] =	ssyncset.done $0x0  }
0xa6: {  	[sflag:s8] =	ssyncadd.s32 s6;
	_ =	sdelay $0x1  }
0xa7: {  	s23 =	simm.s32 $0x1B8B  }
0xa8: {  	_ =	swait.ge [sflag:s23], $0x1  }
0xa9: {  	[sflag:s23] =	ssyncset.done $0x0  }
0xaa: {  	[sflag:s23] =	ssyncadd.s32 $0xFFFFFFFF  }
0xab: {  	s6 =	sld [smem:$0x0]  }
0xac: {  	s7 =	sand.u32 $0xFFFFFFFE, s1  }
0xad: {  	p0 =	sne.s32 s1, s7  }
0xae: {  	s7 =	sshll.u32 @p0 s7, $0xE  }
0xaf: {  	s7 =	sadd.s32 @p0 $0x11B8D, s7;
	s8 =	sshll.u32 @p0 s6, $0x11  }
0xb0: {  	s7 =	sor.u32 @p0 s8, s7  }
0xb1: {  	[sflag:s7] =	ssyncadd.remote.s32 @p0 $0x1;
	_ =	sdelay $0x1  }
0xb2: {  	s7 =	simm.s32 @p0 $0x1B8D  }
0xb3: {  	_ =	swait.eq @p0 [sflag:s7], $0x1  }
0xb4: {  	[sflag:s7] =	ssyncadd.s32 @p0 $0xFFFFFFFF  }
0xb5: {  	s8 =	sshll.u32 @!p0 s1, $0xE  }
0xb6: {  	s8 =	sor.u32 @!p0 $0x4000, s8;
	s7 =	simm.s32 @!p0 $0x1B8D  }
0xb7: {  	s6 =	sshll.u32 @!p0 s6, $0x11;
	s8 =	sadd.s32 @!p0 $0x11B8D, s8;
	_ =	swait.eq @!p0 [sflag:s7], $0x1  }
0xb8: {  	s6 =	sor.u32 @!p0 s6, s8;
	[sflag:s7] =	ssyncadd.s32 @!p0 $0xFFFFFFFF  }
0xb9: {  	s25 =	simm.s32 $0x1B8E;
	s24 =	sld [smem:$0x3FFE];
	[sflag:s6] =	ssyncadd.remote.s32 @!p0 $0x1  }
0xba: {  	s26 =	simm.s32 $execute0_lowered;
	[smem:$0x3FD2] =	sst s25  }
0xbb: {  	s7 =	sshll.u32 s26, $0x1;
	_ =	strace $0x8000004F;
	[dreg:$0x1] =	wrdreg $0xFFFFFFFF  }
0xbc: {  	s28 =	simm.s32 $_size_execute0_lowered;
	s5 =	sadd.s32 s5, s7;
	[dreg:$0x0] =	wrdreg $0x0  }
0xbd: {  	s7 =	sshll.u32 s28, $0x1;
	[dreg:$0x2] =	wrdreg s5  }
0xbe: {  	[dreg:$0x3] =	wrdreg s7  }
0xbf: {  	[dreg:$0x4] =	wrdreg $0xC0  }
0xc0: {  	_ =	task [dreg:s22], $0x5FFFF  }
0xc1: {  	[dreg:$0x1] =	wrdreg $0xFFFFFFFF  }
0xc2: {  	[dreg:$0x0] =	wrdreg $0x60  }
0xc3: {  	[dreg:$0x2] =	wrdreg s2  }
0xc4: {  	[dreg:$0x3] =	wrdreg s24  }
0xc5: {  	[dreg:$0x4] =	wrdreg s17  }
0xc6: {  	[dreg:$0x5] =	wrdreg $0xA  }
0xc7: {  	_ =	task.clear_ibuf [dreg:s22], $0x6FFFF;
	_ =	strace $0x9000004F  }
0xc8: {  	s29 =	simm.s32 $0xA;
	_ =	strace $0x80000051  }
0xc9: {  	_ =	swait.ge [sflag:s29], $0x1  }
0xca: {  	[sflag:s29] =	ssyncadd.s32 $0xFFFFFFFF  }
0xcb: {  	_ =	strace $0x90000051  }
0xcc: {  	_ =	sfence  }
0xcd: {  	s30 =	sld [smem:$0x0];
	_ =	sdelay $0x2  }
0xce: {  	s31 =	sshll.u32 s1, $0xD;
	s1 =	sshrl.u32 s1, $0x2  }
0xcf: {  	s4 =	sand.u32 $0x4000, s31;
	s1 =	sadd.s32 s1, s30  }
0xd0: {  	s0 =	sor.u32 s4, s0;
	s1 =	sshll.u32 s1, $0x11  }
0xd1: {  	s0 =	sor.u32 s1, s0  }
0xd2: {  	s0 =	sadd.s32 $0x8F2B, s0  }
0xd3: {  	[sflag:s0] =	ssyncadd.remote.s32 $0x1  }
0xd4: {  	_ =	sfence.sel $0xFFFF  }
0xd5: {  	[dreg:$0x0] =	wrdreg $0xFFFFFFFF;
	(pc) =	sbr.abs _section_cstart, $3  }
0xd6: {  	[dreg:$0x1] =	wrdreg $0xFFFFFFFF  }
0xd7: {  	_ =	task.clear_ibuf [dreg:s22], $0x2FFFF;
	_ =	strace $0x9FFFFFFF  }
0xd8: {  	(tm) =	ssettm $0x7FFFFFFF  }
0xd9: {  	_ =	shalt  }
tec
execute0_lowered:
.L_overlay_start_1:
0x0: {  	(tag) =	ssettag $0x1  }
0x1: {  	s1 =	rddreg [dreg:$0x0]  }
0x2: {  	s4 =	rddreg [dreg:$0x1]  }
0x3: {  	s5 =	rddreg [dreg:$0x2];
	s3 =	srdreg.scid  }
0x4: {  	s0 =	rddreg [dreg:$0x3];
	s2 =	stileid.u32  }
0x5: {  	s14 =	simm.s32 $0x5;
	s15 =	simm.s32 $0x80;
	s16 =	simm.s32 $0x880  }
0x6: {  	s17 =	simm.s32 $0x1080;
	s18 =	simm.s32 $0x1880;
	s19 =	simm.s32 $0x2080  }
0x7: {  	s20 =	simm.s32 $0x2880;
	s21 =	simm.s32 $0x3080;
	s22 =	simm.s32 $0x3880  }
0x8: {  	s23 =	simm.s32 $0x1;
	s24 =	simm.s32 $0x2;
	s25 =	simm.s32 $0x3  }
0x9: {  	s26 =	simm.s32 $0x4;
	s6 =	sand.u32 $0x1, s3;
	s3 =	simm.s32 $0x0  }
0xa: {  	s7 =	sshll.u32 s2, $0x8;
	s8 =	sshll.u32 s6, $0x7;
	[smem:$0x7FF] =	sst s3  }
0xb: {  	s6 =	ssub.s32 $0x2, s6;
	s7 =	sor.u32 s8, s7;
	_ =	strace $0x80000050  }
0xc: {  	s31 =	sshrl.u32 s6, $0x1;
	s8 =	sshrl.u32 s7, $0x3;
	s7 =	sshll.u32 s7, $0x5  }
0xd: {  	s13 =	ssub.s32 s6, s31;
	s4 =	sadd.s32 s8, s4;
	s5 =	sadd.s32 s5, s7  }
0xe: {  	v2 =	vlaneseq.u32;
	s13 =	smax.u32 s13, $0x1;
	s4 =	sadd.s32 $0x66000, s4;
	s6 =	sadd.s32 $0x200, s5  }
0xf: {  	vm0 =	vmmov $0xffff;
	v1 =	vshrl.u32 v2, $0x3;
	s7 =	sadd.s32 $0x400, s5;
	s8 =	sadd.s32 $0x600, s5;
	s9 =	sadd.s32 $0x800, s5  }
0x10: {  	v0 =	vand.u32 $0x7, v2;
	v2 =	vor.u32 $0x8, v2;
	v1 =	vmul.u32 $0x8, v1;
	s10 =	sadd.s32 $0xA00, s5;
	s11 =	sadd.s32 $0xC00, s5;
	s12 =	sadd.s32 $0xE00, s5  }
.LBB2_1:
0x11: {  	[tilespmem:s3], [sflag:$0x5] =	stream.linear.gather [hbm4b:s4+s3], $0x80, $0x38;
	[tilespmem:$0x4080] =	vst v63  }
0x12: {  	_ =	swait.ge [sflag:s14], $0x80  }
0x13: {  	[sflag:s14] =	ssyncset.done $0x0  }
0x14: {  	[sflag:s14] =	ssyncadd.s32 $0xFFFFFF80  }
0x15: {  	v3 =	vld [tilespmem:$0x0];
	_ =	sdelay $0x4  }
0x16: {  	v4 =	vshll.u32 v3, $0x1  }
0x17: {  	v3 =	vand.u32 $0x7, v3;
	v4 =	vand.u32 $0xFFFFFFF0, v4  }
0x18: {  	v3 =	vor.u32 v3, v4  }
0x19: {  	v4 =	vperm.xlane v3, v0;
	_ =	sdelay $0x1  }
0x1a: {  	v3 =	vperm.xlane v3, v2;
	v4 =	vadd.s32 v1, v4;
	_ =	sdelay $0x1  }
0x1b: {  	v3 =	vadd.s32 v1, v3;
	_ =	sdelay $0x2  }
0x1c: {  	[tilespmem:s15], [sflag:$0x1] =	stream.indirect_vreg.gather [hbm4b:s1+s3], $0x80, v4, vm0, $0xb8;
	[tilespmem:$0x4080] =	vst v63  }
0x1d: {  	_ = 	snop  }
0x1e: {  	[tilespmem:s16], [sflag:$0x1] =	stream.indirect_vreg.gather [hbm4b:s1+s3], $0x80, v3, vm0, $0xb8;
	[tilespmem:$0x4080] =	vst v63  }
0x1f: {  	v3 =	vld [tilespmem:$0x10];
	_ =	sdelay $0x4  }
0x20: {  	v57 =	vshll.u32 v3, $0x1  }
0x21: {  	v3 =	vand.u32 $0x7, v3;
	v4 =	vand.u32 $0xFFFFFFF0, v57  }
0x22: {  	v3 =	vor.u32 v3, v4  }
0x23: {  	v4 =	vperm.xlane v3, v0;
	_ =	sdelay $0x1  }
0x24: {  	v3 =	vperm.xlane v3, v2;
	v4 =	vadd.s32 v1, v4;
	_ =	sdelay $0x1  }
0x25: {  	v3 =	vadd.s32 v1, v3;
	_ =	sdelay $0x2  }
0x26: {  	[tilespmem:s17], [sflag:$0x2] =	stream.indirect_vreg.gather [hbm4b:s1+s3], $0x80, v4, vm0, $0xb8;
	[tilespmem:$0x4080] =	vst v63  }
0x27: {  	_ = 	snop  }
0x28: {  	[tilespmem:s18], [sflag:$0x2] =	stream.indirect_vreg.gather [hbm4b:s1+s3], $0x80, v3, vm0, $0xb8;
	[tilespmem:$0x4080] =	vst v63  }
0x29: {  	v3 =	vld [tilespmem:$0x20];
	_ =	sdelay $0x4  }
0x2a: {  	v58 =	vshll.u32 v3, $0x1  }
0x2b: {  	v3 =	vand.u32 $0x7, v3;
	v4 =	vand.u32 $0xFFFFFFF0, v58  }
0x2c: {  	v3 =	vor.u32 v3, v4  }
0x2d: {  	v4 =	vperm.xlane v3, v0;
	_ =	sdelay $0x1  }
0x2e: {  	v3 =	vperm.xlane v3, v2;
	v4 =	vadd.s32 v1, v4;
	_ =	sdelay $0x1  }
0x2f: {  	v3 =	vadd.s32 v1, v3;
	_ =	sdelay $0x2  }
0x30: {  	[tilespmem:s19], [sflag:$0x3] =	stream.indirect_vreg.gather [hbm4b:s1+s3], $0x80, v4, vm0, $0xb8;
	[tilespmem:$0x4080] =	vst v63  }
0x31: {  	_ = 	snop  }
0x32: {  	[tilespmem:s20], [sflag:$0x3] =	stream.indirect_vreg.gather [hbm4b:s1+s3], $0x80, v3, vm0, $0xb8;
	[tilespmem:$0x4080] =	vst v63  }
0x33: {  	v3 =	vld [tilespmem:$0x30];
	_ =	sdelay $0x4  }
0x34: {  	v59 =	vshll.u32 v3, $0x1  }
0x35: {  	v3 =	vand.u32 $0x7, v3;
	v4 =	vand.u32 $0xFFFFFFF0, v59  }
0x36: {  	v3 =	vor.u32 v3, v4  }
0x37: {  	v4 =	vperm.xlane v3, v0;
	_ =	sdelay $0x1  }
0x38: {  	v3 =	vperm.xlane v3, v2;
	v4 =	vadd.s32 v1, v4;
	_ =	sdelay $0x1  }
0x39: {  	v3 =	vadd.s32 v1, v3;
	_ =	sdelay $0x2  }
0x3a: {  	[tilespmem:s21], [sflag:$0x4] =	stream.indirect_vreg.gather [hbm4b:s1+s3], $0x80, v4, vm0, $0xb8;
	[tilespmem:$0x4080] =	vst v63  }
0x3b: {  	_ = 	snop  }
0x3c: {  	[tilespmem:s22], [sflag:$0x4] =	stream.indirect_vreg.gather [hbm4b:s1+s3], $0x80, v3, vm0, $0xb8;
	[tilespmem:$0x4080] =	vst v63  }
0x3d: {  	_ =	swait.ge [sflag:s23], $0x1000  }
0x3e: {  	[sflag:s23] =	ssyncset.done $0x0  }
0x3f: {  	[sflag:s23] =	ssyncadd.s32 $0xFFFFF000  }
0x40: {  	[hbm4b:s5+s3] =	stream.linear.scatter [tilespmem:s15], [sflag:$0x5], $0x1000, $0x38;
	[tilespmem:$0x4080] =	vst v63  }
0x41: {  	_ =	swait.ge [sflag:s14], $0x1000  }
0x42: {  	[sflag:s14] =	ssyncset.done $0x0  }
0x43: {  	[sflag:s14] =	ssyncadd.s32 $0xFFFFF000  }
0x44: {  	v3 =	vld [tilespmem:$0x40];
	_ =	sdelay $0x4  }
0x45: {  	v60 =	vshll.u32 v3, $0x1  }
0x46: {  	v3 =	vand.u32 $0x7, v3;
	v4 =	vand.u32 $0xFFFFFFF0, v60  }
0x47: {  	v3 =	vor.u32 v3, v4  }
0x48: {  	v4 =	vperm.xlane v3, v0;
	_ =	sdelay $0x1  }
0x49: {  	v3 =	vperm.xlane v3, v2;
	v4 =	vadd.s32 v1, v4;
	_ =	sdelay $0x1  }
0x4a: {  	v3 =	vadd.s32 v1, v3;
	_ =	sdelay $0x2  }
0x4b: {  	[tilespmem:s15], [sflag:$0x1] =	stream.indirect_vreg.gather [hbm4b:s1+s3], $0x80, v4, vm0, $0xb8;
	[tilespmem:$0x4080] =	vst v63  }
0x4c: {  	_ = 	snop  }
0x4d: {  	[tilespmem:s16], [sflag:$0x1] =	stream.indirect_vreg.gather [hbm4b:s1+s3], $0x80, v3, vm0, $0xb8;
	[tilespmem:$0x4080] =	vst v63  }
0x4e: {  	_ =	swait.ge [sflag:s24], $0x1000  }
0x4f: {  	[sflag:s24] =	ssyncset.done $0x0  }
0x50: {  	[sflag:s24] =	ssyncadd.s32 $0xFFFFF000  }
0x51: {  	[hbm4b:s6+s3] =	stream.linear.scatter [tilespmem:s17], [sflag:$0x5], $0x1000, $0x38;
	[tilespmem:$0x4080] =	vst v63  }
0x52: {  	_ =	swait.ge [sflag:s14], $0x1000  }
0x53: {  	[sflag:s14] =	ssyncset.done $0x0  }
0x54: {  	[sflag:s14] =	ssyncadd.s32 $0xFFFFF000  }
0x55: {  	v3 =	vld [tilespmem:$0x50];
	_ =	sdelay $0x4  }
0x56: {  	v61 =	vshll.u32 v3, $0x1  }
0x57: {  	v3 =	vand.u32 $0x7, v3;
	v4 =	vand.u32 $0xFFFFFFF0, v61  }
0x58: {  	v3 =	vor.u32 v3, v4  }
0x59: {  	v4 =	vperm.xlane v3, v0;
	_ =	sdelay $0x1  }
0x5a: {  	v3 =	vperm.xlane v3, v2;
	v4 =	vadd.s32 v1, v4;
	_ =	sdelay $0x1  }
0x5b: {  	v3 =	vadd.s32 v1, v3;
	_ =	sdelay $0x2  }
0x5c: {  	[tilespmem:s17], [sflag:$0x2] =	stream.indirect_vreg.gather [hbm4b:s1+s3], $0x80, v4, vm0, $0xb8;
	[tilespmem:$0x4080] =	vst v63  }
0x5d: {  	_ = 	snop  }
0x5e: {  	[tilespmem:s18], [sflag:$0x2] =	stream.indirect_vreg.gather [hbm4b:s1+s3], $0x80, v3, vm0, $0xb8;
	[tilespmem:$0x4080] =	vst v63  }
0x5f: {  	_ =	swait.ge [sflag:s25], $0x1000  }
0x60: {  	[sflag:s25] =	ssyncset.done $0x0  }
0x61: {  	[sflag:s25] =	ssyncadd.s32 $0xFFFFF000  }
0x62: {  	[hbm4b:s7+s3] =	stream.linear.scatter [tilespmem:s19], [sflag:$0x5], $0x1000, $0x38;
	[tilespmem:$0x4080] =	vst v63  }
0x63: {  	_ =	swait.ge [sflag:s14], $0x1000  }
0x64: {  	[sflag:s14] =	ssyncset.done $0x0  }
0x65: {  	[sflag:s14] =	ssyncadd.s32 $0xFFFFF000  }
0x66: {  	v3 =	vld [tilespmem:$0x60];
	_ =	sdelay $0x4  }
0x67: {  	v62 =	vshll.u32 v3, $0x1  }
0x68: {  	v3 =	vand.u32 $0x7, v3;
	v4 =	vand.u32 $0xFFFFFFF0, v62  }
0x69: {  	v3 =	vor.u32 v3, v4  }
0x6a: {  	v4 =	vperm.xlane v3, v0;
	_ =	sdelay $0x1  }
0x6b: {  	v3 =	vperm.xlane v3, v2;
	v4 =	vadd.s32 v1, v4;
	_ =	sdelay $0x1  }
0x6c: {  	v3 =	vadd.s32 v1, v3;
	_ =	sdelay $0x2  }
0x6d: {  	[tilespmem:s19], [sflag:$0x3] =	stream.indirect_vreg.gather [hbm4b:s1+s3], $0x80, v4, vm0, $0xb8;
	[tilespmem:$0x4080] =	vst v63  }
0x6e: {  	_ = 	snop  }
0x6f: {  	[tilespmem:s20], [sflag:$0x3] =	stream.indirect_vreg.gather [hbm4b:s1+s3], $0x80, v3, vm0, $0xb8;
	[tilespmem:$0x4080] =	vst v63  }
0x70: {  	_ =	swait.ge [sflag:s26], $0x1000  }
0x71: {  	[sflag:s26] =	ssyncset.done $0x0  }
0x72: {  	[sflag:s26] =	ssyncadd.s32 $0xFFFFF000  }
0x73: {  	[hbm4b:s8+s3] =	stream.linear.scatter [tilespmem:s21], [sflag:$0x5], $0x1000, $0x38;
	[tilespmem:$0x4080] =	vst v63  }
0x74: {  	_ =	swait.ge [sflag:s14], $0x1000  }
0x75: {  	[sflag:s14] =	ssyncset.done $0x0  }
0x76: {  	[sflag:s14] =	ssyncadd.s32 $0xFFFFF000  }
0x77: {  	v3 =	vld [tilespmem:$0x70];
	_ =	sdelay $0x4  }
0x78: {  	v63 =	vshll.u32 v3, $0x1  }
0x79: {  	v3 =	vand.u32 $0x7, v3;
	v4 =	vand.u32 $0xFFFFFFF0, v63  }
0x7a: {  	v3 =	vor.u32 v3, v4  }
0x7b: {  	v4 =	vperm.xlane v3, v0;
	_ =	sdelay $0x1  }
0x7c: {  	v3 =	vperm.xlane v3, v2;
	v4 =	vadd.s32 v1, v4;
	_ =	sdelay $0x1  }
0x7d: {  	v3 =	vadd.s32 v1, v3;
	_ =	sdelay $0x2  }
0x7e: {  	[tilespmem:s21], [sflag:$0x4] =	stream.indirect_vreg.gather [hbm4b:s1+s3], $0x80, v4, vm0, $0xb8;
	[tilespmem:$0x4080] =	vst v63  }
0x7f: {  	_ = 	snop  }
0x80: {  	[tilespmem:s22], [sflag:$0x4] =	stream.indirect_vreg.gather [hbm4b:s1+s3], $0x80, v3, vm0, $0xb8;
	[tilespmem:$0x4080] =	vst v63  }
0x81: {  	_ =	swait.ge [sflag:s23], $0x1000  }
0x82: {  	[sflag:s23] =	ssyncset.done $0x0  }
0x83: {  	[sflag:s23] =	ssyncadd.s32 $0xFFFFF000  }
0x84: {  	[hbm4b:s9+s3] =	stream.linear.scatter [tilespmem:s15], [sflag:$0x5], $0x1000, $0x38;
	[tilespmem:$0x4080] =	vst v63  }
0x85: {  	_ =	swait.ge [sflag:s14], $0x1000  }
0x86: {  	[sflag:s14] =	ssyncset.done $0x0  }
0x87: {  	[sflag:s14] =	ssyncadd.s32 $0xFFFFF000  }
0x88: {  	_ =	swait.ge [sflag:s24], $0x1000  }
0x89: {  	[sflag:s24] =	ssyncset.done $0x0  }
0x8a: {  	[sflag:s24] =	ssyncadd.s32 $0xFFFFF000  }
0x8b: {  	[hbm4b:s10+s3] =	stream.linear.scatter [tilespmem:s17], [sflag:$0x5], $0x1000, $0x38;
	[tilespmem:$0x4080] =	vst v63  }
0x8c: {  	_ =	swait.ge [sflag:s14], $0x1000  }
0x8d: {  	[sflag:s14] =	ssyncset.done $0x0  }
0x8e: {  	[sflag:s14] =	ssyncadd.s32 $0xFFFFF000  }
0x8f: {  	_ =	swait.ge [sflag:s25], $0x1000  }
0x90: {  	[sflag:s25] =	ssyncset.done $0x0  }
0x91: {  	[sflag:s25] =	ssyncadd.s32 $0xFFFFF000  }
0x92: {  	[hbm4b:s11+s3] =	stream.linear.scatter [tilespmem:s19], [sflag:$0x5], $0x1000, $0x38;
	[tilespmem:$0x4080] =	vst v63  }
0x93: {  	_ =	swait.ge [sflag:s14], $0x1000  }
0x94: {  	[sflag:s14] =	ssyncset.done $0x0  }
0x95: {  	[sflag:s14] =	ssyncadd.s32 $0xFFFFF000  }
0x96: {  	_ =	swait.ge [sflag:s26], $0x1000  }
0x97: {  	p0 =	sne.s32 s13, $0x1;
	[sflag:s26] =	ssyncset.done $0x0  }
.Ltmp0:
0x98: {  	[sflag:s26] =	ssyncadd.s32 $0xFFFFF000;
	(pc) =	sbr.rel @p0 .LBB2_1-.Ltmp0, $4  }
0x99: {  	[hbm4b:s12+s3] =	stream.linear.scatter [tilespmem:s21], [sflag:$0x5], $0x1000, $0x38;
	[tilespmem:$0x4080] =	vst v63  }
0x9a: {  	_ =	swait.ge [sflag:s14], $0x1000  }
0x9b: {  	[sflag:s14] =	ssyncset.done $0x0  }
0x9c: {  	s13 =	sadd.s32 $0xFFFFFFFF, s13;
	[sflag:s14] =	ssyncadd.s32 $0xFFFFF000  }
0x9d: {  	_ =	sfence.sel $0x180000  }
0x9e: {  	[bflag:$0x0] =	sbarrier.arrive $0xFFFF  }
0x9f: {  	p0 =	sne.s32 s2, $0x0;
	_ =	strace $0x90000050  }
0xa0: {  	s0 =	sadd.s32 @!p0 $0x100000, s0;
	[bflag:$0x2] =	sbarrier.arrive $0xFFFF  }
0xa1: {  	[sflag:s0] =	ssyncadd.tile.s32 @!p0 $0x1;
	_ =	shalt  }
.Lfunc_end2:
_tile_overlayer_lowered:
.L_overlay_start_2:
0xa2: {  	(tag) =	ssettag $0x2  }
0xa3: {  	s0 =	rddreg [dreg:$0x0];
	s2 =	stileid.u32  }
0xa4: {  	s1 =	rddreg [dreg:$0x1];
	p0 =	sne.s32 s2, $0x0  }
0xa5: {  	s3 =	rddreg [dreg:$0x2];
	[bflag:$0x3] =	sbarrier.arrive $0xFFFF;
	s2 =	simm.s32 @!p0 $0x1C05  }
0xa6: {  	[timem:s3], [sflag:s2] =	dma.local @!p0 [hbm:s0], s1  }
0xa7: {  	s0 =	simm.s32 @!p0 $0x5  }
0xa8: {  	_ =	swait.ge @!p0 [sflag:s0], s1  }
0xa9: {  	s1 =	ssub.s32 @!p0 $0x0, s1;
	[sflag:s0] =	ssyncset.done @!p0 $0x0  }
0xaa: {  	[sflag:s0] =	ssyncadd.s32 @!p0 s1  }
0xab: {  	[bflag:$0x3] =	sbarrier.arrive $0xFFFF  }
0xac: {  	_ =	shalt  }

// kernel: kernel.20.cloned.1.call-start
scs
__scs_entry_jumppad:
0x0: {  	(pc) =	sbr.rel $0x88, $3  }
0x1: {  	(tag) =	ssettag $0x0;
	lr =	simm.s32 $0x1  }
0x2: {  	[smem:$0x3F8E] =	sst lr;
	_ =	strace $0xD0000000  }
0x3: {  	_ = 	snop  }
0x4: {  	_ = 	snop  }
0x5: {  	_ = 	snop  }
0x6: {  	_ = 	snop  }
0x7: {  	_ = 	snop  }
__scs_overlays_trampoline_lowered:
0x8: {  	[smem:$0x3F9D] =	sst s0  }
0x9: {  	[smem:$0x3F9E] =	sst s1  }
0xa: {  	[smem:$0x3F9F] =	sst s2  }
0xb: {  	[smem:$0x3FA0] =	sst s3  }
0xc: {  	[smem:$0x3FA1] =	sst s4  }
0xd: {  	[smem:$0x3FA2] =	sst s5  }
0xe: {  	[smem:$0x3FA3] =	sst s6  }
0xf: {  	[smem:$0x3FA4] =	sst s7  }
0x10: {  	[smem:$0x3FA5] =	sst s8  }
0x11: {  	[smem:$0x3FA6] =	sst s9;
	s0 =	simm.s32 @!p0 $0x0  }
0x12: {  	s1 =	sld [smem:$0x3F8C];
	s0 =	simm.s32 @p0 $0x1  }
0x13: {  	[smem:$0x3FA7] =	sst s0;
	s0 =	simm.s32 @!p1 $0x0  }
0x14: {  	s2 =	sld [smem:$0x3F8B];
	s0 =	simm.s32 @p1 $0x1  }
0x15: {  	[smem:$0x3FA8] =	sst s0;
	s0 =	simm.s32 @!p2 $0x0  }
0x16: {  	s3 =	sld [smem:$0x3FDB];
	s0 =	simm.s32 @p2 $0x1  }
0x17: {  	s4 =	simm.s32 $0x1BF5;
	[smem:$0x3FAA] =	sst s0  }
0x18: {  	s0 =	sld [smem:$0x3F8D];
	_ =	swait.ge [sflag:s4], $0x0  }
0x19: {  	s7 =	sld [smem:$0x3F8E]  }
0x1a: {  	s8 =	sadd.s32 $0xFFFFE003, lr  }
0x1b: {  	s9 =	sadd.s32 $0xFFFFFEF7, lr;
	s5 =	simm.s32 $0xFFFFFFFF;
	p2 =	slt.u32 s8, $0xFFFFF086  }
0x1c: {  	p1 =	slt.u32 s9, $0xF7A;
	s5 =	simm.s32 @!p2 $0x0  }
0x1d: {  	s5 =	simm.s32 @p1 $0x1;
	p0 =	seq.s32 s7, s2  }
0x1e: {  	s7 =	smul.u32 @!p0 $0xF7A, s2;
	p2 =	seq.s32 @!p0 s5, $0x0  }
0x1f: {  	s9 =	smul.u32 $0xF7A, s1;
	s8 =	simm.s32 @!p0 $0x1BF5;
	p2 =	por !p2, p0  }
0x20: {  	[sflag:s8] =	ssyncset.s32 @!p0 $0xFFFFF086;
	s6 =	sadd.s32 @!p0 s3, s7;
	s7 =	simm.s32 @!p0 $0x108  }
0x21: {  	s3 =	sadd.s32 s3, s9;
	s6 =	sadd.s32 @!p0 $0x88, s6;
	s7 =	simm.s32 @p2 $0x1082  }
0x22: {  	[simem:s7], [sflag:s8] =	dma.local @!p0 [hbm:s6], $0xF7A  }
0x23: {  	s9 =	sor.u32 $0xD0000000, s2;
	s6 =	simm.s32 $0x108;
	_ =	swait.ge @!p0 [sflag:s8], $0x0  }
0x24: {  	s3 =	sadd.s32 $0x88, s3;
	s6 =	simm.s32 @!p1 $0x1082;
	[sflag:s4] =	ssyncset.s32 $0xFFFFF086  }
0x25: {  	[simem:s6], [sflag:s4] =	dma.local [hbm:s3], $0xF7A  }
0x26: {  	[smem:$0x3F8E] =	sst s1;
	(tag) =	ssettag s2;
	_ =	strace s9  }
0x27: {  	s1 =	sld [smem:$0x3F9E]  }
0x28: {  	s2 =	sld [smem:$0x3F9F]  }
0x29: {  	s4 =	sld [smem:$0x3FA1]  }
0x2a: {  	p0 =	seq.s32 s5, $0x0;
	s5 =	sld [smem:$0x3FA2]  }
0x2b: {  	s6 =	sld [smem:$0x3FA3]  }
0x2c: {  	s7 =	sld [smem:$0x3FA4]  }
0x2d: {  	s3 =	simm.s32 $0x108;
	s8 =	sld [smem:$0x3FA5]  }
0x2e: {  	s3 =	simm.s32 @!p0 $0x1082;
	s9 =	sld [smem:$0x3FA6]  }
0x2f: {  	lr =	sadd.s32 s0, s3;
	s0 =	sld [smem:$0x3F9D]  }
0x30: {  	s3 =	sld [smem:$0x3FA0]  }
0x31: {  	[smem:$0x3FA9] =	sst s10  }
0x32: {  	s10 =	sld [smem:$0x3FA7];
	_ =	sdelay $0x3  }
0x33: {  	p0 =	seq.s32 s10, $0x1;
	s10 =	sld [smem:$0x3FA9];
	_ =	sdelay $0x3  }
0x34: {  	[smem:$0x3FA9] =	sst s10  }
0x35: {  	s10 =	sld [smem:$0x3FA8];
	_ =	sdelay $0x3  }
0x36: {  	p1 =	seq.s32 s10, $0x1;
	s10 =	sld [smem:$0x3FA9];
	_ =	sdelay $0x3  }
0x37: {  	[smem:$0x3FA9] =	sst s10  }
0x38: {  	s10 =	sld [smem:$0x3FAA]  }
0x39: {  	_ = 	snop;
	(pc) =	sbr.ind lr, $3  }
0x3a: {  	_ = 	snop  }
0x3b: {  	_ = 	snop  }
0x3c: {  	p2 =	seq.s32 s10, $0x1;
	s10 =	sld [smem:$0x3FA9]  }
0x3d: {  	_ =	shalt  }
0x3e: {  	_ =	shalt  }
0x3f: {  	_ =	shalt  }
0x40: {  	_ =	shalt  }
0x41: {  	_ =	shalt  }
0x42: {  	_ =	shalt  }
0x43: {  	_ =	shalt  }
0x44: {  	_ =	shalt  }
0x45: {  	_ =	shalt  }
0x46: {  	_ =	shalt  }
0x47: {  	_ =	shalt  }
0x48: {  	_ =	shalt  }
0x49: {  	_ =	shalt  }
0x4a: {  	_ =	shalt  }
0x4b: {  	_ =	shalt  }
0x4c: {  	_ =	shalt  }
0x4d: {  	_ =	shalt  }
0x4e: {  	_ =	shalt  }
0x4f: {  	_ =	shalt  }
0x50: {  	_ =	shalt  }
0x51: {  	_ =	shalt  }
0x52: {  	_ =	shalt  }
0x53: {  	_ =	shalt  }
0x54: {  	_ =	shalt  }
0x55: {  	_ =	shalt  }
0x56: {  	_ =	shalt  }
0x57: {  	_ =	shalt  }
0x58: {  	_ =	shalt  }
0x59: {  	_ =	shalt  }
0x5a: {  	_ =	shalt  }
0x5b: {  	_ =	shalt  }
0x5c: {  	_ =	shalt  }
0x5d: {  	_ =	shalt  }
0x5e: {  	_ =	shalt  }
0x5f: {  	_ =	shalt  }
0x60: {  	_ =	shalt  }
0x61: {  	_ =	shalt  }
0x62: {  	_ =	shalt  }
0x63: {  	_ =	shalt  }
0x64: {  	_ =	shalt  }
0x65: {  	_ =	shalt  }
0x66: {  	_ =	shalt  }
0x67: {  	_ =	shalt  }
0x68: {  	_ =	shalt  }
0x69: {  	_ =	shalt  }
0x6a: {  	_ =	shalt  }
0x6b: {  	_ =	shalt  }
0x6c: {  	_ =	shalt  }
0x6d: {  	_ =	shalt  }
0x6e: {  	_ =	shalt  }
0x6f: {  	_ =	shalt  }
0x70: {  	_ =	shalt  }
0x71: {  	_ =	shalt  }
0x72: {  	_ =	shalt  }
0x73: {  	_ =	shalt  }
0x74: {  	_ =	shalt  }
0x75: {  	_ =	shalt  }
0x76: {  	_ =	shalt  }
0x77: {  	_ =	shalt  }
0x78: {  	_ =	shalt  }
0x79: {  	_ =	shalt  }
0x7a: {  	_ =	shalt  }
0x7b: {  	_ =	shalt  }
0x7c: {  	_ =	shalt  }
0x7d: {  	_ =	shalt  }
0x7e: {  	_ =	shalt  }
0x7f: {  	_ =	shalt  }
0x80: {  	_ =	shalt  }
0x81: {  	_ =	shalt  }
0x82: {  	_ =	shalt  }
0x83: {  	_ =	shalt  }
0x84: {  	_ =	shalt  }
0x85: {  	_ =	shalt  }
0x86: {  	_ =	shalt  }
0x87: {  	_ =	shalt  }
.Lfunc_end0:
.L_simem_size_0:
called_computation.2_lowered:
.L_overlay_start_0:
0x88: {  	s2 =	sld [smem:$0x3FD9]  }
0x89: {  	s3 =	sld [smem:$0x3FFE];
	_ =	sdelay $0x1  }
0x8a: {  	s1 =	srdreg.scid  }
0x8b: {  	s0 =	sand.u32 $0x1, s1  }
0x8c: {  	s17 =	sshll.u32 s0, $0xA;
	s2 =	sadd.s32 s3, s2  }
0x8d: {  	s2 =	sadd.s32 s2, s17  }
0x8e: {  	[smem:$0x3FB5] =	sst s2  }
0x8f: {  	_ = 	snop  }
0x90: {  	s2 =	sld [smem:$0x3FC1];
	(tm) =	ssettm $0x1  }
0x91: {  	s18 =	sld [smem:$0x3FFB];
	_ =	sdelay $0x3  }
0x92: {  	_ =	strace s18  }
0x93: {  	s3 =	sld [smem:$0x3FFC];
	_ =	sdelay $0x3  }
0x94: {  	_ =	strace s3  }
0x95: {  	s3 =	sld [smem:$0x3FFD];
	_ =	sdelay $0x3  }
0x96: {  	_ =	strace s3  }
0x97: {  	_ =	strace $0x8FFFFFFF  }
0x98: {  	s19 =	sld [smem:$0x3FDB];
	_ =	sdelay $0x1  }
0x99: {  	s4 =	simm.s32 $_scs_section_size  }
0x9a: {  	s5 =	simm.s32 $_size__tile_overlayer_lowered;
	s6 =	simm.s32 $_tile_overlayer_lowered  }
0x9b: {  	s22 =	simm.s32 $0x1BFF;
	s21 =	sshll.u32 s6, $0x1;
	s3 =	sadd.s32 s4, s19  }
0x9c: {  	s7 =	simm.s32 $0x0;
	s20 =	sshll.u32 s5, $0x1;
	s5 =	sadd.s32 s21, s3  }
0x9d: {  	[timem:s7], [sflag:s22] =	dma.local [hbm:s5], s20  }
0x9e: {  	_ =	swait.ge [sflag:s22], s20  }
0x9f: {  	s4 =	ssub.s32 $0x0, s20;
	[sflag:s22] =	ssyncset.done $0x0  }
0xa0: {  	[sflag:s22] =	ssyncadd.s32 s4;
	_ =	sdelay $0x1  }
0xa1: {  	s23 =	simm.s32 $0x1B8B  }
0xa2: {  	_ =	swait.ge [sflag:s23], $0x1  }
0xa3: {  	[sflag:s23] =	ssyncset.done $0x0  }
0xa4: {  	s25 =	simm.s32 $0x1B8E;
	s24 =	sld [smem:$0x3FFE];
	[sflag:s23] =	ssyncadd.s32 $0xFFFFFFFF  }
0xa5: {  	s26 =	simm.s32 $execute0_lowered;
	[smem:$0x3FD2] =	sst s25  }
0xa6: {  	s5 =	sshll.u32 s26, $0x1;
	_ =	strace $0x80000046;
	[dreg:$0x1] =	wrdreg $0xFFFFFFFF  }
0xa7: {  	s28 =	simm.s32 $_size_execute0_lowered;
	s3 =	sadd.s32 s3, s5;
	[dreg:$0x0] =	wrdreg $0x0  }
0xa8: {  	s5 =	sshll.u32 s28, $0x1;
	[dreg:$0x2] =	wrdreg s3  }
0xa9: {  	[dreg:$0x3] =	wrdreg s5  }
0xaa: {  	[dreg:$0x4] =	wrdreg $0xC0  }
0xab: {  	_ =	task [dreg:s7], $0x5FFFF  }
0xac: {  	[dreg:$0x1] =	wrdreg $0xFFFFFFFF  }
0xad: {  	[dreg:$0x0] =	wrdreg $0x60  }
0xae: {  	[dreg:$0x2] =	wrdreg s2  }
0xaf: {  	[dreg:$0x3] =	wrdreg s24  }
0xb0: {  	[dreg:$0x4] =	wrdreg $0xB  }
0xb1: {  	_ =	task.clear_ibuf [dreg:s7], $0x5FFFF;
	_ =	strace $0x90000046  }
0xb2: {  	s29 =	simm.s32 $0xB;
	_ =	strace $0x80000048  }
0xb3: {  	_ =	swait.ge [sflag:s29], $0x1  }
0xb4: {  	[sflag:s29] =	ssyncadd.s32 $0xFFFFFFFF  }
0xb5: {  	_ =	strace $0x90000048  }
0xb6: {  	_ =	sfence  }
0xb7: {  	s30 =	sld [smem:$0x0];
	_ =	sdelay $0x2  }
0xb8: {  	s31 =	sshll.u32 s1, $0xD;
	s1 =	sshrl.u32 s1, $0x2  }
0xb9: {  	s3 =	sand.u32 $0x4000, s31;
	s1 =	sadd.s32 s1, s30  }
0xba: {  	s0 =	sor.u32 s3, s0;
	s1 =	sshll.u32 s1, $0x11  }
0xbb: {  	s0 =	sor.u32 s1, s0  }
0xbc: {  	s0 =	sadd.s32 $0x8F2B, s0  }
0xbd: {  	[sflag:s0] =	ssyncadd.remote.s32 $0x1  }
0xbe: {  	_ =	sfence.sel $0xFFFF  }
0xbf: {  	[dreg:$0x0] =	wrdreg $0xFFFFFFFF;
	(pc) =	sbr.abs _section_cstart, $3  }
0xc0: {  	[dreg:$0x1] =	wrdreg $0xFFFFFFFF  }
0xc1: {  	_ =	task.clear_ibuf [dreg:s7], $0x2FFFF;
	_ =	strace $0x9FFFFFFF  }
0xc2: {  	(tm) =	ssettm $0x7FFFFFFF  }
0xc3: {  	_ =	shalt  }
tec
execute0_lowered:
.L_overlay_start_1:
0x0: {  	(tag) =	ssettag $0x1  }
0x1: {  	s1 =	rddreg [dreg:$0x0]  }
0x2: {  	s4 =	rddreg [dreg:$0x1]  }
0x3: {  	s0 =	rddreg [dreg:$0x2]  }
0x4: {  	s5 =	srdreg.scid;
	s3 =	simm.s32 $0x0;
	s2 =	stileid.u32  }
0x5: {  	s14 =	simm.s32 $0x5;
	s15 =	simm.s32 $0x80;
	s16 =	simm.s32 $0x880  }
0x6: {  	s17 =	simm.s32 $0x1080;
	s18 =	simm.s32 $0x1880;
	s19 =	simm.s32 $0x2080  }
0x7: {  	s20 =	simm.s32 $0x2880;
	s21 =	simm.s32 $0x3080;
	s22 =	simm.s32 $0x3880  }
0x8: {  	s23 =	simm.s32 $0x1;
	s24 =	simm.s32 $0x2;
	s25 =	simm.s32 $0x3  }
0x9: {  	s26 =	simm.s32 $0x4;
	s5 =	sand.u32 $0x1, s5;
	[smem:$0x7FF] =	sst s3  }
0xa: {  	s6 =	sshll.u32 s2, $0x8;
	s7 =	sshll.u32 s5, $0x7;
	s5 =	ssub.s32 $0x2, s5  }
0xb: {  	_ =	strace $0x80000047;
	s6 =	sor.u32 s7, s6;
	s31 =	sshrl.u32 s5, $0x1  }
0xc: {  	s7 =	sshrl.u32 s6, $0x3;
	s6 =	sshll.u32 s6, $0x5;
	s13 =	ssub.s32 s5, s31  }
0xd: {  	s7 =	sadd.s32 s7, s4;
	s12 =	sadd.s32 s6, s4;
	s13 =	smax.u32 s13, $0x1  }
0xe: {  	v2 =	vlaneseq.u32;
	s4 =	sadd.s32 $0x5A00, s7;
	s5 =	sadd.s32 $0x6000, s12;
	s6 =	sadd.s32 $0x6200, s12  }
0xf: {  	vm0 =	vmmov $0xffff;
	v1 =	vshrl.u32 v2, $0x3;
	s7 =	sadd.s32 $0x6400, s12;
	s8 =	sadd.s32 $0x6600, s12;
	s9 =	sadd.s32 $0x6800, s12  }
0x10: {  	v0 =	vand.u32 $0x7, v2;
	v2 =	vor.u32 $0x8, v2;
	v1 =	vmul.u32 $0x8, v1;
	s10 =	sadd.s32 $0x6A00, s12;
	s11 =	sadd.s32 $0x6C00, s12;
	s12 =	sadd.s32 $0x6E00, s12  }
.LBB2_1:
0x11: {  	[tilespmem:s3], [sflag:$0x5] =	stream.linear.gather [hbm4b:s4+s3], $0x80, $0x38;
	[tilespmem:$0x4080] =	vst v63  }
0x12: {  	_ =	swait.ge [sflag:s14], $0x80  }
0x13: {  	[sflag:s14] =	ssyncset.done $0x0  }
0x14: {  	[sflag:s14] =	ssyncadd.s32 $0xFFFFFF80  }
0x15: {  	v3 =	vld [tilespmem:$0x0];
	_ =	sdelay $0x4  }
0x16: {  	v4 =	vshll.u32 v3, $0x1  }
0x17: {  	v3 =	vand.u32 $0x7, v3;
	v4 =	vand.u32 $0xFFFFFFF0, v4  }
0x18: {  	v3 =	vor.u32 v3, v4  }
0x19: {  	v4 =	vperm.xlane v3, v0;
	_ =	sdelay $0x1  }
0x1a: {  	v3 =	vperm.xlane v3, v2;
	v4 =	vadd.s32 v1, v4;
	_ =	sdelay $0x1  }
0x1b: {  	v3 =	vadd.s32 v1, v3;
	_ =	sdelay $0x2  }
0x1c: {  	[tilespmem:s15], [sflag:$0x1] =	stream.indirect_vreg.gather [hbm4b:s1+s3], $0x80, v4, vm0, $0xb8;
	[tilespmem:$0x4080] =	vst v63  }
0x1d: {  	_ = 	snop  }
0x1e: {  	[tilespmem:s16], [sflag:$0x1] =	stream.indirect_vreg.gather [hbm4b:s1+s3], $0x80, v3, vm0, $0xb8;
	[tilespmem:$0x4080] =	vst v63  }
0x1f: {  	v3 =	vld [tilespmem:$0x10];
	_ =	sdelay $0x4  }
0x20: {  	v57 =	vshll.u32 v3, $0x1  }
0x21: {  	v3 =	vand.u32 $0x7, v3;
	v4 =	vand.u32 $0xFFFFFFF0, v57  }
0x22: {  	v3 =	vor.u32 v3, v4  }
0x23: {  	v4 =	vperm.xlane v3, v0;
	_ =	sdelay $0x1  }
0x24: {  	v3 =	vperm.xlane v3, v2;
	v4 =	vadd.s32 v1, v4;
	_ =	sdelay $0x1  }
0x25: {  	v3 =	vadd.s32 v1, v3;
	_ =	sdelay $0x2  }
0x26: {  	[tilespmem:s17], [sflag:$0x2] =	stream.indirect_vreg.gather [hbm4b:s1+s3], $0x80, v4, vm0, $0xb8;
	[tilespmem:$0x4080] =	vst v63  }
0x27: {  	_ = 	snop  }
0x28: {  	[tilespmem:s18], [sflag:$0x2] =	stream.indirect_vreg.gather [hbm4b:s1+s3], $0x80, v3, vm0, $0xb8;
	[tilespmem:$0x4080] =	vst v63  }
0x29: {  	v3 =	vld [tilespmem:$0x20];
	_ =	sdelay $0x4  }
0x2a: {  	v58 =	vshll.u32 v3, $0x1  }
0x2b: {  	v3 =	vand.u32 $0x7, v3;
	v4 =	vand.u32 $0xFFFFFFF0, v58  }
0x2c: {  	v3 =	vor.u32 v3, v4  }
0x2d: {  	v4 =	vperm.xlane v3, v0;
	_ =	sdelay $0x1  }
0x2e: {  	v3 =	vperm.xlane v3, v2;
	v4 =	vadd.s32 v1, v4;
	_ =	sdelay $0x1  }
0x2f: {  	v3 =	vadd.s32 v1, v3;
	_ =	sdelay $0x2  }
0x30: {  	[tilespmem:s19], [sflag:$0x3] =	stream.indirect_vreg.gather [hbm4b:s1+s3], $0x80, v4, vm0, $0xb8;
	[tilespmem:$0x4080] =	vst v63  }
0x31: {  	_ = 	snop  }
0x32: {  	[tilespmem:s20], [sflag:$0x3] =	stream.indirect_vreg.gather [hbm4b:s1+s3], $0x80, v3, vm0, $0xb8;
	[tilespmem:$0x4080] =	vst v63  }
0x33: {  	v3 =	vld [tilespmem:$0x30];
	_ =	sdelay $0x4  }
0x34: {  	v59 =	vshll.u32 v3, $0x1  }
0x35: {  	v3 =	vand.u32 $0x7, v3;
	v4 =	vand.u32 $0xFFFFFFF0, v59  }
0x36: {  	v3 =	vor.u32 v3, v4  }
0x37: {  	v4 =	vperm.xlane v3, v0;
	_ =	sdelay $0x1  }
0x38: {  	v3 =	vperm.xlane v3, v2;
	v4 =	vadd.s32 v1, v4;
	_ =	sdelay $0x1  }
0x39: {  	v3 =	vadd.s32 v1, v3;
	_ =	sdelay $0x2  }
0x3a: {  	[tilespmem:s21], [sflag:$0x4] =	stream.indirect_vreg.gather [hbm4b:s1+s3], $0x80, v4, vm0, $0xb8;
	[tilespmem:$0x4080] =	vst v63  }
0x3b: {  	_ = 	snop  }
0x3c: {  	[tilespmem:s22], [sflag:$0x4] =	stream.indirect_vreg.gather [hbm4b:s1+s3], $0x80, v3, vm0, $0xb8;
	[tilespmem:$0x4080] =	vst v63  }
0x3d: {  	_ =	swait.ge [sflag:s23], $0x1000  }
0x3e: {  	[sflag:s23] =	ssyncset.done $0x0  }
0x3f: {  	[sflag:s23] =	ssyncadd.s32 $0xFFFFF000  }
0x40: {  	[hbm4b:s5+s3] =	stream.linear.scatter [tilespmem:s15], [sflag:$0x5], $0x1000, $0x38;
	[tilespmem:$0x4080] =	vst v63  }
0x41: {  	_ =	swait.ge [sflag:s14], $0x1000  }
0x42: {  	[sflag:s14] =	ssyncset.done $0x0  }
0x43: {  	[sflag:s14] =	ssyncadd.s32 $0xFFFFF000  }
0x44: {  	v3 =	vld [tilespmem:$0x40];
	_ =	sdelay $0x4  }
0x45: {  	v60 =	vshll.u32 v3, $0x1  }
0x46: {  	v3 =	vand.u32 $0x7, v3;
	v4 =	vand.u32 $0xFFFFFFF0, v60  }
0x47: {  	v3 =	vor.u32 v3, v4  }
0x48: {  	v4 =	vperm.xlane v3, v0;
	_ =	sdelay $0x1  }
0x49: {  	v3 =	vperm.xlane v3, v2;
	v4 =	vadd.s32 v1, v4;
	_ =	sdelay $0x1  }
0x4a: {  	v3 =	vadd.s32 v1, v3;
	_ =	sdelay $0x2  }
0x4b: {  	[tilespmem:s15], [sflag:$0x1] =	stream.indirect_vreg.gather [hbm4b:s1+s3], $0x80, v4, vm0, $0xb8;
	[tilespmem:$0x4080] =	vst v63  }
0x4c: {  	_ = 	snop  }
0x4d: {  	[tilespmem:s16], [sflag:$0x1] =	stream.indirect_vreg.gather [hbm4b:s1+s3], $0x80, v3, vm0, $0xb8;
	[tilespmem:$0x4080] =	vst v63  }
0x4e: {  	_ =	swait.ge [sflag:s24], $0x1000  }
0x4f: {  	[sflag:s24] =	ssyncset.done $0x0  }
0x50: {  	[sflag:s24] =	ssyncadd.s32 $0xFFFFF000  }
0x51: {  	[hbm4b:s6+s3] =	stream.linear.scatter [tilespmem:s17], [sflag:$0x5], $0x1000, $0x38;
	[tilespmem:$0x4080] =	vst v63  }
0x52: {  	_ =	swait.ge [sflag:s14], $0x1000  }
0x53: {  	[sflag:s14] =	ssyncset.done $0x0  }
0x54: {  	[sflag:s14] =	ssyncadd.s32 $0xFFFFF000  }
0x55: {  	v3 =	vld [tilespmem:$0x50];
	_ =	sdelay $0x4  }
0x56: {  	v61 =	vshll.u32 v3, $0x1  }
0x57: {  	v3 =	vand.u32 $0x7, v3;
	v4 =	vand.u32 $0xFFFFFFF0, v61  }
0x58: {  	v3 =	vor.u32 v3, v4  }
0x59: {  	v4 =	vperm.xlane v3, v0;
	_ =	sdelay $0x1  }
0x5a: {  	v3 =	vperm.xlane v3, v2;
	v4 =	vadd.s32 v1, v4;
	_ =	sdelay $0x1  }
0x5b: {  	v3 =	vadd.s32 v1, v3;
	_ =	sdelay $0x2  }
0x5c: {  	[tilespmem:s17], [sflag:$0x2] =	stream.indirect_vreg.gather [hbm4b:s1+s3], $0x80, v4, vm0, $0xb8;
	[tilespmem:$0x4080] =	vst v63  }
0x5d: {  	_ = 	snop  }
0x5e: {  	[tilespmem:s18], [sflag:$0x2] =	stream.indirect_vreg.gather [hbm4b:s1+s3], $0x80, v3, vm0, $0xb8;
	[tilespmem:$0x4080] =	vst v63  }
0x5f: {  	_ =	swait.ge [sflag:s25], $0x1000  }
0x60: {  	[sflag:s25] =	ssyncset.done $0x0  }
0x61: {  	[sflag:s25] =	ssyncadd.s32 $0xFFFFF000  }
0x62: {  	[hbm4b:s7+s3] =	stream.linear.scatter [tilespmem:s19], [sflag:$0x5], $0x1000, $0x38;
	[tilespmem:$0x4080] =	vst v63  }
0x63: {  	_ =	swait.ge [sflag:s14], $0x1000  }
0x64: {  	[sflag:s14] =	ssyncset.done $0x0  }
0x65: {  	[sflag:s14] =	ssyncadd.s32 $0xFFFFF000  }
0x66: {  	v3 =	vld [tilespmem:$0x60];
	_ =	sdelay $0x4  }
0x67: {  	v62 =	vshll.u32 v3, $0x1  }
0x68: {  	v3 =	vand.u32 $0x7, v3;
	v4 =	vand.u32 $0xFFFFFFF0, v62  }
0x69: {  	v3 =	vor.u32 v3, v4  }
0x6a: {  	v4 =	vperm.xlane v3, v0;
	_ =	sdelay $0x1  }
0x6b: {  	v3 =	vperm.xlane v3, v2;
	v4 =	vadd.s32 v1, v4;
	_ =	sdelay $0x1  }
0x6c: {  	v3 =	vadd.s32 v1, v3;
	_ =	sdelay $0x2  }
0x6d: {  	[tilespmem:s19], [sflag:$0x3] =	stream.indirect_vreg.gather [hbm4b:s1+s3], $0x80, v4, vm0, $0xb8;
	[tilespmem:$0x4080] =	vst v63  }
0x6e: {  	_ = 	snop  }
0x6f: {  	[tilespmem:s20], [sflag:$0x3] =	stream.indirect_vreg.gather [hbm4b:s1+s3], $0x80, v3, vm0, $0xb8;
	[tilespmem:$0x4080] =	vst v63  }
0x70: {  	_ =	swait.ge [sflag:s26], $0x1000  }
0x71: {  	[sflag:s26] =	ssyncset.done $0x0  }
0x72: {  	[sflag:s26] =	ssyncadd.s32 $0xFFFFF000  }
0x73: {  	[hbm4b:s8+s3] =	stream.linear.scatter [tilespmem:s21], [sflag:$0x5], $0x1000, $0x38;
	[tilespmem:$0x4080] =	vst v63  }
0x74: {  	_ =	swait.ge [sflag:s14], $0x1000  }
0x75: {  	[sflag:s14] =	ssyncset.done $0x0  }
0x76: {  	[sflag:s14] =	ssyncadd.s32 $0xFFFFF000  }
0x77: {  	v3 =	vld [tilespmem:$0x70];
	_ =	sdelay $0x4  }
0x78: {  	v63 =	vshll.u32 v3, $0x1  }
0x79: {  	v3 =	vand.u32 $0x7, v3;
	v4 =	vand.u32 $0xFFFFFFF0, v63  }
0x7a: {  	v3 =	vor.u32 v3, v4  }
0x7b: {  	v4 =	vperm.xlane v3, v0;
	_ =	sdelay $0x1  }
0x7c: {  	v3 =	vperm.xlane v3, v2;
	v4 =	vadd.s32 v1, v4;
	_ =	sdelay $0x1  }
0x7d: {  	v3 =	vadd.s32 v1, v3;
	_ =	sdelay $0x2  }
0x7e: {  	[tilespmem:s21], [sflag:$0x4] =	stream.indirect_vreg.gather [hbm4b:s1+s3], $0x80, v4, vm0, $0xb8;
	[tilespmem:$0x4080] =	vst v63  }
0x7f: {  	_ = 	snop  }
0x80: {  	[tilespmem:s22], [sflag:$0x4] =	stream.indirect_vreg.gather [hbm4b:s1+s3], $0x80, v3, vm0, $0xb8;
	[tilespmem:$0x4080] =	vst v63  }
0x81: {  	_ =	swait.ge [sflag:s23], $0x1000  }
0x82: {  	[sflag:s23] =	ssyncset.done $0x0  }
0x83: {  	[sflag:s23] =	ssyncadd.s32 $0xFFFFF000  }
0x84: {  	[hbm4b:s9+s3] =	stream.linear.scatter [tilespmem:s15], [sflag:$0x5], $0x1000, $0x38;
	[tilespmem:$0x4080] =	vst v63  }
0x85: {  	_ =	swait.ge [sflag:s14], $0x1000  }
0x86: {  	[sflag:s14] =	ssyncset.done $0x0  }
0x87: {  	[sflag:s14] =	ssyncadd.s32 $0xFFFFF000  }
0x88: {  	_ =	swait.ge [sflag:s24], $0x1000  }
0x89: {  	[sflag:s24] =	ssyncset.done $0x0  }
0x8a: {  	[sflag:s24] =	ssyncadd.s32 $0xFFFFF000  }
0x8b: {  	[hbm4b:s10+s3] =	stream.linear.scatter [tilespmem:s17], [sflag:$0x5], $0x1000, $0x38;
	[tilespmem:$0x4080] =	vst v63  }
0x8c: {  	_ =	swait.ge [sflag:s14], $0x1000  }
0x8d: {  	[sflag:s14] =	ssyncset.done $0x0  }
0x8e: {  	[sflag:s14] =	ssyncadd.s32 $0xFFFFF000  }
0x8f: {  	_ =	swait.ge [sflag:s25], $0x1000  }
0x90: {  	[sflag:s25] =	ssyncset.done $0x0  }
0x91: {  	[sflag:s25] =	ssyncadd.s32 $0xFFFFF000  }
0x92: {  	[hbm4b:s11+s3] =	stream.linear.scatter [tilespmem:s19], [sflag:$0x5], $0x1000, $0x38;
	[tilespmem:$0x4080] =	vst v63  }
0x93: {  	_ =	swait.ge [sflag:s14], $0x1000  }
0x94: {  	[sflag:s14] =	ssyncset.done $0x0  }
0x95: {  	[sflag:s14] =	ssyncadd.s32 $0xFFFFF000  }
0x96: {  	_ =	swait.ge [sflag:s26], $0x1000  }
0x97: {  	p0 =	sne.s32 s13, $0x1;
	[sflag:s26] =	ssyncset.done $0x0  }
.Ltmp0:
0x98: {  	[sflag:s26] =	ssyncadd.s32 $0xFFFFF000;
	(pc) =	sbr.rel @p0 .LBB2_1-.Ltmp0, $4  }
0x99: {  	[hbm4b:s12+s3] =	stream.linear.scatter [tilespmem:s21], [sflag:$0x5], $0x1000, $0x38;
	[tilespmem:$0x4080] =	vst v63  }
0x9a: {  	_ =	swait.ge [sflag:s14], $0x1000  }
0x9b: {  	[sflag:s14] =	ssyncset.done $0x0  }
0x9c: {  	s13 =	sadd.s32 $0xFFFFFFFF, s13;
	[sflag:s14] =	ssyncadd.s32 $0xFFFFF000  }
0x9d: {  	_ =	sfence.sel $0x180000  }
0x9e: {  	[bflag:$0x0] =	sbarrier.arrive $0xFFFF  }
0x9f: {  	p0 =	sne.s32 s2, $0x0;
	_ =	strace $0x90000047  }
0xa0: {  	s0 =	sadd.s32 @!p0 $0x100000, s0;
	[bflag:$0x2] =	sbarrier.arrive $0xFFFF  }
0xa1: {  	[sflag:s0] =	ssyncadd.tile.s32 @!p0 $0x1;
	_ =	shalt  }
.Lfunc_end2:
_tile_overlayer_lowered:
.L_overlay_start_2:
0xa2: {  	(tag) =	ssettag $0x2  }
0xa3: {  	s0 =	rddreg [dreg:$0x0];
	s2 =	stileid.u32  }
0xa4: {  	s1 =	rddreg [dreg:$0x1];
	p0 =	sne.s32 s2, $0x0  }
0xa5: {  	s3 =	rddreg [dreg:$0x2];
	[bflag:$0x3] =	sbarrier.arrive $0xFFFF;
	s2 =	simm.s32 @!p0 $0x1C05  }
0xa6: {  	[timem:s3], [sflag:s2] =	dma.local @!p0 [hbm:s0], s1  }
0xa7: {  	s0 =	simm.s32 @!p0 $0x5  }
0xa8: {  	_ =	swait.ge @!p0 [sflag:s0], s1  }
0xa9: {  	s1 =	ssub.s32 @!p0 $0x0, s1;
	[sflag:s0] =	ssyncset.done @!p0 $0x0  }
0xaa: {  	[sflag:s0] =	ssyncadd.s32 @!p0 s1  }
0xab: {  	[bflag:$0x3] =	sbarrier.arrive $0xFFFF  }
0xac: {  	_ =	shalt  }

// kernel: kernel.23.cloned.1.call-start
scs
__scs_entry_jumppad:
0x0: {  	(pc) =	sbr.rel $0x88, $3  }
0x1: {  	(tag) =	ssettag $0x0;
	lr =	simm.s32 $0x1  }
0x2: {  	[smem:$0x3F8E] =	sst lr;
	_ =	strace $0xD0000000  }
0x3: {  	_ = 	snop  }
0x4: {  	_ = 	snop  }
0x5: {  	_ = 	snop  }
0x6: {  	_ = 	snop  }
0x7: {  	_ = 	snop  }
__scs_overlays_trampoline_lowered:
0x8: {  	[smem:$0x3F9D] =	sst s0  }
0x9: {  	[smem:$0x3F9E] =	sst s1  }
0xa: {  	[smem:$0x3F9F] =	sst s2  }
0xb: {  	[smem:$0x3FA0] =	sst s3  }
0xc: {  	[smem:$0x3FA1] =	sst s4  }
0xd: {  	[smem:$0x3FA2] =	sst s5  }
0xe: {  	[smem:$0x3FA3] =	sst s6  }
0xf: {  	[smem:$0x3FA4] =	sst s7  }
0x10: {  	[smem:$0x3FA5] =	sst s8  }
0x11: {  	[smem:$0x3FA6] =	sst s9;
	s0 =	simm.s32 @!p0 $0x0  }
0x12: {  	s1 =	sld [smem:$0x3F8C];
	s0 =	simm.s32 @p0 $0x1  }
0x13: {  	[smem:$0x3FA7] =	sst s0;
	s0 =	simm.s32 @!p1 $0x0  }
0x14: {  	s2 =	sld [smem:$0x3F8B];
	s0 =	simm.s32 @p1 $0x1  }
0x15: {  	[smem:$0x3FA8] =	sst s0;
	s0 =	simm.s32 @!p2 $0x0  }
0x16: {  	s3 =	sld [smem:$0x3FDB];
	s0 =	simm.s32 @p2 $0x1  }
0x17: {  	s4 =	simm.s32 $0x1BF5;
	[smem:$0x3FAA] =	sst s0  }
0x18: {  	s0 =	sld [smem:$0x3F8D];
	_ =	swait.ge [sflag:s4], $0x0  }
0x19: {  	s7 =	sld [smem:$0x3F8E]  }
0x1a: {  	s8 =	sadd.s32 $0xFFFFE003, lr  }
0x1b: {  	s9 =	sadd.s32 $0xFFFFFEF7, lr;
	s5 =	simm.s32 $0xFFFFFFFF;
	p2 =	slt.u32 s8, $0xFFFFF086  }
0x1c: {  	p1 =	slt.u32 s9, $0xF7A;
	s5 =	simm.s32 @!p2 $0x0  }
0x1d: {  	s5 =	simm.s32 @p1 $0x1;
	p0 =	seq.s32 s7, s2  }
0x1e: {  	s7 =	smul.u32 @!p0 $0xF7A, s2;
	p2 =	seq.s32 @!p0 s5, $0x0  }
0x1f: {  	s9 =	smul.u32 $0xF7A, s1;
	s8 =	simm.s32 @!p0 $0x1BF5;
	p2 =	por !p2, p0  }
0x20: {  	[sflag:s8] =	ssyncset.s32 @!p0 $0xFFFFF086;
	s6 =	sadd.s32 @!p0 s3, s7;
	s7 =	simm.s32 @!p0 $0x108  }
0x21: {  	s3 =	sadd.s32 s3, s9;
	s6 =	sadd.s32 @!p0 $0x88, s6;
	s7 =	simm.s32 @p2 $0x1082  }
0x22: {  	[simem:s7], [sflag:s8] =	dma.local @!p0 [hbm:s6], $0xF7A  }
0x23: {  	s9 =	sor.u32 $0xD0000000, s2;
	s6 =	simm.s32 $0x108;
	_ =	swait.ge @!p0 [sflag:s8], $0x0  }
0x24: {  	s3 =	sadd.s32 $0x88, s3;
	s6 =	simm.s32 @!p1 $0x1082;
	[sflag:s4] =	ssyncset.s32 $0xFFFFF086  }
0x25: {  	[simem:s6], [sflag:s4] =	dma.local [hbm:s3], $0xF7A  }
0x26: {  	[smem:$0x3F8E] =	sst s1;
	(tag) =	ssettag s2;
	_ =	strace s9  }
0x27: {  	s1 =	sld [smem:$0x3F9E]  }
0x28: {  	s2 =	sld [smem:$0x3F9F]  }
0x29: {  	s4 =	sld [smem:$0x3FA1]  }
0x2a: {  	p0 =	seq.s32 s5, $0x0;
	s5 =	sld [smem:$0x3FA2]  }
0x2b: {  	s6 =	sld [smem:$0x3FA3]  }
0x2c: {  	s7 =	sld [smem:$0x3FA4]  }
0x2d: {  	s3 =	simm.s32 $0x108;
	s8 =	sld [smem:$0x3FA5]  }
0x2e: {  	s3 =	simm.s32 @!p0 $0x1082;
	s9 =	sld [smem:$0x3FA6]  }
0x2f: {  	lr =	sadd.s32 s0, s3;
	s0 =	sld [smem:$0x3F9D]  }
0x30: {  	s3 =	sld [smem:$0x3FA0]  }
0x31: {  	[smem:$0x3FA9] =	sst s10  }
0x32: {  	s10 =	sld [smem:$0x3FA7];
	_ =	sdelay $0x3  }
0x33: {  	p0 =	seq.s32 s10, $0x1;
	s10 =	sld [smem:$0x3FA9];
	_ =	sdelay $0x3  }
0x34: {  	[smem:$0x3FA9] =	sst s10  }
0x35: {  	s10 =	sld [smem:$0x3FA8];
	_ =	sdelay $0x3  }
0x36: {  	p1 =	seq.s32 s10, $0x1;
	s10 =	sld [smem:$0x3FA9];
	_ =	sdelay $0x3  }
0x37: {  	[smem:$0x3FA9] =	sst s10  }
0x38: {  	s10 =	sld [smem:$0x3FAA]  }
0x39: {  	_ = 	snop;
	(pc) =	sbr.ind lr, $3  }
0x3a: {  	_ = 	snop  }
0x3b: {  	_ = 	snop  }
0x3c: {  	p2 =	seq.s32 s10, $0x1;
	s10 =	sld [smem:$0x3FA9]  }
0x3d: {  	_ =	shalt  }
0x3e: {  	_ =	shalt  }
0x3f: {  	_ =	shalt  }
0x40: {  	_ =	shalt  }
0x41: {  	_ =	shalt  }
0x42: {  	_ =	shalt  }
0x43: {  	_ =	shalt  }
0x44: {  	_ =	shalt  }
0x45: {  	_ =	shalt  }
0x46: {  	_ =	shalt  }
0x47: {  	_ =	shalt  }
0x48: {  	_ =	shalt  }
0x49: {  	_ =	shalt  }
0x4a: {  	_ =	shalt  }
0x4b: {  	_ =	shalt  }
0x4c: {  	_ =	shalt  }
0x4d: {  	_ =	shalt  }
0x4e: {  	_ =	shalt  }
0x4f: {  	_ =	shalt  }
0x50: {  	_ =	shalt  }
0x51: {  	_ =	shalt  }
0x52: {  	_ =	shalt  }
0x53: {  	_ =	shalt  }
0x54: {  	_ =	shalt  }
0x55: {  	_ =	shalt  }
0x56: {  	_ =	shalt  }
0x57: {  	_ =	shalt  }
0x58: {  	_ =	shalt  }
0x59: {  	_ =	shalt  }
0x5a: {  	_ =	shalt  }
0x5b: {  	_ =	shalt  }
0x5c: {  	_ =	shalt  }
0x5d: {  	_ =	shalt  }
0x5e: {  	_ =	shalt  }
0x5f: {  	_ =	shalt  }
0x60: {  	_ =	shalt  }
0x61: {  	_ =	shalt  }
0x62: {  	_ =	shalt  }
0x63: {  	_ =	shalt  }
0x64: {  	_ =	shalt  }
0x65: {  	_ =	shalt  }
0x66: {  	_ =	shalt  }
0x67: {  	_ =	shalt  }
0x68: {  	_ =	shalt  }
0x69: {  	_ =	shalt  }
0x6a: {  	_ =	shalt  }
0x6b: {  	_ =	shalt  }
0x6c: {  	_ =	shalt  }
0x6d: {  	_ =	shalt  }
0x6e: {  	_ =	shalt  }
0x6f: {  	_ =	shalt  }
0x70: {  	_ =	shalt  }
0x71: {  	_ =	shalt  }
0x72: {  	_ =	shalt  }
0x73: {  	_ =	shalt  }
0x74: {  	_ =	shalt  }
0x75: {  	_ =	shalt  }
0x76: {  	_ =	shalt  }
0x77: {  	_ =	shalt  }
0x78: {  	_ =	shalt  }
0x79: {  	_ =	shalt  }
0x7a: {  	_ =	shalt  }
0x7b: {  	_ =	shalt  }
0x7c: {  	_ =	shalt  }
0x7d: {  	_ =	shalt  }
0x7e: {  	_ =	shalt  }
0x7f: {  	_ =	shalt  }
0x80: {  	_ =	shalt  }
0x81: {  	_ =	shalt  }
0x82: {  	_ =	shalt  }
0x83: {  	_ =	shalt  }
0x84: {  	_ =	shalt  }
0x85: {  	_ =	shalt  }
0x86: {  	_ =	shalt  }
0x87: {  	_ =	shalt  }
.Lfunc_end0:
.L_simem_size_0:
called_computation.3_lowered:
.L_overlay_start_0:
0x88: {  	s2 =	sld [smem:$0x3FD9]  }
0x89: {  	s3 =	sld [smem:$0x3FFE];
	_ =	sdelay $0x1  }
0x8a: {  	s1 =	srdreg.scid  }
0x8b: {  	s0 =	sand.u32 $0x1, s1  }
0x8c: {  	s17 =	sshll.u32 s0, $0xA;
	s2 =	sadd.s32 s3, s2  }
0x8d: {  	s2 =	sadd.s32 s2, s17  }
0x8e: {  	[smem:$0x3FB5] =	sst s2  }
0x8f: {  	_ = 	snop  }
0x90: {  	s18 =	sld [smem:$0x3FC1];
	(tm) =	ssettm $0x1  }
0x91: {  	s19 =	sld [smem:$0x3FFB];
	_ =	sdelay $0x3  }
0x92: {  	_ =	strace s19  }
0x93: {  	s2 =	sld [smem:$0x3FFC];
	_ =	sdelay $0x3  }
0x94: {  	_ =	strace s2  }
0x95: {  	s2 =	sld [smem:$0x3FFD];
	_ =	sdelay $0x3  }
0x96: {  	_ =	strace s2  }
0x97: {  	_ =	strace $0x8FFFFFFF  }
0x98: {  	s20 =	sld [smem:$0x3FDB];
	_ =	sdelay $0x1  }
0x99: {  	s4 =	simm.s32 $_scs_section_size  }
0x9a: {  	s5 =	simm.s32 $_size__tile_overlayer_lowered;
	s6 =	simm.s32 $_tile_overlayer_lowered  }
0x9b: {  	s7 =	simm.s32 $0x1BFF;
	s21 =	sshll.u32 s6, $0x1;
	s4 =	sadd.s32 s4, s20  }
0x9c: {  	s22 =	simm.s32 $0x0;
	s5 =	sshll.u32 s5, $0x1;
	s6 =	sadd.s32 s21, s4  }
0x9d: {  	[timem:s22], [sflag:s7] =	dma.local [hbm:s6], s5  }
0x9e: {  	_ =	swait.ge [sflag:s7], s5  }
0x9f: {  	s5 =	ssub.s32 $0x0, s5;
	[sflag:s7] =	ssyncset.done $0x0  }
0xa0: {  	[sflag:s7] =	ssyncadd.s32 s5;
	_ =	sdelay $0x1  }
0xa1: {  	s23 =	simm.s32 $0x1B8B  }
0xa2: {  	_ =	swait.ge [sflag:s23], $0x1  }
0xa3: {  	[sflag:s23] =	ssyncset.done $0x0  }
0xa4: {  	[sflag:s23] =	ssyncadd.s32 $0xFFFFFFFF  }
0xa5: {  	s5 =	sld [smem:$0x0]  }
0xa6: {  	s6 =	sand.u32 $0xFFFFFFFE, s1  }
0xa7: {  	p0 =	sne.s32 s1, s6  }
0xa8: {  	s6 =	sshll.u32 @p0 s6, $0xE  }
0xa9: {  	s6 =	sadd.s32 @p0 $0x11B8D, s6;
	s7 =	sshll.u32 @p0 s5, $0x11  }
0xaa: {  	s6 =	sor.u32 @p0 s7, s6  }
0xab: {  	[sflag:s6] =	ssyncadd.remote.s32 @p0 $0x1;
	_ =	sdelay $0x1  }
0xac: {  	s6 =	simm.s32 @p0 $0x1B8D  }
0xad: {  	_ =	swait.eq @p0 [sflag:s6], $0x1  }
0xae: {  	[sflag:s6] =	ssyncadd.s32 @p0 $0xFFFFFFFF  }
0xaf: {  	s7 =	sshll.u32 @!p0 s1, $0xE  }
0xb0: {  	s7 =	sor.u32 @!p0 $0x4000, s7;
	s6 =	simm.s32 @!p0 $0x1B8D  }
0xb1: {  	s5 =	sshll.u32 @!p0 s5, $0x11;
	s7 =	sadd.s32 @!p0 $0x11B8D, s7;
	_ =	swait.eq @!p0 [sflag:s6], $0x1  }
0xb2: {  	s5 =	sor.u32 @!p0 s5, s7;
	[sflag:s6] =	ssyncadd.s32 @!p0 $0xFFFFFFFF  }
0xb3: {  	s25 =	simm.s32 $0x1B8E;
	s24 =	sld [smem:$0x3FFE];
	[sflag:s5] =	ssyncadd.remote.s32 @!p0 $0x1  }
0xb4: {  	s26 =	simm.s32 $execute0_lowered;
	[smem:$0x3FD2] =	sst s25  }
0xb5: {  	s6 =	sshll.u32 s26, $0x1;
	_ =	strace $0x80000049;
	[dreg:$0x1] =	wrdreg $0xFFFFFFFF  }
0xb6: {  	s28 =	simm.s32 $_size_execute0_lowered;
	s4 =	sadd.s32 s4, s6;
	[dreg:$0x0] =	wrdreg $0x0  }
0xb7: {  	s6 =	sshll.u32 s28, $0x1;
	[dreg:$0x2] =	wrdreg s4  }
0xb8: {  	[dreg:$0x3] =	wrdreg s6  }
0xb9: {  	[dreg:$0x4] =	wrdreg $0xC0  }
0xba: {  	_ =	task [dreg:s22], $0x5FFFF  }
0xbb: {  	[dreg:$0x1] =	wrdreg $0xFFFFFFFF  }
0xbc: {  	[dreg:$0x0] =	wrdreg $0x60  }
0xbd: {  	[dreg:$0x2] =	wrdreg s18  }
0xbe: {  	[dreg:$0x3] =	wrdreg s24  }
0xbf: {  	[dreg:$0x4] =	wrdreg $0xC  }
0xc0: {  	_ =	task.clear_ibuf [dreg:s22], $0x5FFFF;
	_ =	strace $0x90000049  }
0xc1: {  	s29 =	simm.s32 $0xC;
	_ =	strace $0x8000004B  }
0xc2: {  	_ =	swait.ge [sflag:s29], $0x1  }
0xc3: {  	[sflag:s29] =	ssyncadd.s32 $0xFFFFFFFF  }
0xc4: {  	_ =	strace $0x9000004B  }
0xc5: {  	_ =	sfence  }
0xc6: {  	s30 =	sld [smem:$0x0];
	_ =	sdelay $0x2  }
0xc7: {  	s31 =	sshll.u32 s1, $0xD;
	s1 =	sshrl.u32 s1, $0x2  }
0xc8: {  	s4 =	sand.u32 $0x4000, s31;
	s1 =	sadd.s32 s1, s30  }
0xc9: {  	s0 =	sor.u32 s4, s0;
	s1 =	sshll.u32 s1, $0x11  }
0xca: {  	s0 =	sor.u32 s1, s0  }
0xcb: {  	s0 =	sadd.s32 $0x8F2B, s0  }
0xcc: {  	[sflag:s0] =	ssyncadd.remote.s32 $0x1  }
0xcd: {  	_ =	sfence.sel $0xFFFF  }
0xce: {  	[dreg:$0x0] =	wrdreg $0xFFFFFFFF;
	(pc) =	sbr.abs _section_cstart, $3  }
0xcf: {  	[dreg:$0x1] =	wrdreg $0xFFFFFFFF  }
0xd0: {  	_ =	task.clear_ibuf [dreg:s22], $0x2FFFF;
	_ =	strace $0x9FFFFFFF  }
0xd1: {  	(tm) =	ssettm $0x7FFFFFFF  }
tec
execute0_lowered:
.L_overlay_start_1:
0x0: {  	(tag) =	ssettag $0x1  }
0x1: {  	s1 =	rddreg [dreg:$0x0]  }
0x2: {  	s4 =	rddreg [dreg:$0x1]  }
0x3: {  	s0 =	rddreg [dreg:$0x2]  }
0x4: {  	s5 =	srdreg.scid;
	s3 =	simm.s32 $0x0;
	s2 =	stileid.u32  }
0x5: {  	s14 =	simm.s32 $0x5;
	s15 =	simm.s32 $0x80;
	s16 =	simm.s32 $0x880  }
0x6: {  	s17 =	simm.s32 $0x1080;
	s18 =	simm.s32 $0x1880;
	s19 =	simm.s32 $0x2080  }
0x7: {  	s20 =	simm.s32 $0x2880;
	s21 =	simm.s32 $0x3080;
	s22 =	simm.s32 $0x3880  }
0x8: {  	s23 =	simm.s32 $0x1;
	s24 =	simm.s32 $0x2;
	s25 =	simm.s32 $0x3  }
0x9: {  	s26 =	simm.s32 $0x4;
	s5 =	sand.u32 $0x1, s5;
	[smem:$0x7FF] =	sst s3  }
0xa: {  	s6 =	sshll.u32 s2, $0x8;
	s7 =	sshll.u32 s5, $0x7;
	s5 =	ssub.s32 $0x2, s5  }
0xb: {  	_ =	strace $0x8000004A;
	s6 =	sor.u32 s7, s6;
	s31 =	sshrl.u32 s5, $0x1  }
0xc: {  	s7 =	sshrl.u32 s6, $0x3;
	s6 =	sshll.u32 s6, $0x5;
	s13 =	ssub.s32 s5, s31  }
0xd: {  	s7 =	sadd.s32 s7, s4;
	s12 =	sadd.s32 s6, s4;
	s13 =	smax.u32 s13, $0x1  }
0xe: {  	v2 =	vlaneseq.u32;
	s4 =	sadd.s32 $0x5C00, s7;
	s5 =	sadd.s32 $0x26000, s12;
	s6 =	sadd.s32 $0x26200, s12  }
0xf: {  	vm0 =	vmmov $0xffff;
	v1 =	vshrl.u32 v2, $0x3;
	s7 =	sadd.s32 $0x26400, s12;
	s8 =	sadd.s32 $0x26600, s12;
	s9 =	sadd.s32 $0x26800, s12  }
0x10: {  	v0 =	vand.u32 $0x7, v2;
	v2 =	vor.u32 $0x8, v2;
	v1 =	vmul.u32 $0x8, v1;
	s10 =	sadd.s32 $0x26A00, s12;
	s11 =	sadd.s32 $0x26C00, s12;
	s12 =	sadd.s32 $0x26E00, s12  }
.LBB2_1:
0x11: {  	[tilespmem:s3], [sflag:$0x5] =	stream.linear.gather [hbm4b:s4+s3], $0x80, $0x38;
	[tilespmem:$0x4080] =	vst v63  }
0x12: {  	_ =	swait.ge [sflag:s14], $0x80  }
0x13: {  	[sflag:s14] =	ssyncset.done $0x0  }
0x14: {  	[sflag:s14] =	ssyncadd.s32 $0xFFFFFF80  }
0x15: {  	v3 =	vld [tilespmem:$0x0];
	_ =	sdelay $0x4  }
0x16: {  	v4 =	vshll.u32 v3, $0x1  }
0x17: {  	v3 =	vand.u32 $0x7, v3;
	v4 =	vand.u32 $0xFFFFFFF0, v4  }
0x18: {  	v3 =	vor.u32 v3, v4  }
0x19: {  	v4 =	vperm.xlane v3, v0;
	_ =	sdelay $0x1  }
0x1a: {  	v3 =	vperm.xlane v3, v2;
	v4 =	vadd.s32 v1, v4;
	_ =	sdelay $0x1  }
0x1b: {  	v3 =	vadd.s32 v1, v3;
	_ =	sdelay $0x2  }
0x1c: {  	[tilespmem:s15], [sflag:$0x1] =	stream.indirect_vreg.gather [hbm4b:s1+s3], $0x80, v4, vm0, $0xb8;
	[tilespmem:$0x4080] =	vst v63  }
0x1d: {  	_ = 	snop  }
0x1e: {  	[tilespmem:s16], [sflag:$0x1] =	stream.indirect_vreg.gather [hbm4b:s1+s3], $0x80, v3, vm0, $0xb8;
	[tilespmem:$0x4080] =	vst v63  }
0x1f: {  	v3 =	vld [tilespmem:$0x10];
	_ =	sdelay $0x4  }
0x20: {  	v57 =	vshll.u32 v3, $0x1  }
0x21: {  	v3 =	vand.u32 $0x7, v3;
	v4 =	vand.u32 $0xFFFFFFF0, v57  }
0x22: {  	v3 =	vor.u32 v3, v4  }
0x23: {  	v4 =	vperm.xlane v3, v0;
	_ =	sdelay $0x1  }
0x24: {  	v3 =	vperm.xlane v3, v2;
	v4 =	vadd.s32 v1, v4;
	_ =	sdelay $0x1  }
0x25: {  	v3 =	vadd.s32 v1, v3;
	_ =	sdelay $0x2  }
0x26: {  	[tilespmem:s17], [sflag:$0x2] =	stream.indirect_vreg.gather [hbm4b:s1+s3], $0x80, v4, vm0, $0xb8;
	[tilespmem:$0x4080] =	vst v63  }
0x27: {  	_ = 	snop  }
0x28: {  	[tilespmem:s18], [sflag:$0x2] =	stream.indirect_vreg.gather [hbm4b:s1+s3], $0x80, v3, vm0, $0xb8;
	[tilespmem:$0x4080] =	vst v63  }
0x29: {  	v3 =	vld [tilespmem:$0x20];
	_ =	sdelay $0x4  }
0x2a: {  	v58 =	vshll.u32 v3, $0x1  }
0x2b: {  	v3 =	vand.u32 $0x7, v3;
	v4 =	vand.u32 $0xFFFFFFF0, v58  }
0x2c: {  	v3 =	vor.u32 v3, v4  }
0x2d: {  	v4 =	vperm.xlane v3, v0;
	_ =	sdelay $0x1  }
0x2e: {  	v3 =	vperm.xlane v3, v2;
	v4 =	vadd.s32 v1, v4;
	_ =	sdelay $0x1  }
0x2f: {  	v3 =	vadd.s32 v1, v3;
	_ =	sdelay $0x2  }
0x30: {  	[tilespmem:s19], [sflag:$0x3] =	stream.indirect_vreg.gather [hbm4b:s1+s3], $0x80, v4, vm0, $0xb8;
	[tilespmem:$0x4080] =	vst v63  }
0x31: {  	_ = 	snop  }
0x32: {  	[tilespmem:s20], [sflag:$0x3] =	stream.indirect_vreg.gather [hbm4b:s1+s3], $0x80, v3, vm0, $0xb8;
	[tilespmem:$0x4080] =	vst v63  }
0x33: {  	v3 =	vld [tilespmem:$0x30];
	_ =	sdelay $0x4  }
0x34: {  	v59 =	vshll.u32 v3, $0x1  }
0x35: {  	v3 =	vand.u32 $0x7, v3;
	v4 =	vand.u32 $0xFFFFFFF0, v59  }
0x36: {  	v3 =	vor.u32 v3, v4  }
0x37: {  	v4 =	vperm.xlane v3, v0;
	_ =	sdelay $0x1  }
0x38: {  	v3 =	vperm.xlane v3, v2;
	v4 =	vadd.s32 v1, v4;
	_ =	sdelay $0x1  }
0x39: {  	v3 =	vadd.s32 v1, v3;
	_ =	sdelay $0x2  }
0x3a: {  	[tilespmem:s21], [sflag:$0x4] =	stream.indirect_vreg.gather [hbm4b:s1+s3], $0x80, v4, vm0, $0xb8;
	[tilespmem:$0x4080] =	vst v63  }
0x3b: {  	_ = 	snop  }
0x3c: {  	[tilespmem:s22], [sflag:$0x4] =	stream.indirect_vreg.gather [hbm4b:s1+s3], $0x80, v3, vm0, $0xb8;
	[tilespmem:$0x4080] =	vst v63  }
0x3d: {  	_ =	swait.ge [sflag:s23], $0x1000  }
0x3e: {  	[sflag:s23] =	ssyncset.done $0x0  }
0x3f: {  	[sflag:s23] =	ssyncadd.s32 $0xFFFFF000  }
0x40: {  	[hbm4b:s5+s3] =	stream.linear.scatter [tilespmem:s15], [sflag:$0x5], $0x1000, $0x38;
	[tilespmem:$0x4080] =	vst v63  }
0x41: {  	_ =	swait.ge [sflag:s14], $0x1000  }
0x42: {  	[sflag:s14] =	ssyncset.done $0x0  }
0x43: {  	[sflag:s14] =	ssyncadd.s32 $0xFFFFF000  }
0x44: {  	v3 =	vld [tilespmem:$0x40];
	_ =	sdelay $0x4  }
0x45: {  	v60 =	vshll.u32 v3, $0x1  }
0x46: {  	v3 =	vand.u32 $0x7, v3;
	v4 =	vand.u32 $0xFFFFFFF0, v60  }
0x47: {  	v3 =	vor.u32 v3, v4  }
0x48: {  	v4 =	vperm.xlane v3, v0;
	_ =	sdelay $0x1  }
0x49: {  	v3 =	vperm.xlane v3, v2;
	v4 =	vadd.s32 v1, v4;
	_ =	sdelay $0x1  }
0x4a: {  	v3 =	vadd.s32 v1, v3;
	_ =	sdelay $0x2  }
0x4b: {  	[tilespmem:s15], [sflag:$0x1] =	stream.indirect_vreg.gather [hbm4b:s1+s3], $0x80, v4, vm0, $0xb8;
	[tilespmem:$0x4080] =	vst v63  }
0x4c: {  	_ = 	snop  }
0x4d: {  	[tilespmem:s16], [sflag:$0x1] =	stream.indirect_vreg.gather [hbm4b:s1+s3], $0x80, v3, vm0, $0xb8;
	[tilespmem:$0x4080] =	vst v63  }
0x4e: {  	_ =	swait.ge [sflag:s24], $0x1000  }
0x4f: {  	[sflag:s24] =	ssyncset.done $0x0  }
0x50: {  	[sflag:s24] =	ssyncadd.s32 $0xFFFFF000  }
0x51: {  	[hbm4b:s6+s3] =	stream.linear.scatter [tilespmem:s17], [sflag:$0x5], $0x1000, $0x38;
	[tilespmem:$0x4080] =	vst v63  }
0x52: {  	_ =	swait.ge [sflag:s14], $0x1000  }
0x53: {  	[sflag:s14] =	ssyncset.done $0x0  }
0x54: {  	[sflag:s14] =	ssyncadd.s32 $0xFFFFF000  }
0x55: {  	v3 =	vld [tilespmem:$0x50];
	_ =	sdelay $0x4  }
0x56: {  	v61 =	vshll.u32 v3, $0x1  }
0x57: {  	v3 =	vand.u32 $0x7, v3;
	v4 =	vand.u32 $0xFFFFFFF0, v61  }
0x58: {  	v3 =	vor.u32 v3, v4  }
0x59: {  	v4 =	vperm.xlane v3, v0;
	_ =	sdelay $0x1  }
0x5a: {  	v3 =	vperm.xlane v3, v2;
	v4 =	vadd.s32 v1, v4;
	_ =	sdelay $0x1  }
0x5b: {  	v3 =	vadd.s32 v1, v3;
	_ =	sdelay $0x2  }
0x5c: {  	[tilespmem:s17], [sflag:$0x2] =	stream.indirect_vreg.gather [hbm4b:s1+s3], $0x80, v4, vm0, $0xb8;
	[tilespmem:$0x4080] =	vst v63  }
0x5d: {  	_ = 	snop  }
0x5e: {  	[tilespmem:s18], [sflag:$0x2] =	stream.indirect_vreg.gather [hbm4b:s1+s3], $0x80, v3, vm0, $0xb8;
	[tilespmem:$0x4080] =	vst v63  }
0x5f: {  	_ =	swait.ge [sflag:s25], $0x1000  }
0x60: {  	[sflag:s25] =	ssyncset.done $0x0  }
0x61: {  	[sflag:s25] =	ssyncadd.s32 $0xFFFFF000  }
0x62: {  	[hbm4b:s7+s3] =	stream.linear.scatter [tilespmem:s19], [sflag:$0x5], $0x1000, $0x38;
	[tilespmem:$0x4080] =	vst v63  }
0x63: {  	_ =	swait.ge [sflag:s14], $0x1000  }
0x64: {  	[sflag:s14] =	ssyncset.done $0x0  }
0x65: {  	[sflag:s14] =	ssyncadd.s32 $0xFFFFF000  }
0x66: {  	v3 =	vld [tilespmem:$0x60];
	_ =	sdelay $0x4  }
0x67: {  	v62 =	vshll.u32 v3, $0x1  }
0x68: {  	v3 =	vand.u32 $0x7, v3;
	v4 =	vand.u32 $0xFFFFFFF0, v62  }
0x69: {  	v3 =	vor.u32 v3, v4  }
0x6a: {  	v4 =	vperm.xlane v3, v0;
	_ =	sdelay $0x1  }
0x6b: {  	v3 =	vperm.xlane v3, v2;
	v4 =	vadd.s32 v1, v4;
	_ =	sdelay $0x1  }
0x6c: {  	v3 =	vadd.s32 v1, v3;
	_ =	sdelay $0x2  }
0x6d: {  	[tilespmem:s19], [sflag:$0x3] =	stream.indirect_vreg.gather [hbm4b:s1+s3], $0x80, v4, vm0, $0xb8;
	[tilespmem:$0x4080] =	vst v63  }
0x6e: {  	_ = 	snop  }
0x6f: {  	[tilespmem:s20], [sflag:$0x3] =	stream.indirect_vreg.gather [hbm4b:s1+s3], $0x80, v3, vm0, $0xb8;
	[tilespmem:$0x4080] =	vst v63  }
0x70: {  	_ =	swait.ge [sflag:s26], $0x1000  }
0x71: {  	[sflag:s26] =	ssyncset.done $0x0  }
0x72: {  	[sflag:s26] =	ssyncadd.s32 $0xFFFFF000  }
0x73: {  	[hbm4b:s8+s3] =	stream.linear.scatter [tilespmem:s21], [sflag:$0x5], $0x1000, $0x38;
	[tilespmem:$0x4080] =	vst v63  }
0x74: {  	_ =	swait.ge [sflag:s14], $0x1000  }
0x75: {  	[sflag:s14] =	ssyncset.done $0x0  }
0x76: {  	[sflag:s14] =	ssyncadd.s32 $0xFFFFF000  }
0x77: {  	v3 =	vld [tilespmem:$0x70];
	_ =	sdelay $0x4  }
0x78: {  	v63 =	vshll.u32 v3, $0x1  }
0x79: {  	v3 =	vand.u32 $0x7, v3;
	v4 =	vand.u32 $0xFFFFFFF0, v63  }
0x7a: {  	v3 =	vor.u32 v3, v4  }
0x7b: {  	v4 =	vperm.xlane v3, v0;
	_ =	sdelay $0x1  }
0x7c: {  	v3 =	vperm.xlane v3, v2;
	v4 =	vadd.s32 v1, v4;
	_ =	sdelay $0x1  }
0x7d: {  	v3 =	vadd.s32 v1, v3;
	_ =	sdelay $0x2  }
0x7e: {  	[tilespmem:s21], [sflag:$0x4] =	stream.indirect_vreg.gather [hbm4b:s1+s3], $0x80, v4, vm0, $0xb8;
	[tilespmem:$0x4080] =	vst v63  }
0x7f: {  	_ = 	snop  }
0x80: {  	[tilespmem:s22], [sflag:$0x4] =	stream.indirect_vreg.gather [hbm4b:s1+s3], $0x80, v3, vm0, $0xb8;
	[tilespmem:$0x4080] =	vst v63  }
0x81: {  	_ =	swait.ge [sflag:s23], $0x1000  }
0x82: {  	[sflag:s23] =	ssyncset.done $0x0  }
0x83: {  	[sflag:s23] =	ssyncadd.s32 $0xFFFFF000  }
0x84: {  	[hbm4b:s9+s3] =	stream.linear.scatter [tilespmem:s15], [sflag:$0x5], $0x1000, $0x38;
	[tilespmem:$0x4080] =	vst v63  }
0x85: {  	_ =	swait.ge [sflag:s14], $0x1000  }
0x86: {  	[sflag:s14] =	ssyncset.done $0x0  }
0x87: {  	[sflag:s14] =	ssyncadd.s32 $0xFFFFF000  }
0x88: {  	_ =	swait.ge [sflag:s24], $0x1000  }
0x89: {  	[sflag:s24] =	ssyncset.done $0x0  }
0x8a: {  	[sflag:s24] =	ssyncadd.s32 $0xFFFFF000  }
0x8b: {  	[hbm4b:s10+s3] =	stream.linear.scatter [tilespmem:s17], [sflag:$0x5], $0x1000, $0x38;
	[tilespmem:$0x4080] =	vst v63  }
0x8c: {  	_ =	swait.ge [sflag:s14], $0x1000  }
0x8d: {  	[sflag:s14] =	ssyncset.done $0x0  }
0x8e: {  	[sflag:s14] =	ssyncadd.s32 $0xFFFFF000  }
0x8f: {  	_ =	swait.ge [sflag:s25], $0x1000  }
0x90: {  	[sflag:s25] =	ssyncset.done $0x0  }
0x91: {  	[sflag:s25] =	ssyncadd.s32 $0xFFFFF000  }
0x92: {  	[hbm4b:s11+s3] =	stream.linear.scatter [tilespmem:s19], [sflag:$0x5], $0x1000, $0x38;
	[tilespmem:$0x4080] =	vst v63  }
0x93: {  	_ =	swait.ge [sflag:s14], $0x1000  }
0x94: {  	[sflag:s14] =	ssyncset.done $0x0  }
0x95: {  	[sflag:s14] =	ssyncadd.s32 $0xFFFFF000  }
0x96: {  	_ =	swait.ge [sflag:s26], $0x1000  }
0x97: {  	p0 =	sne.s32 s13, $0x1;
	[sflag:s26] =	ssyncset.done $0x0  }
.Ltmp0:
0x98: {  	[sflag:s26] =	ssyncadd.s32 $0xFFFFF000;
	(pc) =	sbr.rel @p0 .LBB2_1-.Ltmp0, $4  }
0x99: {  	[hbm4b:s12+s3] =	stream.linear.scatter [tilespmem:s21], [sflag:$0x5], $0x1000, $0x38;
	[tilespmem:$0x4080] =	vst v63  }
0x9a: {  	_ =	swait.ge [sflag:s14], $0x1000  }
0x9b: {  	[sflag:s14] =	ssyncset.done $0x0  }
0x9c: {  	s13 =	sadd.s32 $0xFFFFFFFF, s13;
	[sflag:s14] =	ssyncadd.s32 $0xFFFFF000  }
0x9d: {  	_ =	sfence.sel $0x180000  }
0x9e: {  	[bflag:$0x0] =	sbarrier.arrive $0xFFFF  }
0x9f: {  	p0 =	sne.s32 s2, $0x0;
	_ =	strace $0x9000004A  }
0xa0: {  	s0 =	sadd.s32 @!p0 $0x100000, s0;
	[bflag:$0x2] =	sbarrier.arrive $0xFFFF  }
0xa1: {  	[sflag:s0] =	ssyncadd.tile.s32 @!p0 $0x1;
	_ =	shalt  }
.Lfunc_end2:
_tile_overlayer_lowered:
.L_overlay_start_2:
0xa2: {  	(tag) =	ssettag $0x2  }
0xa3: {  	s0 =	rddreg [dreg:$0x0];
	s2 =	stileid.u32  }
0xa4: {  	s1 =	rddreg [dreg:$0x1];
	p0 =	sne.s32 s2, $0x0  }
0xa5: {  	s3 =	rddreg [dreg:$0x2];
	[bflag:$0x3] =	sbarrier.arrive $0xFFFF;
	s2 =	simm.s32 @!p0 $0x1C05  }
0xa6: {  	[timem:s3], [sflag:s2] =	dma.local @!p0 [hbm:s0], s1  }
0xa7: {  	s0 =	simm.s32 @!p0 $0x5  }
0xa8: {  	_ =	swait.ge @!p0 [sflag:s0], s1  }
0xa9: {  	s1 =	ssub.s32 @!p0 $0x0, s1;
	[sflag:s0] =	ssyncset.done @!p0 $0x0  }
0xaa: {  	[sflag:s0] =	ssyncadd.s32 @!p0 s1  }
0xab: {  	[bflag:$0x3] =	sbarrier.arrive $0xFFFF  }
0xac: {  	_ =	shalt  }

// kernel: kernel.26.cloned.1.call-start
scs
__scs_entry_jumppad:
0x0: {  	(pc) =	sbr.rel $0x88, $3  }
0x1: {  	(tag) =	ssettag $0x0;
	lr =	simm.s32 $0x1  }
0x2: {  	[smem:$0x3F8E] =	sst lr;
	_ =	strace $0xD0000000  }
0x3: {  	_ = 	snop  }
0x4: {  	_ = 	snop  }
0x5: {  	_ = 	snop  }
0x6: {  	_ = 	snop  }
0x7: {  	_ = 	snop  }
__scs_overlays_trampoline_lowered:
0x8: {  	[smem:$0x3F9D] =	sst s0  }
0x9: {  	[smem:$0x3F9E] =	sst s1  }
0xa: {  	[smem:$0x3F9F] =	sst s2  }
0xb: {  	[smem:$0x3FA0] =	sst s3  }
0xc: {  	[smem:$0x3FA1] =	sst s4  }
0xd: {  	[smem:$0x3FA2] =	sst s5  }
0xe: {  	[smem:$0x3FA3] =	sst s6  }
0xf: {  	[smem:$0x3FA4] =	sst s7  }
0x10: {  	[smem:$0x3FA5] =	sst s8  }
0x11: {  	[smem:$0x3FA6] =	sst s9;
	s0 =	simm.s32 @!p0 $0x0  }
0x12: {  	s1 =	sld [smem:$0x3F8C];
	s0 =	simm.s32 @p0 $0x1  }
0x13: {  	[smem:$0x3FA7] =	sst s0;
	s0 =	simm.s32 @!p1 $0x0  }
0x14: {  	s2 =	sld [smem:$0x3F8B];
	s0 =	simm.s32 @p1 $0x1  }
0x15: {  	[smem:$0x3FA8] =	sst s0;
	s0 =	simm.s32 @!p2 $0x0  }
0x16: {  	s3 =	sld [smem:$0x3FDB];
	s0 =	simm.s32 @p2 $0x1  }
0x17: {  	s4 =	simm.s32 $0x1BF5;
	[smem:$0x3FAA] =	sst s0  }
0x18: {  	s0 =	sld [smem:$0x3F8D];
	_ =	swait.ge [sflag:s4], $0x0  }
0x19: {  	s7 =	sld [smem:$0x3F8E]  }
0x1a: {  	s8 =	sadd.s32 $0xFFFFE003, lr  }
0x1b: {  	s9 =	sadd.s32 $0xFFFFFEF7, lr;
	s5 =	simm.s32 $0xFFFFFFFF;
	p2 =	slt.u32 s8, $0xFFFFF086  }
0x1c: {  	p1 =	slt.u32 s9, $0xF7A;
	s5 =	simm.s32 @!p2 $0x0  }
0x1d: {  	s5 =	simm.s32 @p1 $0x1;
	p0 =	seq.s32 s7, s2  }
0x1e: {  	s7 =	smul.u32 @!p0 $0xF7A, s2;
	p2 =	seq.s32 @!p0 s5, $0x0  }
0x1f: {  	s9 =	smul.u32 $0xF7A, s1;
	s8 =	simm.s32 @!p0 $0x1BF5;
	p2 =	por !p2, p0  }
0x20: {  	[sflag:s8] =	ssyncset.s32 @!p0 $0xFFFFF086;
	s6 =	sadd.s32 @!p0 s3, s7;
	s7 =	simm.s32 @!p0 $0x108  }
0x21: {  	s3 =	sadd.s32 s3, s9;
	s6 =	sadd.s32 @!p0 $0x88, s6;
	s7 =	simm.s32 @p2 $0x1082  }
0x22: {  	[simem:s7], [sflag:s8] =	dma.local @!p0 [hbm:s6], $0xF7A  }
0x23: {  	s9 =	sor.u32 $0xD0000000, s2;
	s6 =	simm.s32 $0x108;
	_ =	swait.ge @!p0 [sflag:s8], $0x0  }
0x24: {  	s3 =	sadd.s32 $0x88, s3;
	s6 =	simm.s32 @!p1 $0x1082;
	[sflag:s4] =	ssyncset.s32 $0xFFFFF086  }
0x25: {  	[simem:s6], [sflag:s4] =	dma.local [hbm:s3], $0xF7A  }
0x26: {  	[smem:$0x3F8E] =	sst s1;
	(tag) =	ssettag s2;
	_ =	strace s9  }
0x27: {  	s1 =	sld [smem:$0x3F9E]  }
0x28: {  	s2 =	sld [smem:$0x3F9F]  }
0x29: {  	s4 =	sld [smem:$0x3FA1]  }
0x2a: {  	p0 =	seq.s32 s5, $0x0;
	s5 =	sld [smem:$0x3FA2]  }
0x2b: {  	s6 =	sld [smem:$0x3FA3]  }
0x2c: {  	s7 =	sld [smem:$0x3FA4]  }
0x2d: {  	s3 =	simm.s32 $0x108;
	s8 =	sld [smem:$0x3FA5]  }
0x2e: {  	s3 =	simm.s32 @!p0 $0x1082;
	s9 =	sld [smem:$0x3FA6]  }
0x2f: {  	lr =	sadd.s32 s0, s3;
	s0 =	sld [smem:$0x3F9D]  }
0x30: {  	s3 =	sld [smem:$0x3FA0]  }
0x31: {  	[smem:$0x3FA9] =	sst s10  }
0x32: {  	s10 =	sld [smem:$0x3FA7];
	_ =	sdelay $0x3  }
0x33: {  	p0 =	seq.s32 s10, $0x1;
	s10 =	sld [smem:$0x3FA9];
	_ =	sdelay $0x3  }
0x34: {  	[smem:$0x3FA9] =	sst s10  }
0x35: {  	s10 =	sld [smem:$0x3FA8];
	_ =	sdelay $0x3  }
0x36: {  	p1 =	seq.s32 s10, $0x1;
	s10 =	sld [smem:$0x3FA9];
	_ =	sdelay $0x3  }
0x37: {  	[smem:$0x3FA9] =	sst s10  }
0x38: {  	s10 =	sld [smem:$0x3FAA]  }
0x39: {  	_ = 	snop;
	(pc) =	sbr.ind lr, $3  }
0x3a: {  	_ = 	snop  }
0x3b: {  	_ = 	snop  }
0x3c: {  	p2 =	seq.s32 s10, $0x1;
	s10 =	sld [smem:$0x3FA9]  }
0x3d: {  	_ =	shalt  }
0x3e: {  	_ =	shalt  }
0x3f: {  	_ =	shalt  }
0x40: {  	_ =	shalt  }
0x41: {  	_ =	shalt  }
0x42: {  	_ =	shalt  }
0x43: {  	_ =	shalt  }
0x44: {  	_ =	shalt  }
0x45: {  	_ =	shalt  }
0x46: {  	_ =	shalt  }
0x47: {  	_ =	shalt  }
0x48: {  	_ =	shalt  }
0x49: {  	_ =	shalt  }
0x4a: {  	_ =	shalt  }
0x4b: {  	_ =	shalt  }
0x4c: {  	_ =	shalt  }
0x4d: {  	_ =	shalt  }
0x4e: {  	_ =	shalt  }
0x4f: {  	_ =	shalt  }
0x50: {  	_ =	shalt  }
0x51: {  	_ =	shalt  }
0x52: {  	_ =	shalt  }
0x53: {  	_ =	shalt  }
0x54: {  	_ =	shalt  }
0x55: {  	_ =	shalt  }
0x56: {  	_ =	shalt  }
0x57: {  	_ =	shalt  }
0x58: {  	_ =	shalt  }
0x59: {  	_ =	shalt  }
0x5a: {  	_ =	shalt  }
0x5b: {  	_ =	shalt  }
0x5c: {  	_ =	shalt  }
0x5d: {  	_ =	shalt  }
0x5e: {  	_ =	shalt  }
0x5f: {  	_ =	shalt  }
0x60: {  	_ =	shalt  }
0x61: {  	_ =	shalt  }
0x62: {  	_ =	shalt  }
0x63: {  	_ =	shalt  }
0x64: {  	_ =	shalt  }
0x65: {  	_ =	shalt  }
0x66: {  	_ =	shalt  }
0x67: {  	_ =	shalt  }
0x68: {  	_ =	shalt  }
0x69: {  	_ =	shalt  }
0x6a: {  	_ =	shalt  }
0x6b: {  	_ =	shalt  }
0x6c: {  	_ =	shalt  }
0x6d: {  	_ =	shalt  }
0x6e: {  	_ =	shalt  }
0x6f: {  	_ =	shalt  }
0x70: {  	_ =	shalt  }
0x71: {  	_ =	shalt  }
0x72: {  	_ =	shalt  }
0x73: {  	_ =	shalt  }
0x74: {  	_ =	shalt  }
0x75: {  	_ =	shalt  }
0x76: {  	_ =	shalt  }
0x77: {  	_ =	shalt  }
0x78: {  	_ =	shalt  }
0x79: {  	_ =	shalt  }
0x7a: {  	_ =	shalt  }
0x7b: {  	_ =	shalt  }
0x7c: {  	_ =	shalt  }
0x7d: {  	_ =	shalt  }
0x7e: {  	_ =	shalt  }
0x7f: {  	_ =	shalt  }
0x80: {  	_ =	shalt  }
0x81: {  	_ =	shalt  }
0x82: {  	_ =	shalt  }
0x83: {  	_ =	shalt  }
0x84: {  	_ =	shalt  }
0x85: {  	_ =	shalt  }
0x86: {  	_ =	shalt  }
0x87: {  	_ =	shalt  }
.Lfunc_end0:
.L_simem_size_0:
called_computation.4_lowered:
.L_overlay_start_0:
0x88: {  	s2 =	sld [smem:$0x3FD9]  }
0x89: {  	s3 =	sld [smem:$0x3FFE];
	_ =	sdelay $0x1  }
0x8a: {  	s1 =	srdreg.scid  }
0x8b: {  	s0 =	sand.u32 $0x1, s1  }
0x8c: {  	s17 =	sshll.u32 s0, $0xA;
	s2 =	sadd.s32 s3, s2  }
0x8d: {  	s2 =	sadd.s32 s2, s17  }
0x8e: {  	[smem:$0x3FB5] =	sst s2  }
0x8f: {  	_ = 	snop  }
0x90: {  	s18 =	sld [smem:$0x3FC1];
	(tm) =	ssettm $0x1  }
0x91: {  	s19 =	sld [smem:$0x3FFB];
	_ =	sdelay $0x3  }
0x92: {  	_ =	strace s19  }
0x93: {  	s2 =	sld [smem:$0x3FFC];
	_ =	sdelay $0x3  }
0x94: {  	_ =	strace s2  }
0x95: {  	s2 =	sld [smem:$0x3FFD];
	_ =	sdelay $0x3  }
0x96: {  	_ =	strace s2  }
0x97: {  	_ =	strace $0x8FFFFFFF  }
0x98: {  	s20 =	sld [smem:$0x3FDB];
	_ =	sdelay $0x1  }
0x99: {  	s4 =	simm.s32 $_scs_section_size  }
0x9a: {  	s5 =	simm.s32 $_size__tile_overlayer_lowered;
	s6 =	simm.s32 $_tile_overlayer_lowered  }
0x9b: {  	s7 =	simm.s32 $0x1BFF;
	s21 =	sshll.u32 s6, $0x1;
	s4 =	sadd.s32 s4, s20  }
0x9c: {  	s22 =	simm.s32 $0x0;
	s5 =	sshll.u32 s5, $0x1;
	s6 =	sadd.s32 s21, s4  }
0x9d: {  	[timem:s22], [sflag:s7] =	dma.local [hbm:s6], s5  }
0x9e: {  	_ =	swait.ge [sflag:s7], s5  }
0x9f: {  	s5 =	ssub.s32 $0x0, s5;
	[sflag:s7] =	ssyncset.done $0x0  }
0xa0: {  	[sflag:s7] =	ssyncadd.s32 s5;
	_ =	sdelay $0x1  }
0xa1: {  	s23 =	simm.s32 $0x1B8B  }
0xa2: {  	_ =	swait.ge [sflag:s23], $0x1  }
0xa3: {  	[sflag:s23] =	ssyncset.done $0x0  }
0xa4: {  	[sflag:s23] =	ssyncadd.s32 $0xFFFFFFFF  }
0xa5: {  	s5 =	sld [smem:$0x0]  }
0xa6: {  	s6 =	sand.u32 $0xFFFFFFFE, s1  }
0xa7: {  	p0 =	sne.s32 s1, s6  }
0xa8: {  	s6 =	sshll.u32 @p0 s6, $0xE  }
0xa9: {  	s6 =	sadd.s32 @p0 $0x11B8D, s6;
	s7 =	sshll.u32 @p0 s5, $0x11  }
0xaa: {  	s6 =	sor.u32 @p0 s7, s6  }
0xab: {  	[sflag:s6] =	ssyncadd.remote.s32 @p0 $0x1;
	_ =	sdelay $0x1  }
0xac: {  	s6 =	simm.s32 @p0 $0x1B8D  }
0xad: {  	_ =	swait.eq @p0 [sflag:s6], $0x1  }
0xae: {  	[sflag:s6] =	ssyncadd.s32 @p0 $0xFFFFFFFF  }
0xaf: {  	s7 =	sshll.u32 @!p0 s1, $0xE  }
0xb0: {  	s7 =	sor.u32 @!p0 $0x4000, s7;
	s6 =	simm.s32 @!p0 $0x1B8D  }
0xb1: {  	s5 =	sshll.u32 @!p0 s5, $0x11;
	s7 =	sadd.s32 @!p0 $0x11B8D, s7;
	_ =	swait.eq @!p0 [sflag:s6], $0x1  }
0xb2: {  	s5 =	sor.u32 @!p0 s5, s7;
	[sflag:s6] =	ssyncadd.s32 @!p0 $0xFFFFFFFF  }
0xb3: {  	s25 =	simm.s32 $0x1B8E;
	s24 =	sld [smem:$0x3FFE];
	[sflag:s5] =	ssyncadd.remote.s32 @!p0 $0x1  }
0xb4: {  	s26 =	simm.s32 $execute0_lowered;
	[smem:$0x3FD2] =	sst s25  }
0xb5: {  	s6 =	sshll.u32 s26, $0x1;
	_ =	strace $0x8000004C;
	[dreg:$0x1] =	wrdreg $0xFFFFFFFF  }
0xb6: {  	s28 =	simm.s32 $_size_execute0_lowered;
	s4 =	sadd.s32 s4, s6;
	[dreg:$0x0] =	wrdreg $0x0  }
0xb7: {  	s6 =	sshll.u32 s28, $0x1;
	[dreg:$0x2] =	wrdreg s4  }
0xb8: {  	[dreg:$0x3] =	wrdreg s6  }
0xb9: {  	[dreg:$0x4] =	wrdreg $0xC0  }
0xba: {  	_ =	task [dreg:s22], $0x5FFFF  }
0xbb: {  	[dreg:$0x1] =	wrdreg $0xFFFFFFFF  }
0xbc: {  	[dreg:$0x0] =	wrdreg $0x60  }
0xbd: {  	[dreg:$0x2] =	wrdreg s18  }
0xbe: {  	[dreg:$0x3] =	wrdreg s24  }
0xbf: {  	[dreg:$0x4] =	wrdreg $0xD  }
0xc0: {  	_ =	task.clear_ibuf [dreg:s22], $0x5FFFF;
	_ =	strace $0x9000004C  }
0xc1: {  	s29 =	simm.s32 $0xD;
	_ =	strace $0x8000004E  }
0xc2: {  	_ =	swait.ge [sflag:s29], $0x1  }
0xc3: {  	[sflag:s29] =	ssyncadd.s32 $0xFFFFFFFF  }
0xc4: {  	_ =	strace $0x9000004E  }
0xc5: {  	_ =	sfence  }
0xc6: {  	s30 =	sld [smem:$0x0];
	_ =	sdelay $0x2  }
0xc7: {  	s31 =	sshll.u32 s1, $0xD;
	s1 =	sshrl.u32 s1, $0x2  }
0xc8: {  	s4 =	sand.u32 $0x4000, s31;
	s1 =	sadd.s32 s1, s30  }
0xc9: {  	s0 =	sor.u32 s4, s0;
	s1 =	sshll.u32 s1, $0x11  }
0xca: {  	s0 =	sor.u32 s1, s0  }
0xcb: {  	s0 =	sadd.s32 $0x8F2B, s0  }
0xcc: {  	[sflag:s0] =	ssyncadd.remote.s32 $0x1  }
0xcd: {  	_ =	sfence.sel $0xFFFF  }
0xce: {  	[dreg:$0x0] =	wrdreg $0xFFFFFFFF;
	(pc) =	sbr.abs _section_cstart, $3  }
0xcf: {  	[dreg:$0x1] =	wrdreg $0xFFFFFFFF  }
0xd0: {  	_ =	task.clear_ibuf [dreg:s22], $0x2FFFF;
	_ =	strace $0x9FFFFFFF  }
0xd1: {  	(tm) =	ssettm $0x7FFFFFFF  }
tec
execute0_lowered:
.L_overlay_start_1:
0x0: {  	(tag) =	ssettag $0x1  }
0x1: {  	s1 =	rddreg [dreg:$0x0]  }
0x2: {  	s4 =	rddreg [dreg:$0x1]  }
0x3: {  	s0 =	rddreg [dreg:$0x2]  }
0x4: {  	s5 =	srdreg.scid;
	s3 =	simm.s32 $0x0;
	s2 =	stileid.u32  }
0x5: {  	s14 =	simm.s32 $0x5;
	s15 =	simm.s32 $0x80;
	s16 =	simm.s32 $0x880  }
0x6: {  	s17 =	simm.s32 $0x1080;
	s18 =	simm.s32 $0x1880;
	s19 =	simm.s32 $0x2080  }
0x7: {  	s20 =	simm.s32 $0x2880;
	s21 =	simm.s32 $0x3080;
	s22 =	simm.s32 $0x3880  }
0x8: {  	s23 =	simm.s32 $0x1;
	s24 =	simm.s32 $0x2;
	s25 =	simm.s32 $0x3  }
0x9: {  	s26 =	simm.s32 $0x4;
	s5 =	sand.u32 $0x1, s5;
	[smem:$0x7FF] =	sst s3  }
0xa: {  	s6 =	sshll.u32 s2, $0x8;
	s7 =	sshll.u32 s5, $0x7;
	s5 =	ssub.s32 $0x2, s5  }
0xb: {  	_ =	strace $0x8000004D;
	s6 =	sor.u32 s7, s6;
	s31 =	sshrl.u32 s5, $0x1  }
0xc: {  	s7 =	sshrl.u32 s6, $0x3;
	s6 =	sshll.u32 s6, $0x5;
	s13 =	ssub.s32 s5, s31  }
0xd: {  	s7 =	sadd.s32 s7, s4;
	s12 =	sadd.s32 s6, s4;
	s13 =	smax.u32 s13, $0x1  }
0xe: {  	v2 =	vlaneseq.u32;
	s4 =	sadd.s32 $0x5E00, s7;
	s5 =	sadd.s32 $0x46000, s12;
	s6 =	sadd.s32 $0x46200, s12  }
0xf: {  	vm0 =	vmmov $0xffff;
	v1 =	vshrl.u32 v2, $0x3;
	s7 =	sadd.s32 $0x46400, s12;
	s8 =	sadd.s32 $0x46600, s12;
	s9 =	sadd.s32 $0x46800, s12  }
0x10: {  	v0 =	vand.u32 $0x7, v2;
	v2 =	vor.u32 $0x8, v2;
	v1 =	vmul.u32 $0x8, v1;
	s10 =	sadd.s32 $0x46A00, s12;
	s11 =	sadd.s32 $0x46C00, s12;
	s12 =	sadd.s32 $0x46E00, s12  }
.LBB2_1:
0x11: {  	[tilespmem:s3], [sflag:$0x5] =	stream.linear.gather [hbm4b:s4+s3], $0x80, $0x38;
	[tilespmem:$0x4080] =	vst v63  }
0x12: {  	_ =	swait.ge [sflag:s14], $0x80  }
0x13: {  	[sflag:s14] =	ssyncset.done $0x0  }
0x14: {  	[sflag:s14] =	ssyncadd.s32 $0xFFFFFF80  }
0x15: {  	v3 =	vld [tilespmem:$0x0];
	_ =	sdelay $0x4  }
0x16: {  	v4 =	vshll.u32 v3, $0x1  }
0x17: {  	v3 =	vand.u32 $0x7, v3;
	v4 =	vand.u32 $0xFFFFFFF0, v4  }
0x18: {  	v3 =	vor.u32 v3, v4  }
0x19: {  	v4 =	vperm.xlane v3, v0;
	_ =	sdelay $0x1  }
0x1a: {  	v3 =	vperm.xlane v3, v2;
	v4 =	vadd.s32 v1, v4;
	_ =	sdelay $0x1  }
0x1b: {  	v3 =	vadd.s32 v1, v3;
	_ =	sdelay $0x2  }
0x1c: {  	[tilespmem:s15], [sflag:$0x1] =	stream.indirect_vreg.gather [hbm4b:s1+s3], $0x80, v4, vm0, $0xb8;
	[tilespmem:$0x4080] =	vst v63  }
0x1d: {  	_ = 	snop  }
0x1e: {  	[tilespmem:s16], [sflag:$0x1] =	stream.indirect_vreg.gather [hbm4b:s1+s3], $0x80, v3, vm0, $0xb8;
	[tilespmem:$0x4080] =	vst v63  }
0x1f: {  	v3 =	vld [tilespmem:$0x10];
	_ =	sdelay $0x4  }
0x20: {  	v57 =	vshll.u32 v3, $0x1  }
0x21: {  	v3 =	vand.u32 $0x7, v3;
	v4 =	vand.u32 $0xFFFFFFF0, v57  }
0x22: {  	v3 =	vor.u32 v3, v4  }
0x23: {  	v4 =	vperm.xlane v3, v0;
	_ =	sdelay $0x1  }
0x24: {  	v3 =	vperm.xlane v3, v2;
	v4 =	vadd.s32 v1, v4;
	_ =	sdelay $0x1  }
0x25: {  	v3 =	vadd.s32 v1, v3;
	_ =	sdelay $0x2  }
0x26: {  	[tilespmem:s17], [sflag:$0x2] =	stream.indirect_vreg.gather [hbm4b:s1+s3], $0x80, v4, vm0, $0xb8;
	[tilespmem:$0x4080] =	vst v63  }
0x27: {  	_ = 	snop  }
0x28: {  	[tilespmem:s18], [sflag:$0x2] =	stream.indirect_vreg.gather [hbm4b:s1+s3], $0x80, v3, vm0, $0xb8;
	[tilespmem:$0x4080] =	vst v63  }
0x29: {  	v3 =	vld [tilespmem:$0x20];
	_ =	sdelay $0x4  }
0x2a: {  	v58 =	vshll.u32 v3, $0x1  }
0x2b: {  	v3 =	vand.u32 $0x7, v3;
	v4 =	vand.u32 $0xFFFFFFF0, v58  }
0x2c: {  	v3 =	vor.u32 v3, v4  }
0x2d: {  	v4 =	vperm.xlane v3, v0;
	_ =	sdelay $0x1  }
0x2e: {  	v3 =	vperm.xlane v3, v2;
	v4 =	vadd.s32 v1, v4;
	_ =	sdelay $0x1  }
0x2f: {  	v3 =	vadd.s32 v1, v3;
	_ =	sdelay $0x2  }
0x30: {  	[tilespmem:s19], [sflag:$0x3] =	stream.indirect_vreg.gather [hbm4b:s1+s3], $0x80, v4, vm0, $0xb8;
	[tilespmem:$0x4080] =	vst v63  }
0x31: {  	_ = 	snop  }
0x32: {  	[tilespmem:s20], [sflag:$0x3] =	stream.indirect_vreg.gather [hbm4b:s1+s3], $0x80, v3, vm0, $0xb8;
	[tilespmem:$0x4080] =	vst v63  }
0x33: {  	v3 =	vld [tilespmem:$0x30];
	_ =	sdelay $0x4  }
0x34: {  	v59 =	vshll.u32 v3, $0x1  }
0x35: {  	v3 =	vand.u32 $0x7, v3;
	v4 =	vand.u32 $0xFFFFFFF0, v59  }
0x36: {  	v3 =	vor.u32 v3, v4  }
0x37: {  	v4 =	vperm.xlane v3, v0;
	_ =	sdelay $0x1  }
0x38: {  	v3 =	vperm.xlane v3, v2;
	v4 =	vadd.s32 v1, v4;
	_ =	sdelay $0x1  }
0x39: {  	v3 =	vadd.s32 v1, v3;
	_ =	sdelay $0x2  }
0x3a: {  	[tilespmem:s21], [sflag:$0x4] =	stream.indirect_vreg.gather [hbm4b:s1+s3], $0x80, v4, vm0, $0xb8;
	[tilespmem:$0x4080] =	vst v63  }
0x3b: {  	_ = 	snop  }
0x3c: {  	[tilespmem:s22], [sflag:$0x4] =	stream.indirect_vreg.gather [hbm4b:s1+s3], $0x80, v3, vm0, $0xb8;
	[tilespmem:$0x4080] =	vst v63  }
0x3d: {  	_ =	swait.ge [sflag:s23], $0x1000  }
0x3e: {  	[sflag:s23] =	ssyncset.done $0x0  }
0x3f: {  	[sflag:s23] =	ssyncadd.s32 $0xFFFFF000  }
0x40: {  	[hbm4b:s5+s3] =	stream.linear.scatter [tilespmem:s15], [sflag:$0x5], $0x1000, $0x38;
	[tilespmem:$0x4080] =	vst v63  }
0x41: {  	_ =	swait.ge [sflag:s14], $0x1000  }
0x42: {  	[sflag:s14] =	ssyncset.done $0x0  }
0x43: {  	[sflag:s14] =	ssyncadd.s32 $0xFFFFF000  }
0x44: {  	v3 =	vld [tilespmem:$0x40];
	_ =	sdelay $0x4  }
0x45: {  	v60 =	vshll.u32 v3, $0x1  }
0x46: {  	v3 =	vand.u32 $0x7, v3;
	v4 =	vand.u32 $0xFFFFFFF0, v60  }
0x47: {  	v3 =	vor.u32 v3, v4  }
0x48: {  	v4 =	vperm.xlane v3, v0;
	_ =	sdelay $0x1  }
0x49: {  	v3 =	vperm.xlane v3, v2;
	v4 =	vadd.s32 v1, v4;
	_ =	sdelay $0x1  }
0x4a: {  	v3 =	vadd.s32 v1, v3;
	_ =	sdelay $0x2  }
0x4b: {  	[tilespmem:s15], [sflag:$0x1] =	stream.indirect_vreg.gather [hbm4b:s1+s3], $0x80, v4, vm0, $0xb8;
	[tilespmem:$0x4080] =	vst v63  }
0x4c: {  	_ = 	snop  }
0x4d: {  	[tilespmem:s16], [sflag:$0x1] =	stream.indirect_vreg.gather [hbm4b:s1+s3], $0x80, v3, vm0, $0xb8;
	[tilespmem:$0x4080] =	vst v63  }
0x4e: {  	_ =	swait.ge [sflag:s24], $0x1000  }
0x4f: {  	[sflag:s24] =	ssyncset.done $0x0  }
0x50: {  	[sflag:s24] =	ssyncadd.s32 $0xFFFFF000  }
0x51: {  	[hbm4b:s6+s3] =	stream.linear.scatter [tilespmem:s17], [sflag:$0x5], $0x1000, $0x38;
	[tilespmem:$0x4080] =	vst v63  }
0x52: {  	_ =	swait.ge [sflag:s14], $0x1000  }
0x53: {  	[sflag:s14] =	ssyncset.done $0x0  }
0x54: {  	[sflag:s14] =	ssyncadd.s32 $0xFFFFF000  }
0x55: {  	v3 =	vld [tilespmem:$0x50];
	_ =	sdelay $0x4  }
0x56: {  	v61 =	vshll.u32 v3, $0x1  }
0x57: {  	v3 =	vand.u32 $0x7, v3;
	v4 =	vand.u32 $0xFFFFFFF0, v61  }
0x58: {  	v3 =	vor.u32 v3, v4  }
0x59: {  	v4 =	vperm.xlane v3, v0;
	_ =	sdelay $0x1  }
0x5a: {  	v3 =	vperm.xlane v3, v2;
	v4 =	vadd.s32 v1, v4;
	_ =	sdelay $0x1  }
0x5b: {  	v3 =	vadd.s32 v1, v3;
	_ =	sdelay $0x2  }
0x5c: {  	[tilespmem:s17], [sflag:$0x2] =	stream.indirect_vreg.gather [hbm4b:s1+s3], $0x80, v4, vm0, $0xb8;
	[tilespmem:$0x4080] =	vst v63  }
0x5d: {  	_ = 	snop  }
0x5e: {  	[tilespmem:s18], [sflag:$0x2] =	stream.indirect_vreg.gather [hbm4b:s1+s3], $0x80, v3, vm0, $0xb8;
	[tilespmem:$0x4080] =	vst v63  }
0x5f: {  	_ =	swait.ge [sflag:s25], $0x1000  }
0x60: {  	[sflag:s25] =	ssyncset.done $0x0  }
0x61: {  	[sflag:s25] =	ssyncadd.s32 $0xFFFFF000  }
0x62: {  	[hbm4b:s7+s3] =	stream.linear.scatter [tilespmem:s19], [sflag:$0x5], $0x1000, $0x38;
	[tilespmem:$0x4080] =	vst v63  }
0x63: {  	_ =	swait.ge [sflag:s14], $0x1000  }
0x64: {  	[sflag:s14] =	ssyncset.done $0x0  }
0x65: {  	[sflag:s14] =	ssyncadd.s32 $0xFFFFF000  }
0x66: {  	v3 =	vld [tilespmem:$0x60];
	_ =	sdelay $0x4  }
0x67: {  	v62 =	vshll.u32 v3, $0x1  }
0x68: {  	v3 =	vand.u32 $0x7, v3;
	v4 =	vand.u32 $0xFFFFFFF0, v62  }
0x69: {  	v3 =	vor.u32 v3, v4  }
0x6a: {  	v4 =	vperm.xlane v3, v0;
	_ =	sdelay $0x1  }
0x6b: {  	v3 =	vperm.xlane v3, v2;
	v4 =	vadd.s32 v1, v4;
	_ =	sdelay $0x1  }
0x6c: {  	v3 =	vadd.s32 v1, v3;
	_ =	sdelay $0x2  }
0x6d: {  	[tilespmem:s19], [sflag:$0x3] =	stream.indirect_vreg.gather [hbm4b:s1+s3], $0x80, v4, vm0, $0xb8;
	[tilespmem:$0x4080] =	vst v63  }
0x6e: {  	_ = 	snop  }
0x6f: {  	[tilespmem:s20], [sflag:$0x3] =	stream.indirect_vreg.gather [hbm4b:s1+s3], $0x80, v3, vm0, $0xb8;
	[tilespmem:$0x4080] =	vst v63  }
0x70: {  	_ =	swait.ge [sflag:s26], $0x1000  }
0x71: {  	[sflag:s26] =	ssyncset.done $0x0  }
0x72: {  	[sflag:s26] =	ssyncadd.s32 $0xFFFFF000  }
0x73: {  	[hbm4b:s8+s3] =	stream.linear.scatter [tilespmem:s21], [sflag:$0x5], $0x1000, $0x38;
	[tilespmem:$0x4080] =	vst v63  }
0x74: {  	_ =	swait.ge [sflag:s14], $0x1000  }
0x75: {  	[sflag:s14] =	ssyncset.done $0x0  }
0x76: {  	[sflag:s14] =	ssyncadd.s32 $0xFFFFF000  }
0x77: {  	v3 =	vld [tilespmem:$0x70];
	_ =	sdelay $0x4  }
0x78: {  	v63 =	vshll.u32 v3, $0x1  }
0x79: {  	v3 =	vand.u32 $0x7, v3;
	v4 =	vand.u32 $0xFFFFFFF0, v63  }
0x7a: {  	v3 =	vor.u32 v3, v4  }
0x7b: {  	v4 =	vperm.xlane v3, v0;
	_ =	sdelay $0x1  }
0x7c: {  	v3 =	vperm.xlane v3, v2;
	v4 =	vadd.s32 v1, v4;
	_ =	sdelay $0x1  }
0x7d: {  	v3 =	vadd.s32 v1, v3;
	_ =	sdelay $0x2  }
0x7e: {  	[tilespmem:s21], [sflag:$0x4] =	stream.indirect_vreg.gather [hbm4b:s1+s3], $0x80, v4, vm0, $0xb8;
	[tilespmem:$0x4080] =	vst v63  }
0x7f: {  	_ = 	snop  }
0x80: {  	[tilespmem:s22], [sflag:$0x4] =	stream.indirect_vreg.gather [hbm4b:s1+s3], $0x80, v3, vm0, $0xb8;
	[tilespmem:$0x4080] =	vst v63  }
0x81: {  	_ =	swait.ge [sflag:s23], $0x1000  }
0x82: {  	[sflag:s23] =	ssyncset.done $0x0  }
0x83: {  	[sflag:s23] =	ssyncadd.s32 $0xFFFFF000  }
0x84: {  	[hbm4b:s9+s3] =	stream.linear.scatter [tilespmem:s15], [sflag:$0x5], $0x1000, $0x38;
	[tilespmem:$0x4080] =	vst v63  }
0x85: {  	_ =	swait.ge [sflag:s14], $0x1000  }
0x86: {  	[sflag:s14] =	ssyncset.done $0x0  }
0x87: {  	[sflag:s14] =	ssyncadd.s32 $0xFFFFF000  }
0x88: {  	_ =	swait.ge [sflag:s24], $0x1000  }
0x89: {  	[sflag:s24] =	ssyncset.done $0x0  }
0x8a: {  	[sflag:s24] =	ssyncadd.s32 $0xFFFFF000  }
0x8b: {  	[hbm4b:s10+s3] =	stream.linear.scatter [tilespmem:s17], [sflag:$0x5], $0x1000, $0x38;
	[tilespmem:$0x4080] =	vst v63  }
0x8c: {  	_ =	swait.ge [sflag:s14], $0x1000  }
0x8d: {  	[sflag:s14] =	ssyncset.done $0x0  }
0x8e: {  	[sflag:s14] =	ssyncadd.s32 $0xFFFFF000  }
0x8f: {  	_ =	swait.ge [sflag:s25], $0x1000  }
0x90: {  	[sflag:s25] =	ssyncset.done $0x0  }
0x91: {  	[sflag:s25] =	ssyncadd.s32 $0xFFFFF000  }
0x92: {  	[hbm4b:s11+s3] =	stream.linear.scatter [tilespmem:s19], [sflag:$0x5], $0x1000, $0x38;
	[tilespmem:$0x4080] =	vst v63  }
0x93: {  	_ =	swait.ge [sflag:s14], $0x1000  }
0x94: {  	[sflag:s14] =	ssyncset.done $0x0  }
0x95: {  	[sflag:s14] =	ssyncadd.s32 $0xFFFFF000  }
0x96: {  	_ =	swait.ge [sflag:s26], $0x1000  }
0x97: {  	p0 =	sne.s32 s13, $0x1;
	[sflag:s26] =	ssyncset.done $0x0  }
.Ltmp0:
0x98: {  	[sflag:s26] =	ssyncadd.s32 $0xFFFFF000;
	(pc) =	sbr.rel @p0 .LBB2_1-.Ltmp0, $4  }
0x99: {  	[hbm4b:s12+s3] =	stream.linear.scatter [tilespmem:s21], [sflag:$0x5], $0x1000, $0x38;
	[tilespmem:$0x4080] =	vst v63  }
0x9a: {  	_ =	swait.ge [sflag:s14], $0x1000  }
0x9b: {  	[sflag:s14] =	ssyncset.done $0x0  }
0x9c: {  	s13 =	sadd.s32 $0xFFFFFFFF, s13;
	[sflag:s14] =	ssyncadd.s32 $0xFFFFF000  }
0x9d: {  	_ =	sfence.sel $0x180000  }
0x9e: {  	[bflag:$0x0] =	sbarrier.arrive $0xFFFF  }
0x9f: {  	p0 =	sne.s32 s2, $0x0;
	_ =	strace $0x9000004D  }
0xa0: {  	s0 =	sadd.s32 @!p0 $0x100000, s0;
	[bflag:$0x2] =	sbarrier.arrive $0xFFFF  }
0xa1: {  	[sflag:s0] =	ssyncadd.tile.s32 @!p0 $0x1;
	_ =	shalt  }
.Lfunc_end2:
_tile_overlayer_lowered:
.L_overlay_start_2:
0xa2: {  	(tag) =	ssettag $0x2  }
0xa3: {  	s0 =	rddreg [dreg:$0x0];
	s2 =	stileid.u32  }
0xa4: {  	s1 =	rddreg [dreg:$0x1];
	p0 =	sne.s32 s2, $0x0  }
0xa5: {  	s3 =	rddreg [dreg:$0x2];
	[bflag:$0x3] =	sbarrier.arrive $0xFFFF;
	s2 =	simm.s32 @!p0 $0x1C05  }
0xa6: {  	[timem:s3], [sflag:s2] =	dma.local @!p0 [hbm:s0], s1  }
0xa7: {  	s0 =	simm.s32 @!p0 $0x5  }
0xa8: {  	_ =	swait.ge @!p0 [sflag:s0], s1  }
0xa9: {  	s1 =	ssub.s32 @!p0 $0x0, s1;
	[sflag:s0] =	ssyncset.done @!p0 $0x0  }
0xaa: {  	[sflag:s0] =	ssyncadd.s32 @!p0 s1  }
0xab: {  	[bflag:$0x3] =	sbarrier.arrive $0xFFFF  }
0xac: {  	_ =	shalt  }

</sc_bundles>
